<compile_context>
chip_gen: v7x
topology: tpu7x:2x2x1
jax: 0.10.2.dev20260603
libtpu: 0.0.44.dev20260713+nightly
codegen_flags: <defaults>
</compile_context>

<pallas_src>
import functools

import jax
import jax.numpy as jnp
from jax import lax
from jax.experimental import pallas as pl
from jax.experimental.pallas import tpu as pltpu
from jax.experimental.pallas import tpu_sc as plsc

_N = 10000
_E = 320000
_NC = 2
_NS = 16
_NW = _NC * _NS
_G = 80
_EPT = _E // _NW
_J = _EPT // _G
_NB = 5
_JO = _J // _NB
_NPAD = 10112
_RPT = _NPAD // _NS


def _sc_mesh():
    return plsc.VectorSubcoreMesh(core_axis_name="c", subcore_axis_name="s")


_NB0 = 5
_G0 = 40
_J0 = _EPT // _G0
_JO0 = _J0 // _NB0


def _sc_pass0(edge_h, dstg, zeros_h, zeros_d, ones_g):

    @functools.partial(
        pl.kernel,
        out_type=(
            jax.ShapeDtypeStruct((_NC, _NPAD, 128), jnp.float32),
            jax.ShapeDtypeStruct((_NC, _NPAD, 16), jnp.float32),
        ),
        mesh=_sc_mesh(),
        scratch_types=(
            pltpu.VMEM((_J0, _G0), jnp.int32),
            pltpu.VMEM((_NB0, _G0, 128), jnp.float32),
            pltpu.VMEM((_G0, 16), jnp.float32),
            pltpu.VMEM_SHARED((_NPAD, 128), jnp.float32),
            pltpu.VMEM_SHARED((_NPAD, 16), jnp.float32),
            pltpu.SemaphoreType.DMA((_NB0,)),
            pltpu.SemaphoreType.DMA((_NB0,)),
            pltpu.SemaphoreType.DMA((_NB0,)),
        ),
        compiler_params=pltpu.CompilerParams(use_tc_tiling_on_sc=False),
    )
    def k(eh, dg, zh, zd, og, oh, od, idxv, ebuf, ones_v, acc_h, acc_d,
          gsem, ssem, dsem):
        cid = lax.axis_index("c")
        sid = lax.axis_index("s")
        wid = cid * _NS + sid
        pltpu.sync_copy(zh, acc_h.at[pl.ds(sid * _RPT, _RPT), :])
        pltpu.sync_copy(zd, acc_d.at[pl.ds(sid * _RPT, _RPT), :])
        pltpu.sync_copy(og, ones_v)
        pltpu.sync_copy(dg.at[wid], idxv)
        plsc.subcore_barrier()

        def edge_dma(j, b):
            base = wid * _EPT + j * _G0
            return pltpu.make_async_copy(
                eh.at[pl.ds(base, _G0), :], ebuf.at[b], gsem.at[b])

        def scat(j, b):
            return (pltpu.make_async_copy(ebuf.at[b], acc_h.at[idxv.at[j]],
                                          ssem.at[b]),
                    pltpu.make_async_copy(ones_v, acc_d.at[idxv.at[j]],
                                          dsem.at[b]))

        for b in range(_NB0):
            edge_dma(b, b).start()

        def body(jo, carry):
            j0 = jo * _NB0
            for b in range(_NB0):
                j = j0 + b
                edge_dma(j, b).wait()
                s1, s2 = scat(j, b)
                s1.start(add=True)
                s2.start(add=True)
            for b in range(_NB0):
                j = j0 + b
                s1, s2 = scat(j, b)
                s1.wait()
                s2.wait()

                @pl.when(jo < _JO0 - 1)
                def _():
                    edge_dma(j + _NB0, b).start()

            return carry

        lax.fori_loop(0, _JO0, body, 0)
        plsc.subcore_barrier()
        pltpu.sync_copy(acc_h.at[pl.ds(sid * _RPT, _RPT), :],
                        oh.at[cid, pl.ds(sid * _RPT, _RPT), :])
        pltpu.sync_copy(acc_d.at[pl.ds(sid * _RPT, _RPT), :],
                        od.at[cid, pl.ds(sid * _RPT, _RPT), :])

    return k(edge_h, dstg, zeros_h, zeros_d, ones_g)


def _sc_gather_scatter(t_nodes, srcg, dstg, zeros_f, f):

    @functools.partial(
        pl.kernel,
        out_type=jax.ShapeDtypeStruct((_NC, _NPAD, f), jnp.float32),
        mesh=_sc_mesh(),
        scratch_types=(
            pltpu.VMEM((_J, _G), jnp.int32),
            pltpu.VMEM((_J, _G), jnp.int32),
            pltpu.VMEM((_NB, _G, f), jnp.float32),
            pltpu.VMEM_SHARED((_NPAD, f), jnp.float32),
            pltpu.SemaphoreType.DMA((_NB,)),
            pltpu.SemaphoreType.DMA((_NB,)),
        ),
        compiler_params=pltpu.CompilerParams(use_tc_tiling_on_sc=False),
    )
    def k(tn, sg, dg, zf, om, sidxv, didxv, rbuf, acc, gsem, ssem):
        cid = lax.axis_index("c")
        sid = lax.axis_index("s")
        wid = cid * _NS + sid
        pltpu.sync_copy(zf, acc.at[pl.ds(sid * _RPT, _RPT), :])
        pltpu.sync_copy(sg.at[wid], sidxv)
        pltpu.sync_copy(dg.at[wid], didxv)
        plsc.subcore_barrier()

        def gather(j, b):
            return pltpu.make_async_copy(
                tn.at[sidxv.at[j]], rbuf.at[b], gsem.at[b])

        for b in range(_NB):
            gather(b, b).start()

        def body(jo, carry):
            j0 = jo * _NB
            for b in range(_NB):
                j = j0 + b
                gather(j, b).wait()
                pltpu.async_copy(rbuf.at[b], acc.at[didxv.at[j]],
                                 ssem.at[b], add=True)
            for b in range(_NB):
                j = j0 + b
                pltpu.make_async_copy(rbuf.at[b], acc.at[didxv.at[j]],
                                      ssem.at[b]).wait()

                @pl.when(jo < _JO - 1)
                def _():
                    gather(j + _NB, b).start()

            return carry

        lax.fori_loop(0, _JO, body, 0)
        plsc.subcore_barrier()
        pltpu.sync_copy(acc.at[pl.ds(sid * _RPT, _RPT), :],
                        om.at[cid, pl.ds(sid * _RPT, _RPT), :])

    return k(t_nodes, srcg, dstg, zeros_f)


_BLK = 1264


def _tc_layer1(acc_h, acc_d, w1, b1, w2):

    def body(ah, ad, w1r, b1r, w2r, t1o, invo):
        s = ah[0] + ah[1]
        d = ad[0, :, 0:1] + ad[1, :, 0:1]
        inv = 1.0 / jnp.maximum(d, 1.0)
        h1 = jnp.maximum(
            jnp.dot(s * inv, w1r[...], preferred_element_type=jnp.float32)
            + b1r[...], 0.0)
        t1o[...] = jnp.dot(h1, w2r[...], preferred_element_type=jnp.float32)
        invo[...] = inv

    return pl.pallas_call(
        body,
        grid=(_NPAD // _BLK,),
        in_specs=[
            pl.BlockSpec((2, _BLK, 128), lambda i: (0, i, 0)),
            pl.BlockSpec((2, _BLK, 16), lambda i: (0, i, 0)),
            pl.BlockSpec((128, 64), lambda i: (0, 0)),
            pl.BlockSpec((1, 64), lambda i: (0, 0)),
            pl.BlockSpec((64, 32), lambda i: (0, 0)),
        ],
        out_specs=(
            pl.BlockSpec((_BLK, 32), lambda i: (i, 0)),
            pl.BlockSpec((_BLK, 1), lambda i: (i, 0)),
        ),
        out_shape=(
            jax.ShapeDtypeStruct((_NPAD, 32), jnp.float32),
            jax.ShapeDtypeStruct((_NPAD, 1), jnp.float32),
        ),
    )(acc_h, acc_d, w1, b1, w2)


def _tc_mid(m, invd, b, wnext):
    f_in = wnext.shape[0]
    f_out = wnext.shape[1]

    def body(mr, ir, br, wr, to):
        s = mr[0] + mr[1]
        h = jnp.maximum(s * ir[...] + br[...], 0.0)
        to[...] = jnp.dot(h, wr[...], preferred_element_type=jnp.float32)

    return pl.pallas_call(
        body,
        grid=(_NPAD // _BLK,),
        in_specs=[
            pl.BlockSpec((2, _BLK, f_in), lambda i: (0, i, 0)),
            pl.BlockSpec((_BLK, 1), lambda i: (i, 0)),
            pl.BlockSpec((1, f_in), lambda i: (0, 0)),
            pl.BlockSpec((f_in, f_out), lambda i: (0, 0)),
        ],
        out_specs=pl.BlockSpec((_BLK, f_out), lambda i: (i, 0)),
        out_shape=jax.ShapeDtypeStruct((_NPAD, f_out), jnp.float32),
    )(m, invd, b, wnext)


def _tc_layer3(m, invd, b3, wg1, bg1, wg2, bg2):

    def body(mr, ir, b3r, wg1r, bg1r, wg2r, bg2r, h3o, glo):
        s = mr[0, : _N, :] + mr[1, : _N, :]
        h3 = jnp.maximum(s * ir[: _N, :] + b3r[...], 0.0)
        h3o[...] = h3
        gm = jnp.mean(h3, axis=0, keepdims=True)
        z1 = jnp.maximum(
            jnp.dot(gm, wg1r[...], preferred_element_type=jnp.float32)
            + bg1r[...], 0.0)
        z2 = jnp.dot(z1, wg2r[...], preferred_element_type=jnp.float32) + bg2r[...]
        glo[...] = 1.0 / (1.0 + jnp.exp(-z2))

    return pl.pallas_call(
        body,
        out_shape=(
            jax.ShapeDtypeStruct((_N, 16), jnp.float32),
            jax.ShapeDtypeStruct((1, 1), jnp.float32),
        ),
    )(m, invd, b3, wg1, bg1, wg2, bg2)


def _tc_node(m, invd, wn, bn):

    def body(mr, ir, wr, br, no):
        s = mr[0] + mr[1]
        no[...] = (
            jnp.dot(s * ir[...], wr[...], preferred_element_type=jnp.float32)
            + br[...])

    return pl.pallas_call(
        body,
        grid=(_NPAD // _BLK,),
        in_specs=[
            pl.BlockSpec((2, _BLK, 16), lambda i: (0, i, 0)),
            pl.BlockSpec((_BLK, 1), lambda i: (i, 0)),
            pl.BlockSpec((16, 2), lambda i: (0, 0)),
            pl.BlockSpec((1, 2), lambda i: (0, 0)),
        ],
        out_specs=pl.BlockSpec((_BLK, 2), lambda i: (i, 0)),
        out_shape=jax.ShapeDtypeStruct((_NPAD, 2), jnp.float32),
    )(m, invd, wn, bn)


@jax.jit
def kernel(edge_h, edge_index, W1, b1, W2, b2, W3, b3, Wn, bn,
           Wg1, bg1, Wg2, bg2):
    srcg = edge_index[0].reshape(_NW, _J, _G)
    dstg = edge_index[1].reshape(_NW, _J, _G)
    dstg0 = dstg.reshape(_NW, _J0, _G0)
    zeros_h = jnp.zeros((_RPT, 128), jnp.float32)
    zeros_d = jnp.zeros((_RPT, 16), jnp.float32)
    zeros_32 = jnp.zeros((_RPT, 32), jnp.float32)
    zeros_16 = jnp.zeros((_RPT, 16), jnp.float32)
    ones_g = jnp.ones((_G0, 16), jnp.float32)

    acc_h, acc_d = _sc_pass0(edge_h, dstg0, zeros_h, zeros_d, ones_g)
    t1, invd = _tc_layer1(acc_h, acc_d, W1, b1.reshape(1, -1), W2)
    m1 = _sc_gather_scatter(t1, srcg, dstg, zeros_32, 32)
    t2 = _tc_mid(m1, invd, b2.reshape(1, -1), W3)
    m2 = _sc_gather_scatter(t2, srcg, dstg, zeros_16, 16)
    h3, graph_label = _tc_layer3(m2, invd, b3.reshape(1, -1),
                                 Wg1, bg1.reshape(1, -1), Wg2, bg2.reshape(1, -1))
    m3 = _sc_gather_scatter(h3, srcg, dstg, zeros_16, 16)
    node_label = _tc_node(m3, invd, Wn, bn.reshape(1, -1))[: _N]
    return (graph_label, node_label)

# --- scband reference (transcript-rebuilt; emitter-appended) ---
"""Pipeline reference for scband-gnnnode-and-scene-classifier-58884001628501 (READ-ONLY COPY).

The authoritative reference and input builder live on the scoring server;
editing this copy changes nothing except your own understanding.
"""

import jax, jax.numpy as jnp
import numpy as np

N = 10000
E = 320000
D_IN = 128


def _lin_params(key, fan_in, fan_out):
    kw, kb = jax.random.split(key)
    lim = 1.0 / np.sqrt(fan_in)
    W = jax.random.uniform(kw, (fan_in, fan_out), minval=-lim, maxval=lim, dtype=jnp.float32)
    b = jax.random.uniform(kb, (fan_out,), minval=-lim, maxval=lim, dtype=jnp.float32)
    return W, b


def setup_inputs(seed: int = 0) -> dict:
    key = jax.random.key(seed)
    ks = jax.random.split(key, 10)
    edge_h = jax.random.normal(ks[0], (E, D_IN), dtype=jnp.float32)
    edge_index = jax.random.randint(ks[1], (2, E), 0, N, dtype=jnp.int32)
    W1, b1 = _lin_params(ks[2], D_IN, 64)   # GCNEdge(128 -> 64)
    W2, b2 = _lin_params(ks[3], 64, 32)     # GCN(64 -> 32)
    W3, b3 = _lin_params(ks[4], 32, 16)     # GCN(32 -> 16)
    Wn, bn = _lin_params(ks[5], 16, 2)      # node_classif GCN(16 -> 2), no activation
    Wg1, bg1 = _lin_params(ks[6], 16, 8)    # graph_classif Linear(16, 8)
    Wg2, bg2 = _lin_params(ks[7], 8, 1)     # graph_classif Linear(8, 1)
    return {"edge_h": edge_h, "edge_index": edge_index,
            "W1": W1, "b1": b1, "W2": W2, "b2": b2, "W3": W3, "b3": b3,
            "Wn": Wn, "bn": bn, "Wg1": Wg1, "bg1": bg1, "Wg2": Wg2, "bg2": bg2}


def _seg_mean(msgs, dst_idx, num_nodes):
    # DGL reduce: mean over mailbox messages grouped by destination node.
    s = jax.ops.segment_sum(msgs, dst_idx, num_segments=num_nodes)
    d = jax.ops.segment_sum(jnp.ones((msgs.shape[0], 1), msgs.dtype), dst_idx, num_segments=num_nodes)
    return s / jnp.clip(d, 1.0)


def reference(edge_h, edge_index, W1, b1, W2, b2, W3, b3, Wn, bn, Wg1, bg1, Wg2, bg2):
    src = edge_index[0]
    dst = edge_index[1]
    # Layer 0: GCNEdge -- messages are edge features, mean-reduced at dst, then Linear+ReLU
    h = jax.nn.relu(_seg_mean(edge_h, dst, N) @ W1 + b1)
    # Layer 1: GCN -- messages are src node features
    h = jax.nn.relu(_seg_mean(jnp.take(h, src, axis=0), dst, N) @ W2 + b2)
    # Layer 2: GCN
    h = jax.nn.relu(_seg_mean(jnp.take(h, src, axis=0), dst, N) @ W3 + b3)
    # Graph classifier: mean over all nodes -> MLP -> sigmoid
    all_node_x = jnp.mean(h, axis=0, keepdims=True)
    graph_label = jax.nn.sigmoid(jax.nn.relu(all_node_x @ Wg1 + bg1) @ Wg2 + bg2)
    # Node classifier: GCN(16 -> 2), activation None
    node_label = _seg_mean(jnp.take(h, src, axis=0), dst, N) @ Wn + bn
    return (graph_label, node_label)

if __name__ == "__main__":
    import jax
    _d = setup_inputs()
    print(jax.jit(kernel)(*tuple(_d.values())))

</pallas_src>

<mosaic_0001>
#map = affine_map<(d0, d1) -> (0, 0)>
#map1 = affine_map<(d0, d1) -> (0, 0, 0)>
module attributes {stable_mosaic.version = 14 : i64} {
  func.func @k(%arg0: i32, %arg1: i32, %arg2: memref<320000x128xf32, #tpu.memory_space<hbm>>, %arg3: memref<32x250x40xi32, #tpu.memory_space<hbm>>, %arg4: memref<632x128xf32, #tpu.memory_space<hbm>>, %arg5: memref<632x16xf32, #tpu.memory_space<hbm>>, %arg6: memref<40x16xf32, #tpu.memory_space<hbm>>, %arg7: memref<2x10112x128xf32, #tpu.memory_space<hbm>>, %arg8: memref<2x10112x16xf32, #tpu.memory_space<hbm>>, %arg9: memref<250x40xi32, #tpu.memory_space<vmem>>, %arg10: memref<5x40x128xf32, #tpu.memory_space<vmem>>, %arg11: memref<40x16xf32, #tpu.memory_space<vmem>>, %arg12: memref<10112x128xf32, #tpu.memory_space<vmem_shared>>, %arg13: memref<10112x16xf32, #tpu.memory_space<vmem_shared>>, %arg14: memref<5x!tpu.dma_semaphore, #tpu.memory_space<semaphore_mem>>, %arg15: memref<5x!tpu.dma_semaphore, #tpu.memory_space<semaphore_mem>>, %arg16: memref<5x!tpu.dma_semaphore, #tpu.memory_space<semaphore_mem>>) attributes {dimension_semantics = [#tpu.dimension_semantics<core_parallel>, #tpu.dimension_semantics<subcore_parallel>], iteration_bounds = array<i64: 2, 16>, scalar_prefetch = 0 : i64, scratch_operands = 8 : i64, tpu.core_type = #tpu.core_type<sc_vector_subcore>, window_params = [{transform_indices = #map}, {transform_indices = #map1}, {transform_indices = #map}, {transform_indices = #map}, {transform_indices = #map}, {transform_indices = #map1}, {transform_indices = #map1}]} {
    %mul3A = arith.constant 16 : i32
    %mul3A_0 = arith.muli %arg0, %mul3A : i32
    %add3A = arith.addi %mul3A_0, %arg1 : i32
    %mul3A_1 = arith.constant 632 : i32
    %mul3A_2 = arith.muli %arg1, %mul3A_1 : i32
    "tpu.region"() ({
      %run_scoped3A = tpu.sem_alloc : memref<!tpu.dma_semaphore, #tpu.memory_space<semaphore_mem>>
      %dma_start3A_118 = arith.constant 0 : i32
      %dma_start3A_119 = tpu.memref_slice %arg12[%mul3A_2, %dma_start3A_118] : memref<10112x128xf32, #tpu.memory_space<vmem_shared>> -> memref<632x128xf32, #tpu.memory_space<vmem_shared>>
      tpu.enqueue_dma source(%arg4 : memref<632x128xf32, #tpu.memory_space<hbm>>) target(%dma_start3A_119 : memref<632x128xf32, #tpu.memory_space<vmem_shared>>) target_semaphore(%run_scoped3A : memref<!tpu.dma_semaphore, #tpu.memory_space<semaphore_mem>>)
      %dma_wait3A = arith.constant 0 : i32
      %dma_wait3A_120 = tpu.memref_slice %arg12[%mul3A_2, %dma_wait3A] : memref<10112x128xf32, #tpu.memory_space<vmem_shared>> -> memref<632x128xf32, #tpu.memory_space<vmem_shared>>
      tpu.wait_dma2 semaphore(%run_scoped3A : memref<!tpu.dma_semaphore, #tpu.memory_space<semaphore_mem>>) src(%arg4 : memref<632x128xf32, #tpu.memory_space<hbm>>) dst(%dma_wait3A_120 : memref<632x128xf32, #tpu.memory_space<vmem_shared>>)
      tpu.yield
    }) : () -> ()
    %mul3A_3 = arith.constant 632 : i32
    %mul3A_4 = arith.muli %arg1, %mul3A_3 : i32
    "tpu.region"() ({
      %run_scoped3A = tpu.sem_alloc : memref<!tpu.dma_semaphore, #tpu.memory_space<semaphore_mem>>
      %dma_start3A_118 = arith.constant 0 : i32
      %dma_start3A_119 = tpu.memref_slice %arg13[%mul3A_4, %dma_start3A_118] : memref<10112x16xf32, #tpu.memory_space<vmem_shared>> -> memref<632x16xf32, #tpu.memory_space<vmem_shared>>
      tpu.enqueue_dma source(%arg5 : memref<632x16xf32, #tpu.memory_space<hbm>>) target(%dma_start3A_119 : memref<632x16xf32, #tpu.memory_space<vmem_shared>>) target_semaphore(%run_scoped3A : memref<!tpu.dma_semaphore, #tpu.memory_space<semaphore_mem>>)
      %dma_wait3A = arith.constant 0 : i32
      %dma_wait3A_120 = tpu.memref_slice %arg13[%mul3A_4, %dma_wait3A] : memref<10112x16xf32, #tpu.memory_space<vmem_shared>> -> memref<632x16xf32, #tpu.memory_space<vmem_shared>>
      tpu.wait_dma2 semaphore(%run_scoped3A : memref<!tpu.dma_semaphore, #tpu.memory_space<semaphore_mem>>) src(%arg5 : memref<632x16xf32, #tpu.memory_space<hbm>>) dst(%dma_wait3A_120 : memref<632x16xf32, #tpu.memory_space<vmem_shared>>)
      tpu.yield
    }) : () -> ()
    "tpu.region"() ({
      %run_scoped3A = tpu.sem_alloc : memref<!tpu.dma_semaphore, #tpu.memory_space<semaphore_mem>>
      tpu.enqueue_dma source(%arg6 : memref<40x16xf32, #tpu.memory_space<hbm>>) target(%arg11 : memref<40x16xf32, #tpu.memory_space<vmem>>) target_semaphore(%run_scoped3A : memref<!tpu.dma_semaphore, #tpu.memory_space<semaphore_mem>>)
      tpu.wait_dma2 semaphore(%run_scoped3A : memref<!tpu.dma_semaphore, #tpu.memory_space<semaphore_mem>>) src(%arg6 : memref<40x16xf32, #tpu.memory_space<hbm>>) dst(%arg11 : memref<40x16xf32, #tpu.memory_space<vmem>>)
      tpu.yield
    }) : () -> ()
    "tpu.region"() ({
      %run_scoped3A = tpu.sem_alloc : memref<!tpu.dma_semaphore, #tpu.memory_space<semaphore_mem>>
      %dma_start3A_118 = arith.constant 0 : i32
      %dma_start3A_119 = arith.constant 0 : i32
      %dma_start3A_120 = tpu.memref_slice %arg3[%add3A, %dma_start3A_118, %dma_start3A_119] : memref<32x250x40xi32, #tpu.memory_space<hbm>> -> memref<1x250x40xi32, #tpu.memory_space<hbm>>
      %dma_start3A_121 = tpu.memref_squeeze %dma_start3A_120 : memref<1x250x40xi32, #tpu.memory_space<hbm>> -> memref<250x40xi32, #tpu.memory_space<hbm>>
      %dma_start3A_122 = arith.constant 0 : i32
      %dma_start3A_123 = arith.constant 0 : i32
      %dma_start3A_124 = tpu.memref_slice %arg3[%add3A, %dma_start3A_122, %dma_start3A_123] : memref<32x250x40xi32, #tpu.memory_space<hbm>> -> memref<1x250x40xi32, #tpu.memory_space<hbm>>
      %dma_start3A_125 = tpu.memref_squeeze %dma_start3A_124 : memref<1x250x40xi32, #tpu.memory_space<hbm>> -> memref<250x40xi32, #tpu.memory_space<hbm>>
      tpu.enqueue_dma source(%dma_start3A_125 : memref<250x40xi32, #tpu.memory_space<hbm>>) target(%arg9 : memref<250x40xi32, #tpu.memory_space<vmem>>) target_semaphore(%run_scoped3A : memref<!tpu.dma_semaphore, #tpu.memory_space<semaphore_mem>>)
      %dma_wait3A = arith.constant 0 : i32
      %dma_wait3A_126 = arith.constant 0 : i32
      %dma_wait3A_127 = tpu.memref_slice %arg3[%add3A, %dma_wait3A, %dma_wait3A_126] : memref<32x250x40xi32, #tpu.memory_space<hbm>> -> memref<1x250x40xi32, #tpu.memory_space<hbm>>
      %dma_wait3A_128 = tpu.memref_squeeze %dma_wait3A_127 : memref<1x250x40xi32, #tpu.memory_space<hbm>> -> memref<250x40xi32, #tpu.memory_space<hbm>>
      %dma_wait3A_129 = arith.constant 0 : i32
      %dma_wait3A_130 = arith.constant 0 : i32
      %dma_wait3A_131 = tpu.memref_slice %arg3[%add3A, %dma_wait3A_129, %dma_wait3A_130] : memref<32x250x40xi32, #tpu.memory_space<hbm>> -> memref<1x250x40xi32, #tpu.memory_space<hbm>>
      %dma_wait3A_132 = tpu.memref_squeeze %dma_wait3A_131 : memref<1x250x40xi32, #tpu.memory_space<hbm>> -> memref<250x40xi32, #tpu.memory_space<hbm>>
      tpu.wait_dma2 semaphore(%run_scoped3A : memref<!tpu.dma_semaphore, #tpu.memory_space<semaphore_mem>>) src(%dma_wait3A_132 : memref<250x40xi32, #tpu.memory_space<hbm>>) dst(%arg9 : memref<250x40xi32, #tpu.memory_space<vmem>>)
      tpu.yield
    }) : () -> ()
    %barrier3A = arith.constant 0 : index
    tpu.barrier barrier_id(%barrier3A)
    %mul3A_5 = arith.constant 10000 : i32
    %mul3A_6 = arith.muli %add3A, %mul3A_5 : i32
    %add3A_7 = arith.constant 0 : i32
    %add3A_8 = arith.addi %mul3A_6, %add3A_7 : i32
    %dma_start3A = arith.constant 0 : i32
    %dma_start3A_9 = arith.constant 0 : i32
    %dma_start3A_10 = arith.constant 0 : i32
    %dma_start3A_11 = arith.constant 0 : i32
    %dma_start3A_12 = tpu.memref_slice %arg10[%dma_start3A, %dma_start3A_10, %dma_start3A_11] : memref<5x40x128xf32, #tpu.memory_space<vmem>> -> memref<1x40x128xf32, #tpu.memory_space<vmem>>
    %dma_start3A_13 = tpu.memref_squeeze %dma_start3A_12 : memref<1x40x128xf32, #tpu.memory_space<vmem>> -> memref<40x128xf32, #tpu.memory_space<vmem>>
    %dma_start3A_14 = arith.constant 0 : i32
    %dma_start3A_15 = tpu.memref_slice %arg2[%add3A_8, %dma_start3A_14] : memref<320000x128xf32, #tpu.memory_space<hbm>> -> memref<40x128xf32, #tpu.memory_space<hbm>>
    %dma_start3A_16 = tpu.memref_slice %arg14[%dma_start3A_9] : memref<5x!tpu.dma_semaphore, #tpu.memory_space<semaphore_mem>> -> memref<1x!tpu.dma_semaphore, #tpu.memory_space<semaphore_mem>>
    %dma_start3A_17 = tpu.memref_squeeze %dma_start3A_16 : memref<1x!tpu.dma_semaphore, #tpu.memory_space<semaphore_mem>> -> memref<!tpu.dma_semaphore, #tpu.memory_space<semaphore_mem>>
    %dma_start3A_18 = arith.constant 0 : i32
    %dma_start3A_19 = arith.constant 0 : i32
    %dma_start3A_20 = tpu.memref_slice %arg10[%dma_start3A, %dma_start3A_18, %dma_start3A_19] : memref<5x40x128xf32, #tpu.memory_space<vmem>> -> memref<1x40x128xf32, #tpu.memory_space<vmem>>
    %dma_start3A_21 = tpu.memref_squeeze %dma_start3A_20 : memref<1x40x128xf32, #tpu.memory_space<vmem>> -> memref<40x128xf32, #tpu.memory_space<vmem>>
    %dma_start3A_22 = arith.constant 0 : i32
    %dma_start3A_23 = tpu.memref_slice %arg2[%add3A_8, %dma_start3A_22] : memref<320000x128xf32, #tpu.memory_space<hbm>> -> memref<40x128xf32, #tpu.memory_space<hbm>>
    tpu.enqueue_dma source(%dma_start3A_23 : memref<40x128xf32, #tpu.memory_space<hbm>>) target(%dma_start3A_21 : memref<40x128xf32, #tpu.memory_space<vmem>>) target_semaphore(%dma_start3A_17 : memref<!tpu.dma_semaphore, #tpu.memory_space<semaphore_mem>>)
    %mul3A_24 = arith.constant 10000 : i32
    %mul3A_25 = arith.muli %add3A, %mul3A_24 : i32
    %add3A_26 = arith.constant 40 : i32
    %add3A_27 = arith.addi %mul3A_25, %add3A_26 : i32
    %dma_start3A_28 = arith.constant 1 : i32
    %dma_start3A_29 = arith.constant 1 : i32
    %dma_start3A_30 = arith.constant 0 : i32
    %dma_start3A_31 = arith.constant 0 : i32
    %dma_start3A_32 = tpu.memref_slice %arg10[%dma_start3A_28, %dma_start3A_30, %dma_start3A_31] : memref<5x40x128xf32, #tpu.memory_space<vmem>> -> memref<1x40x128xf32, #tpu.memory_space<vmem>>
    %dma_start3A_33 = tpu.memref_squeeze %dma_start3A_32 : memref<1x40x128xf32, #tpu.memory_space<vmem>> -> memref<40x128xf32, #tpu.memory_space<vmem>>
    %dma_start3A_34 = arith.constant 0 : i32
    %dma_start3A_35 = tpu.memref_slice %arg2[%add3A_27, %dma_start3A_34] : memref<320000x128xf32, #tpu.memory_space<hbm>> -> memref<40x128xf32, #tpu.memory_space<hbm>>
    %dma_start3A_36 = tpu.memref_slice %arg14[%dma_start3A_29] : memref<5x!tpu.dma_semaphore, #tpu.memory_space<semaphore_mem>> -> memref<1x!tpu.dma_semaphore, #tpu.memory_space<semaphore_mem>>
    %dma_start3A_37 = tpu.memref_squeeze %dma_start3A_36 : memref<1x!tpu.dma_semaphore, #tpu.memory_space<semaphore_mem>> -> memref<!tpu.dma_semaphore, #tpu.memory_space<semaphore_mem>>
    %dma_start3A_38 = arith.constant 0 : i32
    %dma_start3A_39 = arith.constant 0 : i32
    %dma_start3A_40 = tpu.memref_slice %arg10[%dma_start3A_28, %dma_start3A_38, %dma_start3A_39] : memref<5x40x128xf32, #tpu.memory_space<vmem>> -> memref<1x40x128xf32, #tpu.memory_space<vmem>>
    %dma_start3A_41 = tpu.memref_squeeze %dma_start3A_40 : memref<1x40x128xf32, #tpu.memory_space<vmem>> -> memref<40x128xf32, #tpu.memory_space<vmem>>
    %dma_start3A_42 = arith.constant 0 : i32
    %dma_start3A_43 = tpu.memref_slice %arg2[%add3A_27, %dma_start3A_42] : memref<320000x128xf32, #tpu.memory_space<hbm>> -> memref<40x128xf32, #tpu.memory_space<hbm>>
    tpu.enqueue_dma source(%dma_start3A_43 : memref<40x128xf32, #tpu.memory_space<hbm>>) target(%dma_start3A_41 : memref<40x128xf32, #tpu.memory_space<vmem>>) target_semaphore(%dma_start3A_37 : memref<!tpu.dma_semaphore, #tpu.memory_space<semaphore_mem>>)
    %mul3A_44 = arith.constant 10000 : i32
    %mul3A_45 = arith.muli %add3A, %mul3A_44 : i32
    %add3A_46 = arith.constant 80 : i32
    %add3A_47 = arith.addi %mul3A_45, %add3A_46 : i32
    %dma_start3A_48 = arith.constant 2 : i32
    %dma_start3A_49 = arith.constant 2 : i32
    %dma_start3A_50 = arith.constant 0 : i32
    %dma_start3A_51 = arith.constant 0 : i32
    %dma_start3A_52 = tpu.memref_slice %arg10[%dma_start3A_48, %dma_start3A_50, %dma_start3A_51] : memref<5x40x128xf32, #tpu.memory_space<vmem>> -> memref<1x40x128xf32, #tpu.memory_space<vmem>>
    %dma_start3A_53 = tpu.memref_squeeze %dma_start3A_52 : memref<1x40x128xf32, #tpu.memory_space<vmem>> -> memref<40x128xf32, #tpu.memory_space<vmem>>
    %dma_start3A_54 = arith.constant 0 : i32
    %dma_start3A_55 = tpu.memref_slice %arg2[%add3A_47, %dma_start3A_54] : memref<320000x128xf32, #tpu.memory_space<hbm>> -> memref<40x128xf32, #tpu.memory_space<hbm>>
    %dma_start3A_56 = tpu.memref_slice %arg14[%dma_start3A_49] : memref<5x!tpu.dma_semaphore, #tpu.memory_space<semaphore_mem>> -> memref<1x!tpu.dma_semaphore, #tpu.memory_space<semaphore_mem>>
    %dma_start3A_57 = tpu.memref_squeeze %dma_start3A_56 : memref<1x!tpu.dma_semaphore, #tpu.memory_space<semaphore_mem>> -> memref<!tpu.dma_semaphore, #tpu.memory_space<semaphore_mem>>
    %dma_start3A_58 = arith.constant 0 : i32
    %dma_start3A_59 = arith.constant 0 : i32
    %dma_start3A_60 = tpu.memref_slice %arg10[%dma_start3A_48, %dma_start3A_58, %dma_start3A_59] : memref<5x40x128xf32, #tpu.memory_space<vmem>> -> memref<1x40x128xf32, #tpu.memory_space<vmem>>
    %dma_start3A_61 = tpu.memref_squeeze %dma_start3A_60 : memref<1x40x128xf32, #tpu.memory_space<vmem>> -> memref<40x128xf32, #tpu.memory_space<vmem>>
    %dma_start3A_62 = arith.constant 0 : i32
    %dma_start3A_63 = tpu.memref_slice %arg2[%add3A_47, %dma_start3A_62] : memref<320000x128xf32, #tpu.memory_space<hbm>> -> memref<40x128xf32, #tpu.memory_space<hbm>>
    tpu.enqueue_dma source(%dma_start3A_63 : memref<40x128xf32, #tpu.memory_space<hbm>>) target(%dma_start3A_61 : memref<40x128xf32, #tpu.memory_space<vmem>>) target_semaphore(%dma_start3A_57 : memref<!tpu.dma_semaphore, #tpu.memory_space<semaphore_mem>>)
    %mul3A_64 = arith.constant 10000 : i32
    %mul3A_65 = arith.muli %add3A, %mul3A_64 : i32
    %add3A_66 = arith.constant 120 : i32
    %add3A_67 = arith.addi %mul3A_65, %add3A_66 : i32
    %dma_start3A_68 = arith.constant 3 : i32
    %dma_start3A_69 = arith.constant 3 : i32
    %dma_start3A_70 = arith.constant 0 : i32
    %dma_start3A_71 = arith.constant 0 : i32
    %dma_start3A_72 = tpu.memref_slice %arg10[%dma_start3A_68, %dma_start3A_70, %dma_start3A_71] : memref<5x40x128xf32, #tpu.memory_space<vmem>> -> memref<1x40x128xf32, #tpu.memory_space<vmem>>
    %dma_start3A_73 = tpu.memref_squeeze %dma_start3A_72 : memref<1x40x128xf32, #tpu.memory_space<vmem>> -> memref<40x128xf32, #tpu.memory_space<vmem>>
    %dma_start3A_74 = arith.constant 0 : i32
    %dma_start3A_75 = tpu.memref_slice %arg2[%add3A_67, %dma_start3A_74] : memref<320000x128xf32, #tpu.memory_space<hbm>> -> memref<40x128xf32, #tpu.memory_space<hbm>>
    %dma_start3A_76 = tpu.memref_slice %arg14[%dma_start3A_69] : memref<5x!tpu.dma_semaphore, #tpu.memory_space<semaphore_mem>> -> memref<1x!tpu.dma_semaphore, #tpu.memory_space<semaphore_mem>>
    %dma_start3A_77 = tpu.memref_squeeze %dma_start3A_76 : memref<1x!tpu.dma_semaphore, #tpu.memory_space<semaphore_mem>> -> memref<!tpu.dma_semaphore, #tpu.memory_space<semaphore_mem>>
    %dma_start3A_78 = arith.constant 0 : i32
    %dma_start3A_79 = arith.constant 0 : i32
    %dma_start3A_80 = tpu.memref_slice %arg10[%dma_start3A_68, %dma_start3A_78, %dma_start3A_79] : memref<5x40x128xf32, #tpu.memory_space<vmem>> -> memref<1x40x128xf32, #tpu.memory_space<vmem>>
    %dma_start3A_81 = tpu.memref_squeeze %dma_start3A_80 : memref<1x40x128xf32, #tpu.memory_space<vmem>> -> memref<40x128xf32, #tpu.memory_space<vmem>>
    %dma_start3A_82 = arith.constant 0 : i32
    %dma_start3A_83 = tpu.memref_slice %arg2[%add3A_67, %dma_start3A_82] : memref<320000x128xf32, #tpu.memory_space<hbm>> -> memref<40x128xf32, #tpu.memory_space<hbm>>
    tpu.enqueue_dma source(%dma_start3A_83 : memref<40x128xf32, #tpu.memory_space<hbm>>) target(%dma_start3A_81 : memref<40x128xf32, #tpu.memory_space<vmem>>) target_semaphore(%dma_start3A_77 : memref<!tpu.dma_semaphore, #tpu.memory_space<semaphore_mem>>)
    %mul3A_84 = arith.constant 10000 : i32
    %mul3A_85 = arith.muli %add3A, %mul3A_84 : i32
    %add3A_86 = arith.constant 160 : i32
    %add3A_87 = arith.addi %mul3A_85, %add3A_86 : i32
    %dma_start3A_88 = arith.constant 4 : i32
    %dma_start3A_89 = arith.constant 4 : i32
    %dma_start3A_90 = arith.constant 0 : i32
    %dma_start3A_91 = arith.constant 0 : i32
    %dma_start3A_92 = tpu.memref_slice %arg10[%dma_start3A_88, %dma_start3A_90, %dma_start3A_91] : memref<5x40x128xf32, #tpu.memory_space<vmem>> -> memref<1x40x128xf32, #tpu.memory_space<vmem>>
    %dma_start3A_93 = tpu.memref_squeeze %dma_start3A_92 : memref<1x40x128xf32, #tpu.memory_space<vmem>> -> memref<40x128xf32, #tpu.memory_space<vmem>>
    %dma_start3A_94 = arith.constant 0 : i32
    %dma_start3A_95 = tpu.memref_slice %arg2[%add3A_87, %dma_start3A_94] : memref<320000x128xf32, #tpu.memory_space<hbm>> -> memref<40x128xf32, #tpu.memory_space<hbm>>
    %dma_start3A_96 = tpu.memref_slice %arg14[%dma_start3A_89] : memref<5x!tpu.dma_semaphore, #tpu.memory_space<semaphore_mem>> -> memref<1x!tpu.dma_semaphore, #tpu.memory_space<semaphore_mem>>
    %dma_start3A_97 = tpu.memref_squeeze %dma_start3A_96 : memref<1x!tpu.dma_semaphore, #tpu.memory_space<semaphore_mem>> -> memref<!tpu.dma_semaphore, #tpu.memory_space<semaphore_mem>>
    %dma_start3A_98 = arith.constant 0 : i32
    %dma_start3A_99 = arith.constant 0 : i32
    %dma_start3A_100 = tpu.memref_slice %arg10[%dma_start3A_88, %dma_start3A_98, %dma_start3A_99] : memref<5x40x128xf32, #tpu.memory_space<vmem>> -> memref<1x40x128xf32, #tpu.memory_space<vmem>>
    %dma_start3A_101 = tpu.memref_squeeze %dma_start3A_100 : memref<1x40x128xf32, #tpu.memory_space<vmem>> -> memref<40x128xf32, #tpu.memory_space<vmem>>
    %dma_start3A_102 = arith.constant 0 : i32
    %dma_start3A_103 = tpu.memref_slice %arg2[%add3A_87, %dma_start3A_102] : memref<320000x128xf32, #tpu.memory_space<hbm>> -> memref<40x128xf32, #tpu.memory_space<hbm>>
    tpu.enqueue_dma source(%dma_start3A_103 : memref<40x128xf32, #tpu.memory_space<hbm>>) target(%dma_start3A_101 : memref<40x128xf32, #tpu.memory_space<vmem>>) target_semaphore(%dma_start3A_97 : memref<!tpu.dma_semaphore, #tpu.memory_space<semaphore_mem>>)
    %scan3A = arith.constant 0 : i32
    %scan3A_104 = arith.constant 0 : i32
    %scan3A_105 = arith.constant 50 : i32
    %scan3A_106 = arith.addi %scan3A_104, %scan3A_105 : i32
    %scan3A_107 = arith.constant 1 : i32
    scf.for %scan3A_118 = %scan3A_104 to %scan3A_106 step %scan3A_107  : i32 {
      %mul3A_119 = arith.constant 5 : i32
      %mul3A_120 = arith.muli %scan3A_118, %mul3A_119 : i32
      %add3A_121 = arith.constant 0 : i32
      %add3A_122 = arith.addi %mul3A_120, %add3A_121 : i32
      %mul3A_123 = arith.constant 10000 : i32
      %mul3A_124 = arith.muli %add3A, %mul3A_123 : i32
      %mul3A_125 = arith.constant 40 : i32
      %mul3A_126 = arith.muli %add3A_122, %mul3A_125 : i32
      %add3A_127 = arith.addi %mul3A_124, %mul3A_126 : i32
      %dma_wait3A = arith.constant 0 : i32
      %dma_wait3A_128 = arith.constant 0 : i32
      %dma_wait3A_129 = arith.constant 0 : i32
      %dma_wait3A_130 = arith.constant 0 : i32
      %dma_wait3A_131 = tpu.memref_slice %arg10[%dma_wait3A, %dma_wait3A_129, %dma_wait3A_130] : memref<5x40x128xf32, #tpu.memory_space<vmem>> -> memref<1x40x128xf32, #tpu.memory_space<vmem>>
      %dma_wait3A_132 = tpu.memref_squeeze %dma_wait3A_131 : memref<1x40x128xf32, #tpu.memory_space<vmem>> -> memref<40x128xf32, #tpu.memory_space<vmem>>
      %dma_wait3A_133 = arith.constant 0 : i32
      %dma_wait3A_134 = tpu.memref_slice %arg2[%add3A_127, %dma_wait3A_133] : memref<320000x128xf32, #tpu.memory_space<hbm>> -> memref<40x128xf32, #tpu.memory_space<hbm>>
      %dma_wait3A_135 = tpu.memref_slice %arg14[%dma_wait3A_128] : memref<5x!tpu.dma_semaphore, #tpu.memory_space<semaphore_mem>> -> memref<1x!tpu.dma_semaphore, #tpu.memory_space<semaphore_mem>>
      %dma_wait3A_136 = tpu.memref_squeeze %dma_wait3A_135 : memref<1x!tpu.dma_semaphore, #tpu.memory_space<semaphore_mem>> -> memref<!tpu.dma_semaphore, #tpu.memory_space<semaphore_mem>>
      %dma_wait3A_137 = arith.constant 0 : i32
      %dma_wait3A_138 = arith.constant 0 : i32
      %dma_wait3A_139 = tpu.memref_slice %arg10[%dma_wait3A, %dma_wait3A_137, %dma_wait3A_138] : memref<5x40x128xf32, #tpu.memory_space<vmem>> -> memref<1x40x128xf32, #tpu.memory_space<vmem>>
      %dma_wait3A_140 = tpu.memref_squeeze %dma_wait3A_139 : memref<1x40x128xf32, #tpu.memory_space<vmem>> -> memref<40x128xf32, #tpu.memory_space<vmem>>
      %dma_wait3A_141 = arith.constant 0 : i32
      %dma_wait3A_142 = tpu.memref_slice %arg2[%add3A_127, %dma_wait3A_141] : memref<320000x128xf32, #tpu.memory_space<hbm>> -> memref<40x128xf32, #tpu.memory_space<hbm>>
      tpu.wait_dma2 semaphore(%dma_wait3A_136 : memref<!tpu.dma_semaphore, #tpu.memory_space<semaphore_mem>>) src(%dma_wait3A_142 : memref<40x128xf32, #tpu.memory_space<hbm>>) dst(%dma_wait3A_140 : memref<40x128xf32, #tpu.memory_space<vmem>>)
      %dma_start3A_143 = arith.constant 0 : i32
      %dma_start3A_144 = arith.constant 0 : i32
      %dma_start3A_145 = arith.constant 0 : i32
      %dma_start3A_146 = arith.constant 0 : i32
      %dma_start3A_147 = tpu.memref_slice %arg10[%dma_start3A_143, %dma_start3A_145, %dma_start3A_146] : memref<5x40x128xf32, #tpu.memory_space<vmem>> -> memref<1x40x128xf32, #tpu.memory_space<vmem>>
      %dma_start3A_148 = tpu.memref_squeeze %dma_start3A_147 : memref<1x40x128xf32, #tpu.memory_space<vmem>> -> memref<40x128xf32, #tpu.memory_space<vmem>>
      %dma_start3A_149 = arith.constant 0 : i32
      %dma_start3A_150 = tpu.memref_slice %arg9[%add3A_122, %dma_start3A_149] : memref<250x40xi32, #tpu.memory_space<vmem>> -> memref<1x40xi32, #tpu.memory_space<vmem>>
      %dma_start3A_151 = tpu.memref_squeeze %dma_start3A_150 : memref<1x40xi32, #tpu.memory_space<vmem>> -> memref<40xi32, #tpu.memory_space<vmem>>
      %dma_start3A_152 = arith.constant 0 : i32
      %dma_start3A_153 = arith.constant 0 : i32
      %dma_start3A_154 = tpu.memref_slice %arg12[%dma_start3A_152, %dma_start3A_153] : memref<10112x128xf32, #tpu.memory_space<vmem_shared>> -> memref<10112x128xf32, #tpu.memory_space<vmem_shared>>
      %dma_start3A_155 = tpu.memref_slice %arg15[%dma_start3A_144] : memref<5x!tpu.dma_semaphore, #tpu.memory_space<semaphore_mem>> -> memref<1x!tpu.dma_semaphore, #tpu.memory_space<semaphore_mem>>
      %dma_start3A_156 = tpu.memref_squeeze %dma_start3A_155 : memref<1x!tpu.dma_semaphore, #tpu.memory_space<semaphore_mem>> -> memref<!tpu.dma_semaphore, #tpu.memory_space<semaphore_mem>>
      tpu.enqueue_indirect_dma source(%dma_start3A_148 : memref<40x128xf32, #tpu.memory_space<vmem>>) target(%dma_start3A_154 : memref<10112x128xf32, #tpu.memory_space<vmem_shared>>) offsets(%dma_start3A_151 : memref<40xi32, #tpu.memory_space<vmem>>) semaphore(%dma_start3A_156 : memref<!tpu.dma_semaphore, #tpu.memory_space<semaphore_mem>>) {add = true}
      %dma_start3A_157 = arith.constant 0 : i32
      %dma_start3A_158 = arith.constant 0 : i32
      %dma_start3A_159 = tpu.memref_slice %arg9[%add3A_122, %dma_start3A_158] : memref<250x40xi32, #tpu.memory_space<vmem>> -> memref<1x40xi32, #tpu.memory_space<vmem>>
      %dma_start3A_160 = tpu.memref_squeeze %dma_start3A_159 : memref<1x40xi32, #tpu.memory_space<vmem>> -> memref<40xi32, #tpu.memory_space<vmem>>
      %dma_start3A_161 = arith.constant 0 : i32
      %dma_start3A_162 = arith.constant 0 : i32
      %dma_start3A_163 = tpu.memref_slice %arg13[%dma_start3A_161, %dma_start3A_162] : memref<10112x16xf32, #tpu.memory_space<vmem_shared>> -> memref<10112x16xf32, #tpu.memory_space<vmem_shared>>
      %dma_start3A_164 = tpu.memref_slice %arg16[%dma_start3A_157] : memref<5x!tpu.dma_semaphore, #tpu.memory_space<semaphore_mem>> -> memref<1x!tpu.dma_semaphore, #tpu.memory_space<semaphore_mem>>
      %dma_start3A_165 = tpu.memref_squeeze %dma_start3A_164 : memref<1x!tpu.dma_semaphore, #tpu.memory_space<semaphore_mem>> -> memref<!tpu.dma_semaphore, #tpu.memory_space<semaphore_mem>>
      tpu.enqueue_indirect_dma source(%arg11 : memref<40x16xf32, #tpu.memory_space<vmem>>) target(%dma_start3A_163 : memref<10112x16xf32, #tpu.memory_space<vmem_shared>>) offsets(%dma_start3A_160 : memref<40xi32, #tpu.memory_space<vmem>>) semaphore(%dma_start3A_165 : memref<!tpu.dma_semaphore, #tpu.memory_space<semaphore_mem>>) {add = true}
      %add3A_166 = arith.constant 1 : i32
      %add3A_167 = arith.addi %mul3A_120, %add3A_166 : i32
      %mul3A_168 = arith.constant 10000 : i32
      %mul3A_169 = arith.muli %add3A, %mul3A_168 : i32
      %mul3A_170 = arith.constant 40 : i32
      %mul3A_171 = arith.muli %add3A_167, %mul3A_170 : i32
      %add3A_172 = arith.addi %mul3A_169, %mul3A_171 : i32
      %dma_wait3A_173 = arith.constant 1 : i32
      %dma_wait3A_174 = arith.constant 1 : i32
      %dma_wait3A_175 = arith.constant 0 : i32
      %dma_wait3A_176 = arith.constant 0 : i32
      %dma_wait3A_177 = tpu.memref_slice %arg10[%dma_wait3A_173, %dma_wait3A_175, %dma_wait3A_176] : memref<5x40x128xf32, #tpu.memory_space<vmem>> -> memref<1x40x128xf32, #tpu.memory_space<vmem>>
      %dma_wait3A_178 = tpu.memref_squeeze %dma_wait3A_177 : memref<1x40x128xf32, #tpu.memory_space<vmem>> -> memref<40x128xf32, #tpu.memory_space<vmem>>
      %dma_wait3A_179 = arith.constant 0 : i32
      %dma_wait3A_180 = tpu.memref_slice %arg2[%add3A_172, %dma_wait3A_179] : memref<320000x128xf32, #tpu.memory_space<hbm>> -> memref<40x128xf32, #tpu.memory_space<hbm>>
      %dma_wait3A_181 = tpu.memref_slice %arg14[%dma_wait3A_174] : memref<5x!tpu.dma_semaphore, #tpu.memory_space<semaphore_mem>> -> memref<1x!tpu.dma_semaphore, #tpu.memory_space<semaphore_mem>>
      %dma_wait3A_182 = tpu.memref_squeeze %dma_wait3A_181 : memref<1x!tpu.dma_semaphore, #tpu.memory_space<semaphore_mem>> -> memref<!tpu.dma_semaphore, #tpu.memory_space<semaphore_mem>>
      %dma_wait3A_183 = arith.constant 0 : i32
      %dma_wait3A_184 = arith.constant 0 : i32
      %dma_wait3A_185 = tpu.memref_slice %arg10[%dma_wait3A_173, %dma_wait3A_183, %dma_wait3A_184] : memref<5x40x128xf32, #tpu.memory_space<vmem>> -> memref<1x40x128xf32, #tpu.memory_space<vmem>>
      %dma_wait3A_186 = tpu.memref_squeeze %dma_wait3A_185 : memref<1x40x128xf32, #tpu.memory_space<vmem>> -> memref<40x128xf32, #tpu.memory_space<vmem>>
      %dma_wait3A_187 = arith.constant 0 : i32
      %dma_wait3A_188 = tpu.memref_slice %arg2[%add3A_172, %dma_wait3A_187] : memref<320000x128xf32, #tpu.memory_space<hbm>> -> memref<40x128xf32, #tpu.memory_space<hbm>>
      tpu.wait_dma2 semaphore(%dma_wait3A_182 : memref<!tpu.dma_semaphore, #tpu.memory_space<semaphore_mem>>) src(%dma_wait3A_188 : memref<40x128xf32, #tpu.memory_space<hbm>>) dst(%dma_wait3A_186 : memref<40x128xf32, #tpu.memory_space<vmem>>)
      %dma_start3A_189 = arith.constant 1 : i32
      %dma_start3A_190 = arith.constant 1 : i32
      %dma_start3A_191 = arith.constant 0 : i32
      %dma_start3A_192 = arith.constant 0 : i32
      %dma_start3A_193 = tpu.memref_slice %arg10[%dma_start3A_189, %dma_start3A_191, %dma_start3A_192] : memref<5x40x128xf32, #tpu.memory_space<vmem>> -> memref<1x40x128xf32, #tpu.memory_space<vmem>>
      %dma_start3A_194 = tpu.memref_squeeze %dma_start3A_193 : memref<1x40x128xf32, #tpu.memory_space<vmem>> -> memref<40x128xf32, #tpu.memory_space<vmem>>
      %dma_start3A_195 = arith.constant 0 : i32
      %dma_start3A_196 = tpu.memref_slice %arg9[%add3A_167, %dma_start3A_195] : memref<250x40xi32, #tpu.memory_space<vmem>> -> memref<1x40xi32, #tpu.memory_space<vmem>>
      %dma_start3A_197 = tpu.memref_squeeze %dma_start3A_196 : memref<1x40xi32, #tpu.memory_space<vmem>> -> memref<40xi32, #tpu.memory_space<vmem>>
      %dma_start3A_198 = arith.constant 0 : i32
      %dma_start3A_199 = arith.constant 0 : i32
      %dma_start3A_200 = tpu.memref_slice %arg12[%dma_start3A_198, %dma_start3A_199] : memref<10112x128xf32, #tpu.memory_space<vmem_shared>> -> memref<10112x128xf32, #tpu.memory_space<vmem_shared>>
      %dma_start3A_201 = tpu.memref_slice %arg15[%dma_start3A_190] : memref<5x!tpu.dma_semaphore, #tpu.memory_space<semaphore_mem>> -> memref<1x!tpu.dma_semaphore, #tpu.memory_space<semaphore_mem>>
      %dma_start3A_202 = tpu.memref_squeeze %dma_start3A_201 : memref<1x!tpu.dma_semaphore, #tpu.memory_space<semaphore_mem>> -> memref<!tpu.dma_semaphore, #tpu.memory_space<semaphore_mem>>
      tpu.enqueue_indirect_dma source(%dma_start3A_194 : memref<40x128xf32, #tpu.memory_space<vmem>>) target(%dma_start3A_200 : memref<10112x128xf32, #tpu.memory_space<vmem_shared>>) offsets(%dma_start3A_197 : memref<40xi32, #tpu.memory_space<vmem>>) semaphore(%dma_start3A_202 : memref<!tpu.dma_semaphore, #tpu.memory_space<semaphore_mem>>) {add = true}
      %dma_start3A_203 = arith.constant 1 : i32
      %dma_start3A_204 = arith.constant 0 : i32
      %dma_start3A_205 = tpu.memref_slice %arg9[%add3A_167, %dma_start3A_204] : memref<250x40xi32, #tpu.memory_space<vmem>> -> memref<1x40xi32, #tpu.memory_space<vmem>>
      %dma_start3A_206 = tpu.memref_squeeze %dma_start3A_205 : memref<1x40xi32, #tpu.memory_space<vmem>> -> memref<40xi32, #tpu.memory_space<vmem>>
      %dma_start3A_207 = arith.constant 0 : i32
      %dma_start3A_208 = arith.constant 0 : i32
      %dma_start3A_209 = tpu.memref_slice %arg13[%dma_start3A_207, %dma_start3A_208] : memref<10112x16xf32, #tpu.memory_space<vmem_shared>> -> memref<10112x16xf32, #tpu.memory_space<vmem_shared>>
      %dma_start3A_210 = tpu.memref_slice %arg16[%dma_start3A_203] : memref<5x!tpu.dma_semaphore, #tpu.memory_space<semaphore_mem>> -> memref<1x!tpu.dma_semaphore, #tpu.memory_space<semaphore_mem>>
      %dma_start3A_211 = tpu.memref_squeeze %dma_start3A_210 : memref<1x!tpu.dma_semaphore, #tpu.memory_space<semaphore_mem>> -> memref<!tpu.dma_semaphore, #tpu.memory_space<semaphore_mem>>
      tpu.enqueue_indirect_dma source(%arg11 : memref<40x16xf32, #tpu.memory_space<vmem>>) target(%dma_start3A_209 : memref<10112x16xf32, #tpu.memory_space<vmem_shared>>) offsets(%dma_start3A_206 : memref<40xi32, #tpu.memory_space<vmem>>) semaphore(%dma_start3A_211 : memref<!tpu.dma_semaphore, #tpu.memory_space<semaphore_mem>>) {add = true}
      %add3A_212 = arith.constant 2 : i32
      %add3A_213 = arith.addi %mul3A_120, %add3A_212 : i32
      %mul3A_214 = arith.constant 10000 : i32
      %mul3A_215 = arith.muli %add3A, %mul3A_214 : i32
      %mul3A_216 = arith.constant 40 : i32
      %mul3A_217 = arith.muli %add3A_213, %mul3A_216 : i32
      %add3A_218 = arith.addi %mul3A_215, %mul3A_217 : i32
      %dma_wait3A_219 = arith.constant 2 : i32
      %dma_wait3A_220 = arith.constant 2 : i32
      %dma_wait3A_221 = arith.constant 0 : i32
      %dma_wait3A_222 = arith.constant 0 : i32
      %dma_wait3A_223 = tpu.memref_slice %arg10[%dma_wait3A_219, %dma_wait3A_221, %dma_wait3A_222] : memref<5x40x128xf32, #tpu.memory_space<vmem>> -> memref<1x40x128xf32, #tpu.memory_space<vmem>>
      %dma_wait3A_224 = tpu.memref_squeeze %dma_wait3A_223 : memref<1x40x128xf32, #tpu.memory_space<vmem>> -> memref<40x128xf32, #tpu.memory_space<vmem>>
      %dma_wait3A_225 = arith.constant 0 : i32
      %dma_wait3A_226 = tpu.memref_slice %arg2[%add3A_218, %dma_wait3A_225] : memref<320000x128xf32, #tpu.memory_space<hbm>> -> memref<40x128xf32, #tpu.memory_space<hbm>>
      %dma_wait3A_227 = tpu.memref_slice %arg14[%dma_wait3A_220] : memref<5x!tpu.dma_semaphore, #tpu.memory_space<semaphore_mem>> -> memref<1x!tpu.dma_semaphore, #tpu.memory_space<semaphore_mem>>
      %dma_wait3A_228 = tpu.memref_squeeze %dma_wait3A_227 : memref<1x!tpu.dma_semaphore, #tpu.memory_space<semaphore_mem>> -> memref<!tpu.dma_semaphore, #tpu.memory_space<semaphore_mem>>
      %dma_wait3A_229 = arith.constant 0 : i32
      %dma_wait3A_230 = arith.constant 0 : i32
      %dma_wait3A_231 = tpu.memref_slice %arg10[%dma_wait3A_219, %dma_wait3A_229, %dma_wait3A_230] : memref<5x40x128xf32, #tpu.memory_space<vmem>> -> memref<1x40x128xf32, #tpu.memory_space<vmem>>
      %dma_wait3A_232 = tpu.memref_squeeze %dma_wait3A_231 : memref<1x40x128xf32, #tpu.memory_space<vmem>> -> memref<40x128xf32, #tpu.memory_space<vmem>>
      %dma_wait3A_233 = arith.constant 0 : i32
      %dma_wait3A_234 = tpu.memref_slice %arg2[%add3A_218, %dma_wait3A_233] : memref<320000x128xf32, #tpu.memory_space<hbm>> -> memref<40x128xf32, #tpu.memory_space<hbm>>
      tpu.wait_dma2 semaphore(%dma_wait3A_228 : memref<!tpu.dma_semaphore, #tpu.memory_space<semaphore_mem>>) src(%dma_wait3A_234 : memref<40x128xf32, #tpu.memory_space<hbm>>) dst(%dma_wait3A_232 : memref<40x128xf32, #tpu.memory_space<vmem>>)
      %dma_start3A_235 = arith.constant 2 : i32
      %dma_start3A_236 = arith.constant 2 : i32
      %dma_start3A_237 = arith.constant 0 : i32
      %dma_start3A_238 = arith.constant 0 : i32
      %dma_start3A_239 = tpu.memref_slice %arg10[%dma_start3A_235, %dma_start3A_237, %dma_start3A_238] : memref<5x40x128xf32, #tpu.memory_space<vmem>> -> memref<1x40x128xf32, #tpu.memory_space<vmem>>
      %dma_start3A_240 = tpu.memref_squeeze %dma_start3A_239 : memref<1x40x128xf32, #tpu.memory_space<vmem>> -> memref<40x128xf32, #tpu.memory_space<vmem>>
      %dma_start3A_241 = arith.constant 0 : i32
      %dma_start3A_242 = tpu.memref_slice %arg9[%add3A_213, %dma_start3A_241] : memref<250x40xi32, #tpu.memory_space<vmem>> -> memref<1x40xi32, #tpu.memory_space<vmem>>
      %dma_start3A_243 = tpu.memref_squeeze %dma_start3A_242 : memref<1x40xi32, #tpu.memory_space<vmem>> -> memref<40xi32, #tpu.memory_space<vmem>>
      %dma_start3A_244 = arith.constant 0 : i32
      %dma_start3A_245 = arith.constant 0 : i32
      %dma_start3A_246 = tpu.memref_slice %arg12[%dma_start3A_244, %dma_start3A_245] : memref<10112x128xf32, #tpu.memory_space<vmem_shared>> -> memref<10112x128xf32, #tpu.memory_space<vmem_shared>>
      %dma_start3A_247 = tpu.memref_slice %arg15[%dma_start3A_236] : memref<5x!tpu.dma_semaphore, #tpu.memory_space<semaphore_mem>> -> memref<1x!tpu.dma_semaphore, #tpu.memory_space<semaphore_mem>>
      %dma_start3A_248 = tpu.memref_squeeze %dma_start3A_247 : memref<1x!tpu.dma_semaphore, #tpu.memory_space<semaphore_mem>> -> memref<!tpu.dma_semaphore, #tpu.memory_space<semaphore_mem>>
      tpu.enqueue_indirect_dma source(%dma_start3A_240 : memref<40x128xf32, #tpu.memory_space<vmem>>) target(%dma_start3A_246 : memref<10112x128xf32, #tpu.memory_space<vmem_shared>>) offsets(%dma_start3A_243 : memref<40xi32, #tpu.memory_space<vmem>>) semaphore(%dma_start3A_248 : memref<!tpu.dma_semaphore, #tpu.memory_space<semaphore_mem>>) {add = true}
      %dma_start3A_249 = arith.constant 2 : i32
      %dma_start3A_250 = arith.constant 0 : i32
      %dma_start3A_251 = tpu.memref_slice %arg9[%add3A_213, %dma_start3A_250] : memref<250x40xi32, #tpu.memory_space<vmem>> -> memref<1x40xi32, #tpu.memory_space<vmem>>
      %dma_start3A_252 = tpu.memref_squeeze %dma_start3A_251 : memref<1x40xi32, #tpu.memory_space<vmem>> -> memref<40xi32, #tpu.memory_space<vmem>>
      %dma_start3A_253 = arith.constant 0 : i32
      %dma_start3A_254 = arith.constant 0 : i32
      %dma_start3A_255 = tpu.memref_slice %arg13[%dma_start3A_253, %dma_start3A_254] : memref<10112x16xf32, #tpu.memory_space<vmem_shared>> -> memref<10112x16xf32, #tpu.memory_space<vmem_shared>>
      %dma_start3A_256 = tpu.memref_slice %arg16[%dma_start3A_249] : memref<5x!tpu.dma_semaphore, #tpu.memory_space<semaphore_mem>> -> memref<1x!tpu.dma_semaphore, #tpu.memory_space<semaphore_mem>>
      %dma_start3A_257 = tpu.memref_squeeze %dma_start3A_256 : memref<1x!tpu.dma_semaphore, #tpu.memory_space<semaphore_mem>> -> memref<!tpu.dma_semaphore, #tpu.memory_space<semaphore_mem>>
      tpu.enqueue_indirect_dma source(%arg11 : memref<40x16xf32, #tpu.memory_space<vmem>>) target(%dma_start3A_255 : memref<10112x16xf32, #tpu.memory_space<vmem_shared>>) offsets(%dma_start3A_252 : memref<40xi32, #tpu.memory_space<vmem>>) semaphore(%dma_start3A_257 : memref<!tpu.dma_semaphore, #tpu.memory_space<semaphore_mem>>) {add = true}
      %add3A_258 = arith.constant 3 : i32
      %add3A_259 = arith.addi %mul3A_120, %add3A_258 : i32
      %mul3A_260 = arith.constant 10000 : i32
      %mul3A_261 = arith.muli %add3A, %mul3A_260 : i32
      %mul3A_262 = arith.constant 40 : i32
      %mul3A_263 = arith.muli %add3A_259, %mul3A_262 : i32
      %add3A_264 = arith.addi %mul3A_261, %mul3A_263 : i32
      %dma_wait3A_265 = arith.constant 3 : i32
      %dma_wait3A_266 = arith.constant 3 : i32
      %dma_wait3A_267 = arith.constant 0 : i32
      %dma_wait3A_268 = arith.constant 0 : i32
      %dma_wait3A_269 = tpu.memref_slice %arg10[%dma_wait3A_265, %dma_wait3A_267, %dma_wait3A_268] : memref<5x40x128xf32, #tpu.memory_space<vmem>> -> memref<1x40x128xf32, #tpu.memory_space<vmem>>
      %dma_wait3A_270 = tpu.memref_squeeze %dma_wait3A_269 : memref<1x40x128xf32, #tpu.memory_space<vmem>> -> memref<40x128xf32, #tpu.memory_space<vmem>>
      %dma_wait3A_271 = arith.constant 0 : i32
      %dma_wait3A_272 = tpu.memref_slice %arg2[%add3A_264, %dma_wait3A_271] : memref<320000x128xf32, #tpu.memory_space<hbm>> -> memref<40x128xf32, #tpu.memory_space<hbm>>
      %dma_wait3A_273 = tpu.memref_slice %arg14[%dma_wait3A_266] : memref<5x!tpu.dma_semaphore, #tpu.memory_space<semaphore_mem>> -> memref<1x!tpu.dma_semaphore, #tpu.memory_space<semaphore_mem>>
      %dma_wait3A_274 = tpu.memref_squeeze %dma_wait3A_273 : memref<1x!tpu.dma_semaphore, #tpu.memory_space<semaphore_mem>> -> memref<!tpu.dma_semaphore, #tpu.memory_space<semaphore_mem>>
      %dma_wait3A_275 = arith.constant 0 : i32
      %dma_wait3A_276 = arith.constant 0 : i32
      %dma_wait3A_277 = tpu.memref_slice %arg10[%dma_wait3A_265, %dma_wait3A_275, %dma_wait3A_276] : memref<5x40x128xf32, #tpu.memory_space<vmem>> -> memref<1x40x128xf32, #tpu.memory_space<vmem>>
      %dma_wait3A_278 = tpu.memref_squeeze %dma_wait3A_277 : memref<1x40x128xf32, #tpu.memory_space<vmem>> -> memref<40x128xf32, #tpu.memory_space<vmem>>
      %dma_wait3A_279 = arith.constant 0 : i32
      %dma_wait3A_280 = tpu.memref_slice %arg2[%add3A_264, %dma_wait3A_279] : memref<320000x128xf32, #tpu.memory_space<hbm>> -> memref<40x128xf32, #tpu.memory_space<hbm>>
      tpu.wait_dma2 semaphore(%dma_wait3A_274 : memref<!tpu.dma_semaphore, #tpu.memory_space<semaphore_mem>>) src(%dma_wait3A_280 : memref<40x128xf32, #tpu.memory_space<hbm>>) dst(%dma_wait3A_278 : memref<40x128xf32, #tpu.memory_space<vmem>>)
      %dma_start3A_281 = arith.constant 3 : i32
      %dma_start3A_282 = arith.constant 3 : i32
      %dma_start3A_283 = arith.constant 0 : i32
      %dma_start3A_284 = arith.constant 0 : i32
      %dma_start3A_285 = tpu.memref_slice %arg10[%dma_start3A_281, %dma_start3A_283, %dma_start3A_284] : memref<5x40x128xf32, #tpu.memory_space<vmem>> -> memref<1x40x128xf32, #tpu.memory_space<vmem>>
      %dma_start3A_286 = tpu.memref_squeeze %dma_start3A_285 : memref<1x40x128xf32, #tpu.memory_space<vmem>> -> memref<40x128xf32, #tpu.memory_space<vmem>>
      %dma_start3A_287 = arith.constant 0 : i32
      %dma_start3A_288 = tpu.memref_slice %arg9[%add3A_259, %dma_start3A_287] : memref<250x40xi32, #tpu.memory_space<vmem>> -> memref<1x40xi32, #tpu.memory_space<vmem>>
      %dma_start3A_289 = tpu.memref_squeeze %dma_start3A_288 : memref<1x40xi32, #tpu.memory_space<vmem>> -> memref<40xi32, #tpu.memory_space<vmem>>
      %dma_start3A_290 = arith.constant 0 : i32
      %dma_start3A_291 = arith.constant 0 : i32
      %dma_start3A_292 = tpu.memref_slice %arg12[%dma_start3A_290, %dma_start3A_291] : memref<10112x128xf32, #tpu.memory_space<vmem_shared>> -> memref<10112x128xf32, #tpu.memory_space<vmem_shared>>
      %dma_start3A_293 = tpu.memref_slice %arg15[%dma_start3A_282] : memref<5x!tpu.dma_semaphore, #tpu.memory_space<semaphore_mem>> -> memref<1x!tpu.dma_semaphore, #tpu.memory_space<semaphore_mem>>
      %dma_start3A_294 = tpu.memref_squeeze %dma_start3A_293 : memref<1x!tpu.dma_semaphore, #tpu.memory_space<semaphore_mem>> -> memref<!tpu.dma_semaphore, #tpu.memory_space<semaphore_mem>>
      tpu.enqueue_indirect_dma source(%dma_start3A_286 : memref<40x128xf32, #tpu.memory_space<vmem>>) target(%dma_start3A_292 : memref<10112x128xf32, #tpu.memory_space<vmem_shared>>) offsets(%dma_start3A_289 : memref<40xi32, #tpu.memory_space<vmem>>) semaphore(%dma_start3A_294 : memref<!tpu.dma_semaphore, #tpu.memory_space<semaphore_mem>>) {add = true}
      %dma_start3A_295 = arith.constant 3 : i32
      %dma_start3A_296 = arith.constant 0 : i32
      %dma_start3A_297 = tpu.memref_slice %arg9[%add3A_259, %dma_start3A_296] : memref<250x40xi32, #tpu.memory_space<vmem>> -> memref<1x40xi32, #tpu.memory_space<vmem>>
      %dma_start3A_298 = tpu.memref_squeeze %dma_start3A_297 : memref<1x40xi32, #tpu.memory_space<vmem>> -> memref<40xi32, #tpu.memory_space<vmem>>
      %dma_start3A_299 = arith.constant 0 : i32
      %dma_start3A_300 = arith.constant 0 : i32
      %dma_start3A_301 = tpu.memref_slice %arg13[%dma_start3A_299, %dma_start3A_300] : memref<10112x16xf32, #tpu.memory_space<vmem_shared>> -> memref<10112x16xf32, #tpu.memory_space<vmem_shared>>
      %dma_start3A_302 = tpu.memref_slice %arg16[%dma_start3A_295] : memref<5x!tpu.dma_semaphore, #tpu.memory_space<semaphore_mem>> -> memref<1x!tpu.dma_semaphore, #tpu.memory_space<semaphore_mem>>
      %dma_start3A_303 = tpu.memref_squeeze %dma_start3A_302 : memref<1x!tpu.dma_semaphore, #tpu.memory_space<semaphore_mem>> -> memref<!tpu.dma_semaphore, #tpu.memory_space<semaphore_mem>>
      tpu.enqueue_indirect_dma source(%arg11 : memref<40x16xf32, #tpu.memory_space<vmem>>) target(%dma_start3A_301 : memref<10112x16xf32, #tpu.memory_space<vmem_shared>>) offsets(%dma_start3A_298 : memref<40xi32, #tpu.memory_space<vmem>>) semaphore(%dma_start3A_303 : memref<!tpu.dma_semaphore, #tpu.memory_space<semaphore_mem>>) {add = true}
      %add3A_304 = arith.constant 4 : i32
      %add3A_305 = arith.addi %mul3A_120, %add3A_304 : i32
      %mul3A_306 = arith.constant 10000 : i32
      %mul3A_307 = arith.muli %add3A, %mul3A_306 : i32
      %mul3A_308 = arith.constant 40 : i32
      %mul3A_309 = arith.muli %add3A_305, %mul3A_308 : i32
      %add3A_310 = arith.addi %mul3A_307, %mul3A_309 : i32
      %dma_wait3A_311 = arith.constant 4 : i32
      %dma_wait3A_312 = arith.constant 4 : i32
      %dma_wait3A_313 = arith.constant 0 : i32
      %dma_wait3A_314 = arith.constant 0 : i32
      %dma_wait3A_315 = tpu.memref_slice %arg10[%dma_wait3A_311, %dma_wait3A_313, %dma_wait3A_314] : memref<5x40x128xf32, #tpu.memory_space<vmem>> -> memref<1x40x128xf32, #tpu.memory_space<vmem>>
      %dma_wait3A_316 = tpu.memref_squeeze %dma_wait3A_315 : memref<1x40x128xf32, #tpu.memory_space<vmem>> -> memref<40x128xf32, #tpu.memory_space<vmem>>
      %dma_wait3A_317 = arith.constant 0 : i32
      %dma_wait3A_318 = tpu.memref_slice %arg2[%add3A_310, %dma_wait3A_317] : memref<320000x128xf32, #tpu.memory_space<hbm>> -> memref<40x128xf32, #tpu.memory_space<hbm>>
      %dma_wait3A_319 = tpu.memref_slice %arg14[%dma_wait3A_312] : memref<5x!tpu.dma_semaphore, #tpu.memory_space<semaphore_mem>> -> memref<1x!tpu.dma_semaphore, #tpu.memory_space<semaphore_mem>>
      %dma_wait3A_320 = tpu.memref_squeeze %dma_wait3A_319 : memref<1x!tpu.dma_semaphore, #tpu.memory_space<semaphore_mem>> -> memref<!tpu.dma_semaphore, #tpu.memory_space<semaphore_mem>>
      %dma_wait3A_321 = arith.constant 0 : i32
      %dma_wait3A_322 = arith.constant 0 : i32
      %dma_wait3A_323 = tpu.memref_slice %arg10[%dma_wait3A_311, %dma_wait3A_321, %dma_wait3A_322] : memref<5x40x128xf32, #tpu.memory_space<vmem>> -> memref<1x40x128xf32, #tpu.memory_space<vmem>>
      %dma_wait3A_324 = tpu.memref_squeeze %dma_wait3A_323 : memref<1x40x128xf32, #tpu.memory_space<vmem>> -> memref<40x128xf32, #tpu.memory_space<vmem>>
      %dma_wait3A_325 = arith.constant 0 : i32
      %dma_wait3A_326 = tpu.memref_slice %arg2[%add3A_310, %dma_wait3A_325] : memref<320000x128xf32, #tpu.memory_space<hbm>> -> memref<40x128xf32, #tpu.memory_space<hbm>>
      tpu.wait_dma2 semaphore(%dma_wait3A_320 : memref<!tpu.dma_semaphore, #tpu.memory_space<semaphore_mem>>) src(%dma_wait3A_326 : memref<40x128xf32, #tpu.memory_space<hbm>>) dst(%dma_wait3A_324 : memref<40x128xf32, #tpu.memory_space<vmem>>)
      %dma_start3A_327 = arith.constant 4 : i32
      %dma_start3A_328 = arith.constant 4 : i32
      %dma_start3A_329 = arith.constant 0 : i32
      %dma_start3A_330 = arith.constant 0 : i32
      %dma_start3A_331 = tpu.memref_slice %arg10[%dma_start3A_327, %dma_start3A_329, %dma_start3A_330] : memref<5x40x128xf32, #tpu.memory_space<vmem>> -> memref<1x40x128xf32, #tpu.memory_space<vmem>>
      %dma_start3A_332 = tpu.memref_squeeze %dma_start3A_331 : memref<1x40x128xf32, #tpu.memory_space<vmem>> -> memref<40x128xf32, #tpu.memory_space<vmem>>
      %dma_start3A_333 = arith.constant 0 : i32
      %dma_start3A_334 = tpu.memref_slice %arg9[%add3A_305, %dma_start3A_333] : memref<250x40xi32, #tpu.memory_space<vmem>> -> memref<1x40xi32, #tpu.memory_space<vmem>>
      %dma_start3A_335 = tpu.memref_squeeze %dma_start3A_334 : memref<1x40xi32, #tpu.memory_space<vmem>> -> memref<40xi32, #tpu.memory_space<vmem>>
      %dma_start3A_336 = arith.constant 0 : i32
      %dma_start3A_337 = arith.constant 0 : i32
      %dma_start3A_338 = tpu.memref_slice %arg12[%dma_start3A_336, %dma_start3A_337] : memref<10112x128xf32, #tpu.memory_space<vmem_shared>> -> memref<10112x128xf32, #tpu.memory_space<vmem_shared>>
      %dma_start3A_339 = tpu.memref_slice %arg15[%dma_start3A_328] : memref<5x!tpu.dma_semaphore, #tpu.memory_space<semaphore_mem>> -> memref<1x!tpu.dma_semaphore, #tpu.memory_space<semaphore_mem>>
      %dma_start3A_340 = tpu.memref_squeeze %dma_start3A_339 : memref<1x!tpu.dma_semaphore, #tpu.memory_space<semaphore_mem>> -> memref<!tpu.dma_semaphore, #tpu.memory_space<semaphore_mem>>
      tpu.enqueue_indirect_dma source(%dma_start3A_332 : memref<40x128xf32, #tpu.memory_space<vmem>>) target(%dma_start3A_338 : memref<10112x128xf32, #tpu.memory_space<vmem_shared>>) offsets(%dma_start3A_335 : memref<40xi32, #tpu.memory_space<vmem>>) semaphore(%dma_start3A_340 : memref<!tpu.dma_semaphore, #tpu.memory_space<semaphore_mem>>) {add = true}
      %dma_start3A_341 = arith.constant 4 : i32
      %dma_start3A_342 = arith.constant 0 : i32
      %dma_start3A_343 = tpu.memref_slice %arg9[%add3A_305, %dma_start3A_342] : memref<250x40xi32, #tpu.memory_space<vmem>> -> memref<1x40xi32, #tpu.memory_space<vmem>>
      %dma_start3A_344 = tpu.memref_squeeze %dma_start3A_343 : memref<1x40xi32, #tpu.memory_space<vmem>> -> memref<40xi32, #tpu.memory_space<vmem>>
      %dma_start3A_345 = arith.constant 0 : i32
      %dma_start3A_346 = arith.constant 0 : i32
      %dma_start3A_347 = tpu.memref_slice %arg13[%dma_start3A_345, %dma_start3A_346] : memref<10112x16xf32, #tpu.memory_space<vmem_shared>> -> memref<10112x16xf32, #tpu.memory_space<vmem_shared>>
      %dma_start3A_348 = tpu.memref_slice %arg16[%dma_start3A_341] : memref<5x!tpu.dma_semaphore, #tpu.memory_space<semaphore_mem>> -> memref<1x!tpu.dma_semaphore, #tpu.memory_space<semaphore_mem>>
      %dma_start3A_349 = tpu.memref_squeeze %dma_start3A_348 : memref<1x!tpu.dma_semaphore, #tpu.memory_space<semaphore_mem>> -> memref<!tpu.dma_semaphore, #tpu.memory_space<semaphore_mem>>
      tpu.enqueue_indirect_dma source(%arg11 : memref<40x16xf32, #tpu.memory_space<vmem>>) target(%dma_start3A_347 : memref<10112x16xf32, #tpu.memory_space<vmem_shared>>) offsets(%dma_start3A_344 : memref<40xi32, #tpu.memory_space<vmem>>) semaphore(%dma_start3A_349 : memref<!tpu.dma_semaphore, #tpu.memory_space<semaphore_mem>>) {add = true}
      %add3A_350 = arith.constant 0 : i32
      %add3A_351 = arith.addi %mul3A_120, %add3A_350 : i32
      %dma_wait3A_352 = arith.constant 0 : i32
      %dma_wait3A_353 = arith.constant 0 : i32
      %dma_wait3A_354 = arith.constant 0 : i32
      %dma_wait3A_355 = arith.constant 0 : i32
      %dma_wait3A_356 = tpu.memref_slice %arg10[%dma_wait3A_352, %dma_wait3A_354, %dma_wait3A_355] : memref<5x40x128xf32, #tpu.memory_space<vmem>> -> memref<1x40x128xf32, #tpu.memory_space<vmem>>
      %dma_wait3A_357 = tpu.memref_squeeze %dma_wait3A_356 : memref<1x40x128xf32, #tpu.memory_space<vmem>> -> memref<40x128xf32, #tpu.memory_space<vmem>>
      %dma_wait3A_358 = arith.constant 0 : i32
      %dma_wait3A_359 = tpu.memref_slice %arg9[%add3A_351, %dma_wait3A_358] : memref<250x40xi32, #tpu.memory_space<vmem>> -> memref<1x40xi32, #tpu.memory_space<vmem>>
      %dma_wait3A_360 = tpu.memref_squeeze %dma_wait3A_359 : memref<1x40xi32, #tpu.memory_space<vmem>> -> memref<40xi32, #tpu.memory_space<vmem>>
      %dma_wait3A_361 = arith.constant 0 : i32
      %dma_wait3A_362 = arith.constant 0 : i32
      %dma_wait3A_363 = tpu.memref_slice %arg12[%dma_wait3A_361, %dma_wait3A_362] : memref<10112x128xf32, #tpu.memory_space<vmem_shared>> -> memref<10112x128xf32, #tpu.memory_space<vmem_shared>>
      %dma_wait3A_364 = tpu.memref_slice %arg15[%dma_wait3A_353] : memref<5x!tpu.dma_semaphore, #tpu.memory_space<semaphore_mem>> -> memref<1x!tpu.dma_semaphore, #tpu.memory_space<semaphore_mem>>
      %dma_wait3A_365 = tpu.memref_squeeze %dma_wait3A_364 : memref<1x!tpu.dma_semaphore, #tpu.memory_space<semaphore_mem>> -> memref<!tpu.dma_semaphore, #tpu.memory_space<semaphore_mem>>
      tpu.wait_indirect_dma semaphore(%dma_wait3A_365 : memref<!tpu.dma_semaphore, #tpu.memory_space<semaphore_mem>>) src(%dma_wait3A_357 : memref<40x128xf32, #tpu.memory_space<vmem>>) dst(%dma_wait3A_363 : memref<10112x128xf32, #tpu.memory_space<vmem_shared>>)
      %dma_wait3A_366 = arith.constant 0 : i32
      %dma_wait3A_367 = arith.constant 0 : i32
      %dma_wait3A_368 = tpu.memref_slice %arg9[%add3A_351, %dma_wait3A_367] : memref<250x40xi32, #tpu.memory_space<vmem>> -> memref<1x40xi32, #tpu.memory_space<vmem>>
      %dma_wait3A_369 = tpu.memref_squeeze %dma_wait3A_368 : memref<1x40xi32, #tpu.memory_space<vmem>> -> memref<40xi32, #tpu.memory_space<vmem>>
      %dma_wait3A_370 = arith.constant 0 : i32
      %dma_wait3A_371 = arith.constant 0 : i32
      %dma_wait3A_372 = tpu.memref_slice %arg13[%dma_wait3A_370, %dma_wait3A_371] : memref<10112x16xf32, #tpu.memory_space<vmem_shared>> -> memref<10112x16xf32, #tpu.memory_space<vmem_shared>>
      %dma_wait3A_373 = tpu.memref_slice %arg16[%dma_wait3A_366] : memref<5x!tpu.dma_semaphore, #tpu.memory_space<semaphore_mem>> -> memref<1x!tpu.dma_semaphore, #tpu.memory_space<semaphore_mem>>
      %dma_wait3A_374 = tpu.memref_squeeze %dma_wait3A_373 : memref<1x!tpu.dma_semaphore, #tpu.memory_space<semaphore_mem>> -> memref<!tpu.dma_semaphore, #tpu.memory_space<semaphore_mem>>
      tpu.wait_indirect_dma semaphore(%dma_wait3A_374 : memref<!tpu.dma_semaphore, #tpu.memory_space<semaphore_mem>>) src(%arg11 : memref<40x16xf32, #tpu.memory_space<vmem>>) dst(%dma_wait3A_372 : memref<10112x16xf32, #tpu.memory_space<vmem_shared>>)
      %lt3A = arith.constant 49 : i32
      %lt3A_375 = arith.cmpi slt, %scan3A_118, %lt3A : i32
      %convert_element_type3A = arith.extui %lt3A_375 : i1 to i32
      %cond3A = arith.constant 0 : i32
      %cond3A_376 = arith.cmpi ne, %convert_element_type3A, %cond3A : i32
      scf.if %cond3A_376 {
        %add3A_497 = arith.constant 5 : i32
        %add3A_498 = arith.addi %add3A_351, %add3A_497 : i32
        %mul3A_499 = arith.constant 10000 : i32
        %mul3A_500 = arith.muli %add3A, %mul3A_499 : i32
        %mul3A_501 = arith.constant 40 : i32
        %mul3A_502 = arith.muli %add3A_498, %mul3A_501 : i32
        %add3A_503 = arith.addi %mul3A_500, %mul3A_502 : i32
        %dma_start3A_504 = arith.constant 0 : i32
        %dma_start3A_505 = arith.constant 0 : i32
        %dma_start3A_506 = arith.constant 0 : i32
        %dma_start3A_507 = arith.constant 0 : i32
        %dma_start3A_508 = tpu.memref_slice %arg10[%dma_start3A_504, %dma_start3A_506, %dma_start3A_507] : memref<5x40x128xf32, #tpu.memory_space<vmem>> -> memref<1x40x128xf32, #tpu.memory_space<vmem>>
        %dma_start3A_509 = tpu.memref_squeeze %dma_start3A_508 : memref<1x40x128xf32, #tpu.memory_space<vmem>> -> memref<40x128xf32, #tpu.memory_space<vmem>>
        %dma_start3A_510 = arith.constant 0 : i32
        %dma_start3A_511 = tpu.memref_slice %arg2[%add3A_503, %dma_start3A_510] : memref<320000x128xf32, #tpu.memory_space<hbm>> -> memref<40x128xf32, #tpu.memory_space<hbm>>
        %dma_start3A_512 = tpu.memref_slice %arg14[%dma_start3A_505] : memref<5x!tpu.dma_semaphore, #tpu.memory_space<semaphore_mem>> -> memref<1x!tpu.dma_semaphore, #tpu.memory_space<semaphore_mem>>
        %dma_start3A_513 = tpu.memref_squeeze %dma_start3A_512 : memref<1x!tpu.dma_semaphore, #tpu.memory_space<semaphore_mem>> -> memref<!tpu.dma_semaphore, #tpu.memory_space<semaphore_mem>>
        %dma_start3A_514 = arith.constant 0 : i32
        %dma_start3A_515 = arith.constant 0 : i32
        %dma_start3A_516 = tpu.memref_slice %arg10[%dma_start3A_504, %dma_start3A_514, %dma_start3A_515] : memref<5x40x128xf32, #tpu.memory_space<vmem>> -> memref<1x40x128xf32, #tpu.memory_space<vmem>>
        %dma_start3A_517 = tpu.memref_squeeze %dma_start3A_516 : memref<1x40x128xf32, #tpu.memory_space<vmem>> -> memref<40x128xf32, #tpu.memory_space<vmem>>
        %dma_start3A_518 = arith.constant 0 : i32
        %dma_start3A_519 = tpu.memref_slice %arg2[%add3A_503, %dma_start3A_518] : memref<320000x128xf32, #tpu.memory_space<hbm>> -> memref<40x128xf32, #tpu.memory_space<hbm>>
        tpu.enqueue_dma source(%dma_start3A_519 : memref<40x128xf32, #tpu.memory_space<hbm>>) target(%dma_start3A_517 : memref<40x128xf32, #tpu.memory_space<vmem>>) target_semaphore(%dma_start3A_513 : memref<!tpu.dma_semaphore, #tpu.memory_space<semaphore_mem>>)
      } else {
      }
      %add3A_377 = arith.constant 1 : i32
      %add3A_378 = arith.addi %mul3A_120, %add3A_377 : i32
      %dma_wait3A_379 = arith.constant 1 : i32
      %dma_wait3A_380 = arith.constant 1 : i32
      %dma_wait3A_381 = arith.constant 0 : i32
      %dma_wait3A_382 = arith.constant 0 : i32
      %dma_wait3A_383 = tpu.memref_slice %arg10[%dma_wait3A_379, %dma_wait3A_381, %dma_wait3A_382] : memref<5x40x128xf32, #tpu.memory_space<vmem>> -> memref<1x40x128xf32, #tpu.memory_space<vmem>>
      %dma_wait3A_384 = tpu.memref_squeeze %dma_wait3A_383 : memref<1x40x128xf32, #tpu.memory_space<vmem>> -> memref<40x128xf32, #tpu.memory_space<vmem>>
      %dma_wait3A_385 = arith.constant 0 : i32
      %dma_wait3A_386 = tpu.memref_slice %arg9[%add3A_378, %dma_wait3A_385] : memref<250x40xi32, #tpu.memory_space<vmem>> -> memref<1x40xi32, #tpu.memory_space<vmem>>
      %dma_wait3A_387 = tpu.memref_squeeze %dma_wait3A_386 : memref<1x40xi32, #tpu.memory_space<vmem>> -> memref<40xi32, #tpu.memory_space<vmem>>
      %dma_wait3A_388 = arith.constant 0 : i32
      %dma_wait3A_389 = arith.constant 0 : i32
      %dma_wait3A_390 = tpu.memref_slice %arg12[%dma_wait3A_388, %dma_wait3A_389] : memref<10112x128xf32, #tpu.memory_space<vmem_shared>> -> memref<10112x128xf32, #tpu.memory_space<vmem_shared>>
      %dma_wait3A_391 = tpu.memref_slice %arg15[%dma_wait3A_380] : memref<5x!tpu.dma_semaphore, #tpu.memory_space<semaphore_mem>> -> memref<1x!tpu.dma_semaphore, #tpu.memory_space<semaphore_mem>>
      %dma_wait3A_392 = tpu.memref_squeeze %dma_wait3A_391 : memref<1x!tpu.dma_semaphore, #tpu.memory_space<semaphore_mem>> -> memref<!tpu.dma_semaphore, #tpu.memory_space<semaphore_mem>>
      tpu.wait_indirect_dma semaphore(%dma_wait3A_392 : memref<!tpu.dma_semaphore, #tpu.memory_space<semaphore_mem>>) src(%dma_wait3A_384 : memref<40x128xf32, #tpu.memory_space<vmem>>) dst(%dma_wait3A_390 : memref<10112x128xf32, #tpu.memory_space<vmem_shared>>)
      %dma_wait3A_393 = arith.constant 1 : i32
      %dma_wait3A_394 = arith.constant 0 : i32
      %dma_wait3A_395 = tpu.memref_slice %arg9[%add3A_378, %dma_wait3A_394] : memref<250x40xi32, #tpu.memory_space<vmem>> -> memref<1x40xi32, #tpu.memory_space<vmem>>
      %dma_wait3A_396 = tpu.memref_squeeze %dma_wait3A_395 : memref<1x40xi32, #tpu.memory_space<vmem>> -> memref<40xi32, #tpu.memory_space<vmem>>
      %dma_wait3A_397 = arith.constant 0 : i32
      %dma_wait3A_398 = arith.constant 0 : i32
      %dma_wait3A_399 = tpu.memref_slice %arg13[%dma_wait3A_397, %dma_wait3A_398] : memref<10112x16xf32, #tpu.memory_space<vmem_shared>> -> memref<10112x16xf32, #tpu.memory_space<vmem_shared>>
      %dma_wait3A_400 = tpu.memref_slice %arg16[%dma_wait3A_393] : memref<5x!tpu.dma_semaphore, #tpu.memory_space<semaphore_mem>> -> memref<1x!tpu.dma_semaphore, #tpu.memory_space<semaphore_mem>>
      %dma_wait3A_401 = tpu.memref_squeeze %dma_wait3A_400 : memref<1x!tpu.dma_semaphore, #tpu.memory_space<semaphore_mem>> -> memref<!tpu.dma_semaphore, #tpu.memory_space<semaphore_mem>>
      tpu.wait_indirect_dma semaphore(%dma_wait3A_401 : memref<!tpu.dma_semaphore, #tpu.memory_space<semaphore_mem>>) src(%arg11 : memref<40x16xf32, #tpu.memory_space<vmem>>) dst(%dma_wait3A_399 : memref<10112x16xf32, #tpu.memory_space<vmem_shared>>)
      %lt3A_402 = arith.constant 49 : i32
      %lt3A_403 = arith.cmpi slt, %scan3A_118, %lt3A_402 : i32
      %convert_element_type3A_404 = arith.extui %lt3A_403 : i1 to i32
      %cond3A_405 = arith.constant 0 : i32
      %cond3A_406 = arith.cmpi ne, %convert_element_type3A_404, %cond3A_405 : i32
      scf.if %cond3A_406 {
        %add3A_497 = arith.constant 5 : i32
        %add3A_498 = arith.addi %add3A_378, %add3A_497 : i32
        %mul3A_499 = arith.constant 10000 : i32
        %mul3A_500 = arith.muli %add3A, %mul3A_499 : i32
        %mul3A_501 = arith.constant 40 : i32
        %mul3A_502 = arith.muli %add3A_498, %mul3A_501 : i32
        %add3A_503 = arith.addi %mul3A_500, %mul3A_502 : i32
        %dma_start3A_504 = arith.constant 1 : i32
        %dma_start3A_505 = arith.constant 1 : i32
        %dma_start3A_506 = arith.constant 0 : i32
        %dma_start3A_507 = arith.constant 0 : i32
        %dma_start3A_508 = tpu.memref_slice %arg10[%dma_start3A_504, %dma_start3A_506, %dma_start3A_507] : memref<5x40x128xf32, #tpu.memory_space<vmem>> -> memref<1x40x128xf32, #tpu.memory_space<vmem>>
        %dma_start3A_509 = tpu.memref_squeeze %dma_start3A_508 : memref<1x40x128xf32, #tpu.memory_space<vmem>> -> memref<40x128xf32, #tpu.memory_space<vmem>>
        %dma_start3A_510 = arith.constant 0 : i32
        %dma_start3A_511 = tpu.memref_slice %arg2[%add3A_503, %dma_start3A_510] : memref<320000x128xf32, #tpu.memory_space<hbm>> -> memref<40x128xf32, #tpu.memory_space<hbm>>
        %dma_start3A_512 = tpu.memref_slice %arg14[%dma_start3A_505] : memref<5x!tpu.dma_semaphore, #tpu.memory_space<semaphore_mem>> -> memref<1x!tpu.dma_semaphore, #tpu.memory_space<semaphore_mem>>
        %dma_start3A_513 = tpu.memref_squeeze %dma_start3A_512 : memref<1x!tpu.dma_semaphore, #tpu.memory_space<semaphore_mem>> -> memref<!tpu.dma_semaphore, #tpu.memory_space<semaphore_mem>>
        %dma_start3A_514 = arith.constant 0 : i32
        %dma_start3A_515 = arith.constant 0 : i32
        %dma_start3A_516 = tpu.memref_slice %arg10[%dma_start3A_504, %dma_start3A_514, %dma_start3A_515] : memref<5x40x128xf32, #tpu.memory_space<vmem>> -> memref<1x40x128xf32, #tpu.memory_space<vmem>>
        %dma_start3A_517 = tpu.memref_squeeze %dma_start3A_516 : memref<1x40x128xf32, #tpu.memory_space<vmem>> -> memref<40x128xf32, #tpu.memory_space<vmem>>
        %dma_start3A_518 = arith.constant 0 : i32
        %dma_start3A_519 = tpu.memref_slice %arg2[%add3A_503, %dma_start3A_518] : memref<320000x128xf32, #tpu.memory_space<hbm>> -> memref<40x128xf32, #tpu.memory_space<hbm>>
        tpu.enqueue_dma source(%dma_start3A_519 : memref<40x128xf32, #tpu.memory_space<hbm>>) target(%dma_start3A_517 : memref<40x128xf32, #tpu.memory_space<vmem>>) target_semaphore(%dma_start3A_513 : memref<!tpu.dma_semaphore, #tpu.memory_space<semaphore_mem>>)
      } else {
      }
      %add3A_407 = arith.constant 2 : i32
      %add3A_408 = arith.addi %mul3A_120, %add3A_407 : i32
      %dma_wait3A_409 = arith.constant 2 : i32
      %dma_wait3A_410 = arith.constant 2 : i32
      %dma_wait3A_411 = arith.constant 0 : i32
      %dma_wait3A_412 = arith.constant 0 : i32
      %dma_wait3A_413 = tpu.memref_slice %arg10[%dma_wait3A_409, %dma_wait3A_411, %dma_wait3A_412] : memref<5x40x128xf32, #tpu.memory_space<vmem>> -> memref<1x40x128xf32, #tpu.memory_space<vmem>>
      %dma_wait3A_414 = tpu.memref_squeeze %dma_wait3A_413 : memref<1x40x128xf32, #tpu.memory_space<vmem>> -> memref<40x128xf32, #tpu.memory_space<vmem>>
      %dma_wait3A_415 = arith.constant 0 : i32
      %dma_wait3A_416 = tpu.memref_slice %arg9[%add3A_408, %dma_wait3A_415] : memref<250x40xi32, #tpu.memory_space<vmem>> -> memref<1x40xi32, #tpu.memory_space<vmem>>
      %dma_wait3A_417 = tpu.memref_squeeze %dma_wait3A_416 : memref<1x40xi32, #tpu.memory_space<vmem>> -> memref<40xi32, #tpu.memory_space<vmem>>
      %dma_wait3A_418 = arith.constant 0 : i32
      %dma_wait3A_419 = arith.constant 0 : i32
      %dma_wait3A_420 = tpu.memref_slice %arg12[%dma_wait3A_418, %dma_wait3A_419] : memref<10112x128xf32, #tpu.memory_space<vmem_shared>> -> memref<10112x128xf32, #tpu.memory_space<vmem_shared>>
      %dma_wait3A_421 = tpu.memref_slice %arg15[%dma_wait3A_410] : memref<5x!tpu.dma_semaphore, #tpu.memory_space<semaphore_mem>> -> memref<1x!tpu.dma_semaphore, #tpu.memory_space<semaphore_mem>>
      %dma_wait3A_422 = tpu.memref_squeeze %dma_wait3A_421 : memref<1x!tpu.dma_semaphore, #tpu.memory_space<semaphore_mem>> -> memref<!tpu.dma_semaphore, #tpu.memory_space<semaphore_mem>>
      tpu.wait_indirect_dma semaphore(%dma_wait3A_422 : memref<!tpu.dma_semaphore, #tpu.memory_space<semaphore_mem>>) src(%dma_wait3A_414 : memref<40x128xf32, #tpu.memory_space<vmem>>) dst(%dma_wait3A_420 : memref<10112x128xf32, #tpu.memory_space<vmem_shared>>)
      %dma_wait3A_423 = arith.constant 2 : i32
      %dma_wait3A_424 = arith.constant 0 : i32
      %dma_wait3A_425 = tpu.memref_slice %arg9[%add3A_408, %dma_wait3A_424] : memref<250x40xi32, #tpu.memory_space<vmem>> -> memref<1x40xi32, #tpu.memory_space<vmem>>
      %dma_wait3A_426 = tpu.memref_squeeze %dma_wait3A_425 : memref<1x40xi32, #tpu.memory_space<vmem>> -> memref<40xi32, #tpu.memory_space<vmem>>
      %dma_wait3A_427 = arith.constant 0 : i32
      %dma_wait3A_428 = arith.constant 0 : i32
      %dma_wait3A_429 = tpu.memref_slice %arg13[%dma_wait3A_427, %dma_wait3A_428] : memref<10112x16xf32, #tpu.memory_space<vmem_shared>> -> memref<10112x16xf32, #tpu.memory_space<vmem_shared>>
      %dma_wait3A_430 = tpu.memref_slice %arg16[%dma_wait3A_423] : memref<5x!tpu.dma_semaphore, #tpu.memory_space<semaphore_mem>> -> memref<1x!tpu.dma_semaphore, #tpu.memory_space<semaphore_mem>>
      %dma_wait3A_431 = tpu.memref_squeeze %dma_wait3A_430 : memref<1x!tpu.dma_semaphore, #tpu.memory_space<semaphore_mem>> -> memref<!tpu.dma_semaphore, #tpu.memory_space<semaphore_mem>>
      tpu.wait_indirect_dma semaphore(%dma_wait3A_431 : memref<!tpu.dma_semaphore, #tpu.memory_space<semaphore_mem>>) src(%arg11 : memref<40x16xf32, #tpu.memory_space<vmem>>) dst(%dma_wait3A_429 : memref<10112x16xf32, #tpu.memory_space<vmem_shared>>)
      %lt3A_432 = arith.constant 49 : i32
      %lt3A_433 = arith.cmpi slt, %scan3A_118, %lt3A_432 : i32
      %convert_element_type3A_434 = arith.extui %lt3A_433 : i1 to i32
      %cond3A_435 = arith.constant 0 : i32
      %cond3A_436 = arith.cmpi ne, %convert_element_type3A_434, %cond3A_435 : i32
      scf.if %cond3A_436 {
        %add3A_497 = arith.constant 5 : i32
        %add3A_498 = arith.addi %add3A_408, %add3A_497 : i32
        %mul3A_499 = arith.constant 10000 : i32
        %mul3A_500 = arith.muli %add3A, %mul3A_499 : i32
        %mul3A_501 = arith.constant 40 : i32
        %mul3A_502 = arith.muli %add3A_498, %mul3A_501 : i32
        %add3A_503 = arith.addi %mul3A_500, %mul3A_502 : i32
        %dma_start3A_504 = arith.constant 2 : i32
        %dma_start3A_505 = arith.constant 2 : i32
        %dma_start3A_506 = arith.constant 0 : i32
        %dma_start3A_507 = arith.constant 0 : i32
        %dma_start3A_508 = tpu.memref_slice %arg10[%dma_start3A_504, %dma_start3A_506, %dma_start3A_507] : memref<5x40x128xf32, #tpu.memory_space<vmem>> -> memref<1x40x128xf32, #tpu.memory_space<vmem>>
        %dma_start3A_509 = tpu.memref_squeeze %dma_start3A_508 : memref<1x40x128xf32, #tpu.memory_space<vmem>> -> memref<40x128xf32, #tpu.memory_space<vmem>>
        %dma_start3A_510 = arith.constant 0 : i32
        %dma_start3A_511 = tpu.memref_slice %arg2[%add3A_503, %dma_start3A_510] : memref<320000x128xf32, #tpu.memory_space<hbm>> -> memref<40x128xf32, #tpu.memory_space<hbm>>
        %dma_start3A_512 = tpu.memref_slice %arg14[%dma_start3A_505] : memref<5x!tpu.dma_semaphore, #tpu.memory_space<semaphore_mem>> -> memref<1x!tpu.dma_semaphore, #tpu.memory_space<semaphore_mem>>
        %dma_start3A_513 = tpu.memref_squeeze %dma_start3A_512 : memref<1x!tpu.dma_semaphore, #tpu.memory_space<semaphore_mem>> -> memref<!tpu.dma_semaphore, #tpu.memory_space<semaphore_mem>>
        %dma_start3A_514 = arith.constant 0 : i32
        %dma_start3A_515 = arith.constant 0 : i32
        %dma_start3A_516 = tpu.memref_slice %arg10[%dma_start3A_504, %dma_start3A_514, %dma_start3A_515] : memref<5x40x128xf32, #tpu.memory_space<vmem>> -> memref<1x40x128xf32, #tpu.memory_space<vmem>>
        %dma_start3A_517 = tpu.memref_squeeze %dma_start3A_516 : memref<1x40x128xf32, #tpu.memory_space<vmem>> -> memref<40x128xf32, #tpu.memory_space<vmem>>
        %dma_start3A_518 = arith.constant 0 : i32
        %dma_start3A_519 = tpu.memref_slice %arg2[%add3A_503, %dma_start3A_518] : memref<320000x128xf32, #tpu.memory_space<hbm>> -> memref<40x128xf32, #tpu.memory_space<hbm>>
        tpu.enqueue_dma source(%dma_start3A_519 : memref<40x128xf32, #tpu.memory_space<hbm>>) target(%dma_start3A_517 : memref<40x128xf32, #tpu.memory_space<vmem>>) target_semaphore(%dma_start3A_513 : memref<!tpu.dma_semaphore, #tpu.memory_space<semaphore_mem>>)
      } else {
      }
      %add3A_437 = arith.constant 3 : i32
      %add3A_438 = arith.addi %mul3A_120, %add3A_437 : i32
      %dma_wait3A_439 = arith.constant 3 : i32
      %dma_wait3A_440 = arith.constant 3 : i32
      %dma_wait3A_441 = arith.constant 0 : i32
      %dma_wait3A_442 = arith.constant 0 : i32
      %dma_wait3A_443 = tpu.memref_slice %arg10[%dma_wait3A_439, %dma_wait3A_441, %dma_wait3A_442] : memref<5x40x128xf32, #tpu.memory_space<vmem>> -> memref<1x40x128xf32, #tpu.memory_space<vmem>>
      %dma_wait3A_444 = tpu.memref_squeeze %dma_wait3A_443 : memref<1x40x128xf32, #tpu.memory_space<vmem>> -> memref<40x128xf32, #tpu.memory_space<vmem>>
      %dma_wait3A_445 = arith.constant 0 : i32
      %dma_wait3A_446 = tpu.memref_slice %arg9[%add3A_438, %dma_wait3A_445] : memref<250x40xi32, #tpu.memory_space<vmem>> -> memref<1x40xi32, #tpu.memory_space<vmem>>
      %dma_wait3A_447 = tpu.memref_squeeze %dma_wait3A_446 : memref<1x40xi32, #tpu.memory_space<vmem>> -> memref<40xi32, #tpu.memory_space<vmem>>
      %dma_wait3A_448 = arith.constant 0 : i32
      %dma_wait3A_449 = arith.constant 0 : i32
      %dma_wait3A_450 = tpu.memref_slice %arg12[%dma_wait3A_448, %dma_wait3A_449] : memref<10112x128xf32, #tpu.memory_space<vmem_shared>> -> memref<10112x128xf32, #tpu.memory_space<vmem_shared>>
      %dma_wait3A_451 = tpu.memref_slice %arg15[%dma_wait3A_440] : memref<5x!tpu.dma_semaphore, #tpu.memory_space<semaphore_mem>> -> memref<1x!tpu.dma_semaphore, #tpu.memory_space<semaphore_mem>>
      %dma_wait3A_452 = tpu.memref_squeeze %dma_wait3A_451 : memref<1x!tpu.dma_semaphore, #tpu.memory_space<semaphore_mem>> -> memref<!tpu.dma_semaphore, #tpu.memory_space<semaphore_mem>>
      tpu.wait_indirect_dma semaphore(%dma_wait3A_452 : memref<!tpu.dma_semaphore, #tpu.memory_space<semaphore_mem>>) src(%dma_wait3A_444 : memref<40x128xf32, #tpu.memory_space<vmem>>) dst(%dma_wait3A_450 : memref<10112x128xf32, #tpu.memory_space<vmem_shared>>)
      %dma_wait3A_453 = arith.constant 3 : i32
      %dma_wait3A_454 = arith.constant 0 : i32
      %dma_wait3A_455 = tpu.memref_slice %arg9[%add3A_438, %dma_wait3A_454] : memref<250x40xi32, #tpu.memory_space<vmem>> -> memref<1x40xi32, #tpu.memory_space<vmem>>
      %dma_wait3A_456 = tpu.memref_squeeze %dma_wait3A_455 : memref<1x40xi32, #tpu.memory_space<vmem>> -> memref<40xi32, #tpu.memory_space<vmem>>
      %dma_wait3A_457 = arith.constant 0 : i32
      %dma_wait3A_458 = arith.constant 0 : i32
      %dma_wait3A_459 = tpu.memref_slice %arg13[%dma_wait3A_457, %dma_wait3A_458] : memref<10112x16xf32, #tpu.memory_space<vmem_shared>> -> memref<10112x16xf32, #tpu.memory_space<vmem_shared>>
      %dma_wait3A_460 = tpu.memref_slice %arg16[%dma_wait3A_453] : memref<5x!tpu.dma_semaphore, #tpu.memory_space<semaphore_mem>> -> memref<1x!tpu.dma_semaphore, #tpu.memory_space<semaphore_mem>>
      %dma_wait3A_461 = tpu.memref_squeeze %dma_wait3A_460 : memref<1x!tpu.dma_semaphore, #tpu.memory_space<semaphore_mem>> -> memref<!tpu.dma_semaphore, #tpu.memory_space<semaphore_mem>>
      tpu.wait_indirect_dma semaphore(%dma_wait3A_461 : memref<!tpu.dma_semaphore, #tpu.memory_space<semaphore_mem>>) src(%arg11 : memref<40x16xf32, #tpu.memory_space<vmem>>) dst(%dma_wait3A_459 : memref<10112x16xf32, #tpu.memory_space<vmem_shared>>)
      %lt3A_462 = arith.constant 49 : i32
      %lt3A_463 = arith.cmpi slt, %scan3A_118, %lt3A_462 : i32
      %convert_element_type3A_464 = arith.extui %lt3A_463 : i1 to i32
      %cond3A_465 = arith.constant 0 : i32
      %cond3A_466 = arith.cmpi ne, %convert_element_type3A_464, %cond3A_465 : i32
      scf.if %cond3A_466 {
        %add3A_497 = arith.constant 5 : i32
        %add3A_498 = arith.addi %add3A_438, %add3A_497 : i32
        %mul3A_499 = arith.constant 10000 : i32
        %mul3A_500 = arith.muli %add3A, %mul3A_499 : i32
        %mul3A_501 = arith.constant 40 : i32
        %mul3A_502 = arith.muli %add3A_498, %mul3A_501 : i32
        %add3A_503 = arith.addi %mul3A_500, %mul3A_502 : i32
        %dma_start3A_504 = arith.constant 3 : i32
        %dma_start3A_505 = arith.constant 3 : i32
        %dma_start3A_506 = arith.constant 0 : i32
        %dma_start3A_507 = arith.constant 0 : i32
        %dma_start3A_508 = tpu.memref_slice %arg10[%dma_start3A_504, %dma_start3A_506, %dma_start3A_507] : memref<5x40x128xf32, #tpu.memory_space<vmem>> -> memref<1x40x128xf32, #tpu.memory_space<vmem>>
        %dma_start3A_509 = tpu.memref_squeeze %dma_start3A_508 : memref<1x40x128xf32, #tpu.memory_space<vmem>> -> memref<40x128xf32, #tpu.memory_space<vmem>>
        %dma_start3A_510 = arith.constant 0 : i32
        %dma_start3A_511 = tpu.memref_slice %arg2[%add3A_503, %dma_start3A_510] : memref<320000x128xf32, #tpu.memory_space<hbm>> -> memref<40x128xf32, #tpu.memory_space<hbm>>
        %dma_start3A_512 = tpu.memref_slice %arg14[%dma_start3A_505] : memref<5x!tpu.dma_semaphore, #tpu.memory_space<semaphore_mem>> -> memref<1x!tpu.dma_semaphore, #tpu.memory_space<semaphore_mem>>
        %dma_start3A_513 = tpu.memref_squeeze %dma_start3A_512 : memref<1x!tpu.dma_semaphore, #tpu.memory_space<semaphore_mem>> -> memref<!tpu.dma_semaphore, #tpu.memory_space<semaphore_mem>>
        %dma_start3A_514 = arith.constant 0 : i32
        %dma_start3A_515 = arith.constant 0 : i32
        %dma_start3A_516 = tpu.memref_slice %arg10[%dma_start3A_504, %dma_start3A_514, %dma_start3A_515] : memref<5x40x128xf32, #tpu.memory_space<vmem>> -> memref<1x40x128xf32, #tpu.memory_space<vmem>>
        %dma_start3A_517 = tpu.memref_squeeze %dma_start3A_516 : memref<1x40x128xf32, #tpu.memory_space<vmem>> -> memref<40x128xf32, #tpu.memory_space<vmem>>
        %dma_start3A_518 = arith.constant 0 : i32
        %dma_start3A_519 = tpu.memref_slice %arg2[%add3A_503, %dma_start3A_518] : memref<320000x128xf32, #tpu.memory_space<hbm>> -> memref<40x128xf32, #tpu.memory_space<hbm>>
        tpu.enqueue_dma source(%dma_start3A_519 : memref<40x128xf32, #tpu.memory_space<hbm>>) target(%dma_start3A_517 : memref<40x128xf32, #tpu.memory_space<vmem>>) target_semaphore(%dma_start3A_513 : memref<!tpu.dma_semaphore, #tpu.memory_space<semaphore_mem>>)
      } else {
      }
      %add3A_467 = arith.constant 4 : i32
      %add3A_468 = arith.addi %mul3A_120, %add3A_467 : i32
      %dma_wait3A_469 = arith.constant 4 : i32
      %dma_wait3A_470 = arith.constant 4 : i32
      %dma_wait3A_471 = arith.constant 0 : i32
      %dma_wait3A_472 = arith.constant 0 : i32
      %dma_wait3A_473 = tpu.memref_slice %arg10[%dma_wait3A_469, %dma_wait3A_471, %dma_wait3A_472] : memref<5x40x128xf32, #tpu.memory_space<vmem>> -> memref<1x40x128xf32, #tpu.memory_space<vmem>>
      %dma_wait3A_474 = tpu.memref_squeeze %dma_wait3A_473 : memref<1x40x128xf32, #tpu.memory_space<vmem>> -> memref<40x128xf32, #tpu.memory_space<vmem>>
      %dma_wait3A_475 = arith.constant 0 : i32
      %dma_wait3A_476 = tpu.memref_slice %arg9[%add3A_468, %dma_wait3A_475] : memref<250x40xi32, #tpu.memory_space<vmem>> -> memref<1x40xi32, #tpu.memory_space<vmem>>
      %dma_wait3A_477 = tpu.memref_squeeze %dma_wait3A_476 : memref<1x40xi32, #tpu.memory_space<vmem>> -> memref<40xi32, #tpu.memory_space<vmem>>
      %dma_wait3A_478 = arith.constant 0 : i32
      %dma_wait3A_479 = arith.constant 0 : i32
      %dma_wait3A_480 = tpu.memref_slice %arg12[%dma_wait3A_478, %dma_wait3A_479] : memref<10112x128xf32, #tpu.memory_space<vmem_shared>> -> memref<10112x128xf32, #tpu.memory_space<vmem_shared>>
      %dma_wait3A_481 = tpu.memref_slice %arg15[%dma_wait3A_470] : memref<5x!tpu.dma_semaphore, #tpu.memory_space<semaphore_mem>> -> memref<1x!tpu.dma_semaphore, #tpu.memory_space<semaphore_mem>>
      %dma_wait3A_482 = tpu.memref_squeeze %dma_wait3A_481 : memref<1x!tpu.dma_semaphore, #tpu.memory_space<semaphore_mem>> -> memref<!tpu.dma_semaphore, #tpu.memory_space<semaphore_mem>>
      tpu.wait_indirect_dma semaphore(%dma_wait3A_482 : memref<!tpu.dma_semaphore, #tpu.memory_space<semaphore_mem>>) src(%dma_wait3A_474 : memref<40x128xf32, #tpu.memory_space<vmem>>) dst(%dma_wait3A_480 : memref<10112x128xf32, #tpu.memory_space<vmem_shared>>)
      %dma_wait3A_483 = arith.constant 4 : i32
      %dma_wait3A_484 = arith.constant 0 : i32
      %dma_wait3A_485 = tpu.memref_slice %arg9[%add3A_468, %dma_wait3A_484] : memref<250x40xi32, #tpu.memory_space<vmem>> -> memref<1x40xi32, #tpu.memory_space<vmem>>
      %dma_wait3A_486 = tpu.memref_squeeze %dma_wait3A_485 : memref<1x40xi32, #tpu.memory_space<vmem>> -> memref<40xi32, #tpu.memory_space<vmem>>
      %dma_wait3A_487 = arith.constant 0 : i32
      %dma_wait3A_488 = arith.constant 0 : i32
      %dma_wait3A_489 = tpu.memref_slice %arg13[%dma_wait3A_487, %dma_wait3A_488] : memref<10112x16xf32, #tpu.memory_space<vmem_shared>> -> memref<10112x16xf32, #tpu.memory_space<vmem_shared>>
      %dma_wait3A_490 = tpu.memref_slice %arg16[%dma_wait3A_483] : memref<5x!tpu.dma_semaphore, #tpu.memory_space<semaphore_mem>> -> memref<1x!tpu.dma_semaphore, #tpu.memory_space<semaphore_mem>>
      %dma_wait3A_491 = tpu.memref_squeeze %dma_wait3A_490 : memref<1x!tpu.dma_semaphore, #tpu.memory_space<semaphore_mem>> -> memref<!tpu.dma_semaphore, #tpu.memory_space<semaphore_mem>>
      tpu.wait_indirect_dma semaphore(%dma_wait3A_491 : memref<!tpu.dma_semaphore, #tpu.memory_space<semaphore_mem>>) src(%arg11 : memref<40x16xf32, #tpu.memory_space<vmem>>) dst(%dma_wait3A_489 : memref<10112x16xf32, #tpu.memory_space<vmem_shared>>)
      %lt3A_492 = arith.constant 49 : i32
      %lt3A_493 = arith.cmpi slt, %scan3A_118, %lt3A_492 : i32
      %convert_element_type3A_494 = arith.extui %lt3A_493 : i1 to i32
      %cond3A_495 = arith.constant 0 : i32
      %cond3A_496 = arith.cmpi ne, %convert_element_type3A_494, %cond3A_495 : i32
      scf.if %cond3A_496 {
        %add3A_497 = arith.constant 5 : i32
        %add3A_498 = arith.addi %add3A_468, %add3A_497 : i32
        %mul3A_499 = arith.constant 10000 : i32
        %mul3A_500 = arith.muli %add3A, %mul3A_499 : i32
        %mul3A_501 = arith.constant 40 : i32
        %mul3A_502 = arith.muli %add3A_498, %mul3A_501 : i32
        %add3A_503 = arith.addi %mul3A_500, %mul3A_502 : i32
        %dma_start3A_504 = arith.constant 4 : i32
        %dma_start3A_505 = arith.constant 4 : i32
        %dma_start3A_506 = arith.constant 0 : i32
        %dma_start3A_507 = arith.constant 0 : i32
        %dma_start3A_508 = tpu.memref_slice %arg10[%dma_start3A_504, %dma_start3A_506, %dma_start3A_507] : memref<5x40x128xf32, #tpu.memory_space<vmem>> -> memref<1x40x128xf32, #tpu.memory_space<vmem>>
        %dma_start3A_509 = tpu.memref_squeeze %dma_start3A_508 : memref<1x40x128xf32, #tpu.memory_space<vmem>> -> memref<40x128xf32, #tpu.memory_space<vmem>>
        %dma_start3A_510 = arith.constant 0 : i32
        %dma_start3A_511 = tpu.memref_slice %arg2[%add3A_503, %dma_start3A_510] : memref<320000x128xf32, #tpu.memory_space<hbm>> -> memref<40x128xf32, #tpu.memory_space<hbm>>
        %dma_start3A_512 = tpu.memref_slice %arg14[%dma_start3A_505] : memref<5x!tpu.dma_semaphore, #tpu.memory_space<semaphore_mem>> -> memref<1x!tpu.dma_semaphore, #tpu.memory_space<semaphore_mem>>
        %dma_start3A_513 = tpu.memref_squeeze %dma_start3A_512 : memref<1x!tpu.dma_semaphore, #tpu.memory_space<semaphore_mem>> -> memref<!tpu.dma_semaphore, #tpu.memory_space<semaphore_mem>>
        %dma_start3A_514 = arith.constant 0 : i32
        %dma_start3A_515 = arith.constant 0 : i32
        %dma_start3A_516 = tpu.memref_slice %arg10[%dma_start3A_504, %dma_start3A_514, %dma_start3A_515] : memref<5x40x128xf32, #tpu.memory_space<vmem>> -> memref<1x40x128xf32, #tpu.memory_space<vmem>>
        %dma_start3A_517 = tpu.memref_squeeze %dma_start3A_516 : memref<1x40x128xf32, #tpu.memory_space<vmem>> -> memref<40x128xf32, #tpu.memory_space<vmem>>
        %dma_start3A_518 = arith.constant 0 : i32
        %dma_start3A_519 = tpu.memref_slice %arg2[%add3A_503, %dma_start3A_518] : memref<320000x128xf32, #tpu.memory_space<hbm>> -> memref<40x128xf32, #tpu.memory_space<hbm>>
        tpu.enqueue_dma source(%dma_start3A_519 : memref<40x128xf32, #tpu.memory_space<hbm>>) target(%dma_start3A_517 : memref<40x128xf32, #tpu.memory_space<vmem>>) target_semaphore(%dma_start3A_513 : memref<!tpu.dma_semaphore, #tpu.memory_space<semaphore_mem>>)
      } else {
      }
    }
    %scan3A_108 = arith.constant 50 : i32
    %barrier3A_109 = arith.constant 0 : index
    tpu.barrier barrier_id(%barrier3A_109)
    %mul3A_110 = arith.constant 632 : i32
    %mul3A_111 = arith.muli %arg1, %mul3A_110 : i32
    %mul3A_112 = arith.constant 632 : i32
    %mul3A_113 = arith.muli %arg1, %mul3A_112 : i32
    "tpu.region"() ({
      %run_scoped3A = tpu.sem_alloc : memref<!tpu.dma_semaphore, #tpu.memory_space<semaphore_mem>>
      %dma_start3A_118 = arith.constant 0 : i32
      %dma_start3A_119 = tpu.memref_slice %arg7[%arg0, %mul3A_113, %dma_start3A_118] : memref<2x10112x128xf32, #tpu.memory_space<hbm>> -> memref<1x632x128xf32, #tpu.memory_space<hbm>>
      %dma_start3A_120 = tpu.memref_squeeze %dma_start3A_119 : memref<1x632x128xf32, #tpu.memory_space<hbm>> -> memref<632x128xf32, #tpu.memory_space<hbm>>
      %dma_start3A_121 = arith.constant 0 : i32
      %dma_start3A_122 = tpu.memref_slice %arg12[%mul3A_111, %dma_start3A_121] : memref<10112x128xf32, #tpu.memory_space<vmem_shared>> -> memref<632x128xf32, #tpu.memory_space<vmem_shared>>
      tpu.enqueue_dma source(%dma_start3A_122 : memref<632x128xf32, #tpu.memory_space<vmem_shared>>) target(%dma_start3A_120 : memref<632x128xf32, #tpu.memory_space<hbm>>) target_semaphore(%run_scoped3A : memref<!tpu.dma_semaphore, #tpu.memory_space<semaphore_mem>>)
      %dma_wait3A = arith.constant 0 : i32
      %dma_wait3A_123 = tpu.memref_slice %arg7[%arg0, %mul3A_113, %dma_wait3A] : memref<2x10112x128xf32, #tpu.memory_space<hbm>> -> memref<1x632x128xf32, #tpu.memory_space<hbm>>
      %dma_wait3A_124 = tpu.memref_squeeze %dma_wait3A_123 : memref<1x632x128xf32, #tpu.memory_space<hbm>> -> memref<632x128xf32, #tpu.memory_space<hbm>>
      %dma_wait3A_125 = arith.constant 0 : i32
      %dma_wait3A_126 = tpu.memref_slice %arg12[%mul3A_111, %dma_wait3A_125] : memref<10112x128xf32, #tpu.memory_space<vmem_shared>> -> memref<632x128xf32, #tpu.memory_space<vmem_shared>>
      tpu.wait_dma2 semaphore(%run_scoped3A : memref<!tpu.dma_semaphore, #tpu.memory_space<semaphore_mem>>) src(%dma_wait3A_126 : memref<632x128xf32, #tpu.memory_space<vmem_shared>>) dst(%dma_wait3A_124 : memref<632x128xf32, #tpu.memory_space<hbm>>)
      tpu.yield
    }) : () -> ()
    %mul3A_114 = arith.constant 632 : i32
    %mul3A_115 = arith.muli %arg1, %mul3A_114 : i32
    %mul3A_116 = arith.constant 632 : i32
    %mul3A_117 = arith.muli %arg1, %mul3A_116 : i32
    "tpu.region"() ({
      %run_scoped3A = tpu.sem_alloc : memref<!tpu.dma_semaphore, #tpu.memory_space<semaphore_mem>>
      %dma_start3A_118 = arith.constant 0 : i32
      %dma_start3A_119 = tpu.memref_slice %arg8[%arg0, %mul3A_117, %dma_start3A_118] : memref<2x10112x16xf32, #tpu.memory_space<hbm>> -> memref<1x632x16xf32, #tpu.memory_space<hbm>>
      %dma_start3A_120 = tpu.memref_squeeze %dma_start3A_119 : memref<1x632x16xf32, #tpu.memory_space<hbm>> -> memref<632x16xf32, #tpu.memory_space<hbm>>
      %dma_start3A_121 = arith.constant 0 : i32
      %dma_start3A_122 = tpu.memref_slice %arg13[%mul3A_115, %dma_start3A_121] : memref<10112x16xf32, #tpu.memory_space<vmem_shared>> -> memref<632x16xf32, #tpu.memory_space<vmem_shared>>
      tpu.enqueue_dma source(%dma_start3A_122 : memref<632x16xf32, #tpu.memory_space<vmem_shared>>) target(%dma_start3A_120 : memref<632x16xf32, #tpu.memory_space<hbm>>) target_semaphore(%run_scoped3A : memref<!tpu.dma_semaphore, #tpu.memory_space<semaphore_mem>>)
      %dma_wait3A = arith.constant 0 : i32
      %dma_wait3A_123 = tpu.memref_slice %arg8[%arg0, %mul3A_117, %dma_wait3A] : memref<2x10112x16xf32, #tpu.memory_space<hbm>> -> memref<1x632x16xf32, #tpu.memory_space<hbm>>
      %dma_wait3A_124 = tpu.memref_squeeze %dma_wait3A_123 : memref<1x632x16xf32, #tpu.memory_space<hbm>> -> memref<632x16xf32, #tpu.memory_space<hbm>>
      %dma_wait3A_125 = arith.constant 0 : i32
      %dma_wait3A_126 = tpu.memref_slice %arg13[%mul3A_115, %dma_wait3A_125] : memref<10112x16xf32, #tpu.memory_space<vmem_shared>> -> memref<632x16xf32, #tpu.memory_space<vmem_shared>>
      tpu.wait_dma2 semaphore(%run_scoped3A : memref<!tpu.dma_semaphore, #tpu.memory_space<semaphore_mem>>) src(%dma_wait3A_126 : memref<632x16xf32, #tpu.memory_space<vmem_shared>>) dst(%dma_wait3A_124 : memref<632x16xf32, #tpu.memory_space<hbm>>)
      tpu.yield
    }) : () -> ()
    return
  }
}

#map = affine_map<(d0, d1) -> (0, 0)>
#map1 = affine_map<(d0, d1) -> (0, 0, 0)>
module attributes {stable_mosaic.version = 14 : i64} {
  func.func @k(%arg0: i32, %arg1: i32, %arg2: memref<10000x16xf32, #tpu.memory_space<hbm>>, %arg3: memref<32x125x80xi32, #tpu.memory_space<hbm>>, %arg4: memref<32x125x80xi32, #tpu.memory_space<hbm>>, %arg5: memref<632x16xf32, #tpu.memory_space<hbm>>, %arg6: memref<2x10112x16xf32, #tpu.memory_space<hbm>>, %arg7: memref<125x80xi32, #tpu.memory_space<vmem>>, %arg8: memref<125x80xi32, #tpu.memory_space<vmem>>, %arg9: memref<5x80x16xf32, #tpu.memory_space<vmem>>, %arg10: memref<10112x16xf32, #tpu.memory_space<vmem_shared>>, %arg11: memref<5x!tpu.dma_semaphore, #tpu.memory_space<semaphore_mem>>, %arg12: memref<5x!tpu.dma_semaphore, #tpu.memory_space<semaphore_mem>>) attributes {dimension_semantics = [#tpu.dimension_semantics<core_parallel>, #tpu.dimension_semantics<subcore_parallel>], iteration_bounds = array<i64: 2, 16>, scalar_prefetch = 0 : i64, scratch_operands = 6 : i64, tpu.core_type = #tpu.core_type<sc_vector_subcore>, window_params = [{transform_indices = #map}, {transform_indices = #map1}, {transform_indices = #map1}, {transform_indices = #map}, {transform_indices = #map1}]} {
    %mul3A = arith.constant 16 : i32
    %mul3A_0 = arith.muli %arg0, %mul3A : i32
    %add3A = arith.addi %mul3A_0, %arg1 : i32
    %mul3A_1 = arith.constant 632 : i32
    %mul3A_2 = arith.muli %arg1, %mul3A_1 : i32
    "tpu.region"() ({
      %run_scoped3A = tpu.sem_alloc : memref<!tpu.dma_semaphore, #tpu.memory_space<semaphore_mem>>
      %dma_start3A_87 = arith.constant 0 : i32
      %dma_start3A_88 = tpu.memref_slice %arg10[%mul3A_2, %dma_start3A_87] : memref<10112x16xf32, #tpu.memory_space<vmem_shared>> -> memref<632x16xf32, #tpu.memory_space<vmem_shared>>
      tpu.enqueue_dma source(%arg5 : memref<632x16xf32, #tpu.memory_space<hbm>>) target(%dma_start3A_88 : memref<632x16xf32, #tpu.memory_space<vmem_shared>>) target_semaphore(%run_scoped3A : memref<!tpu.dma_semaphore, #tpu.memory_space<semaphore_mem>>)
      %dma_wait3A = arith.constant 0 : i32
      %dma_wait3A_89 = tpu.memref_slice %arg10[%mul3A_2, %dma_wait3A] : memref<10112x16xf32, #tpu.memory_space<vmem_shared>> -> memref<632x16xf32, #tpu.memory_space<vmem_shared>>
      tpu.wait_dma2 semaphore(%run_scoped3A : memref<!tpu.dma_semaphore, #tpu.memory_space<semaphore_mem>>) src(%arg5 : memref<632x16xf32, #tpu.memory_space<hbm>>) dst(%dma_wait3A_89 : memref<632x16xf32, #tpu.memory_space<vmem_shared>>)
      tpu.yield
    }) : () -> ()
    "tpu.region"() ({
      %run_scoped3A = tpu.sem_alloc : memref<!tpu.dma_semaphore, #tpu.memory_space<semaphore_mem>>
      %dma_start3A_87 = arith.constant 0 : i32
      %dma_start3A_88 = arith.constant 0 : i32
      %dma_start3A_89 = tpu.memref_slice %arg3[%add3A, %dma_start3A_87, %dma_start3A_88] : memref<32x125x80xi32, #tpu.memory_space<hbm>> -> memref<1x125x80xi32, #tpu.memory_space<hbm>>
      %dma_start3A_90 = tpu.memref_squeeze %dma_start3A_89 : memref<1x125x80xi32, #tpu.memory_space<hbm>> -> memref<125x80xi32, #tpu.memory_space<hbm>>
      %dma_start3A_91 = arith.constant 0 : i32
      %dma_start3A_92 = arith.constant 0 : i32
      %dma_start3A_93 = tpu.memref_slice %arg3[%add3A, %dma_start3A_91, %dma_start3A_92] : memref<32x125x80xi32, #tpu.memory_space<hbm>> -> memref<1x125x80xi32, #tpu.memory_space<hbm>>
      %dma_start3A_94 = tpu.memref_squeeze %dma_start3A_93 : memref<1x125x80xi32, #tpu.memory_space<hbm>> -> memref<125x80xi32, #tpu.memory_space<hbm>>
      tpu.enqueue_dma source(%dma_start3A_94 : memref<125x80xi32, #tpu.memory_space<hbm>>) target(%arg7 : memref<125x80xi32, #tpu.memory_space<vmem>>) target_semaphore(%run_scoped3A : memref<!tpu.dma_semaphore, #tpu.memory_space<semaphore_mem>>)
      %dma_wait3A = arith.constant 0 : i32
      %dma_wait3A_95 = arith.constant 0 : i32
      %dma_wait3A_96 = tpu.memref_slice %arg3[%add3A, %dma_wait3A, %dma_wait3A_95] : memref<32x125x80xi32, #tpu.memory_space<hbm>> -> memref<1x125x80xi32, #tpu.memory_space<hbm>>
      %dma_wait3A_97 = tpu.memref_squeeze %dma_wait3A_96 : memref<1x125x80xi32, #tpu.memory_space<hbm>> -> memref<125x80xi32, #tpu.memory_space<hbm>>
      %dma_wait3A_98 = arith.constant 0 : i32
      %dma_wait3A_99 = arith.constant 0 : i32
      %dma_wait3A_100 = tpu.memref_slice %arg3[%add3A, %dma_wait3A_98, %dma_wait3A_99] : memref<32x125x80xi32, #tpu.memory_space<hbm>> -> memref<1x125x80xi32, #tpu.memory_space<hbm>>
      %dma_wait3A_101 = tpu.memref_squeeze %dma_wait3A_100 : memref<1x125x80xi32, #tpu.memory_space<hbm>> -> memref<125x80xi32, #tpu.memory_space<hbm>>
      tpu.wait_dma2 semaphore(%run_scoped3A : memref<!tpu.dma_semaphore, #tpu.memory_space<semaphore_mem>>) src(%dma_wait3A_101 : memref<125x80xi32, #tpu.memory_space<hbm>>) dst(%arg7 : memref<125x80xi32, #tpu.memory_space<vmem>>)
      tpu.yield
    }) : () -> ()
    "tpu.region"() ({
      %run_scoped3A = tpu.sem_alloc : memref<!tpu.dma_semaphore, #tpu.memory_space<semaphore_mem>>
      %dma_start3A_87 = arith.constant 0 : i32
      %dma_start3A_88 = arith.constant 0 : i32
      %dma_start3A_89 = tpu.memref_slice %arg4[%add3A, %dma_start3A_87, %dma_start3A_88] : memref<32x125x80xi32, #tpu.memory_space<hbm>> -> memref<1x125x80xi32, #tpu.memory_space<hbm>>
      %dma_start3A_90 = tpu.memref_squeeze %dma_start3A_89 : memref<1x125x80xi32, #tpu.memory_space<hbm>> -> memref<125x80xi32, #tpu.memory_space<hbm>>
      %dma_start3A_91 = arith.constant 0 : i32
      %dma_start3A_92 = arith.constant 0 : i32
      %dma_start3A_93 = tpu.memref_slice %arg4[%add3A, %dma_start3A_91, %dma_start3A_92] : memref<32x125x80xi32, #tpu.memory_space<hbm>> -> memref<1x125x80xi32, #tpu.memory_space<hbm>>
      %dma_start3A_94 = tpu.memref_squeeze %dma_start3A_93 : memref<1x125x80xi32, #tpu.memory_space<hbm>> -> memref<125x80xi32, #tpu.memory_space<hbm>>
      tpu.enqueue_dma source(%dma_start3A_94 : memref<125x80xi32, #tpu.memory_space<hbm>>) target(%arg8 : memref<125x80xi32, #tpu.memory_space<vmem>>) target_semaphore(%run_scoped3A : memref<!tpu.dma_semaphore, #tpu.memory_space<semaphore_mem>>)
      %dma_wait3A = arith.constant 0 : i32
      %dma_wait3A_95 = arith.constant 0 : i32
      %dma_wait3A_96 = tpu.memref_slice %arg4[%add3A, %dma_wait3A, %dma_wait3A_95] : memref<32x125x80xi32, #tpu.memory_space<hbm>> -> memref<1x125x80xi32, #tpu.memory_space<hbm>>
      %dma_wait3A_97 = tpu.memref_squeeze %dma_wait3A_96 : memref<1x125x80xi32, #tpu.memory_space<hbm>> -> memref<125x80xi32, #tpu.memory_space<hbm>>
      %dma_wait3A_98 = arith.constant 0 : i32
      %dma_wait3A_99 = arith.constant 0 : i32
      %dma_wait3A_100 = tpu.memref_slice %arg4[%add3A, %dma_wait3A_98, %dma_wait3A_99] : memref<32x125x80xi32, #tpu.memory_space<hbm>> -> memref<1x125x80xi32, #tpu.memory_space<hbm>>
      %dma_wait3A_101 = tpu.memref_squeeze %dma_wait3A_100 : memref<1x125x80xi32, #tpu.memory_space<hbm>> -> memref<125x80xi32, #tpu.memory_space<hbm>>
      tpu.wait_dma2 semaphore(%run_scoped3A : memref<!tpu.dma_semaphore, #tpu.memory_space<semaphore_mem>>) src(%dma_wait3A_101 : memref<125x80xi32, #tpu.memory_space<hbm>>) dst(%arg8 : memref<125x80xi32, #tpu.memory_space<vmem>>)
      tpu.yield
    }) : () -> ()
    %barrier3A = arith.constant 0 : index
    tpu.barrier barrier_id(%barrier3A)
    %dma_start3A = arith.constant 0 : i32
    %dma_start3A_3 = arith.constant 0 : i32
    %dma_start3A_4 = arith.constant 0 : i32
    %dma_start3A_5 = arith.constant 0 : i32
    %dma_start3A_6 = arith.constant 0 : i32
    %dma_start3A_7 = tpu.memref_slice %arg9[%dma_start3A_3, %dma_start3A_5, %dma_start3A_6] : memref<5x80x16xf32, #tpu.memory_space<vmem>> -> memref<1x80x16xf32, #tpu.memory_space<vmem>>
    %dma_start3A_8 = tpu.memref_squeeze %dma_start3A_7 : memref<1x80x16xf32, #tpu.memory_space<vmem>> -> memref<80x16xf32, #tpu.memory_space<vmem>>
    %dma_start3A_9 = arith.constant 0 : i32
    %dma_start3A_10 = tpu.memref_slice %arg7[%dma_start3A, %dma_start3A_9] : memref<125x80xi32, #tpu.memory_space<vmem>> -> memref<1x80xi32, #tpu.memory_space<vmem>>
    %dma_start3A_11 = tpu.memref_squeeze %dma_start3A_10 : memref<1x80xi32, #tpu.memory_space<vmem>> -> memref<80xi32, #tpu.memory_space<vmem>>
    %dma_start3A_12 = arith.constant 0 : i32
    %dma_start3A_13 = arith.constant 0 : i32
    %dma_start3A_14 = tpu.memref_slice %arg2[%dma_start3A_12, %dma_start3A_13] : memref<10000x16xf32, #tpu.memory_space<hbm>> -> memref<10000x16xf32, #tpu.memory_space<hbm>>
    %dma_start3A_15 = tpu.memref_slice %arg11[%dma_start3A_4] : memref<5x!tpu.dma_semaphore, #tpu.memory_space<semaphore_mem>> -> memref<1x!tpu.dma_semaphore, #tpu.memory_space<semaphore_mem>>
    %dma_start3A_16 = tpu.memref_squeeze %dma_start3A_15 : memref<1x!tpu.dma_semaphore, #tpu.memory_space<semaphore_mem>> -> memref<!tpu.dma_semaphore, #tpu.memory_space<semaphore_mem>>
    tpu.enqueue_indirect_dma source(%dma_start3A_14 : memref<10000x16xf32, #tpu.memory_space<hbm>>) target(%dma_start3A_8 : memref<80x16xf32, #tpu.memory_space<vmem>>) offsets(%dma_start3A_11 : memref<80xi32, #tpu.memory_space<vmem>>) semaphore(%dma_start3A_16 : memref<!tpu.dma_semaphore, #tpu.memory_space<semaphore_mem>>)
    %dma_start3A_17 = arith.constant 1 : i32
    %dma_start3A_18 = arith.constant 1 : i32
    %dma_start3A_19 = arith.constant 1 : i32
    %dma_start3A_20 = arith.constant 0 : i32
    %dma_start3A_21 = arith.constant 0 : i32
    %dma_start3A_22 = tpu.memref_slice %arg9[%dma_start3A_18, %dma_start3A_20, %dma_start3A_21] : memref<5x80x16xf32, #tpu.memory_space<vmem>> -> memref<1x80x16xf32, #tpu.memory_space<vmem>>
    %dma_start3A_23 = tpu.memref_squeeze %dma_start3A_22 : memref<1x80x16xf32, #tpu.memory_space<vmem>> -> memref<80x16xf32, #tpu.memory_space<vmem>>
    %dma_start3A_24 = arith.constant 0 : i32
    %dma_start3A_25 = tpu.memref_slice %arg7[%dma_start3A_17, %dma_start3A_24] : memref<125x80xi32, #tpu.memory_space<vmem>> -> memref<1x80xi32, #tpu.memory_space<vmem>>
    %dma_start3A_26 = tpu.memref_squeeze %dma_start3A_25 : memref<1x80xi32, #tpu.memory_space<vmem>> -> memref<80xi32, #tpu.memory_space<vmem>>
    %dma_start3A_27 = arith.constant 0 : i32
    %dma_start3A_28 = arith.constant 0 : i32
    %dma_start3A_29 = tpu.memref_slice %arg2[%dma_start3A_27, %dma_start3A_28] : memref<10000x16xf32, #tpu.memory_space<hbm>> -> memref<10000x16xf32, #tpu.memory_space<hbm>>
    %dma_start3A_30 = tpu.memref_slice %arg11[%dma_start3A_19] : memref<5x!tpu.dma_semaphore, #tpu.memory_space<semaphore_mem>> -> memref<1x!tpu.dma_semaphore, #tpu.memory_space<semaphore_mem>>
    %dma_start3A_31 = tpu.memref_squeeze %dma_start3A_30 : memref<1x!tpu.dma_semaphore, #tpu.memory_space<semaphore_mem>> -> memref<!tpu.dma_semaphore, #tpu.memory_space<semaphore_mem>>
    tpu.enqueue_indirect_dma source(%dma_start3A_29 : memref<10000x16xf32, #tpu.memory_space<hbm>>) target(%dma_start3A_23 : memref<80x16xf32, #tpu.memory_space<vmem>>) offsets(%dma_start3A_26 : memref<80xi32, #tpu.memory_space<vmem>>) semaphore(%dma_start3A_31 : memref<!tpu.dma_semaphore, #tpu.memory_space<semaphore_mem>>)
    %dma_start3A_32 = arith.constant 2 : i32
    %dma_start3A_33 = arith.constant 2 : i32
    %dma_start3A_34 = arith.constant 2 : i32
    %dma_start3A_35 = arith.constant 0 : i32
    %dma_start3A_36 = arith.constant 0 : i32
    %dma_start3A_37 = tpu.memref_slice %arg9[%dma_start3A_33, %dma_start3A_35, %dma_start3A_36] : memref<5x80x16xf32, #tpu.memory_space<vmem>> -> memref<1x80x16xf32, #tpu.memory_space<vmem>>
    %dma_start3A_38 = tpu.memref_squeeze %dma_start3A_37 : memref<1x80x16xf32, #tpu.memory_space<vmem>> -> memref<80x16xf32, #tpu.memory_space<vmem>>
    %dma_start3A_39 = arith.constant 0 : i32
    %dma_start3A_40 = tpu.memref_slice %arg7[%dma_start3A_32, %dma_start3A_39] : memref<125x80xi32, #tpu.memory_space<vmem>> -> memref<1x80xi32, #tpu.memory_space<vmem>>
    %dma_start3A_41 = tpu.memref_squeeze %dma_start3A_40 : memref<1x80xi32, #tpu.memory_space<vmem>> -> memref<80xi32, #tpu.memory_space<vmem>>
    %dma_start3A_42 = arith.constant 0 : i32
    %dma_start3A_43 = arith.constant 0 : i32
    %dma_start3A_44 = tpu.memref_slice %arg2[%dma_start3A_42, %dma_start3A_43] : memref<10000x16xf32, #tpu.memory_space<hbm>> -> memref<10000x16xf32, #tpu.memory_space<hbm>>
    %dma_start3A_45 = tpu.memref_slice %arg11[%dma_start3A_34] : memref<5x!tpu.dma_semaphore, #tpu.memory_space<semaphore_mem>> -> memref<1x!tpu.dma_semaphore, #tpu.memory_space<semaphore_mem>>
    %dma_start3A_46 = tpu.memref_squeeze %dma_start3A_45 : memref<1x!tpu.dma_semaphore, #tpu.memory_space<semaphore_mem>> -> memref<!tpu.dma_semaphore, #tpu.memory_space<semaphore_mem>>
    tpu.enqueue_indirect_dma source(%dma_start3A_44 : memref<10000x16xf32, #tpu.memory_space<hbm>>) target(%dma_start3A_38 : memref<80x16xf32, #tpu.memory_space<vmem>>) offsets(%dma_start3A_41 : memref<80xi32, #tpu.memory_space<vmem>>) semaphore(%dma_start3A_46 : memref<!tpu.dma_semaphore, #tpu.memory_space<semaphore_mem>>)
    %dma_start3A_47 = arith.constant 3 : i32
    %dma_start3A_48 = arith.constant 3 : i32
    %dma_start3A_49 = arith.constant 3 : i32
    %dma_start3A_50 = arith.constant 0 : i32
    %dma_start3A_51 = arith.constant 0 : i32
    %dma_start3A_52 = tpu.memref_slice %arg9[%dma_start3A_48, %dma_start3A_50, %dma_start3A_51] : memref<5x80x16xf32, #tpu.memory_space<vmem>> -> memref<1x80x16xf32, #tpu.memory_space<vmem>>
    %dma_start3A_53 = tpu.memref_squeeze %dma_start3A_52 : memref<1x80x16xf32, #tpu.memory_space<vmem>> -> memref<80x16xf32, #tpu.memory_space<vmem>>
    %dma_start3A_54 = arith.constant 0 : i32
    %dma_start3A_55 = tpu.memref_slice %arg7[%dma_start3A_47, %dma_start3A_54] : memref<125x80xi32, #tpu.memory_space<vmem>> -> memref<1x80xi32, #tpu.memory_space<vmem>>
    %dma_start3A_56 = tpu.memref_squeeze %dma_start3A_55 : memref<1x80xi32, #tpu.memory_space<vmem>> -> memref<80xi32, #tpu.memory_space<vmem>>
    %dma_start3A_57 = arith.constant 0 : i32
    %dma_start3A_58 = arith.constant 0 : i32
    %dma_start3A_59 = tpu.memref_slice %arg2[%dma_start3A_57, %dma_start3A_58] : memref<10000x16xf32, #tpu.memory_space<hbm>> -> memref<10000x16xf32, #tpu.memory_space<hbm>>
    %dma_start3A_60 = tpu.memref_slice %arg11[%dma_start3A_49] : memref<5x!tpu.dma_semaphore, #tpu.memory_space<semaphore_mem>> -> memref<1x!tpu.dma_semaphore, #tpu.memory_space<semaphore_mem>>
    %dma_start3A_61 = tpu.memref_squeeze %dma_start3A_60 : memref<1x!tpu.dma_semaphore, #tpu.memory_space<semaphore_mem>> -> memref<!tpu.dma_semaphore, #tpu.memory_space<semaphore_mem>>
    tpu.enqueue_indirect_dma source(%dma_start3A_59 : memref<10000x16xf32, #tpu.memory_space<hbm>>) target(%dma_start3A_53 : memref<80x16xf32, #tpu.memory_space<vmem>>) offsets(%dma_start3A_56 : memref<80xi32, #tpu.memory_space<vmem>>) semaphore(%dma_start3A_61 : memref<!tpu.dma_semaphore, #tpu.memory_space<semaphore_mem>>)
    %dma_start3A_62 = arith.constant 4 : i32
    %dma_start3A_63 = arith.constant 4 : i32
    %dma_start3A_64 = arith.constant 4 : i32
    %dma_start3A_65 = arith.constant 0 : i32
    %dma_start3A_66 = arith.constant 0 : i32
    %dma_start3A_67 = tpu.memref_slice %arg9[%dma_start3A_63, %dma_start3A_65, %dma_start3A_66] : memref<5x80x16xf32, #tpu.memory_space<vmem>> -> memref<1x80x16xf32, #tpu.memory_space<vmem>>
    %dma_start3A_68 = tpu.memref_squeeze %dma_start3A_67 : memref<1x80x16xf32, #tpu.memory_space<vmem>> -> memref<80x16xf32, #tpu.memory_space<vmem>>
    %dma_start3A_69 = arith.constant 0 : i32
    %dma_start3A_70 = tpu.memref_slice %arg7[%dma_start3A_62, %dma_start3A_69] : memref<125x80xi32, #tpu.memory_space<vmem>> -> memref<1x80xi32, #tpu.memory_space<vmem>>
    %dma_start3A_71 = tpu.memref_squeeze %dma_start3A_70 : memref<1x80xi32, #tpu.memory_space<vmem>> -> memref<80xi32, #tpu.memory_space<vmem>>
    %dma_start3A_72 = arith.constant 0 : i32
    %dma_start3A_73 = arith.constant 0 : i32
    %dma_start3A_74 = tpu.memref_slice %arg2[%dma_start3A_72, %dma_start3A_73] : memref<10000x16xf32, #tpu.memory_space<hbm>> -> memref<10000x16xf32, #tpu.memory_space<hbm>>
    %dma_start3A_75 = tpu.memref_slice %arg11[%dma_start3A_64] : memref<5x!tpu.dma_semaphore, #tpu.memory_space<semaphore_mem>> -> memref<1x!tpu.dma_semaphore, #tpu.memory_space<semaphore_mem>>
    %dma_start3A_76 = tpu.memref_squeeze %dma_start3A_75 : memref<1x!tpu.dma_semaphore, #tpu.memory_space<semaphore_mem>> -> memref<!tpu.dma_semaphore, #tpu.memory_space<semaphore_mem>>
    tpu.enqueue_indirect_dma source(%dma_start3A_74 : memref<10000x16xf32, #tpu.memory_space<hbm>>) target(%dma_start3A_68 : memref<80x16xf32, #tpu.memory_space<vmem>>) offsets(%dma_start3A_71 : memref<80xi32, #tpu.memory_space<vmem>>) semaphore(%dma_start3A_76 : memref<!tpu.dma_semaphore, #tpu.memory_space<semaphore_mem>>)
    %scan3A = arith.constant 0 : i32
    %scan3A_77 = arith.constant 0 : i32
    %scan3A_78 = arith.constant 25 : i32
    %scan3A_79 = arith.addi %scan3A_77, %scan3A_78 : i32
    %scan3A_80 = arith.constant 1 : i32
    scf.for %scan3A_87 = %scan3A_77 to %scan3A_79 step %scan3A_80  : i32 {
      %mul3A_88 = arith.constant 5 : i32
      %mul3A_89 = arith.muli %scan3A_87, %mul3A_88 : i32
      %add3A_90 = arith.constant 0 : i32
      %add3A_91 = arith.addi %mul3A_89, %add3A_90 : i32
      %dma_wait3A = arith.constant 0 : i32
      %dma_wait3A_92 = arith.constant 0 : i32
      %dma_wait3A_93 = arith.constant 0 : i32
      %dma_wait3A_94 = arith.constant 0 : i32
      %dma_wait3A_95 = tpu.memref_slice %arg9[%dma_wait3A, %dma_wait3A_93, %dma_wait3A_94] : memref<5x80x16xf32, #tpu.memory_space<vmem>> -> memref<1x80x16xf32, #tpu.memory_space<vmem>>
      %dma_wait3A_96 = tpu.memref_squeeze %dma_wait3A_95 : memref<1x80x16xf32, #tpu.memory_space<vmem>> -> memref<80x16xf32, #tpu.memory_space<vmem>>
      %dma_wait3A_97 = arith.constant 0 : i32
      %dma_wait3A_98 = tpu.memref_slice %arg7[%add3A_91, %dma_wait3A_97] : memref<125x80xi32, #tpu.memory_space<vmem>> -> memref<1x80xi32, #tpu.memory_space<vmem>>
      %dma_wait3A_99 = tpu.memref_squeeze %dma_wait3A_98 : memref<1x80xi32, #tpu.memory_space<vmem>> -> memref<80xi32, #tpu.memory_space<vmem>>
      %dma_wait3A_100 = arith.constant 0 : i32
      %dma_wait3A_101 = arith.constant 0 : i32
      %dma_wait3A_102 = tpu.memref_slice %arg2[%dma_wait3A_100, %dma_wait3A_101] : memref<10000x16xf32, #tpu.memory_space<hbm>> -> memref<10000x16xf32, #tpu.memory_space<hbm>>
      %dma_wait3A_103 = tpu.memref_slice %arg11[%dma_wait3A_92] : memref<5x!tpu.dma_semaphore, #tpu.memory_space<semaphore_mem>> -> memref<1x!tpu.dma_semaphore, #tpu.memory_space<semaphore_mem>>
      %dma_wait3A_104 = tpu.memref_squeeze %dma_wait3A_103 : memref<1x!tpu.dma_semaphore, #tpu.memory_space<semaphore_mem>> -> memref<!tpu.dma_semaphore, #tpu.memory_space<semaphore_mem>>
      tpu.wait_indirect_dma semaphore(%dma_wait3A_104 : memref<!tpu.dma_semaphore, #tpu.memory_space<semaphore_mem>>) src(%dma_wait3A_102 : memref<10000x16xf32, #tpu.memory_space<hbm>>) dst(%dma_wait3A_96 : memref<80x16xf32, #tpu.memory_space<vmem>>)
      %dma_start3A_105 = arith.constant 0 : i32
      %dma_start3A_106 = arith.constant 0 : i32
      %dma_start3A_107 = arith.constant 0 : i32
      %dma_start3A_108 = arith.constant 0 : i32
      %dma_start3A_109 = tpu.memref_slice %arg9[%dma_start3A_105, %dma_start3A_107, %dma_start3A_108] : memref<5x80x16xf32, #tpu.memory_space<vmem>> -> memref<1x80x16xf32, #tpu.memory_space<vmem>>
      %dma_start3A_110 = tpu.memref_squeeze %dma_start3A_109 : memref<1x80x16xf32, #tpu.memory_space<vmem>> -> memref<80x16xf32, #tpu.memory_space<vmem>>
      %dma_start3A_111 = arith.constant 0 : i32
      %dma_start3A_112 = tpu.memref_slice %arg8[%add3A_91, %dma_start3A_111] : memref<125x80xi32, #tpu.memory_space<vmem>> -> memref<1x80xi32, #tpu.memory_space<vmem>>
      %dma_start3A_113 = tpu.memref_squeeze %dma_start3A_112 : memref<1x80xi32, #tpu.memory_space<vmem>> -> memref<80xi32, #tpu.memory_space<vmem>>
      %dma_start3A_114 = arith.constant 0 : i32
      %dma_start3A_115 = arith.constant 0 : i32
      %dma_start3A_116 = tpu.memref_slice %arg10[%dma_start3A_114, %dma_start3A_115] : memref<10112x16xf32, #tpu.memory_space<vmem_shared>> -> memref<10112x16xf32, #tpu.memory_space<vmem_shared>>
      %dma_start3A_117 = tpu.memref_slice %arg12[%dma_start3A_106] : memref<5x!tpu.dma_semaphore, #tpu.memory_space<semaphore_mem>> -> memref<1x!tpu.dma_semaphore, #tpu.memory_space<semaphore_mem>>
      %dma_start3A_118 = tpu.memref_squeeze %dma_start3A_117 : memref<1x!tpu.dma_semaphore, #tpu.memory_space<semaphore_mem>> -> memref<!tpu.dma_semaphore, #tpu.memory_space<semaphore_mem>>
      tpu.enqueue_indirect_dma source(%dma_start3A_110 : memref<80x16xf32, #tpu.memory_space<vmem>>) target(%dma_start3A_116 : memref<10112x16xf32, #tpu.memory_space<vmem_shared>>) offsets(%dma_start3A_113 : memref<80xi32, #tpu.memory_space<vmem>>) semaphore(%dma_start3A_118 : memref<!tpu.dma_semaphore, #tpu.memory_space<semaphore_mem>>) {add = true}
      %add3A_119 = arith.constant 1 : i32
      %add3A_120 = arith.addi %mul3A_89, %add3A_119 : i32
      %dma_wait3A_121 = arith.constant 1 : i32
      %dma_wait3A_122 = arith.constant 1 : i32
      %dma_wait3A_123 = arith.constant 0 : i32
      %dma_wait3A_124 = arith.constant 0 : i32
      %dma_wait3A_125 = tpu.memref_slice %arg9[%dma_wait3A_121, %dma_wait3A_123, %dma_wait3A_124] : memref<5x80x16xf32, #tpu.memory_space<vmem>> -> memref<1x80x16xf32, #tpu.memory_space<vmem>>
      %dma_wait3A_126 = tpu.memref_squeeze %dma_wait3A_125 : memref<1x80x16xf32, #tpu.memory_space<vmem>> -> memref<80x16xf32, #tpu.memory_space<vmem>>
      %dma_wait3A_127 = arith.constant 0 : i32
      %dma_wait3A_128 = tpu.memref_slice %arg7[%add3A_120, %dma_wait3A_127] : memref<125x80xi32, #tpu.memory_space<vmem>> -> memref<1x80xi32, #tpu.memory_space<vmem>>
      %dma_wait3A_129 = tpu.memref_squeeze %dma_wait3A_128 : memref<1x80xi32, #tpu.memory_space<vmem>> -> memref<80xi32, #tpu.memory_space<vmem>>
      %dma_wait3A_130 = arith.constant 0 : i32
      %dma_wait3A_131 = arith.constant 0 : i32
      %dma_wait3A_132 = tpu.memref_slice %arg2[%dma_wait3A_130, %dma_wait3A_131] : memref<10000x16xf32, #tpu.memory_space<hbm>> -> memref<10000x16xf32, #tpu.memory_space<hbm>>
      %dma_wait3A_133 = tpu.memref_slice %arg11[%dma_wait3A_122] : memref<5x!tpu.dma_semaphore, #tpu.memory_space<semaphore_mem>> -> memref<1x!tpu.dma_semaphore, #tpu.memory_space<semaphore_mem>>
      %dma_wait3A_134 = tpu.memref_squeeze %dma_wait3A_133 : memref<1x!tpu.dma_semaphore, #tpu.memory_space<semaphore_mem>> -> memref<!tpu.dma_semaphore, #tpu.memory_space<semaphore_mem>>
      tpu.wait_indirect_dma semaphore(%dma_wait3A_134 : memref<!tpu.dma_semaphore, #tpu.memory_space<semaphore_mem>>) src(%dma_wait3A_132 : memref<10000x16xf32, #tpu.memory_space<hbm>>) dst(%dma_wait3A_126 : memref<80x16xf32, #tpu.memory_space<vmem>>)
      %dma_start3A_135 = arith.constant 1 : i32
      %dma_start3A_136 = arith.constant 1 : i32
      %dma_start3A_137 = arith.constant 0 : i32
      %dma_start3A_138 = arith.constant 0 : i32
      %dma_start3A_139 = tpu.memref_slice %arg9[%dma_start3A_135, %dma_start3A_137, %dma_start3A_138] : memref<5x80x16xf32, #tpu.memory_space<vmem>> -> memref<1x80x16xf32, #tpu.memory_space<vmem>>
      %dma_start3A_140 = tpu.memref_squeeze %dma_start3A_139 : memref<1x80x16xf32, #tpu.memory_space<vmem>> -> memref<80x16xf32, #tpu.memory_space<vmem>>
      %dma_start3A_141 = arith.constant 0 : i32
      %dma_start3A_142 = tpu.memref_slice %arg8[%add3A_120, %dma_start3A_141] : memref<125x80xi32, #tpu.memory_space<vmem>> -> memref<1x80xi32, #tpu.memory_space<vmem>>
      %dma_start3A_143 = tpu.memref_squeeze %dma_start3A_142 : memref<1x80xi32, #tpu.memory_space<vmem>> -> memref<80xi32, #tpu.memory_space<vmem>>
      %dma_start3A_144 = arith.constant 0 : i32
      %dma_start3A_145 = arith.constant 0 : i32
      %dma_start3A_146 = tpu.memref_slice %arg10[%dma_start3A_144, %dma_start3A_145] : memref<10112x16xf32, #tpu.memory_space<vmem_shared>> -> memref<10112x16xf32, #tpu.memory_space<vmem_shared>>
      %dma_start3A_147 = tpu.memref_slice %arg12[%dma_start3A_136] : memref<5x!tpu.dma_semaphore, #tpu.memory_space<semaphore_mem>> -> memref<1x!tpu.dma_semaphore, #tpu.memory_space<semaphore_mem>>
      %dma_start3A_148 = tpu.memref_squeeze %dma_start3A_147 : memref<1x!tpu.dma_semaphore, #tpu.memory_space<semaphore_mem>> -> memref<!tpu.dma_semaphore, #tpu.memory_space<semaphore_mem>>
      tpu.enqueue_indirect_dma source(%dma_start3A_140 : memref<80x16xf32, #tpu.memory_space<vmem>>) target(%dma_start3A_146 : memref<10112x16xf32, #tpu.memory_space<vmem_shared>>) offsets(%dma_start3A_143 : memref<80xi32, #tpu.memory_space<vmem>>) semaphore(%dma_start3A_148 : memref<!tpu.dma_semaphore, #tpu.memory_space<semaphore_mem>>) {add = true}
      %add3A_149 = arith.constant 2 : i32
      %add3A_150 = arith.addi %mul3A_89, %add3A_149 : i32
      %dma_wait3A_151 = arith.constant 2 : i32
      %dma_wait3A_152 = arith.constant 2 : i32
      %dma_wait3A_153 = arith.constant 0 : i32
      %dma_wait3A_154 = arith.constant 0 : i32
      %dma_wait3A_155 = tpu.memref_slice %arg9[%dma_wait3A_151, %dma_wait3A_153, %dma_wait3A_154] : memref<5x80x16xf32, #tpu.memory_space<vmem>> -> memref<1x80x16xf32, #tpu.memory_space<vmem>>
      %dma_wait3A_156 = tpu.memref_squeeze %dma_wait3A_155 : memref<1x80x16xf32, #tpu.memory_space<vmem>> -> memref<80x16xf32, #tpu.memory_space<vmem>>
      %dma_wait3A_157 = arith.constant 0 : i32
      %dma_wait3A_158 = tpu.memref_slice %arg7[%add3A_150, %dma_wait3A_157] : memref<125x80xi32, #tpu.memory_space<vmem>> -> memref<1x80xi32, #tpu.memory_space<vmem>>
      %dma_wait3A_159 = tpu.memref_squeeze %dma_wait3A_158 : memref<1x80xi32, #tpu.memory_space<vmem>> -> memref<80xi32, #tpu.memory_space<vmem>>
      %dma_wait3A_160 = arith.constant 0 : i32
      %dma_wait3A_161 = arith.constant 0 : i32
      %dma_wait3A_162 = tpu.memref_slice %arg2[%dma_wait3A_160, %dma_wait3A_161] : memref<10000x16xf32, #tpu.memory_space<hbm>> -> memref<10000x16xf32, #tpu.memory_space<hbm>>
      %dma_wait3A_163 = tpu.memref_slice %arg11[%dma_wait3A_152] : memref<5x!tpu.dma_semaphore, #tpu.memory_space<semaphore_mem>> -> memref<1x!tpu.dma_semaphore, #tpu.memory_space<semaphore_mem>>
      %dma_wait3A_164 = tpu.memref_squeeze %dma_wait3A_163 : memref<1x!tpu.dma_semaphore, #tpu.memory_space<semaphore_mem>> -> memref<!tpu.dma_semaphore, #tpu.memory_space<semaphore_mem>>
      tpu.wait_indirect_dma semaphore(%dma_wait3A_164 : memref<!tpu.dma_semaphore, #tpu.memory_space<semaphore_mem>>) src(%dma_wait3A_162 : memref<10000x16xf32, #tpu.memory_space<hbm>>) dst(%dma_wait3A_156 : memref<80x16xf32, #tpu.memory_space<vmem>>)
      %dma_start3A_165 = arith.constant 2 : i32
      %dma_start3A_166 = arith.constant 2 : i32
      %dma_start3A_167 = arith.constant 0 : i32
      %dma_start3A_168 = arith.constant 0 : i32
      %dma_start3A_169 = tpu.memref_slice %arg9[%dma_start3A_165, %dma_start3A_167, %dma_start3A_168] : memref<5x80x16xf32, #tpu.memory_space<vmem>> -> memref<1x80x16xf32, #tpu.memory_space<vmem>>
      %dma_start3A_170 = tpu.memref_squeeze %dma_start3A_169 : memref<1x80x16xf32, #tpu.memory_space<vmem>> -> memref<80x16xf32, #tpu.memory_space<vmem>>
      %dma_start3A_171 = arith.constant 0 : i32
      %dma_start3A_172 = tpu.memref_slice %arg8[%add3A_150, %dma_start3A_171] : memref<125x80xi32, #tpu.memory_space<vmem>> -> memref<1x80xi32, #tpu.memory_space<vmem>>
      %dma_start3A_173 = tpu.memref_squeeze %dma_start3A_172 : memref<1x80xi32, #tpu.memory_space<vmem>> -> memref<80xi32, #tpu.memory_space<vmem>>
      %dma_start3A_174 = arith.constant 0 : i32
      %dma_start3A_175 = arith.constant 0 : i32
      %dma_start3A_176 = tpu.memref_slice %arg10[%dma_start3A_174, %dma_start3A_175] : memref<10112x16xf32, #tpu.memory_space<vmem_shared>> -> memref<10112x16xf32, #tpu.memory_space<vmem_shared>>
      %dma_start3A_177 = tpu.memref_slice %arg12[%dma_start3A_166] : memref<5x!tpu.dma_semaphore, #tpu.memory_space<semaphore_mem>> -> memref<1x!tpu.dma_semaphore, #tpu.memory_space<semaphore_mem>>
      %dma_start3A_178 = tpu.memref_squeeze %dma_start3A_177 : memref<1x!tpu.dma_semaphore, #tpu.memory_space<semaphore_mem>> -> memref<!tpu.dma_semaphore, #tpu.memory_space<semaphore_mem>>
      tpu.enqueue_indirect_dma source(%dma_start3A_170 : memref<80x16xf32, #tpu.memory_space<vmem>>) target(%dma_start3A_176 : memref<10112x16xf32, #tpu.memory_space<vmem_shared>>) offsets(%dma_start3A_173 : memref<80xi32, #tpu.memory_space<vmem>>) semaphore(%dma_start3A_178 : memref<!tpu.dma_semaphore, #tpu.memory_space<semaphore_mem>>) {add = true}
      %add3A_179 = arith.constant 3 : i32
      %add3A_180 = arith.addi %mul3A_89, %add3A_179 : i32
      %dma_wait3A_181 = arith.constant 3 : i32
      %dma_wait3A_182 = arith.constant 3 : i32
      %dma_wait3A_183 = arith.constant 0 : i32
      %dma_wait3A_184 = arith.constant 0 : i32
      %dma_wait3A_185 = tpu.memref_slice %arg9[%dma_wait3A_181, %dma_wait3A_183, %dma_wait3A_184] : memref<5x80x16xf32, #tpu.memory_space<vmem>> -> memref<1x80x16xf32, #tpu.memory_space<vmem>>
      %dma_wait3A_186 = tpu.memref_squeeze %dma_wait3A_185 : memref<1x80x16xf32, #tpu.memory_space<vmem>> -> memref<80x16xf32, #tpu.memory_space<vmem>>
      %dma_wait3A_187 = arith.constant 0 : i32
      %dma_wait3A_188 = tpu.memref_slice %arg7[%add3A_180, %dma_wait3A_187] : memref<125x80xi32, #tpu.memory_space<vmem>> -> memref<1x80xi32, #tpu.memory_space<vmem>>
      %dma_wait3A_189 = tpu.memref_squeeze %dma_wait3A_188 : memref<1x80xi32, #tpu.memory_space<vmem>> -> memref<80xi32, #tpu.memory_space<vmem>>
      %dma_wait3A_190 = arith.constant 0 : i32
      %dma_wait3A_191 = arith.constant 0 : i32
      %dma_wait3A_192 = tpu.memref_slice %arg2[%dma_wait3A_190, %dma_wait3A_191] : memref<10000x16xf32, #tpu.memory_space<hbm>> -> memref<10000x16xf32, #tpu.memory_space<hbm>>
      %dma_wait3A_193 = tpu.memref_slice %arg11[%dma_wait3A_182] : memref<5x!tpu.dma_semaphore, #tpu.memory_space<semaphore_mem>> -> memref<1x!tpu.dma_semaphore, #tpu.memory_space<semaphore_mem>>
      %dma_wait3A_194 = tpu.memref_squeeze %dma_wait3A_193 : memref<1x!tpu.dma_semaphore, #tpu.memory_space<semaphore_mem>> -> memref<!tpu.dma_semaphore, #tpu.memory_space<semaphore_mem>>
      tpu.wait_indirect_dma semaphore(%dma_wait3A_194 : memref<!tpu.dma_semaphore, #tpu.memory_space<semaphore_mem>>) src(%dma_wait3A_192 : memref<10000x16xf32, #tpu.memory_space<hbm>>) dst(%dma_wait3A_186 : memref<80x16xf32, #tpu.memory_space<vmem>>)
      %dma_start3A_195 = arith.constant 3 : i32
      %dma_start3A_196 = arith.constant 3 : i32
      %dma_start3A_197 = arith.constant 0 : i32
      %dma_start3A_198 = arith.constant 0 : i32
      %dma_start3A_199 = tpu.memref_slice %arg9[%dma_start3A_195, %dma_start3A_197, %dma_start3A_198] : memref<5x80x16xf32, #tpu.memory_space<vmem>> -> memref<1x80x16xf32, #tpu.memory_space<vmem>>
      %dma_start3A_200 = tpu.memref_squeeze %dma_start3A_199 : memref<1x80x16xf32, #tpu.memory_space<vmem>> -> memref<80x16xf32, #tpu.memory_space<vmem>>
      %dma_start3A_201 = arith.constant 0 : i32
      %dma_start3A_202 = tpu.memref_slice %arg8[%add3A_180, %dma_start3A_201] : memref<125x80xi32, #tpu.memory_space<vmem>> -> memref<1x80xi32, #tpu.memory_space<vmem>>
      %dma_start3A_203 = tpu.memref_squeeze %dma_start3A_202 : memref<1x80xi32, #tpu.memory_space<vmem>> -> memref<80xi32, #tpu.memory_space<vmem>>
      %dma_start3A_204 = arith.constant 0 : i32
      %dma_start3A_205 = arith.constant 0 : i32
      %dma_start3A_206 = tpu.memref_slice %arg10[%dma_start3A_204, %dma_start3A_205] : memref<10112x16xf32, #tpu.memory_space<vmem_shared>> -> memref<10112x16xf32, #tpu.memory_space<vmem_shared>>
      %dma_start3A_207 = tpu.memref_slice %arg12[%dma_start3A_196] : memref<5x!tpu.dma_semaphore, #tpu.memory_space<semaphore_mem>> -> memref<1x!tpu.dma_semaphore, #tpu.memory_space<semaphore_mem>>
      %dma_start3A_208 = tpu.memref_squeeze %dma_start3A_207 : memref<1x!tpu.dma_semaphore, #tpu.memory_space<semaphore_mem>> -> memref<!tpu.dma_semaphore, #tpu.memory_space<semaphore_mem>>
      tpu.enqueue_indirect_dma source(%dma_start3A_200 : memref<80x16xf32, #tpu.memory_space<vmem>>) target(%dma_start3A_206 : memref<10112x16xf32, #tpu.memory_space<vmem_shared>>) offsets(%dma_start3A_203 : memref<80xi32, #tpu.memory_space<vmem>>) semaphore(%dma_start3A_208 : memref<!tpu.dma_semaphore, #tpu.memory_space<semaphore_mem>>) {add = true}
      %add3A_209 = arith.constant 4 : i32
      %add3A_210 = arith.addi %mul3A_89, %add3A_209 : i32
      %dma_wait3A_211 = arith.constant 4 : i32
      %dma_wait3A_212 = arith.constant 4 : i32
      %dma_wait3A_213 = arith.constant 0 : i32
      %dma_wait3A_214 = arith.constant 0 : i32
      %dma_wait3A_215 = tpu.memref_slice %arg9[%dma_wait3A_211, %dma_wait3A_213, %dma_wait3A_214] : memref<5x80x16xf32, #tpu.memory_space<vmem>> -> memref<1x80x16xf32, #tpu.memory_space<vmem>>
      %dma_wait3A_216 = tpu.memref_squeeze %dma_wait3A_215 : memref<1x80x16xf32, #tpu.memory_space<vmem>> -> memref<80x16xf32, #tpu.memory_space<vmem>>
      %dma_wait3A_217 = arith.constant 0 : i32
      %dma_wait3A_218 = tpu.memref_slice %arg7[%add3A_210, %dma_wait3A_217] : memref<125x80xi32, #tpu.memory_space<vmem>> -> memref<1x80xi32, #tpu.memory_space<vmem>>
      %dma_wait3A_219 = tpu.memref_squeeze %dma_wait3A_218 : memref<1x80xi32, #tpu.memory_space<vmem>> -> memref<80xi32, #tpu.memory_space<vmem>>
      %dma_wait3A_220 = arith.constant 0 : i32
      %dma_wait3A_221 = arith.constant 0 : i32
      %dma_wait3A_222 = tpu.memref_slice %arg2[%dma_wait3A_220, %dma_wait3A_221] : memref<10000x16xf32, #tpu.memory_space<hbm>> -> memref<10000x16xf32, #tpu.memory_space<hbm>>
      %dma_wait3A_223 = tpu.memref_slice %arg11[%dma_wait3A_212] : memref<5x!tpu.dma_semaphore, #tpu.memory_space<semaphore_mem>> -> memref<1x!tpu.dma_semaphore, #tpu.memory_space<semaphore_mem>>
      %dma_wait3A_224 = tpu.memref_squeeze %dma_wait3A_223 : memref<1x!tpu.dma_semaphore, #tpu.memory_space<semaphore_mem>> -> memref<!tpu.dma_semaphore, #tpu.memory_space<semaphore_mem>>
      tpu.wait_indirect_dma semaphore(%dma_wait3A_224 : memref<!tpu.dma_semaphore, #tpu.memory_space<semaphore_mem>>) src(%dma_wait3A_222 : memref<10000x16xf32, #tpu.memory_space<hbm>>) dst(%dma_wait3A_216 : memref<80x16xf32, #tpu.memory_space<vmem>>)
      %dma_start3A_225 = arith.constant 4 : i32
      %dma_start3A_226 = arith.constant 4 : i32
      %dma_start3A_227 = arith.constant 0 : i32
      %dma_start3A_228 = arith.constant 0 : i32
      %dma_start3A_229 = tpu.memref_slice %arg9[%dma_start3A_225, %dma_start3A_227, %dma_start3A_228] : memref<5x80x16xf32, #tpu.memory_space<vmem>> -> memref<1x80x16xf32, #tpu.memory_space<vmem>>
      %dma_start3A_230 = tpu.memref_squeeze %dma_start3A_229 : memref<1x80x16xf32, #tpu.memory_space<vmem>> -> memref<80x16xf32, #tpu.memory_space<vmem>>
      %dma_start3A_231 = arith.constant 0 : i32
      %dma_start3A_232 = tpu.memref_slice %arg8[%add3A_210, %dma_start3A_231] : memref<125x80xi32, #tpu.memory_space<vmem>> -> memref<1x80xi32, #tpu.memory_space<vmem>>
      %dma_start3A_233 = tpu.memref_squeeze %dma_start3A_232 : memref<1x80xi32, #tpu.memory_space<vmem>> -> memref<80xi32, #tpu.memory_space<vmem>>
      %dma_start3A_234 = arith.constant 0 : i32
      %dma_start3A_235 = arith.constant 0 : i32
      %dma_start3A_236 = tpu.memref_slice %arg10[%dma_start3A_234, %dma_start3A_235] : memref<10112x16xf32, #tpu.memory_space<vmem_shared>> -> memref<10112x16xf32, #tpu.memory_space<vmem_shared>>
      %dma_start3A_237 = tpu.memref_slice %arg12[%dma_start3A_226] : memref<5x!tpu.dma_semaphore, #tpu.memory_space<semaphore_mem>> -> memref<1x!tpu.dma_semaphore, #tpu.memory_space<semaphore_mem>>
      %dma_start3A_238 = tpu.memref_squeeze %dma_start3A_237 : memref<1x!tpu.dma_semaphore, #tpu.memory_space<semaphore_mem>> -> memref<!tpu.dma_semaphore, #tpu.memory_space<semaphore_mem>>
      tpu.enqueue_indirect_dma source(%dma_start3A_230 : memref<80x16xf32, #tpu.memory_space<vmem>>) target(%dma_start3A_236 : memref<10112x16xf32, #tpu.memory_space<vmem_shared>>) offsets(%dma_start3A_233 : memref<80xi32, #tpu.memory_space<vmem>>) semaphore(%dma_start3A_238 : memref<!tpu.dma_semaphore, #tpu.memory_space<semaphore_mem>>) {add = true}
      %add3A_239 = arith.constant 0 : i32
      %add3A_240 = arith.addi %mul3A_89, %add3A_239 : i32
      %dma_wait3A_241 = arith.constant 0 : i32
      %dma_wait3A_242 = arith.constant 0 : i32
      %dma_wait3A_243 = arith.constant 0 : i32
      %dma_wait3A_244 = arith.constant 0 : i32
      %dma_wait3A_245 = tpu.memref_slice %arg9[%dma_wait3A_241, %dma_wait3A_243, %dma_wait3A_244] : memref<5x80x16xf32, #tpu.memory_space<vmem>> -> memref<1x80x16xf32, #tpu.memory_space<vmem>>
      %dma_wait3A_246 = tpu.memref_squeeze %dma_wait3A_245 : memref<1x80x16xf32, #tpu.memory_space<vmem>> -> memref<80x16xf32, #tpu.memory_space<vmem>>
      %dma_wait3A_247 = arith.constant 0 : i32
      %dma_wait3A_248 = tpu.memref_slice %arg8[%add3A_240, %dma_wait3A_247] : memref<125x80xi32, #tpu.memory_space<vmem>> -> memref<1x80xi32, #tpu.memory_space<vmem>>
      %dma_wait3A_249 = tpu.memref_squeeze %dma_wait3A_248 : memref<1x80xi32, #tpu.memory_space<vmem>> -> memref<80xi32, #tpu.memory_space<vmem>>
      %dma_wait3A_250 = arith.constant 0 : i32
      %dma_wait3A_251 = arith.constant 0 : i32
      %dma_wait3A_252 = tpu.memref_slice %arg10[%dma_wait3A_250, %dma_wait3A_251] : memref<10112x16xf32, #tpu.memory_space<vmem_shared>> -> memref<10112x16xf32, #tpu.memory_space<vmem_shared>>
      %dma_wait3A_253 = tpu.memref_slice %arg12[%dma_wait3A_242] : memref<5x!tpu.dma_semaphore, #tpu.memory_space<semaphore_mem>> -> memref<1x!tpu.dma_semaphore, #tpu.memory_space<semaphore_mem>>
      %dma_wait3A_254 = tpu.memref_squeeze %dma_wait3A_253 : memref<1x!tpu.dma_semaphore, #tpu.memory_space<semaphore_mem>> -> memref<!tpu.dma_semaphore, #tpu.memory_space<semaphore_mem>>
      tpu.wait_indirect_dma semaphore(%dma_wait3A_254 : memref<!tpu.dma_semaphore, #tpu.memory_space<semaphore_mem>>) src(%dma_wait3A_246 : memref<80x16xf32, #tpu.memory_space<vmem>>) dst(%dma_wait3A_252 : memref<10112x16xf32, #tpu.memory_space<vmem_shared>>)
      %lt3A = arith.constant 24 : i32
      %lt3A_255 = arith.cmpi slt, %scan3A_87, %lt3A : i32
      %convert_element_type3A = arith.extui %lt3A_255 : i1 to i32
      %cond3A = arith.constant 0 : i32
      %cond3A_256 = arith.cmpi ne, %convert_element_type3A, %cond3A : i32
      scf.if %cond3A_256 {
        %add3A_341 = arith.constant 5 : i32
        %add3A_342 = arith.addi %add3A_240, %add3A_341 : i32
        %dma_start3A_343 = arith.constant 0 : i32
        %dma_start3A_344 = arith.constant 0 : i32
        %dma_start3A_345 = arith.constant 0 : i32
        %dma_start3A_346 = arith.constant 0 : i32
        %dma_start3A_347 = tpu.memref_slice %arg9[%dma_start3A_343, %dma_start3A_345, %dma_start3A_346] : memref<5x80x16xf32, #tpu.memory_space<vmem>> -> memref<1x80x16xf32, #tpu.memory_space<vmem>>
        %dma_start3A_348 = tpu.memref_squeeze %dma_start3A_347 : memref<1x80x16xf32, #tpu.memory_space<vmem>> -> memref<80x16xf32, #tpu.memory_space<vmem>>
        %dma_start3A_349 = arith.constant 0 : i32
        %dma_start3A_350 = tpu.memref_slice %arg7[%add3A_342, %dma_start3A_349] : memref<125x80xi32, #tpu.memory_space<vmem>> -> memref<1x80xi32, #tpu.memory_space<vmem>>
        %dma_start3A_351 = tpu.memref_squeeze %dma_start3A_350 : memref<1x80xi32, #tpu.memory_space<vmem>> -> memref<80xi32, #tpu.memory_space<vmem>>
        %dma_start3A_352 = arith.constant 0 : i32
        %dma_start3A_353 = arith.constant 0 : i32
        %dma_start3A_354 = tpu.memref_slice %arg2[%dma_start3A_352, %dma_start3A_353] : memref<10000x16xf32, #tpu.memory_space<hbm>> -> memref<10000x16xf32, #tpu.memory_space<hbm>>
        %dma_start3A_355 = tpu.memref_slice %arg11[%dma_start3A_344] : memref<5x!tpu.dma_semaphore, #tpu.memory_space<semaphore_mem>> -> memref<1x!tpu.dma_semaphore, #tpu.memory_space<semaphore_mem>>
        %dma_start3A_356 = tpu.memref_squeeze %dma_start3A_355 : memref<1x!tpu.dma_semaphore, #tpu.memory_space<semaphore_mem>> -> memref<!tpu.dma_semaphore, #tpu.memory_space<semaphore_mem>>
        tpu.enqueue_indirect_dma source(%dma_start3A_354 : memref<10000x16xf32, #tpu.memory_space<hbm>>) target(%dma_start3A_348 : memref<80x16xf32, #tpu.memory_space<vmem>>) offsets(%dma_start3A_351 : memref<80xi32, #tpu.memory_space<vmem>>) semaphore(%dma_start3A_356 : memref<!tpu.dma_semaphore, #tpu.memory_space<semaphore_mem>>)
      } else {
      }
      %add3A_257 = arith.constant 1 : i32
      %add3A_258 = arith.addi %mul3A_89, %add3A_257 : i32
      %dma_wait3A_259 = arith.constant 1 : i32
      %dma_wait3A_260 = arith.constant 1 : i32
      %dma_wait3A_261 = arith.constant 0 : i32
      %dma_wait3A_262 = arith.constant 0 : i32
      %dma_wait3A_263 = tpu.memref_slice %arg9[%dma_wait3A_259, %dma_wait3A_261, %dma_wait3A_262] : memref<5x80x16xf32, #tpu.memory_space<vmem>> -> memref<1x80x16xf32, #tpu.memory_space<vmem>>
      %dma_wait3A_264 = tpu.memref_squeeze %dma_wait3A_263 : memref<1x80x16xf32, #tpu.memory_space<vmem>> -> memref<80x16xf32, #tpu.memory_space<vmem>>
      %dma_wait3A_265 = arith.constant 0 : i32
      %dma_wait3A_266 = tpu.memref_slice %arg8[%add3A_258, %dma_wait3A_265] : memref<125x80xi32, #tpu.memory_space<vmem>> -> memref<1x80xi32, #tpu.memory_space<vmem>>
      %dma_wait3A_267 = tpu.memref_squeeze %dma_wait3A_266 : memref<1x80xi32, #tpu.memory_space<vmem>> -> memref<80xi32, #tpu.memory_space<vmem>>
      %dma_wait3A_268 = arith.constant 0 : i32
      %dma_wait3A_269 = arith.constant 0 : i32
      %dma_wait3A_270 = tpu.memref_slice %arg10[%dma_wait3A_268, %dma_wait3A_269] : memref<10112x16xf32, #tpu.memory_space<vmem_shared>> -> memref<10112x16xf32, #tpu.memory_space<vmem_shared>>
      %dma_wait3A_271 = tpu.memref_slice %arg12[%dma_wait3A_260] : memref<5x!tpu.dma_semaphore, #tpu.memory_space<semaphore_mem>> -> memref<1x!tpu.dma_semaphore, #tpu.memory_space<semaphore_mem>>
      %dma_wait3A_272 = tpu.memref_squeeze %dma_wait3A_271 : memref<1x!tpu.dma_semaphore, #tpu.memory_space<semaphore_mem>> -> memref<!tpu.dma_semaphore, #tpu.memory_space<semaphore_mem>>
      tpu.wait_indirect_dma semaphore(%dma_wait3A_272 : memref<!tpu.dma_semaphore, #tpu.memory_space<semaphore_mem>>) src(%dma_wait3A_264 : memref<80x16xf32, #tpu.memory_space<vmem>>) dst(%dma_wait3A_270 : memref<10112x16xf32, #tpu.memory_space<vmem_shared>>)
      %lt3A_273 = arith.constant 24 : i32
      %lt3A_274 = arith.cmpi slt, %scan3A_87, %lt3A_273 : i32
      %convert_element_type3A_275 = arith.extui %lt3A_274 : i1 to i32
      %cond3A_276 = arith.constant 0 : i32
      %cond3A_277 = arith.cmpi ne, %convert_element_type3A_275, %cond3A_276 : i32
      scf.if %cond3A_277 {
        %add3A_341 = arith.constant 5 : i32
        %add3A_342 = arith.addi %add3A_258, %add3A_341 : i32
        %dma_start3A_343 = arith.constant 1 : i32
        %dma_start3A_344 = arith.constant 1 : i32
        %dma_start3A_345 = arith.constant 0 : i32
        %dma_start3A_346 = arith.constant 0 : i32
        %dma_start3A_347 = tpu.memref_slice %arg9[%dma_start3A_343, %dma_start3A_345, %dma_start3A_346] : memref<5x80x16xf32, #tpu.memory_space<vmem>> -> memref<1x80x16xf32, #tpu.memory_space<vmem>>
        %dma_start3A_348 = tpu.memref_squeeze %dma_start3A_347 : memref<1x80x16xf32, #tpu.memory_space<vmem>> -> memref<80x16xf32, #tpu.memory_space<vmem>>
        %dma_start3A_349 = arith.constant 0 : i32
        %dma_start3A_350 = tpu.memref_slice %arg7[%add3A_342, %dma_start3A_349] : memref<125x80xi32, #tpu.memory_space<vmem>> -> memref<1x80xi32, #tpu.memory_space<vmem>>
        %dma_start3A_351 = tpu.memref_squeeze %dma_start3A_350 : memref<1x80xi32, #tpu.memory_space<vmem>> -> memref<80xi32, #tpu.memory_space<vmem>>
        %dma_start3A_352 = arith.constant 0 : i32
        %dma_start3A_353 = arith.constant 0 : i32
        %dma_start3A_354 = tpu.memref_slice %arg2[%dma_start3A_352, %dma_start3A_353] : memref<10000x16xf32, #tpu.memory_space<hbm>> -> memref<10000x16xf32, #tpu.memory_space<hbm>>
        %dma_start3A_355 = tpu.memref_slice %arg11[%dma_start3A_344] : memref<5x!tpu.dma_semaphore, #tpu.memory_space<semaphore_mem>> -> memref<1x!tpu.dma_semaphore, #tpu.memory_space<semaphore_mem>>
        %dma_start3A_356 = tpu.memref_squeeze %dma_start3A_355 : memref<1x!tpu.dma_semaphore, #tpu.memory_space<semaphore_mem>> -> memref<!tpu.dma_semaphore, #tpu.memory_space<semaphore_mem>>
        tpu.enqueue_indirect_dma source(%dma_start3A_354 : memref<10000x16xf32, #tpu.memory_space<hbm>>) target(%dma_start3A_348 : memref<80x16xf32, #tpu.memory_space<vmem>>) offsets(%dma_start3A_351 : memref<80xi32, #tpu.memory_space<vmem>>) semaphore(%dma_start3A_356 : memref<!tpu.dma_semaphore, #tpu.memory_space<semaphore_mem>>)
      } else {
      }
      %add3A_278 = arith.constant 2 : i32
      %add3A_279 = arith.addi %mul3A_89, %add3A_278 : i32
      %dma_wait3A_280 = arith.constant 2 : i32
      %dma_wait3A_281 = arith.constant 2 : i32
      %dma_wait3A_282 = arith.constant 0 : i32
      %dma_wait3A_283 = arith.constant 0 : i32
      %dma_wait3A_284 = tpu.memref_slice %arg9[%dma_wait3A_280, %dma_wait3A_282, %dma_wait3A_283] : memref<5x80x16xf32, #tpu.memory_space<vmem>> -> memref<1x80x16xf32, #tpu.memory_space<vmem>>
      %dma_wait3A_285 = tpu.memref_squeeze %dma_wait3A_284 : memref<1x80x16xf32, #tpu.memory_space<vmem>> -> memref<80x16xf32, #tpu.memory_space<vmem>>
      %dma_wait3A_286 = arith.constant 0 : i32
      %dma_wait3A_287 = tpu.memref_slice %arg8[%add3A_279, %dma_wait3A_286] : memref<125x80xi32, #tpu.memory_space<vmem>> -> memref<1x80xi32, #tpu.memory_space<vmem>>
      %dma_wait3A_288 = tpu.memref_squeeze %dma_wait3A_287 : memref<1x80xi32, #tpu.memory_space<vmem>> -> memref<80xi32, #tpu.memory_space<vmem>>
      %dma_wait3A_289 = arith.constant 0 : i32
      %dma_wait3A_290 = arith.constant 0 : i32
      %dma_wait3A_291 = tpu.memref_slice %arg10[%dma_wait3A_289, %dma_wait3A_290] : memref<10112x16xf32, #tpu.memory_space<vmem_shared>> -> memref<10112x16xf32, #tpu.memory_space<vmem_shared>>
      %dma_wait3A_292 = tpu.memref_slice %arg12[%dma_wait3A_281] : memref<5x!tpu.dma_semaphore, #tpu.memory_space<semaphore_mem>> -> memref<1x!tpu.dma_semaphore, #tpu.memory_space<semaphore_mem>>
      %dma_wait3A_293 = tpu.memref_squeeze %dma_wait3A_292 : memref<1x!tpu.dma_semaphore, #tpu.memory_space<semaphore_mem>> -> memref<!tpu.dma_semaphore, #tpu.memory_space<semaphore_mem>>
      tpu.wait_indirect_dma semaphore(%dma_wait3A_293 : memref<!tpu.dma_semaphore, #tpu.memory_space<semaphore_mem>>) src(%dma_wait3A_285 : memref<80x16xf32, #tpu.memory_space<vmem>>) dst(%dma_wait3A_291 : memref<10112x16xf32, #tpu.memory_space<vmem_shared>>)
      %lt3A_294 = arith.constant 24 : i32
      %lt3A_295 = arith.cmpi slt, %scan3A_87, %lt3A_294 : i32
      %convert_element_type3A_296 = arith.extui %lt3A_295 : i1 to i32
      %cond3A_297 = arith.constant 0 : i32
      %cond3A_298 = arith.cmpi ne, %convert_element_type3A_296, %cond3A_297 : i32
      scf.if %cond3A_298 {
        %add3A_341 = arith.constant 5 : i32
        %add3A_342 = arith.addi %add3A_279, %add3A_341 : i32
        %dma_start3A_343 = arith.constant 2 : i32
        %dma_start3A_344 = arith.constant 2 : i32
        %dma_start3A_345 = arith.constant 0 : i32
        %dma_start3A_346 = arith.constant 0 : i32
        %dma_start3A_347 = tpu.memref_slice %arg9[%dma_start3A_343, %dma_start3A_345, %dma_start3A_346] : memref<5x80x16xf32, #tpu.memory_space<vmem>> -> memref<1x80x16xf32, #tpu.memory_space<vmem>>
        %dma_start3A_348 = tpu.memref_squeeze %dma_start3A_347 : memref<1x80x16xf32, #tpu.memory_space<vmem>> -> memref<80x16xf32, #tpu.memory_space<vmem>>
        %dma_start3A_349 = arith.constant 0 : i32
        %dma_start3A_350 = tpu.memref_slice %arg7[%add3A_342, %dma_start3A_349] : memref<125x80xi32, #tpu.memory_space<vmem>> -> memref<1x80xi32, #tpu.memory_space<vmem>>
        %dma_start3A_351 = tpu.memref_squeeze %dma_start3A_350 : memref<1x80xi32, #tpu.memory_space<vmem>> -> memref<80xi32, #tpu.memory_space<vmem>>
        %dma_start3A_352 = arith.constant 0 : i32
        %dma_start3A_353 = arith.constant 0 : i32
        %dma_start3A_354 = tpu.memref_slice %arg2[%dma_start3A_352, %dma_start3A_353] : memref<10000x16xf32, #tpu.memory_space<hbm>> -> memref<10000x16xf32, #tpu.memory_space<hbm>>
        %dma_start3A_355 = tpu.memref_slice %arg11[%dma_start3A_344] : memref<5x!tpu.dma_semaphore, #tpu.memory_space<semaphore_mem>> -> memref<1x!tpu.dma_semaphore, #tpu.memory_space<semaphore_mem>>
        %dma_start3A_356 = tpu.memref_squeeze %dma_start3A_355 : memref<1x!tpu.dma_semaphore, #tpu.memory_space<semaphore_mem>> -> memref<!tpu.dma_semaphore, #tpu.memory_space<semaphore_mem>>
        tpu.enqueue_indirect_dma source(%dma_start3A_354 : memref<10000x16xf32, #tpu.memory_space<hbm>>) target(%dma_start3A_348 : memref<80x16xf32, #tpu.memory_space<vmem>>) offsets(%dma_start3A_351 : memref<80xi32, #tpu.memory_space<vmem>>) semaphore(%dma_start3A_356 : memref<!tpu.dma_semaphore, #tpu.memory_space<semaphore_mem>>)
      } else {
      }
      %add3A_299 = arith.constant 3 : i32
      %add3A_300 = arith.addi %mul3A_89, %add3A_299 : i32
      %dma_wait3A_301 = arith.constant 3 : i32
      %dma_wait3A_302 = arith.constant 3 : i32
      %dma_wait3A_303 = arith.constant 0 : i32
      %dma_wait3A_304 = arith.constant 0 : i32
      %dma_wait3A_305 = tpu.memref_slice %arg9[%dma_wait3A_301, %dma_wait3A_303, %dma_wait3A_304] : memref<5x80x16xf32, #tpu.memory_space<vmem>> -> memref<1x80x16xf32, #tpu.memory_space<vmem>>
      %dma_wait3A_306 = tpu.memref_squeeze %dma_wait3A_305 : memref<1x80x16xf32, #tpu.memory_space<vmem>> -> memref<80x16xf32, #tpu.memory_space<vmem>>
      %dma_wait3A_307 = arith.constant 0 : i32
      %dma_wait3A_308 = tpu.memref_slice %arg8[%add3A_300, %dma_wait3A_307] : memref<125x80xi32, #tpu.memory_space<vmem>> -> memref<1x80xi32, #tpu.memory_space<vmem>>
      %dma_wait3A_309 = tpu.memref_squeeze %dma_wait3A_308 : memref<1x80xi32, #tpu.memory_space<vmem>> -> memref<80xi32, #tpu.memory_space<vmem>>
      %dma_wait3A_310 = arith.constant 0 : i32
      %dma_wait3A_311 = arith.constant 0 : i32
      %dma_wait3A_312 = tpu.memref_slice %arg10[%dma_wait3A_310, %dma_wait3A_311] : memref<10112x16xf32, #tpu.memory_space<vmem_shared>> -> memref<10112x16xf32, #tpu.memory_space<vmem_shared>>
      %dma_wait3A_313 = tpu.memref_slice %arg12[%dma_wait3A_302] : memref<5x!tpu.dma_semaphore, #tpu.memory_space<semaphore_mem>> -> memref<1x!tpu.dma_semaphore, #tpu.memory_space<semaphore_mem>>
      %dma_wait3A_314 = tpu.memref_squeeze %dma_wait3A_313 : memref<1x!tpu.dma_semaphore, #tpu.memory_space<semaphore_mem>> -> memref<!tpu.dma_semaphore, #tpu.memory_space<semaphore_mem>>
      tpu.wait_indirect_dma semaphore(%dma_wait3A_314 : memref<!tpu.dma_semaphore, #tpu.memory_space<semaphore_mem>>) src(%dma_wait3A_306 : memref<80x16xf32, #tpu.memory_space<vmem>>) dst(%dma_wait3A_312 : memref<10112x16xf32, #tpu.memory_space<vmem_shared>>)
      %lt3A_315 = arith.constant 24 : i32
      %lt3A_316 = arith.cmpi slt, %scan3A_87, %lt3A_315 : i32
      %convert_element_type3A_317 = arith.extui %lt3A_316 : i1 to i32
      %cond3A_318 = arith.constant 0 : i32
      %cond3A_319 = arith.cmpi ne, %convert_element_type3A_317, %cond3A_318 : i32
      scf.if %cond3A_319 {
        %add3A_341 = arith.constant 5 : i32
        %add3A_342 = arith.addi %add3A_300, %add3A_341 : i32
        %dma_start3A_343 = arith.constant 3 : i32
        %dma_start3A_344 = arith.constant 3 : i32
        %dma_start3A_345 = arith.constant 0 : i32
        %dma_start3A_346 = arith.constant 0 : i32
        %dma_start3A_347 = tpu.memref_slice %arg9[%dma_start3A_343, %dma_start3A_345, %dma_start3A_346] : memref<5x80x16xf32, #tpu.memory_space<vmem>> -> memref<1x80x16xf32, #tpu.memory_space<vmem>>
        %dma_start3A_348 = tpu.memref_squeeze %dma_start3A_347 : memref<1x80x16xf32, #tpu.memory_space<vmem>> -> memref<80x16xf32, #tpu.memory_space<vmem>>
        %dma_start3A_349 = arith.constant 0 : i32
        %dma_start3A_350 = tpu.memref_slice %arg7[%add3A_342, %dma_start3A_349] : memref<125x80xi32, #tpu.memory_space<vmem>> -> memref<1x80xi32, #tpu.memory_space<vmem>>
        %dma_start3A_351 = tpu.memref_squeeze %dma_start3A_350 : memref<1x80xi32, #tpu.memory_space<vmem>> -> memref<80xi32, #tpu.memory_space<vmem>>
        %dma_start3A_352 = arith.constant 0 : i32
        %dma_start3A_353 = arith.constant 0 : i32
        %dma_start3A_354 = tpu.memref_slice %arg2[%dma_start3A_352, %dma_start3A_353] : memref<10000x16xf32, #tpu.memory_space<hbm>> -> memref<10000x16xf32, #tpu.memory_space<hbm>>
        %dma_start3A_355 = tpu.memref_slice %arg11[%dma_start3A_344] : memref<5x!tpu.dma_semaphore, #tpu.memory_space<semaphore_mem>> -> memref<1x!tpu.dma_semaphore, #tpu.memory_space<semaphore_mem>>
        %dma_start3A_356 = tpu.memref_squeeze %dma_start3A_355 : memref<1x!tpu.dma_semaphore, #tpu.memory_space<semaphore_mem>> -> memref<!tpu.dma_semaphore, #tpu.memory_space<semaphore_mem>>
        tpu.enqueue_indirect_dma source(%dma_start3A_354 : memref<10000x16xf32, #tpu.memory_space<hbm>>) target(%dma_start3A_348 : memref<80x16xf32, #tpu.memory_space<vmem>>) offsets(%dma_start3A_351 : memref<80xi32, #tpu.memory_space<vmem>>) semaphore(%dma_start3A_356 : memref<!tpu.dma_semaphore, #tpu.memory_space<semaphore_mem>>)
      } else {
      }
      %add3A_320 = arith.constant 4 : i32
      %add3A_321 = arith.addi %mul3A_89, %add3A_320 : i32
      %dma_wait3A_322 = arith.constant 4 : i32
      %dma_wait3A_323 = arith.constant 4 : i32
      %dma_wait3A_324 = arith.constant 0 : i32
      %dma_wait3A_325 = arith.constant 0 : i32
      %dma_wait3A_326 = tpu.memref_slice %arg9[%dma_wait3A_322, %dma_wait3A_324, %dma_wait3A_325] : memref<5x80x16xf32, #tpu.memory_space<vmem>> -> memref<1x80x16xf32, #tpu.memory_space<vmem>>
      %dma_wait3A_327 = tpu.memref_squeeze %dma_wait3A_326 : memref<1x80x16xf32, #tpu.memory_space<vmem>> -> memref<80x16xf32, #tpu.memory_space<vmem>>
      %dma_wait3A_328 = arith.constant 0 : i32
      %dma_wait3A_329 = tpu.memref_slice %arg8[%add3A_321, %dma_wait3A_328] : memref<125x80xi32, #tpu.memory_space<vmem>> -> memref<1x80xi32, #tpu.memory_space<vmem>>
      %dma_wait3A_330 = tpu.memref_squeeze %dma_wait3A_329 : memref<1x80xi32, #tpu.memory_space<vmem>> -> memref<80xi32, #tpu.memory_space<vmem>>
      %dma_wait3A_331 = arith.constant 0 : i32
      %dma_wait3A_332 = arith.constant 0 : i32
      %dma_wait3A_333 = tpu.memref_slice %arg10[%dma_wait3A_331, %dma_wait3A_332] : memref<10112x16xf32, #tpu.memory_space<vmem_shared>> -> memref<10112x16xf32, #tpu.memory_space<vmem_shared>>
      %dma_wait3A_334 = tpu.memref_slice %arg12[%dma_wait3A_323] : memref<5x!tpu.dma_semaphore, #tpu.memory_space<semaphore_mem>> -> memref<1x!tpu.dma_semaphore, #tpu.memory_space<semaphore_mem>>
      %dma_wait3A_335 = tpu.memref_squeeze %dma_wait3A_334 : memref<1x!tpu.dma_semaphore, #tpu.memory_space<semaphore_mem>> -> memref<!tpu.dma_semaphore, #tpu.memory_space<semaphore_mem>>
      tpu.wait_indirect_dma semaphore(%dma_wait3A_335 : memref<!tpu.dma_semaphore, #tpu.memory_space<semaphore_mem>>) src(%dma_wait3A_327 : memref<80x16xf32, #tpu.memory_space<vmem>>) dst(%dma_wait3A_333 : memref<10112x16xf32, #tpu.memory_space<vmem_shared>>)
      %lt3A_336 = arith.constant 24 : i32
      %lt3A_337 = arith.cmpi slt, %scan3A_87, %lt3A_336 : i32
      %convert_element_type3A_338 = arith.extui %lt3A_337 : i1 to i32
      %cond3A_339 = arith.constant 0 : i32
      %cond3A_340 = arith.cmpi ne, %convert_element_type3A_338, %cond3A_339 : i32
      scf.if %cond3A_340 {
        %add3A_341 = arith.constant 5 : i32
        %add3A_342 = arith.addi %add3A_321, %add3A_341 : i32
        %dma_start3A_343 = arith.constant 4 : i32
        %dma_start3A_344 = arith.constant 4 : i32
        %dma_start3A_345 = arith.constant 0 : i32
        %dma_start3A_346 = arith.constant 0 : i32
        %dma_start3A_347 = tpu.memref_slice %arg9[%dma_start3A_343, %dma_start3A_345, %dma_start3A_346] : memref<5x80x16xf32, #tpu.memory_space<vmem>> -> memref<1x80x16xf32, #tpu.memory_space<vmem>>
        %dma_start3A_348 = tpu.memref_squeeze %dma_start3A_347 : memref<1x80x16xf32, #tpu.memory_space<vmem>> -> memref<80x16xf32, #tpu.memory_space<vmem>>
        %dma_start3A_349 = arith.constant 0 : i32
        %dma_start3A_350 = tpu.memref_slice %arg7[%add3A_342, %dma_start3A_349] : memref<125x80xi32, #tpu.memory_space<vmem>> -> memref<1x80xi32, #tpu.memory_space<vmem>>
        %dma_start3A_351 = tpu.memref_squeeze %dma_start3A_350 : memref<1x80xi32, #tpu.memory_space<vmem>> -> memref<80xi32, #tpu.memory_space<vmem>>
        %dma_start3A_352 = arith.constant 0 : i32
        %dma_start3A_353 = arith.constant 0 : i32
        %dma_start3A_354 = tpu.memref_slice %arg2[%dma_start3A_352, %dma_start3A_353] : memref<10000x16xf32, #tpu.memory_space<hbm>> -> memref<10000x16xf32, #tpu.memory_space<hbm>>
        %dma_start3A_355 = tpu.memref_slice %arg11[%dma_start3A_344] : memref<5x!tpu.dma_semaphore, #tpu.memory_space<semaphore_mem>> -> memref<1x!tpu.dma_semaphore, #tpu.memory_space<semaphore_mem>>
        %dma_start3A_356 = tpu.memref_squeeze %dma_start3A_355 : memref<1x!tpu.dma_semaphore, #tpu.memory_space<semaphore_mem>> -> memref<!tpu.dma_semaphore, #tpu.memory_space<semaphore_mem>>
        tpu.enqueue_indirect_dma source(%dma_start3A_354 : memref<10000x16xf32, #tpu.memory_space<hbm>>) target(%dma_start3A_348 : memref<80x16xf32, #tpu.memory_space<vmem>>) offsets(%dma_start3A_351 : memref<80xi32, #tpu.memory_space<vmem>>) semaphore(%dma_start3A_356 : memref<!tpu.dma_semaphore, #tpu.memory_space<semaphore_mem>>)
      } else {
      }
    }
    %scan3A_81 = arith.constant 25 : i32
    %barrier3A_82 = arith.constant 0 : index
    tpu.barrier barrier_id(%barrier3A_82)
    %mul3A_83 = arith.constant 632 : i32
    %mul3A_84 = arith.muli %arg1, %mul3A_83 : i32
    %mul3A_85 = arith.constant 632 : i32
    %mul3A_86 = arith.muli %arg1, %mul3A_85 : i32
    "tpu.region"() ({
      %run_scoped3A = tpu.sem_alloc : memref<!tpu.dma_semaphore, #tpu.memory_space<semaphore_mem>>
      %dma_start3A_87 = arith.constant 0 : i32
      %dma_start3A_88 = tpu.memref_slice %arg6[%arg0, %mul3A_86, %dma_start3A_87] : memref<2x10112x16xf32, #tpu.memory_space<hbm>> -> memref<1x632x16xf32, #tpu.memory_space<hbm>>
      %dma_start3A_89 = tpu.memref_squeeze %dma_start3A_88 : memref<1x632x16xf32, #tpu.memory_space<hbm>> -> memref<632x16xf32, #tpu.memory_space<hbm>>
      %dma_start3A_90 = arith.constant 0 : i32
      %dma_start3A_91 = tpu.memref_slice %arg10[%mul3A_84, %dma_start3A_90] : memref<10112x16xf32, #tpu.memory_space<vmem_shared>> -> memref<632x16xf32, #tpu.memory_space<vmem_shared>>
      tpu.enqueue_dma source(%dma_start3A_91 : memref<632x16xf32, #tpu.memory_space<vmem_shared>>) target(%dma_start3A_89 : memref<632x16xf32, #tpu.memory_space<hbm>>) target_semaphore(%run_scoped3A : memref<!tpu.dma_semaphore, #tpu.memory_space<semaphore_mem>>)
      %dma_wait3A = arith.constant 0 : i32
      %dma_wait3A_92 = tpu.memref_slice %arg6[%arg0, %mul3A_86, %dma_wait3A] : memref<2x10112x16xf32, #tpu.memory_space<hbm>> -> memref<1x632x16xf32, #tpu.memory_space<hbm>>
      %dma_wait3A_93 = tpu.memref_squeeze %dma_wait3A_92 : memref<1x632x16xf32, #tpu.memory_space<hbm>> -> memref<632x16xf32, #tpu.memory_space<hbm>>
      %dma_wait3A_94 = arith.constant 0 : i32
      %dma_wait3A_95 = tpu.memref_slice %arg10[%mul3A_84, %dma_wait3A_94] : memref<10112x16xf32, #tpu.memory_space<vmem_shared>> -> memref<632x16xf32, #tpu.memory_space<vmem_shared>>
      tpu.wait_dma2 semaphore(%run_scoped3A : memref<!tpu.dma_semaphore, #tpu.memory_space<semaphore_mem>>) src(%dma_wait3A_95 : memref<632x16xf32, #tpu.memory_space<vmem_shared>>) dst(%dma_wait3A_93 : memref<632x16xf32, #tpu.memory_space<hbm>>)
      tpu.yield
    }) : () -> ()
    return
  }
}

#map = affine_map<(d0, d1) -> (0, 0)>
#map1 = affine_map<(d0, d1) -> (0, 0, 0)>
module attributes {stable_mosaic.version = 14 : i64} {
  func.func @k(%arg0: i32, %arg1: i32, %arg2: memref<10112x16xf32, #tpu.memory_space<hbm>>, %arg3: memref<32x125x80xi32, #tpu.memory_space<hbm>>, %arg4: memref<32x125x80xi32, #tpu.memory_space<hbm>>, %arg5: memref<632x16xf32, #tpu.memory_space<hbm>>, %arg6: memref<2x10112x16xf32, #tpu.memory_space<hbm>>, %arg7: memref<125x80xi32, #tpu.memory_space<vmem>>, %arg8: memref<125x80xi32, #tpu.memory_space<vmem>>, %arg9: memref<5x80x16xf32, #tpu.memory_space<vmem>>, %arg10: memref<10112x16xf32, #tpu.memory_space<vmem_shared>>, %arg11: memref<5x!tpu.dma_semaphore, #tpu.memory_space<semaphore_mem>>, %arg12: memref<5x!tpu.dma_semaphore, #tpu.memory_space<semaphore_mem>>) attributes {dimension_semantics = [#tpu.dimension_semantics<core_parallel>, #tpu.dimension_semantics<subcore_parallel>], iteration_bounds = array<i64: 2, 16>, scalar_prefetch = 0 : i64, scratch_operands = 6 : i64, tpu.core_type = #tpu.core_type<sc_vector_subcore>, window_params = [{transform_indices = #map}, {transform_indices = #map1}, {transform_indices = #map1}, {transform_indices = #map}, {transform_indices = #map1}]} {
    %mul3A = arith.constant 16 : i32
    %mul3A_0 = arith.muli %arg0, %mul3A : i32
    %add3A = arith.addi %mul3A_0, %arg1 : i32
    %mul3A_1 = arith.constant 632 : i32
    %mul3A_2 = arith.muli %arg1, %mul3A_1 : i32
    "tpu.region"() ({
      %run_scoped3A = tpu.sem_alloc : memref<!tpu.dma_semaphore, #tpu.memory_space<semaphore_mem>>
      %dma_start3A_87 = arith.constant 0 : i32
      %dma_start3A_88 = tpu.memref_slice %arg10[%mul3A_2, %dma_start3A_87] : memref<10112x16xf32, #tpu.memory_space<vmem_shared>> -> memref<632x16xf32, #tpu.memory_space<vmem_shared>>
      tpu.enqueue_dma source(%arg5 : memref<632x16xf32, #tpu.memory_space<hbm>>) target(%dma_start3A_88 : memref<632x16xf32, #tpu.memory_space<vmem_shared>>) target_semaphore(%run_scoped3A : memref<!tpu.dma_semaphore, #tpu.memory_space<semaphore_mem>>)
      %dma_wait3A = arith.constant 0 : i32
      %dma_wait3A_89 = tpu.memref_slice %arg10[%mul3A_2, %dma_wait3A] : memref<10112x16xf32, #tpu.memory_space<vmem_shared>> -> memref<632x16xf32, #tpu.memory_space<vmem_shared>>
      tpu.wait_dma2 semaphore(%run_scoped3A : memref<!tpu.dma_semaphore, #tpu.memory_space<semaphore_mem>>) src(%arg5 : memref<632x16xf32, #tpu.memory_space<hbm>>) dst(%dma_wait3A_89 : memref<632x16xf32, #tpu.memory_space<vmem_shared>>)
      tpu.yield
    }) : () -> ()
    "tpu.region"() ({
      %run_scoped3A = tpu.sem_alloc : memref<!tpu.dma_semaphore, #tpu.memory_space<semaphore_mem>>
      %dma_start3A_87 = arith.constant 0 : i32
      %dma_start3A_88 = arith.constant 0 : i32
      %dma_start3A_89 = tpu.memref_slice %arg3[%add3A, %dma_start3A_87, %dma_start3A_88] : memref<32x125x80xi32, #tpu.memory_space<hbm>> -> memref<1x125x80xi32, #tpu.memory_space<hbm>>
      %dma_start3A_90 = tpu.memref_squeeze %dma_start3A_89 : memref<1x125x80xi32, #tpu.memory_space<hbm>> -> memref<125x80xi32, #tpu.memory_space<hbm>>
      %dma_start3A_91 = arith.constant 0 : i32
      %dma_start3A_92 = arith.constant 0 : i32
      %dma_start3A_93 = tpu.memref_slice %arg3[%add3A, %dma_start3A_91, %dma_start3A_92] : memref<32x125x80xi32, #tpu.memory_space<hbm>> -> memref<1x125x80xi32, #tpu.memory_space<hbm>>
      %dma_start3A_94 = tpu.memref_squeeze %dma_start3A_93 : memref<1x125x80xi32, #tpu.memory_space<hbm>> -> memref<125x80xi32, #tpu.memory_space<hbm>>
      tpu.enqueue_dma source(%dma_start3A_94 : memref<125x80xi32, #tpu.memory_space<hbm>>) target(%arg7 : memref<125x80xi32, #tpu.memory_space<vmem>>) target_semaphore(%run_scoped3A : memref<!tpu.dma_semaphore, #tpu.memory_space<semaphore_mem>>)
      %dma_wait3A = arith.constant 0 : i32
      %dma_wait3A_95 = arith.constant 0 : i32
      %dma_wait3A_96 = tpu.memref_slice %arg3[%add3A, %dma_wait3A, %dma_wait3A_95] : memref<32x125x80xi32, #tpu.memory_space<hbm>> -> memref<1x125x80xi32, #tpu.memory_space<hbm>>
      %dma_wait3A_97 = tpu.memref_squeeze %dma_wait3A_96 : memref<1x125x80xi32, #tpu.memory_space<hbm>> -> memref<125x80xi32, #tpu.memory_space<hbm>>
      %dma_wait3A_98 = arith.constant 0 : i32
      %dma_wait3A_99 = arith.constant 0 : i32
      %dma_wait3A_100 = tpu.memref_slice %arg3[%add3A, %dma_wait3A_98, %dma_wait3A_99] : memref<32x125x80xi32, #tpu.memory_space<hbm>> -> memref<1x125x80xi32, #tpu.memory_space<hbm>>
      %dma_wait3A_101 = tpu.memref_squeeze %dma_wait3A_100 : memref<1x125x80xi32, #tpu.memory_space<hbm>> -> memref<125x80xi32, #tpu.memory_space<hbm>>
      tpu.wait_dma2 semaphore(%run_scoped3A : memref<!tpu.dma_semaphore, #tpu.memory_space<semaphore_mem>>) src(%dma_wait3A_101 : memref<125x80xi32, #tpu.memory_space<hbm>>) dst(%arg7 : memref<125x80xi32, #tpu.memory_space<vmem>>)
      tpu.yield
    }) : () -> ()
    "tpu.region"() ({
      %run_scoped3A = tpu.sem_alloc : memref<!tpu.dma_semaphore, #tpu.memory_space<semaphore_mem>>
      %dma_start3A_87 = arith.constant 0 : i32
      %dma_start3A_88 = arith.constant 0 : i32
      %dma_start3A_89 = tpu.memref_slice %arg4[%add3A, %dma_start3A_87, %dma_start3A_88] : memref<32x125x80xi32, #tpu.memory_space<hbm>> -> memref<1x125x80xi32, #tpu.memory_space<hbm>>
      %dma_start3A_90 = tpu.memref_squeeze %dma_start3A_89 : memref<1x125x80xi32, #tpu.memory_space<hbm>> -> memref<125x80xi32, #tpu.memory_space<hbm>>
      %dma_start3A_91 = arith.constant 0 : i32
      %dma_start3A_92 = arith.constant 0 : i32
      %dma_start3A_93 = tpu.memref_slice %arg4[%add3A, %dma_start3A_91, %dma_start3A_92] : memref<32x125x80xi32, #tpu.memory_space<hbm>> -> memref<1x125x80xi32, #tpu.memory_space<hbm>>
      %dma_start3A_94 = tpu.memref_squeeze %dma_start3A_93 : memref<1x125x80xi32, #tpu.memory_space<hbm>> -> memref<125x80xi32, #tpu.memory_space<hbm>>
      tpu.enqueue_dma source(%dma_start3A_94 : memref<125x80xi32, #tpu.memory_space<hbm>>) target(%arg8 : memref<125x80xi32, #tpu.memory_space<vmem>>) target_semaphore(%run_scoped3A : memref<!tpu.dma_semaphore, #tpu.memory_space<semaphore_mem>>)
      %dma_wait3A = arith.constant 0 : i32
      %dma_wait3A_95 = arith.constant 0 : i32
      %dma_wait3A_96 = tpu.memref_slice %arg4[%add3A, %dma_wait3A, %dma_wait3A_95] : memref<32x125x80xi32, #tpu.memory_space<hbm>> -> memref<1x125x80xi32, #tpu.memory_space<hbm>>
      %dma_wait3A_97 = tpu.memref_squeeze %dma_wait3A_96 : memref<1x125x80xi32, #tpu.memory_space<hbm>> -> memref<125x80xi32, #tpu.memory_space<hbm>>
      %dma_wait3A_98 = arith.constant 0 : i32
      %dma_wait3A_99 = arith.constant 0 : i32
      %dma_wait3A_100 = tpu.memref_slice %arg4[%add3A, %dma_wait3A_98, %dma_wait3A_99] : memref<32x125x80xi32, #tpu.memory_space<hbm>> -> memref<1x125x80xi32, #tpu.memory_space<hbm>>
      %dma_wait3A_101 = tpu.memref_squeeze %dma_wait3A_100 : memref<1x125x80xi32, #tpu.memory_space<hbm>> -> memref<125x80xi32, #tpu.memory_space<hbm>>
      tpu.wait_dma2 semaphore(%run_scoped3A : memref<!tpu.dma_semaphore, #tpu.memory_space<semaphore_mem>>) src(%dma_wait3A_101 : memref<125x80xi32, #tpu.memory_space<hbm>>) dst(%arg8 : memref<125x80xi32, #tpu.memory_space<vmem>>)
      tpu.yield
    }) : () -> ()
    %barrier3A = arith.constant 0 : index
    tpu.barrier barrier_id(%barrier3A)
    %dma_start3A = arith.constant 0 : i32
    %dma_start3A_3 = arith.constant 0 : i32
    %dma_start3A_4 = arith.constant 0 : i32
    %dma_start3A_5 = arith.constant 0 : i32
    %dma_start3A_6 = arith.constant 0 : i32
    %dma_start3A_7 = tpu.memref_slice %arg9[%dma_start3A_3, %dma_start3A_5, %dma_start3A_6] : memref<5x80x16xf32, #tpu.memory_space<vmem>> -> memref<1x80x16xf32, #tpu.memory_space<vmem>>
    %dma_start3A_8 = tpu.memref_squeeze %dma_start3A_7 : memref<1x80x16xf32, #tpu.memory_space<vmem>> -> memref<80x16xf32, #tpu.memory_space<vmem>>
    %dma_start3A_9 = arith.constant 0 : i32
    %dma_start3A_10 = tpu.memref_slice %arg7[%dma_start3A, %dma_start3A_9] : memref<125x80xi32, #tpu.memory_space<vmem>> -> memref<1x80xi32, #tpu.memory_space<vmem>>
    %dma_start3A_11 = tpu.memref_squeeze %dma_start3A_10 : memref<1x80xi32, #tpu.memory_space<vmem>> -> memref<80xi32, #tpu.memory_space<vmem>>
    %dma_start3A_12 = arith.constant 0 : i32
    %dma_start3A_13 = arith.constant 0 : i32
    %dma_start3A_14 = tpu.memref_slice %arg2[%dma_start3A_12, %dma_start3A_13] : memref<10112x16xf32, #tpu.memory_space<hbm>> -> memref<10112x16xf32, #tpu.memory_space<hbm>>
    %dma_start3A_15 = tpu.memref_slice %arg11[%dma_start3A_4] : memref<5x!tpu.dma_semaphore, #tpu.memory_space<semaphore_mem>> -> memref<1x!tpu.dma_semaphore, #tpu.memory_space<semaphore_mem>>
    %dma_start3A_16 = tpu.memref_squeeze %dma_start3A_15 : memref<1x!tpu.dma_semaphore, #tpu.memory_space<semaphore_mem>> -> memref<!tpu.dma_semaphore, #tpu.memory_space<semaphore_mem>>
    tpu.enqueue_indirect_dma source(%dma_start3A_14 : memref<10112x16xf32, #tpu.memory_space<hbm>>) target(%dma_start3A_8 : memref<80x16xf32, #tpu.memory_space<vmem>>) offsets(%dma_start3A_11 : memref<80xi32, #tpu.memory_space<vmem>>) semaphore(%dma_start3A_16 : memref<!tpu.dma_semaphore, #tpu.memory_space<semaphore_mem>>)
    %dma_start3A_17 = arith.constant 1 : i32
    %dma_start3A_18 = arith.constant 1 : i32
    %dma_start3A_19 = arith.constant 1 : i32
    %dma_start3A_20 = arith.constant 0 : i32
    %dma_start3A_21 = arith.constant 0 : i32
    %dma_start3A_22 = tpu.memref_slice %arg9[%dma_start3A_18, %dma_start3A_20, %dma_start3A_21] : memref<5x80x16xf32, #tpu.memory_space<vmem>> -> memref<1x80x16xf32, #tpu.memory_space<vmem>>
    %dma_start3A_23 = tpu.memref_squeeze %dma_start3A_22 : memref<1x80x16xf32, #tpu.memory_space<vmem>> -> memref<80x16xf32, #tpu.memory_space<vmem>>
    %dma_start3A_24 = arith.constant 0 : i32
    %dma_start3A_25 = tpu.memref_slice %arg7[%dma_start3A_17, %dma_start3A_24] : memref<125x80xi32, #tpu.memory_space<vmem>> -> memref<1x80xi32, #tpu.memory_space<vmem>>
    %dma_start3A_26 = tpu.memref_squeeze %dma_start3A_25 : memref<1x80xi32, #tpu.memory_space<vmem>> -> memref<80xi32, #tpu.memory_space<vmem>>
    %dma_start3A_27 = arith.constant 0 : i32
    %dma_start3A_28 = arith.constant 0 : i32
    %dma_start3A_29 = tpu.memref_slice %arg2[%dma_start3A_27, %dma_start3A_28] : memref<10112x16xf32, #tpu.memory_space<hbm>> -> memref<10112x16xf32, #tpu.memory_space<hbm>>
    %dma_start3A_30 = tpu.memref_slice %arg11[%dma_start3A_19] : memref<5x!tpu.dma_semaphore, #tpu.memory_space<semaphore_mem>> -> memref<1x!tpu.dma_semaphore, #tpu.memory_space<semaphore_mem>>
    %dma_start3A_31 = tpu.memref_squeeze %dma_start3A_30 : memref<1x!tpu.dma_semaphore, #tpu.memory_space<semaphore_mem>> -> memref<!tpu.dma_semaphore, #tpu.memory_space<semaphore_mem>>
    tpu.enqueue_indirect_dma source(%dma_start3A_29 : memref<10112x16xf32, #tpu.memory_space<hbm>>) target(%dma_start3A_23 : memref<80x16xf32, #tpu.memory_space<vmem>>) offsets(%dma_start3A_26 : memref<80xi32, #tpu.memory_space<vmem>>) semaphore(%dma_start3A_31 : memref<!tpu.dma_semaphore, #tpu.memory_space<semaphore_mem>>)
    %dma_start3A_32 = arith.constant 2 : i32
    %dma_start3A_33 = arith.constant 2 : i32
    %dma_start3A_34 = arith.constant 2 : i32
    %dma_start3A_35 = arith.constant 0 : i32
    %dma_start3A_36 = arith.constant 0 : i32
    %dma_start3A_37 = tpu.memref_slice %arg9[%dma_start3A_33, %dma_start3A_35, %dma_start3A_36] : memref<5x80x16xf32, #tpu.memory_space<vmem>> -> memref<1x80x16xf32, #tpu.memory_space<vmem>>
    %dma_start3A_38 = tpu.memref_squeeze %dma_start3A_37 : memref<1x80x16xf32, #tpu.memory_space<vmem>> -> memref<80x16xf32, #tpu.memory_space<vmem>>
    %dma_start3A_39 = arith.constant 0 : i32
    %dma_start3A_40 = tpu.memref_slice %arg7[%dma_start3A_32, %dma_start3A_39] : memref<125x80xi32, #tpu.memory_space<vmem>> -> memref<1x80xi32, #tpu.memory_space<vmem>>
    %dma_start3A_41 = tpu.memref_squeeze %dma_start3A_40 : memref<1x80xi32, #tpu.memory_space<vmem>> -> memref<80xi32, #tpu.memory_space<vmem>>
    %dma_start3A_42 = arith.constant 0 : i32
    %dma_start3A_43 = arith.constant 0 : i32
    %dma_start3A_44 = tpu.memref_slice %arg2[%dma_start3A_42, %dma_start3A_43] : memref<10112x16xf32, #tpu.memory_space<hbm>> -> memref<10112x16xf32, #tpu.memory_space<hbm>>
    %dma_start3A_45 = tpu.memref_slice %arg11[%dma_start3A_34] : memref<5x!tpu.dma_semaphore, #tpu.memory_space<semaphore_mem>> -> memref<1x!tpu.dma_semaphore, #tpu.memory_space<semaphore_mem>>
    %dma_start3A_46 = tpu.memref_squeeze %dma_start3A_45 : memref<1x!tpu.dma_semaphore, #tpu.memory_space<semaphore_mem>> -> memref<!tpu.dma_semaphore, #tpu.memory_space<semaphore_mem>>
    tpu.enqueue_indirect_dma source(%dma_start3A_44 : memref<10112x16xf32, #tpu.memory_space<hbm>>) target(%dma_start3A_38 : memref<80x16xf32, #tpu.memory_space<vmem>>) offsets(%dma_start3A_41 : memref<80xi32, #tpu.memory_space<vmem>>) semaphore(%dma_start3A_46 : memref<!tpu.dma_semaphore, #tpu.memory_space<semaphore_mem>>)
    %dma_start3A_47 = arith.constant 3 : i32
    %dma_start3A_48 = arith.constant 3 : i32
    %dma_start3A_49 = arith.constant 3 : i32
    %dma_start3A_50 = arith.constant 0 : i32
    %dma_start3A_51 = arith.constant 0 : i32
    %dma_start3A_52 = tpu.memref_slice %arg9[%dma_start3A_48, %dma_start3A_50, %dma_start3A_51] : memref<5x80x16xf32, #tpu.memory_space<vmem>> -> memref<1x80x16xf32, #tpu.memory_space<vmem>>
    %dma_start3A_53 = tpu.memref_squeeze %dma_start3A_52 : memref<1x80x16xf32, #tpu.memory_space<vmem>> -> memref<80x16xf32, #tpu.memory_space<vmem>>
    %dma_start3A_54 = arith.constant 0 : i32
    %dma_start3A_55 = tpu.memref_slice %arg7[%dma_start3A_47, %dma_start3A_54] : memref<125x80xi32, #tpu.memory_space<vmem>> -> memref<1x80xi32, #tpu.memory_space<vmem>>
    %dma_start3A_56 = tpu.memref_squeeze %dma_start3A_55 : memref<1x80xi32, #tpu.memory_space<vmem>> -> memref<80xi32, #tpu.memory_space<vmem>>
    %dma_start3A_57 = arith.constant 0 : i32
    %dma_start3A_58 = arith.constant 0 : i32
    %dma_start3A_59 = tpu.memref_slice %arg2[%dma_start3A_57, %dma_start3A_58] : memref<10112x16xf32, #tpu.memory_space<hbm>> -> memref<10112x16xf32, #tpu.memory_space<hbm>>
    %dma_start3A_60 = tpu.memref_slice %arg11[%dma_start3A_49] : memref<5x!tpu.dma_semaphore, #tpu.memory_space<semaphore_mem>> -> memref<1x!tpu.dma_semaphore, #tpu.memory_space<semaphore_mem>>
    %dma_start3A_61 = tpu.memref_squeeze %dma_start3A_60 : memref<1x!tpu.dma_semaphore, #tpu.memory_space<semaphore_mem>> -> memref<!tpu.dma_semaphore, #tpu.memory_space<semaphore_mem>>
    tpu.enqueue_indirect_dma source(%dma_start3A_59 : memref<10112x16xf32, #tpu.memory_space<hbm>>) target(%dma_start3A_53 : memref<80x16xf32, #tpu.memory_space<vmem>>) offsets(%dma_start3A_56 : memref<80xi32, #tpu.memory_space<vmem>>) semaphore(%dma_start3A_61 : memref<!tpu.dma_semaphore, #tpu.memory_space<semaphore_mem>>)
    %dma_start3A_62 = arith.constant 4 : i32
    %dma_start3A_63 = arith.constant 4 : i32
    %dma_start3A_64 = arith.constant 4 : i32
    %dma_start3A_65 = arith.constant 0 : i32
    %dma_start3A_66 = arith.constant 0 : i32
    %dma_start3A_67 = tpu.memref_slice %arg9[%dma_start3A_63, %dma_start3A_65, %dma_start3A_66] : memref<5x80x16xf32, #tpu.memory_space<vmem>> -> memref<1x80x16xf32, #tpu.memory_space<vmem>>
    %dma_start3A_68 = tpu.memref_squeeze %dma_start3A_67 : memref<1x80x16xf32, #tpu.memory_space<vmem>> -> memref<80x16xf32, #tpu.memory_space<vmem>>
    %dma_start3A_69 = arith.constant 0 : i32
    %dma_start3A_70 = tpu.memref_slice %arg7[%dma_start3A_62, %dma_start3A_69] : memref<125x80xi32, #tpu.memory_space<vmem>> -> memref<1x80xi32, #tpu.memory_space<vmem>>
    %dma_start3A_71 = tpu.memref_squeeze %dma_start3A_70 : memref<1x80xi32, #tpu.memory_space<vmem>> -> memref<80xi32, #tpu.memory_space<vmem>>
    %dma_start3A_72 = arith.constant 0 : i32
    %dma_start3A_73 = arith.constant 0 : i32
    %dma_start3A_74 = tpu.memref_slice %arg2[%dma_start3A_72, %dma_start3A_73] : memref<10112x16xf32, #tpu.memory_space<hbm>> -> memref<10112x16xf32, #tpu.memory_space<hbm>>
    %dma_start3A_75 = tpu.memref_slice %arg11[%dma_start3A_64] : memref<5x!tpu.dma_semaphore, #tpu.memory_space<semaphore_mem>> -> memref<1x!tpu.dma_semaphore, #tpu.memory_space<semaphore_mem>>
    %dma_start3A_76 = tpu.memref_squeeze %dma_start3A_75 : memref<1x!tpu.dma_semaphore, #tpu.memory_space<semaphore_mem>> -> memref<!tpu.dma_semaphore, #tpu.memory_space<semaphore_mem>>
    tpu.enqueue_indirect_dma source(%dma_start3A_74 : memref<10112x16xf32, #tpu.memory_space<hbm>>) target(%dma_start3A_68 : memref<80x16xf32, #tpu.memory_space<vmem>>) offsets(%dma_start3A_71 : memref<80xi32, #tpu.memory_space<vmem>>) semaphore(%dma_start3A_76 : memref<!tpu.dma_semaphore, #tpu.memory_space<semaphore_mem>>)
    %scan3A = arith.constant 0 : i32
    %scan3A_77 = arith.constant 0 : i32
    %scan3A_78 = arith.constant 25 : i32
    %scan3A_79 = arith.addi %scan3A_77, %scan3A_78 : i32
    %scan3A_80 = arith.constant 1 : i32
    scf.for %scan3A_87 = %scan3A_77 to %scan3A_79 step %scan3A_80  : i32 {
      %mul3A_88 = arith.constant 5 : i32
      %mul3A_89 = arith.muli %scan3A_87, %mul3A_88 : i32
      %add3A_90 = arith.constant 0 : i32
      %add3A_91 = arith.addi %mul3A_89, %add3A_90 : i32
      %dma_wait3A = arith.constant 0 : i32
      %dma_wait3A_92 = arith.constant 0 : i32
      %dma_wait3A_93 = arith.constant 0 : i32
      %dma_wait3A_94 = arith.constant 0 : i32
      %dma_wait3A_95 = tpu.memref_slice %arg9[%dma_wait3A, %dma_wait3A_93, %dma_wait3A_94] : memref<5x80x16xf32, #tpu.memory_space<vmem>> -> memref<1x80x16xf32, #tpu.memory_space<vmem>>
      %dma_wait3A_96 = tpu.memref_squeeze %dma_wait3A_95 : memref<1x80x16xf32, #tpu.memory_space<vmem>> -> memref<80x16xf32, #tpu.memory_space<vmem>>
      %dma_wait3A_97 = arith.constant 0 : i32
      %dma_wait3A_98 = tpu.memref_slice %arg7[%add3A_91, %dma_wait3A_97] : memref<125x80xi32, #tpu.memory_space<vmem>> -> memref<1x80xi32, #tpu.memory_space<vmem>>
      %dma_wait3A_99 = tpu.memref_squeeze %dma_wait3A_98 : memref<1x80xi32, #tpu.memory_space<vmem>> -> memref<80xi32, #tpu.memory_space<vmem>>
      %dma_wait3A_100 = arith.constant 0 : i32
      %dma_wait3A_101 = arith.constant 0 : i32
      %dma_wait3A_102 = tpu.memref_slice %arg2[%dma_wait3A_100, %dma_wait3A_101] : memref<10112x16xf32, #tpu.memory_space<hbm>> -> memref<10112x16xf32, #tpu.memory_space<hbm>>
      %dma_wait3A_103 = tpu.memref_slice %arg11[%dma_wait3A_92] : memref<5x!tpu.dma_semaphore, #tpu.memory_space<semaphore_mem>> -> memref<1x!tpu.dma_semaphore, #tpu.memory_space<semaphore_mem>>
      %dma_wait3A_104 = tpu.memref_squeeze %dma_wait3A_103 : memref<1x!tpu.dma_semaphore, #tpu.memory_space<semaphore_mem>> -> memref<!tpu.dma_semaphore, #tpu.memory_space<semaphore_mem>>
      tpu.wait_indirect_dma semaphore(%dma_wait3A_104 : memref<!tpu.dma_semaphore, #tpu.memory_space<semaphore_mem>>) src(%dma_wait3A_102 : memref<10112x16xf32, #tpu.memory_space<hbm>>) dst(%dma_wait3A_96 : memref<80x16xf32, #tpu.memory_space<vmem>>)
      %dma_start3A_105 = arith.constant 0 : i32
      %dma_start3A_106 = arith.constant 0 : i32
      %dma_start3A_107 = arith.constant 0 : i32
      %dma_start3A_108 = arith.constant 0 : i32
      %dma_start3A_109 = tpu.memref_slice %arg9[%dma_start3A_105, %dma_start3A_107, %dma_start3A_108] : memref<5x80x16xf32, #tpu.memory_space<vmem>> -> memref<1x80x16xf32, #tpu.memory_space<vmem>>
      %dma_start3A_110 = tpu.memref_squeeze %dma_start3A_109 : memref<1x80x16xf32, #tpu.memory_space<vmem>> -> memref<80x16xf32, #tpu.memory_space<vmem>>
      %dma_start3A_111 = arith.constant 0 : i32
      %dma_start3A_112 = tpu.memref_slice %arg8[%add3A_91, %dma_start3A_111] : memref<125x80xi32, #tpu.memory_space<vmem>> -> memref<1x80xi32, #tpu.memory_space<vmem>>
      %dma_start3A_113 = tpu.memref_squeeze %dma_start3A_112 : memref<1x80xi32, #tpu.memory_space<vmem>> -> memref<80xi32, #tpu.memory_space<vmem>>
      %dma_start3A_114 = arith.constant 0 : i32
      %dma_start3A_115 = arith.constant 0 : i32
      %dma_start3A_116 = tpu.memref_slice %arg10[%dma_start3A_114, %dma_start3A_115] : memref<10112x16xf32, #tpu.memory_space<vmem_shared>> -> memref<10112x16xf32, #tpu.memory_space<vmem_shared>>
      %dma_start3A_117 = tpu.memref_slice %arg12[%dma_start3A_106] : memref<5x!tpu.dma_semaphore, #tpu.memory_space<semaphore_mem>> -> memref<1x!tpu.dma_semaphore, #tpu.memory_space<semaphore_mem>>
      %dma_start3A_118 = tpu.memref_squeeze %dma_start3A_117 : memref<1x!tpu.dma_semaphore, #tpu.memory_space<semaphore_mem>> -> memref<!tpu.dma_semaphore, #tpu.memory_space<semaphore_mem>>
      tpu.enqueue_indirect_dma source(%dma_start3A_110 : memref<80x16xf32, #tpu.memory_space<vmem>>) target(%dma_start3A_116 : memref<10112x16xf32, #tpu.memory_space<vmem_shared>>) offsets(%dma_start3A_113 : memref<80xi32, #tpu.memory_space<vmem>>) semaphore(%dma_start3A_118 : memref<!tpu.dma_semaphore, #tpu.memory_space<semaphore_mem>>) {add = true}
      %add3A_119 = arith.constant 1 : i32
      %add3A_120 = arith.addi %mul3A_89, %add3A_119 : i32
      %dma_wait3A_121 = arith.constant 1 : i32
      %dma_wait3A_122 = arith.constant 1 : i32
      %dma_wait3A_123 = arith.constant 0 : i32
      %dma_wait3A_124 = arith.constant 0 : i32
      %dma_wait3A_125 = tpu.memref_slice %arg9[%dma_wait3A_121, %dma_wait3A_123, %dma_wait3A_124] : memref<5x80x16xf32, #tpu.memory_space<vmem>> -> memref<1x80x16xf32, #tpu.memory_space<vmem>>
      %dma_wait3A_126 = tpu.memref_squeeze %dma_wait3A_125 : memref<1x80x16xf32, #tpu.memory_space<vmem>> -> memref<80x16xf32, #tpu.memory_space<vmem>>
      %dma_wait3A_127 = arith.constant 0 : i32
      %dma_wait3A_128 = tpu.memref_slice %arg7[%add3A_120, %dma_wait3A_127] : memref<125x80xi32, #tpu.memory_space<vmem>> -> memref<1x80xi32, #tpu.memory_space<vmem>>
      %dma_wait3A_129 = tpu.memref_squeeze %dma_wait3A_128 : memref<1x80xi32, #tpu.memory_space<vmem>> -> memref<80xi32, #tpu.memory_space<vmem>>
      %dma_wait3A_130 = arith.constant 0 : i32
      %dma_wait3A_131 = arith.constant 0 : i32
      %dma_wait3A_132 = tpu.memref_slice %arg2[%dma_wait3A_130, %dma_wait3A_131] : memref<10112x16xf32, #tpu.memory_space<hbm>> -> memref<10112x16xf32, #tpu.memory_space<hbm>>
      %dma_wait3A_133 = tpu.memref_slice %arg11[%dma_wait3A_122] : memref<5x!tpu.dma_semaphore, #tpu.memory_space<semaphore_mem>> -> memref<1x!tpu.dma_semaphore, #tpu.memory_space<semaphore_mem>>
      %dma_wait3A_134 = tpu.memref_squeeze %dma_wait3A_133 : memref<1x!tpu.dma_semaphore, #tpu.memory_space<semaphore_mem>> -> memref<!tpu.dma_semaphore, #tpu.memory_space<semaphore_mem>>
      tpu.wait_indirect_dma semaphore(%dma_wait3A_134 : memref<!tpu.dma_semaphore, #tpu.memory_space<semaphore_mem>>) src(%dma_wait3A_132 : memref<10112x16xf32, #tpu.memory_space<hbm>>) dst(%dma_wait3A_126 : memref<80x16xf32, #tpu.memory_space<vmem>>)
      %dma_start3A_135 = arith.constant 1 : i32
      %dma_start3A_136 = arith.constant 1 : i32
      %dma_start3A_137 = arith.constant 0 : i32
      %dma_start3A_138 = arith.constant 0 : i32
      %dma_start3A_139 = tpu.memref_slice %arg9[%dma_start3A_135, %dma_start3A_137, %dma_start3A_138] : memref<5x80x16xf32, #tpu.memory_space<vmem>> -> memref<1x80x16xf32, #tpu.memory_space<vmem>>
      %dma_start3A_140 = tpu.memref_squeeze %dma_start3A_139 : memref<1x80x16xf32, #tpu.memory_space<vmem>> -> memref<80x16xf32, #tpu.memory_space<vmem>>
      %dma_start3A_141 = arith.constant 0 : i32
      %dma_start3A_142 = tpu.memref_slice %arg8[%add3A_120, %dma_start3A_141] : memref<125x80xi32, #tpu.memory_space<vmem>> -> memref<1x80xi32, #tpu.memory_space<vmem>>
      %dma_start3A_143 = tpu.memref_squeeze %dma_start3A_142 : memref<1x80xi32, #tpu.memory_space<vmem>> -> memref<80xi32, #tpu.memory_space<vmem>>
      %dma_start3A_144 = arith.constant 0 : i32
      %dma_start3A_145 = arith.constant 0 : i32
      %dma_start3A_146 = tpu.memref_slice %arg10[%dma_start3A_144, %dma_start3A_145] : memref<10112x16xf32, #tpu.memory_space<vmem_shared>> -> memref<10112x16xf32, #tpu.memory_space<vmem_shared>>
      %dma_start3A_147 = tpu.memref_slice %arg12[%dma_start3A_136] : memref<5x!tpu.dma_semaphore, #tpu.memory_space<semaphore_mem>> -> memref<1x!tpu.dma_semaphore, #tpu.memory_space<semaphore_mem>>
      %dma_start3A_148 = tpu.memref_squeeze %dma_start3A_147 : memref<1x!tpu.dma_semaphore, #tpu.memory_space<semaphore_mem>> -> memref<!tpu.dma_semaphore, #tpu.memory_space<semaphore_mem>>
      tpu.enqueue_indirect_dma source(%dma_start3A_140 : memref<80x16xf32, #tpu.memory_space<vmem>>) target(%dma_start3A_146 : memref<10112x16xf32, #tpu.memory_space<vmem_shared>>) offsets(%dma_start3A_143 : memref<80xi32, #tpu.memory_space<vmem>>) semaphore(%dma_start3A_148 : memref<!tpu.dma_semaphore, #tpu.memory_space<semaphore_mem>>) {add = true}
      %add3A_149 = arith.constant 2 : i32
      %add3A_150 = arith.addi %mul3A_89, %add3A_149 : i32
      %dma_wait3A_151 = arith.constant 2 : i32
      %dma_wait3A_152 = arith.constant 2 : i32
      %dma_wait3A_153 = arith.constant 0 : i32
      %dma_wait3A_154 = arith.constant 0 : i32
      %dma_wait3A_155 = tpu.memref_slice %arg9[%dma_wait3A_151, %dma_wait3A_153, %dma_wait3A_154] : memref<5x80x16xf32, #tpu.memory_space<vmem>> -> memref<1x80x16xf32, #tpu.memory_space<vmem>>
      %dma_wait3A_156 = tpu.memref_squeeze %dma_wait3A_155 : memref<1x80x16xf32, #tpu.memory_space<vmem>> -> memref<80x16xf32, #tpu.memory_space<vmem>>
      %dma_wait3A_157 = arith.constant 0 : i32
      %dma_wait3A_158 = tpu.memref_slice %arg7[%add3A_150, %dma_wait3A_157] : memref<125x80xi32, #tpu.memory_space<vmem>> -> memref<1x80xi32, #tpu.memory_space<vmem>>
      %dma_wait3A_159 = tpu.memref_squeeze %dma_wait3A_158 : memref<1x80xi32, #tpu.memory_space<vmem>> -> memref<80xi32, #tpu.memory_space<vmem>>
      %dma_wait3A_160 = arith.constant 0 : i32
      %dma_wait3A_161 = arith.constant 0 : i32
      %dma_wait3A_162 = tpu.memref_slice %arg2[%dma_wait3A_160, %dma_wait3A_161] : memref<10112x16xf32, #tpu.memory_space<hbm>> -> memref<10112x16xf32, #tpu.memory_space<hbm>>
      %dma_wait3A_163 = tpu.memref_slice %arg11[%dma_wait3A_152] : memref<5x!tpu.dma_semaphore, #tpu.memory_space<semaphore_mem>> -> memref<1x!tpu.dma_semaphore, #tpu.memory_space<semaphore_mem>>
      %dma_wait3A_164 = tpu.memref_squeeze %dma_wait3A_163 : memref<1x!tpu.dma_semaphore, #tpu.memory_space<semaphore_mem>> -> memref<!tpu.dma_semaphore, #tpu.memory_space<semaphore_mem>>
      tpu.wait_indirect_dma semaphore(%dma_wait3A_164 : memref<!tpu.dma_semaphore, #tpu.memory_space<semaphore_mem>>) src(%dma_wait3A_162 : memref<10112x16xf32, #tpu.memory_space<hbm>>) dst(%dma_wait3A_156 : memref<80x16xf32, #tpu.memory_space<vmem>>)
      %dma_start3A_165 = arith.constant 2 : i32
      %dma_start3A_166 = arith.constant 2 : i32
      %dma_start3A_167 = arith.constant 0 : i32
      %dma_start3A_168 = arith.constant 0 : i32
      %dma_start3A_169 = tpu.memref_slice %arg9[%dma_start3A_165, %dma_start3A_167, %dma_start3A_168] : memref<5x80x16xf32, #tpu.memory_space<vmem>> -> memref<1x80x16xf32, #tpu.memory_space<vmem>>
      %dma_start3A_170 = tpu.memref_squeeze %dma_start3A_169 : memref<1x80x16xf32, #tpu.memory_space<vmem>> -> memref<80x16xf32, #tpu.memory_space<vmem>>
      %dma_start3A_171 = arith.constant 0 : i32
      %dma_start3A_172 = tpu.memref_slice %arg8[%add3A_150, %dma_start3A_171] : memref<125x80xi32, #tpu.memory_space<vmem>> -> memref<1x80xi32, #tpu.memory_space<vmem>>
      %dma_start3A_173 = tpu.memref_squeeze %dma_start3A_172 : memref<1x80xi32, #tpu.memory_space<vmem>> -> memref<80xi32, #tpu.memory_space<vmem>>
      %dma_start3A_174 = arith.constant 0 : i32
      %dma_start3A_175 = arith.constant 0 : i32
      %dma_start3A_176 = tpu.memref_slice %arg10[%dma_start3A_174, %dma_start3A_175] : memref<10112x16xf32, #tpu.memory_space<vmem_shared>> -> memref<10112x16xf32, #tpu.memory_space<vmem_shared>>
      %dma_start3A_177 = tpu.memref_slice %arg12[%dma_start3A_166] : memref<5x!tpu.dma_semaphore, #tpu.memory_space<semaphore_mem>> -> memref<1x!tpu.dma_semaphore, #tpu.memory_space<semaphore_mem>>
      %dma_start3A_178 = tpu.memref_squeeze %dma_start3A_177 : memref<1x!tpu.dma_semaphore, #tpu.memory_space<semaphore_mem>> -> memref<!tpu.dma_semaphore, #tpu.memory_space<semaphore_mem>>
      tpu.enqueue_indirect_dma source(%dma_start3A_170 : memref<80x16xf32, #tpu.memory_space<vmem>>) target(%dma_start3A_176 : memref<10112x16xf32, #tpu.memory_space<vmem_shared>>) offsets(%dma_start3A_173 : memref<80xi32, #tpu.memory_space<vmem>>) semaphore(%dma_start3A_178 : memref<!tpu.dma_semaphore, #tpu.memory_space<semaphore_mem>>) {add = true}
      %add3A_179 = arith.constant 3 : i32
      %add3A_180 = arith.addi %mul3A_89, %add3A_179 : i32
      %dma_wait3A_181 = arith.constant 3 : i32
      %dma_wait3A_182 = arith.constant 3 : i32
      %dma_wait3A_183 = arith.constant 0 : i32
      %dma_wait3A_184 = arith.constant 0 : i32
      %dma_wait3A_185 = tpu.memref_slice %arg9[%dma_wait3A_181, %dma_wait3A_183, %dma_wait3A_184] : memref<5x80x16xf32, #tpu.memory_space<vmem>> -> memref<1x80x16xf32, #tpu.memory_space<vmem>>
      %dma_wait3A_186 = tpu.memref_squeeze %dma_wait3A_185 : memref<1x80x16xf32, #tpu.memory_space<vmem>> -> memref<80x16xf32, #tpu.memory_space<vmem>>
      %dma_wait3A_187 = arith.constant 0 : i32
      %dma_wait3A_188 = tpu.memref_slice %arg7[%add3A_180, %dma_wait3A_187] : memref<125x80xi32, #tpu.memory_space<vmem>> -> memref<1x80xi32, #tpu.memory_space<vmem>>
      %dma_wait3A_189 = tpu.memref_squeeze %dma_wait3A_188 : memref<1x80xi32, #tpu.memory_space<vmem>> -> memref<80xi32, #tpu.memory_space<vmem>>
      %dma_wait3A_190 = arith.constant 0 : i32
      %dma_wait3A_191 = arith.constant 0 : i32
      %dma_wait3A_192 = tpu.memref_slice %arg2[%dma_wait3A_190, %dma_wait3A_191] : memref<10112x16xf32, #tpu.memory_space<hbm>> -> memref<10112x16xf32, #tpu.memory_space<hbm>>
      %dma_wait3A_193 = tpu.memref_slice %arg11[%dma_wait3A_182] : memref<5x!tpu.dma_semaphore, #tpu.memory_space<semaphore_mem>> -> memref<1x!tpu.dma_semaphore, #tpu.memory_space<semaphore_mem>>
      %dma_wait3A_194 = tpu.memref_squeeze %dma_wait3A_193 : memref<1x!tpu.dma_semaphore, #tpu.memory_space<semaphore_mem>> -> memref<!tpu.dma_semaphore, #tpu.memory_space<semaphore_mem>>
      tpu.wait_indirect_dma semaphore(%dma_wait3A_194 : memref<!tpu.dma_semaphore, #tpu.memory_space<semaphore_mem>>) src(%dma_wait3A_192 : memref<10112x16xf32, #tpu.memory_space<hbm>>) dst(%dma_wait3A_186 : memref<80x16xf32, #tpu.memory_space<vmem>>)
      %dma_start3A_195 = arith.constant 3 : i32
      %dma_start3A_196 = arith.constant 3 : i32
      %dma_start3A_197 = arith.constant 0 : i32
      %dma_start3A_198 = arith.constant 0 : i32
      %dma_start3A_199 = tpu.memref_slice %arg9[%dma_start3A_195, %dma_start3A_197, %dma_start3A_198] : memref<5x80x16xf32, #tpu.memory_space<vmem>> -> memref<1x80x16xf32, #tpu.memory_space<vmem>>
      %dma_start3A_200 = tpu.memref_squeeze %dma_start3A_199 : memref<1x80x16xf32, #tpu.memory_space<vmem>> -> memref<80x16xf32, #tpu.memory_space<vmem>>
      %dma_start3A_201 = arith.constant 0 : i32
      %dma_start3A_202 = tpu.memref_slice %arg8[%add3A_180, %dma_start3A_201] : memref<125x80xi32, #tpu.memory_space<vmem>> -> memref<1x80xi32, #tpu.memory_space<vmem>>
      %dma_start3A_203 = tpu.memref_squeeze %dma_start3A_202 : memref<1x80xi32, #tpu.memory_space<vmem>> -> memref<80xi32, #tpu.memory_space<vmem>>
      %dma_start3A_204 = arith.constant 0 : i32
      %dma_start3A_205 = arith.constant 0 : i32
      %dma_start3A_206 = tpu.memref_slice %arg10[%dma_start3A_204, %dma_start3A_205] : memref<10112x16xf32, #tpu.memory_space<vmem_shared>> -> memref<10112x16xf32, #tpu.memory_space<vmem_shared>>
      %dma_start3A_207 = tpu.memref_slice %arg12[%dma_start3A_196] : memref<5x!tpu.dma_semaphore, #tpu.memory_space<semaphore_mem>> -> memref<1x!tpu.dma_semaphore, #tpu.memory_space<semaphore_mem>>
      %dma_start3A_208 = tpu.memref_squeeze %dma_start3A_207 : memref<1x!tpu.dma_semaphore, #tpu.memory_space<semaphore_mem>> -> memref<!tpu.dma_semaphore, #tpu.memory_space<semaphore_mem>>
      tpu.enqueue_indirect_dma source(%dma_start3A_200 : memref<80x16xf32, #tpu.memory_space<vmem>>) target(%dma_start3A_206 : memref<10112x16xf32, #tpu.memory_space<vmem_shared>>) offsets(%dma_start3A_203 : memref<80xi32, #tpu.memory_space<vmem>>) semaphore(%dma_start3A_208 : memref<!tpu.dma_semaphore, #tpu.memory_space<semaphore_mem>>) {add = true}
      %add3A_209 = arith.constant 4 : i32
      %add3A_210 = arith.addi %mul3A_89, %add3A_209 : i32
      %dma_wait3A_211 = arith.constant 4 : i32
      %dma_wait3A_212 = arith.constant 4 : i32
      %dma_wait3A_213 = arith.constant 0 : i32
      %dma_wait3A_214 = arith.constant 0 : i32
      %dma_wait3A_215 = tpu.memref_slice %arg9[%dma_wait3A_211, %dma_wait3A_213, %dma_wait3A_214] : memref<5x80x16xf32, #tpu.memory_space<vmem>> -> memref<1x80x16xf32, #tpu.memory_space<vmem>>
      %dma_wait3A_216 = tpu.memref_squeeze %dma_wait3A_215 : memref<1x80x16xf32, #tpu.memory_space<vmem>> -> memref<80x16xf32, #tpu.memory_space<vmem>>
      %dma_wait3A_217 = arith.constant 0 : i32
      %dma_wait3A_218 = tpu.memref_slice %arg7[%add3A_210, %dma_wait3A_217] : memref<125x80xi32, #tpu.memory_space<vmem>> -> memref<1x80xi32, #tpu.memory_space<vmem>>
      %dma_wait3A_219 = tpu.memref_squeeze %dma_wait3A_218 : memref<1x80xi32, #tpu.memory_space<vmem>> -> memref<80xi32, #tpu.memory_space<vmem>>
      %dma_wait3A_220 = arith.constant 0 : i32
      %dma_wait3A_221 = arith.constant 0 : i32
      %dma_wait3A_222 = tpu.memref_slice %arg2[%dma_wait3A_220, %dma_wait3A_221] : memref<10112x16xf32, #tpu.memory_space<hbm>> -> memref<10112x16xf32, #tpu.memory_space<hbm>>
      %dma_wait3A_223 = tpu.memref_slice %arg11[%dma_wait3A_212] : memref<5x!tpu.dma_semaphore, #tpu.memory_space<semaphore_mem>> -> memref<1x!tpu.dma_semaphore, #tpu.memory_space<semaphore_mem>>
      %dma_wait3A_224 = tpu.memref_squeeze %dma_wait3A_223 : memref<1x!tpu.dma_semaphore, #tpu.memory_space<semaphore_mem>> -> memref<!tpu.dma_semaphore, #tpu.memory_space<semaphore_mem>>
      tpu.wait_indirect_dma semaphore(%dma_wait3A_224 : memref<!tpu.dma_semaphore, #tpu.memory_space<semaphore_mem>>) src(%dma_wait3A_222 : memref<10112x16xf32, #tpu.memory_space<hbm>>) dst(%dma_wait3A_216 : memref<80x16xf32, #tpu.memory_space<vmem>>)
      %dma_start3A_225 = arith.constant 4 : i32
      %dma_start3A_226 = arith.constant 4 : i32
      %dma_start3A_227 = arith.constant 0 : i32
      %dma_start3A_228 = arith.constant 0 : i32
      %dma_start3A_229 = tpu.memref_slice %arg9[%dma_start3A_225, %dma_start3A_227, %dma_start3A_228] : memref<5x80x16xf32, #tpu.memory_space<vmem>> -> memref<1x80x16xf32, #tpu.memory_space<vmem>>
      %dma_start3A_230 = tpu.memref_squeeze %dma_start3A_229 : memref<1x80x16xf32, #tpu.memory_space<vmem>> -> memref<80x16xf32, #tpu.memory_space<vmem>>
      %dma_start3A_231 = arith.constant 0 : i32
      %dma_start3A_232 = tpu.memref_slice %arg8[%add3A_210, %dma_start3A_231] : memref<125x80xi32, #tpu.memory_space<vmem>> -> memref<1x80xi32, #tpu.memory_space<vmem>>
      %dma_start3A_233 = tpu.memref_squeeze %dma_start3A_232 : memref<1x80xi32, #tpu.memory_space<vmem>> -> memref<80xi32, #tpu.memory_space<vmem>>
      %dma_start3A_234 = arith.constant 0 : i32
      %dma_start3A_235 = arith.constant 0 : i32
      %dma_start3A_236 = tpu.memref_slice %arg10[%dma_start3A_234, %dma_start3A_235] : memref<10112x16xf32, #tpu.memory_space<vmem_shared>> -> memref<10112x16xf32, #tpu.memory_space<vmem_shared>>
      %dma_start3A_237 = tpu.memref_slice %arg12[%dma_start3A_226] : memref<5x!tpu.dma_semaphore, #tpu.memory_space<semaphore_mem>> -> memref<1x!tpu.dma_semaphore, #tpu.memory_space<semaphore_mem>>
      %dma_start3A_238 = tpu.memref_squeeze %dma_start3A_237 : memref<1x!tpu.dma_semaphore, #tpu.memory_space<semaphore_mem>> -> memref<!tpu.dma_semaphore, #tpu.memory_space<semaphore_mem>>
      tpu.enqueue_indirect_dma source(%dma_start3A_230 : memref<80x16xf32, #tpu.memory_space<vmem>>) target(%dma_start3A_236 : memref<10112x16xf32, #tpu.memory_space<vmem_shared>>) offsets(%dma_start3A_233 : memref<80xi32, #tpu.memory_space<vmem>>) semaphore(%dma_start3A_238 : memref<!tpu.dma_semaphore, #tpu.memory_space<semaphore_mem>>) {add = true}
      %add3A_239 = arith.constant 0 : i32
      %add3A_240 = arith.addi %mul3A_89, %add3A_239 : i32
      %dma_wait3A_241 = arith.constant 0 : i32
      %dma_wait3A_242 = arith.constant 0 : i32
      %dma_wait3A_243 = arith.constant 0 : i32
      %dma_wait3A_244 = arith.constant 0 : i32
      %dma_wait3A_245 = tpu.memref_slice %arg9[%dma_wait3A_241, %dma_wait3A_243, %dma_wait3A_244] : memref<5x80x16xf32, #tpu.memory_space<vmem>> -> memref<1x80x16xf32, #tpu.memory_space<vmem>>
      %dma_wait3A_246 = tpu.memref_squeeze %dma_wait3A_245 : memref<1x80x16xf32, #tpu.memory_space<vmem>> -> memref<80x16xf32, #tpu.memory_space<vmem>>
      %dma_wait3A_247 = arith.constant 0 : i32
      %dma_wait3A_248 = tpu.memref_slice %arg8[%add3A_240, %dma_wait3A_247] : memref<125x80xi32, #tpu.memory_space<vmem>> -> memref<1x80xi32, #tpu.memory_space<vmem>>
      %dma_wait3A_249 = tpu.memref_squeeze %dma_wait3A_248 : memref<1x80xi32, #tpu.memory_space<vmem>> -> memref<80xi32, #tpu.memory_space<vmem>>
      %dma_wait3A_250 = arith.constant 0 : i32
      %dma_wait3A_251 = arith.constant 0 : i32
      %dma_wait3A_252 = tpu.memref_slice %arg10[%dma_wait3A_250, %dma_wait3A_251] : memref<10112x16xf32, #tpu.memory_space<vmem_shared>> -> memref<10112x16xf32, #tpu.memory_space<vmem_shared>>
      %dma_wait3A_253 = tpu.memref_slice %arg12[%dma_wait3A_242] : memref<5x!tpu.dma_semaphore, #tpu.memory_space<semaphore_mem>> -> memref<1x!tpu.dma_semaphore, #tpu.memory_space<semaphore_mem>>
      %dma_wait3A_254 = tpu.memref_squeeze %dma_wait3A_253 : memref<1x!tpu.dma_semaphore, #tpu.memory_space<semaphore_mem>> -> memref<!tpu.dma_semaphore, #tpu.memory_space<semaphore_mem>>
      tpu.wait_indirect_dma semaphore(%dma_wait3A_254 : memref<!tpu.dma_semaphore, #tpu.memory_space<semaphore_mem>>) src(%dma_wait3A_246 : memref<80x16xf32, #tpu.memory_space<vmem>>) dst(%dma_wait3A_252 : memref<10112x16xf32, #tpu.memory_space<vmem_shared>>)
      %lt3A = arith.constant 24 : i32
      %lt3A_255 = arith.cmpi slt, %scan3A_87, %lt3A : i32
      %convert_element_type3A = arith.extui %lt3A_255 : i1 to i32
      %cond3A = arith.constant 0 : i32
      %cond3A_256 = arith.cmpi ne, %convert_element_type3A, %cond3A : i32
      scf.if %cond3A_256 {
        %add3A_341 = arith.constant 5 : i32
        %add3A_342 = arith.addi %add3A_240, %add3A_341 : i32
        %dma_start3A_343 = arith.constant 0 : i32
        %dma_start3A_344 = arith.constant 0 : i32
        %dma_start3A_345 = arith.constant 0 : i32
        %dma_start3A_346 = arith.constant 0 : i32
        %dma_start3A_347 = tpu.memref_slice %arg9[%dma_start3A_343, %dma_start3A_345, %dma_start3A_346] : memref<5x80x16xf32, #tpu.memory_space<vmem>> -> memref<1x80x16xf32, #tpu.memory_space<vmem>>
        %dma_start3A_348 = tpu.memref_squeeze %dma_start3A_347 : memref<1x80x16xf32, #tpu.memory_space<vmem>> -> memref<80x16xf32, #tpu.memory_space<vmem>>
        %dma_start3A_349 = arith.constant 0 : i32
        %dma_start3A_350 = tpu.memref_slice %arg7[%add3A_342, %dma_start3A_349] : memref<125x80xi32, #tpu.memory_space<vmem>> -> memref<1x80xi32, #tpu.memory_space<vmem>>
        %dma_start3A_351 = tpu.memref_squeeze %dma_start3A_350 : memref<1x80xi32, #tpu.memory_space<vmem>> -> memref<80xi32, #tpu.memory_space<vmem>>
        %dma_start3A_352 = arith.constant 0 : i32
        %dma_start3A_353 = arith.constant 0 : i32
        %dma_start3A_354 = tpu.memref_slice %arg2[%dma_start3A_352, %dma_start3A_353] : memref<10112x16xf32, #tpu.memory_space<hbm>> -> memref<10112x16xf32, #tpu.memory_space<hbm>>
        %dma_start3A_355 = tpu.memref_slice %arg11[%dma_start3A_344] : memref<5x!tpu.dma_semaphore, #tpu.memory_space<semaphore_mem>> -> memref<1x!tpu.dma_semaphore, #tpu.memory_space<semaphore_mem>>
        %dma_start3A_356 = tpu.memref_squeeze %dma_start3A_355 : memref<1x!tpu.dma_semaphore, #tpu.memory_space<semaphore_mem>> -> memref<!tpu.dma_semaphore, #tpu.memory_space<semaphore_mem>>
        tpu.enqueue_indirect_dma source(%dma_start3A_354 : memref<10112x16xf32, #tpu.memory_space<hbm>>) target(%dma_start3A_348 : memref<80x16xf32, #tpu.memory_space<vmem>>) offsets(%dma_start3A_351 : memref<80xi32, #tpu.memory_space<vmem>>) semaphore(%dma_start3A_356 : memref<!tpu.dma_semaphore, #tpu.memory_space<semaphore_mem>>)
      } else {
      }
      %add3A_257 = arith.constant 1 : i32
      %add3A_258 = arith.addi %mul3A_89, %add3A_257 : i32
      %dma_wait3A_259 = arith.constant 1 : i32
      %dma_wait3A_260 = arith.constant 1 : i32
      %dma_wait3A_261 = arith.constant 0 : i32
      %dma_wait3A_262 = arith.constant 0 : i32
      %dma_wait3A_263 = tpu.memref_slice %arg9[%dma_wait3A_259, %dma_wait3A_261, %dma_wait3A_262] : memref<5x80x16xf32, #tpu.memory_space<vmem>> -> memref<1x80x16xf32, #tpu.memory_space<vmem>>
      %dma_wait3A_264 = tpu.memref_squeeze %dma_wait3A_263 : memref<1x80x16xf32, #tpu.memory_space<vmem>> -> memref<80x16xf32, #tpu.memory_space<vmem>>
      %dma_wait3A_265 = arith.constant 0 : i32
      %dma_wait3A_266 = tpu.memref_slice %arg8[%add3A_258, %dma_wait3A_265] : memref<125x80xi32, #tpu.memory_space<vmem>> -> memref<1x80xi32, #tpu.memory_space<vmem>>
      %dma_wait3A_267 = tpu.memref_squeeze %dma_wait3A_266 : memref<1x80xi32, #tpu.memory_space<vmem>> -> memref<80xi32, #tpu.memory_space<vmem>>
      %dma_wait3A_268 = arith.constant 0 : i32
      %dma_wait3A_269 = arith.constant 0 : i32
      %dma_wait3A_270 = tpu.memref_slice %arg10[%dma_wait3A_268, %dma_wait3A_269] : memref<10112x16xf32, #tpu.memory_space<vmem_shared>> -> memref<10112x16xf32, #tpu.memory_space<vmem_shared>>
      %dma_wait3A_271 = tpu.memref_slice %arg12[%dma_wait3A_260] : memref<5x!tpu.dma_semaphore, #tpu.memory_space<semaphore_mem>> -> memref<1x!tpu.dma_semaphore, #tpu.memory_space<semaphore_mem>>
      %dma_wait3A_272 = tpu.memref_squeeze %dma_wait3A_271 : memref<1x!tpu.dma_semaphore, #tpu.memory_space<semaphore_mem>> -> memref<!tpu.dma_semaphore, #tpu.memory_space<semaphore_mem>>
      tpu.wait_indirect_dma semaphore(%dma_wait3A_272 : memref<!tpu.dma_semaphore, #tpu.memory_space<semaphore_mem>>) src(%dma_wait3A_264 : memref<80x16xf32, #tpu.memory_space<vmem>>) dst(%dma_wait3A_270 : memref<10112x16xf32, #tpu.memory_space<vmem_shared>>)
      %lt3A_273 = arith.constant 24 : i32
      %lt3A_274 = arith.cmpi slt, %scan3A_87, %lt3A_273 : i32
      %convert_element_type3A_275 = arith.extui %lt3A_274 : i1 to i32
      %cond3A_276 = arith.constant 0 : i32
      %cond3A_277 = arith.cmpi ne, %convert_element_type3A_275, %cond3A_276 : i32
      scf.if %cond3A_277 {
        %add3A_341 = arith.constant 5 : i32
        %add3A_342 = arith.addi %add3A_258, %add3A_341 : i32
        %dma_start3A_343 = arith.constant 1 : i32
        %dma_start3A_344 = arith.constant 1 : i32
        %dma_start3A_345 = arith.constant 0 : i32
        %dma_start3A_346 = arith.constant 0 : i32
        %dma_start3A_347 = tpu.memref_slice %arg9[%dma_start3A_343, %dma_start3A_345, %dma_start3A_346] : memref<5x80x16xf32, #tpu.memory_space<vmem>> -> memref<1x80x16xf32, #tpu.memory_space<vmem>>
        %dma_start3A_348 = tpu.memref_squeeze %dma_start3A_347 : memref<1x80x16xf32, #tpu.memory_space<vmem>> -> memref<80x16xf32, #tpu.memory_space<vmem>>
        %dma_start3A_349 = arith.constant 0 : i32
        %dma_start3A_350 = tpu.memref_slice %arg7[%add3A_342, %dma_start3A_349] : memref<125x80xi32, #tpu.memory_space<vmem>> -> memref<1x80xi32, #tpu.memory_space<vmem>>
        %dma_start3A_351 = tpu.memref_squeeze %dma_start3A_350 : memref<1x80xi32, #tpu.memory_space<vmem>> -> memref<80xi32, #tpu.memory_space<vmem>>
        %dma_start3A_352 = arith.constant 0 : i32
        %dma_start3A_353 = arith.constant 0 : i32
        %dma_start3A_354 = tpu.memref_slice %arg2[%dma_start3A_352, %dma_start3A_353] : memref<10112x16xf32, #tpu.memory_space<hbm>> -> memref<10112x16xf32, #tpu.memory_space<hbm>>
        %dma_start3A_355 = tpu.memref_slice %arg11[%dma_start3A_344] : memref<5x!tpu.dma_semaphore, #tpu.memory_space<semaphore_mem>> -> memref<1x!tpu.dma_semaphore, #tpu.memory_space<semaphore_mem>>
        %dma_start3A_356 = tpu.memref_squeeze %dma_start3A_355 : memref<1x!tpu.dma_semaphore, #tpu.memory_space<semaphore_mem>> -> memref<!tpu.dma_semaphore, #tpu.memory_space<semaphore_mem>>
        tpu.enqueue_indirect_dma source(%dma_start3A_354 : memref<10112x16xf32, #tpu.memory_space<hbm>>) target(%dma_start3A_348 : memref<80x16xf32, #tpu.memory_space<vmem>>) offsets(%dma_start3A_351 : memref<80xi32, #tpu.memory_space<vmem>>) semaphore(%dma_start3A_356 : memref<!tpu.dma_semaphore, #tpu.memory_space<semaphore_mem>>)
      } else {
      }
      %add3A_278 = arith.constant 2 : i32
      %add3A_279 = arith.addi %mul3A_89, %add3A_278 : i32
      %dma_wait3A_280 = arith.constant 2 : i32
      %dma_wait3A_281 = arith.constant 2 : i32
      %dma_wait3A_282 = arith.constant 0 : i32
      %dma_wait3A_283 = arith.constant 0 : i32
      %dma_wait3A_284 = tpu.memref_slice %arg9[%dma_wait3A_280, %dma_wait3A_282, %dma_wait3A_283] : memref<5x80x16xf32, #tpu.memory_space<vmem>> -> memref<1x80x16xf32, #tpu.memory_space<vmem>>
      %dma_wait3A_285 = tpu.memref_squeeze %dma_wait3A_284 : memref<1x80x16xf32, #tpu.memory_space<vmem>> -> memref<80x16xf32, #tpu.memory_space<vmem>>
      %dma_wait3A_286 = arith.constant 0 : i32
      %dma_wait3A_287 = tpu.memref_slice %arg8[%add3A_279, %dma_wait3A_286] : memref<125x80xi32, #tpu.memory_space<vmem>> -> memref<1x80xi32, #tpu.memory_space<vmem>>
      %dma_wait3A_288 = tpu.memref_squeeze %dma_wait3A_287 : memref<1x80xi32, #tpu.memory_space<vmem>> -> memref<80xi32, #tpu.memory_space<vmem>>
      %dma_wait3A_289 = arith.constant 0 : i32
      %dma_wait3A_290 = arith.constant 0 : i32
      %dma_wait3A_291 = tpu.memref_slice %arg10[%dma_wait3A_289, %dma_wait3A_290] : memref<10112x16xf32, #tpu.memory_space<vmem_shared>> -> memref<10112x16xf32, #tpu.memory_space<vmem_shared>>
      %dma_wait3A_292 = tpu.memref_slice %arg12[%dma_wait3A_281] : memref<5x!tpu.dma_semaphore, #tpu.memory_space<semaphore_mem>> -> memref<1x!tpu.dma_semaphore, #tpu.memory_space<semaphore_mem>>
      %dma_wait3A_293 = tpu.memref_squeeze %dma_wait3A_292 : memref<1x!tpu.dma_semaphore, #tpu.memory_space<semaphore_mem>> -> memref<!tpu.dma_semaphore, #tpu.memory_space<semaphore_mem>>
      tpu.wait_indirect_dma semaphore(%dma_wait3A_293 : memref<!tpu.dma_semaphore, #tpu.memory_space<semaphore_mem>>) src(%dma_wait3A_285 : memref<80x16xf32, #tpu.memory_space<vmem>>) dst(%dma_wait3A_291 : memref<10112x16xf32, #tpu.memory_space<vmem_shared>>)
      %lt3A_294 = arith.constant 24 : i32
      %lt3A_295 = arith.cmpi slt, %scan3A_87, %lt3A_294 : i32
      %convert_element_type3A_296 = arith.extui %lt3A_295 : i1 to i32
      %cond3A_297 = arith.constant 0 : i32
      %cond3A_298 = arith.cmpi ne, %convert_element_type3A_296, %cond3A_297 : i32
      scf.if %cond3A_298 {
        %add3A_341 = arith.constant 5 : i32
        %add3A_342 = arith.addi %add3A_279, %add3A_341 : i32
        %dma_start3A_343 = arith.constant 2 : i32
        %dma_start3A_344 = arith.constant 2 : i32
        %dma_start3A_345 = arith.constant 0 : i32
        %dma_start3A_346 = arith.constant 0 : i32
        %dma_start3A_347 = tpu.memref_slice %arg9[%dma_start3A_343, %dma_start3A_345, %dma_start3A_346] : memref<5x80x16xf32, #tpu.memory_space<vmem>> -> memref<1x80x16xf32, #tpu.memory_space<vmem>>
        %dma_start3A_348 = tpu.memref_squeeze %dma_start3A_347 : memref<1x80x16xf32, #tpu.memory_space<vmem>> -> memref<80x16xf32, #tpu.memory_space<vmem>>
        %dma_start3A_349 = arith.constant 0 : i32
        %dma_start3A_350 = tpu.memref_slice %arg7[%add3A_342, %dma_start3A_349] : memref<125x80xi32, #tpu.memory_space<vmem>> -> memref<1x80xi32, #tpu.memory_space<vmem>>
        %dma_start3A_351 = tpu.memref_squeeze %dma_start3A_350 : memref<1x80xi32, #tpu.memory_space<vmem>> -> memref<80xi32, #tpu.memory_space<vmem>>
        %dma_start3A_352 = arith.constant 0 : i32
        %dma_start3A_353 = arith.constant 0 : i32
        %dma_start3A_354 = tpu.memref_slice %arg2[%dma_start3A_352, %dma_start3A_353] : memref<10112x16xf32, #tpu.memory_space<hbm>> -> memref<10112x16xf32, #tpu.memory_space<hbm>>
        %dma_start3A_355 = tpu.memref_slice %arg11[%dma_start3A_344] : memref<5x!tpu.dma_semaphore, #tpu.memory_space<semaphore_mem>> -> memref<1x!tpu.dma_semaphore, #tpu.memory_space<semaphore_mem>>
        %dma_start3A_356 = tpu.memref_squeeze %dma_start3A_355 : memref<1x!tpu.dma_semaphore, #tpu.memory_space<semaphore_mem>> -> memref<!tpu.dma_semaphore, #tpu.memory_space<semaphore_mem>>
        tpu.enqueue_indirect_dma source(%dma_start3A_354 : memref<10112x16xf32, #tpu.memory_space<hbm>>) target(%dma_start3A_348 : memref<80x16xf32, #tpu.memory_space<vmem>>) offsets(%dma_start3A_351 : memref<80xi32, #tpu.memory_space<vmem>>) semaphore(%dma_start3A_356 : memref<!tpu.dma_semaphore, #tpu.memory_space<semaphore_mem>>)
      } else {
      }
      %add3A_299 = arith.constant 3 : i32
      %add3A_300 = arith.addi %mul3A_89, %add3A_299 : i32
      %dma_wait3A_301 = arith.constant 3 : i32
      %dma_wait3A_302 = arith.constant 3 : i32
      %dma_wait3A_303 = arith.constant 0 : i32
      %dma_wait3A_304 = arith.constant 0 : i32
      %dma_wait3A_305 = tpu.memref_slice %arg9[%dma_wait3A_301, %dma_wait3A_303, %dma_wait3A_304] : memref<5x80x16xf32, #tpu.memory_space<vmem>> -> memref<1x80x16xf32, #tpu.memory_space<vmem>>
      %dma_wait3A_306 = tpu.memref_squeeze %dma_wait3A_305 : memref<1x80x16xf32, #tpu.memory_space<vmem>> -> memref<80x16xf32, #tpu.memory_space<vmem>>
      %dma_wait3A_307 = arith.constant 0 : i32
      %dma_wait3A_308 = tpu.memref_slice %arg8[%add3A_300, %dma_wait3A_307] : memref<125x80xi32, #tpu.memory_space<vmem>> -> memref<1x80xi32, #tpu.memory_space<vmem>>
      %dma_wait3A_309 = tpu.memref_squeeze %dma_wait3A_308 : memref<1x80xi32, #tpu.memory_space<vmem>> -> memref<80xi32, #tpu.memory_space<vmem>>
      %dma_wait3A_310 = arith.constant 0 : i32
      %dma_wait3A_311 = arith.constant 0 : i32
      %dma_wait3A_312 = tpu.memref_slice %arg10[%dma_wait3A_310, %dma_wait3A_311] : memref<10112x16xf32, #tpu.memory_space<vmem_shared>> -> memref<10112x16xf32, #tpu.memory_space<vmem_shared>>
      %dma_wait3A_313 = tpu.memref_slice %arg12[%dma_wait3A_302] : memref<5x!tpu.dma_semaphore, #tpu.memory_space<semaphore_mem>> -> memref<1x!tpu.dma_semaphore, #tpu.memory_space<semaphore_mem>>
      %dma_wait3A_314 = tpu.memref_squeeze %dma_wait3A_313 : memref<1x!tpu.dma_semaphore, #tpu.memory_space<semaphore_mem>> -> memref<!tpu.dma_semaphore, #tpu.memory_space<semaphore_mem>>
      tpu.wait_indirect_dma semaphore(%dma_wait3A_314 : memref<!tpu.dma_semaphore, #tpu.memory_space<semaphore_mem>>) src(%dma_wait3A_306 : memref<80x16xf32, #tpu.memory_space<vmem>>) dst(%dma_wait3A_312 : memref<10112x16xf32, #tpu.memory_space<vmem_shared>>)
      %lt3A_315 = arith.constant 24 : i32
      %lt3A_316 = arith.cmpi slt, %scan3A_87, %lt3A_315 : i32
      %convert_element_type3A_317 = arith.extui %lt3A_316 : i1 to i32
      %cond3A_318 = arith.constant 0 : i32
      %cond3A_319 = arith.cmpi ne, %convert_element_type3A_317, %cond3A_318 : i32
      scf.if %cond3A_319 {
        %add3A_341 = arith.constant 5 : i32
        %add3A_342 = arith.addi %add3A_300, %add3A_341 : i32
        %dma_start3A_343 = arith.constant 3 : i32
        %dma_start3A_344 = arith.constant 3 : i32
        %dma_start3A_345 = arith.constant 0 : i32
        %dma_start3A_346 = arith.constant 0 : i32
        %dma_start3A_347 = tpu.memref_slice %arg9[%dma_start3A_343, %dma_start3A_345, %dma_start3A_346] : memref<5x80x16xf32, #tpu.memory_space<vmem>> -> memref<1x80x16xf32, #tpu.memory_space<vmem>>
        %dma_start3A_348 = tpu.memref_squeeze %dma_start3A_347 : memref<1x80x16xf32, #tpu.memory_space<vmem>> -> memref<80x16xf32, #tpu.memory_space<vmem>>
        %dma_start3A_349 = arith.constant 0 : i32
        %dma_start3A_350 = tpu.memref_slice %arg7[%add3A_342, %dma_start3A_349] : memref<125x80xi32, #tpu.memory_space<vmem>> -> memref<1x80xi32, #tpu.memory_space<vmem>>
        %dma_start3A_351 = tpu.memref_squeeze %dma_start3A_350 : memref<1x80xi32, #tpu.memory_space<vmem>> -> memref<80xi32, #tpu.memory_space<vmem>>
        %dma_start3A_352 = arith.constant 0 : i32
        %dma_start3A_353 = arith.constant 0 : i32
        %dma_start3A_354 = tpu.memref_slice %arg2[%dma_start3A_352, %dma_start3A_353] : memref<10112x16xf32, #tpu.memory_space<hbm>> -> memref<10112x16xf32, #tpu.memory_space<hbm>>
        %dma_start3A_355 = tpu.memref_slice %arg11[%dma_start3A_344] : memref<5x!tpu.dma_semaphore, #tpu.memory_space<semaphore_mem>> -> memref<1x!tpu.dma_semaphore, #tpu.memory_space<semaphore_mem>>
        %dma_start3A_356 = tpu.memref_squeeze %dma_start3A_355 : memref<1x!tpu.dma_semaphore, #tpu.memory_space<semaphore_mem>> -> memref<!tpu.dma_semaphore, #tpu.memory_space<semaphore_mem>>
        tpu.enqueue_indirect_dma source(%dma_start3A_354 : memref<10112x16xf32, #tpu.memory_space<hbm>>) target(%dma_start3A_348 : memref<80x16xf32, #tpu.memory_space<vmem>>) offsets(%dma_start3A_351 : memref<80xi32, #tpu.memory_space<vmem>>) semaphore(%dma_start3A_356 : memref<!tpu.dma_semaphore, #tpu.memory_space<semaphore_mem>>)
      } else {
      }
      %add3A_320 = arith.constant 4 : i32
      %add3A_321 = arith.addi %mul3A_89, %add3A_320 : i32
      %dma_wait3A_322 = arith.constant 4 : i32
      %dma_wait3A_323 = arith.constant 4 : i32
      %dma_wait3A_324 = arith.constant 0 : i32
      %dma_wait3A_325 = arith.constant 0 : i32
      %dma_wait3A_326 = tpu.memref_slice %arg9[%dma_wait3A_322, %dma_wait3A_324, %dma_wait3A_325] : memref<5x80x16xf32, #tpu.memory_space<vmem>> -> memref<1x80x16xf32, #tpu.memory_space<vmem>>
      %dma_wait3A_327 = tpu.memref_squeeze %dma_wait3A_326 : memref<1x80x16xf32, #tpu.memory_space<vmem>> -> memref<80x16xf32, #tpu.memory_space<vmem>>
      %dma_wait3A_328 = arith.constant 0 : i32
      %dma_wait3A_329 = tpu.memref_slice %arg8[%add3A_321, %dma_wait3A_328] : memref<125x80xi32, #tpu.memory_space<vmem>> -> memref<1x80xi32, #tpu.memory_space<vmem>>
      %dma_wait3A_330 = tpu.memref_squeeze %dma_wait3A_329 : memref<1x80xi32, #tpu.memory_space<vmem>> -> memref<80xi32, #tpu.memory_space<vmem>>
      %dma_wait3A_331 = arith.constant 0 : i32
      %dma_wait3A_332 = arith.constant 0 : i32
      %dma_wait3A_333 = tpu.memref_slice %arg10[%dma_wait3A_331, %dma_wait3A_332] : memref<10112x16xf32, #tpu.memory_space<vmem_shared>> -> memref<10112x16xf32, #tpu.memory_space<vmem_shared>>
      %dma_wait3A_334 = tpu.memref_slice %arg12[%dma_wait3A_323] : memref<5x!tpu.dma_semaphore, #tpu.memory_space<semaphore_mem>> -> memref<1x!tpu.dma_semaphore, #tpu.memory_space<semaphore_mem>>
      %dma_wait3A_335 = tpu.memref_squeeze %dma_wait3A_334 : memref<1x!tpu.dma_semaphore, #tpu.memory_space<semaphore_mem>> -> memref<!tpu.dma_semaphore, #tpu.memory_space<semaphore_mem>>
      tpu.wait_indirect_dma semaphore(%dma_wait3A_335 : memref<!tpu.dma_semaphore, #tpu.memory_space<semaphore_mem>>) src(%dma_wait3A_327 : memref<80x16xf32, #tpu.memory_space<vmem>>) dst(%dma_wait3A_333 : memref<10112x16xf32, #tpu.memory_space<vmem_shared>>)
      %lt3A_336 = arith.constant 24 : i32
      %lt3A_337 = arith.cmpi slt, %scan3A_87, %lt3A_336 : i32
      %convert_element_type3A_338 = arith.extui %lt3A_337 : i1 to i32
      %cond3A_339 = arith.constant 0 : i32
      %cond3A_340 = arith.cmpi ne, %convert_element_type3A_338, %cond3A_339 : i32
      scf.if %cond3A_340 {
        %add3A_341 = arith.constant 5 : i32
        %add3A_342 = arith.addi %add3A_321, %add3A_341 : i32
        %dma_start3A_343 = arith.constant 4 : i32
        %dma_start3A_344 = arith.constant 4 : i32
        %dma_start3A_345 = arith.constant 0 : i32
        %dma_start3A_346 = arith.constant 0 : i32
        %dma_start3A_347 = tpu.memref_slice %arg9[%dma_start3A_343, %dma_start3A_345, %dma_start3A_346] : memref<5x80x16xf32, #tpu.memory_space<vmem>> -> memref<1x80x16xf32, #tpu.memory_space<vmem>>
        %dma_start3A_348 = tpu.memref_squeeze %dma_start3A_347 : memref<1x80x16xf32, #tpu.memory_space<vmem>> -> memref<80x16xf32, #tpu.memory_space<vmem>>
        %dma_start3A_349 = arith.constant 0 : i32
        %dma_start3A_350 = tpu.memref_slice %arg7[%add3A_342, %dma_start3A_349] : memref<125x80xi32, #tpu.memory_space<vmem>> -> memref<1x80xi32, #tpu.memory_space<vmem>>
        %dma_start3A_351 = tpu.memref_squeeze %dma_start3A_350 : memref<1x80xi32, #tpu.memory_space<vmem>> -> memref<80xi32, #tpu.memory_space<vmem>>
        %dma_start3A_352 = arith.constant 0 : i32
        %dma_start3A_353 = arith.constant 0 : i32
        %dma_start3A_354 = tpu.memref_slice %arg2[%dma_start3A_352, %dma_start3A_353] : memref<10112x16xf32, #tpu.memory_space<hbm>> -> memref<10112x16xf32, #tpu.memory_space<hbm>>
        %dma_start3A_355 = tpu.memref_slice %arg11[%dma_start3A_344] : memref<5x!tpu.dma_semaphore, #tpu.memory_space<semaphore_mem>> -> memref<1x!tpu.dma_semaphore, #tpu.memory_space<semaphore_mem>>
        %dma_start3A_356 = tpu.memref_squeeze %dma_start3A_355 : memref<1x!tpu.dma_semaphore, #tpu.memory_space<semaphore_mem>> -> memref<!tpu.dma_semaphore, #tpu.memory_space<semaphore_mem>>
        tpu.enqueue_indirect_dma source(%dma_start3A_354 : memref<10112x16xf32, #tpu.memory_space<hbm>>) target(%dma_start3A_348 : memref<80x16xf32, #tpu.memory_space<vmem>>) offsets(%dma_start3A_351 : memref<80xi32, #tpu.memory_space<vmem>>) semaphore(%dma_start3A_356 : memref<!tpu.dma_semaphore, #tpu.memory_space<semaphore_mem>>)
      } else {
      }
    }
    %scan3A_81 = arith.constant 25 : i32
    %barrier3A_82 = arith.constant 0 : index
    tpu.barrier barrier_id(%barrier3A_82)
    %mul3A_83 = arith.constant 632 : i32
    %mul3A_84 = arith.muli %arg1, %mul3A_83 : i32
    %mul3A_85 = arith.constant 632 : i32
    %mul3A_86 = arith.muli %arg1, %mul3A_85 : i32
    "tpu.region"() ({
      %run_scoped3A = tpu.sem_alloc : memref<!tpu.dma_semaphore, #tpu.memory_space<semaphore_mem>>
      %dma_start3A_87 = arith.constant 0 : i32
      %dma_start3A_88 = tpu.memref_slice %arg6[%arg0, %mul3A_86, %dma_start3A_87] : memref<2x10112x16xf32, #tpu.memory_space<hbm>> -> memref<1x632x16xf32, #tpu.memory_space<hbm>>
      %dma_start3A_89 = tpu.memref_squeeze %dma_start3A_88 : memref<1x632x16xf32, #tpu.memory_space<hbm>> -> memref<632x16xf32, #tpu.memory_space<hbm>>
      %dma_start3A_90 = arith.constant 0 : i32
      %dma_start3A_91 = tpu.memref_slice %arg10[%mul3A_84, %dma_start3A_90] : memref<10112x16xf32, #tpu.memory_space<vmem_shared>> -> memref<632x16xf32, #tpu.memory_space<vmem_shared>>
      tpu.enqueue_dma source(%dma_start3A_91 : memref<632x16xf32, #tpu.memory_space<vmem_shared>>) target(%dma_start3A_89 : memref<632x16xf32, #tpu.memory_space<hbm>>) target_semaphore(%run_scoped3A : memref<!tpu.dma_semaphore, #tpu.memory_space<semaphore_mem>>)
      %dma_wait3A = arith.constant 0 : i32
      %dma_wait3A_92 = tpu.memref_slice %arg6[%arg0, %mul3A_86, %dma_wait3A] : memref<2x10112x16xf32, #tpu.memory_space<hbm>> -> memref<1x632x16xf32, #tpu.memory_space<hbm>>
      %dma_wait3A_93 = tpu.memref_squeeze %dma_wait3A_92 : memref<1x632x16xf32, #tpu.memory_space<hbm>> -> memref<632x16xf32, #tpu.memory_space<hbm>>
      %dma_wait3A_94 = arith.constant 0 : i32
      %dma_wait3A_95 = tpu.memref_slice %arg10[%mul3A_84, %dma_wait3A_94] : memref<10112x16xf32, #tpu.memory_space<vmem_shared>> -> memref<632x16xf32, #tpu.memory_space<vmem_shared>>
      tpu.wait_dma2 semaphore(%run_scoped3A : memref<!tpu.dma_semaphore, #tpu.memory_space<semaphore_mem>>) src(%dma_wait3A_95 : memref<632x16xf32, #tpu.memory_space<vmem_shared>>) dst(%dma_wait3A_93 : memref<632x16xf32, #tpu.memory_space<hbm>>)
      tpu.yield
    }) : () -> ()
    return
  }
}

#map = affine_map<(d0, d1) -> (0, 0)>
#map1 = affine_map<(d0, d1) -> (0, 0, 0)>
module attributes {stable_mosaic.version = 14 : i64} {
  func.func @k(%arg0: i32, %arg1: i32, %arg2: memref<10112x32xf32, #tpu.memory_space<hbm>>, %arg3: memref<32x125x80xi32, #tpu.memory_space<hbm>>, %arg4: memref<32x125x80xi32, #tpu.memory_space<hbm>>, %arg5: memref<632x32xf32, #tpu.memory_space<hbm>>, %arg6: memref<2x10112x32xf32, #tpu.memory_space<hbm>>, %arg7: memref<125x80xi32, #tpu.memory_space<vmem>>, %arg8: memref<125x80xi32, #tpu.memory_space<vmem>>, %arg9: memref<5x80x32xf32, #tpu.memory_space<vmem>>, %arg10: memref<10112x32xf32, #tpu.memory_space<vmem_shared>>, %arg11: memref<5x!tpu.dma_semaphore, #tpu.memory_space<semaphore_mem>>, %arg12: memref<5x!tpu.dma_semaphore, #tpu.memory_space<semaphore_mem>>) attributes {dimension_semantics = [#tpu.dimension_semantics<core_parallel>, #tpu.dimension_semantics<subcore_parallel>], iteration_bounds = array<i64: 2, 16>, scalar_prefetch = 0 : i64, scratch_operands = 6 : i64, tpu.core_type = #tpu.core_type<sc_vector_subcore>, window_params = [{transform_indices = #map}, {transform_indices = #map1}, {transform_indices = #map1}, {transform_indices = #map}, {transform_indices = #map1}]} {
    %mul3A = arith.constant 16 : i32
    %mul3A_0 = arith.muli %arg0, %mul3A : i32
    %add3A = arith.addi %mul3A_0, %arg1 : i32
    %mul3A_1 = arith.constant 632 : i32
    %mul3A_2 = arith.muli %arg1, %mul3A_1 : i32
    "tpu.region"() ({
      %run_scoped3A = tpu.sem_alloc : memref<!tpu.dma_semaphore, #tpu.memory_space<semaphore_mem>>
      %dma_start3A_87 = arith.constant 0 : i32
      %dma_start3A_88 = tpu.memref_slice %arg10[%mul3A_2, %dma_start3A_87] : memref<10112x32xf32, #tpu.memory_space<vmem_shared>> -> memref<632x32xf32, #tpu.memory_space<vmem_shared>>
      tpu.enqueue_dma source(%arg5 : memref<632x32xf32, #tpu.memory_space<hbm>>) target(%dma_start3A_88 : memref<632x32xf32, #tpu.memory_space<vmem_shared>>) target_semaphore(%run_scoped3A : memref<!tpu.dma_semaphore, #tpu.memory_space<semaphore_mem>>)
      %dma_wait3A = arith.constant 0 : i32
      %dma_wait3A_89 = tpu.memref_slice %arg10[%mul3A_2, %dma_wait3A] : memref<10112x32xf32, #tpu.memory_space<vmem_shared>> -> memref<632x32xf32, #tpu.memory_space<vmem_shared>>
      tpu.wait_dma2 semaphore(%run_scoped3A : memref<!tpu.dma_semaphore, #tpu.memory_space<semaphore_mem>>) src(%arg5 : memref<632x32xf32, #tpu.memory_space<hbm>>) dst(%dma_wait3A_89 : memref<632x32xf32, #tpu.memory_space<vmem_shared>>)
      tpu.yield
    }) : () -> ()
    "tpu.region"() ({
      %run_scoped3A = tpu.sem_alloc : memref<!tpu.dma_semaphore, #tpu.memory_space<semaphore_mem>>
      %dma_start3A_87 = arith.constant 0 : i32
      %dma_start3A_88 = arith.constant 0 : i32
      %dma_start3A_89 = tpu.memref_slice %arg3[%add3A, %dma_start3A_87, %dma_start3A_88] : memref<32x125x80xi32, #tpu.memory_space<hbm>> -> memref<1x125x80xi32, #tpu.memory_space<hbm>>
      %dma_start3A_90 = tpu.memref_squeeze %dma_start3A_89 : memref<1x125x80xi32, #tpu.memory_space<hbm>> -> memref<125x80xi32, #tpu.memory_space<hbm>>
      %dma_start3A_91 = arith.constant 0 : i32
      %dma_start3A_92 = arith.constant 0 : i32
      %dma_start3A_93 = tpu.memref_slice %arg3[%add3A, %dma_start3A_91, %dma_start3A_92] : memref<32x125x80xi32, #tpu.memory_space<hbm>> -> memref<1x125x80xi32, #tpu.memory_space<hbm>>
      %dma_start3A_94 = tpu.memref_squeeze %dma_start3A_93 : memref<1x125x80xi32, #tpu.memory_space<hbm>> -> memref<125x80xi32, #tpu.memory_space<hbm>>
      tpu.enqueue_dma source(%dma_start3A_94 : memref<125x80xi32, #tpu.memory_space<hbm>>) target(%arg7 : memref<125x80xi32, #tpu.memory_space<vmem>>) target_semaphore(%run_scoped3A : memref<!tpu.dma_semaphore, #tpu.memory_space<semaphore_mem>>)
      %dma_wait3A = arith.constant 0 : i32
      %dma_wait3A_95 = arith.constant 0 : i32
      %dma_wait3A_96 = tpu.memref_slice %arg3[%add3A, %dma_wait3A, %dma_wait3A_95] : memref<32x125x80xi32, #tpu.memory_space<hbm>> -> memref<1x125x80xi32, #tpu.memory_space<hbm>>
      %dma_wait3A_97 = tpu.memref_squeeze %dma_wait3A_96 : memref<1x125x80xi32, #tpu.memory_space<hbm>> -> memref<125x80xi32, #tpu.memory_space<hbm>>
      %dma_wait3A_98 = arith.constant 0 : i32
      %dma_wait3A_99 = arith.constant 0 : i32
      %dma_wait3A_100 = tpu.memref_slice %arg3[%add3A, %dma_wait3A_98, %dma_wait3A_99] : memref<32x125x80xi32, #tpu.memory_space<hbm>> -> memref<1x125x80xi32, #tpu.memory_space<hbm>>
      %dma_wait3A_101 = tpu.memref_squeeze %dma_wait3A_100 : memref<1x125x80xi32, #tpu.memory_space<hbm>> -> memref<125x80xi32, #tpu.memory_space<hbm>>
      tpu.wait_dma2 semaphore(%run_scoped3A : memref<!tpu.dma_semaphore, #tpu.memory_space<semaphore_mem>>) src(%dma_wait3A_101 : memref<125x80xi32, #tpu.memory_space<hbm>>) dst(%arg7 : memref<125x80xi32, #tpu.memory_space<vmem>>)
      tpu.yield
    }) : () -> ()
    "tpu.region"() ({
      %run_scoped3A = tpu.sem_alloc : memref<!tpu.dma_semaphore, #tpu.memory_space<semaphore_mem>>
      %dma_start3A_87 = arith.constant 0 : i32
      %dma_start3A_88 = arith.constant 0 : i32
      %dma_start3A_89 = tpu.memref_slice %arg4[%add3A, %dma_start3A_87, %dma_start3A_88] : memref<32x125x80xi32, #tpu.memory_space<hbm>> -> memref<1x125x80xi32, #tpu.memory_space<hbm>>
      %dma_start3A_90 = tpu.memref_squeeze %dma_start3A_89 : memref<1x125x80xi32, #tpu.memory_space<hbm>> -> memref<125x80xi32, #tpu.memory_space<hbm>>
      %dma_start3A_91 = arith.constant 0 : i32
      %dma_start3A_92 = arith.constant 0 : i32
      %dma_start3A_93 = tpu.memref_slice %arg4[%add3A, %dma_start3A_91, %dma_start3A_92] : memref<32x125x80xi32, #tpu.memory_space<hbm>> -> memref<1x125x80xi32, #tpu.memory_space<hbm>>
      %dma_start3A_94 = tpu.memref_squeeze %dma_start3A_93 : memref<1x125x80xi32, #tpu.memory_space<hbm>> -> memref<125x80xi32, #tpu.memory_space<hbm>>
      tpu.enqueue_dma source(%dma_start3A_94 : memref<125x80xi32, #tpu.memory_space<hbm>>) target(%arg8 : memref<125x80xi32, #tpu.memory_space<vmem>>) target_semaphore(%run_scoped3A : memref<!tpu.dma_semaphore, #tpu.memory_space<semaphore_mem>>)
      %dma_wait3A = arith.constant 0 : i32
      %dma_wait3A_95 = arith.constant 0 : i32
      %dma_wait3A_96 = tpu.memref_slice %arg4[%add3A, %dma_wait3A, %dma_wait3A_95] : memref<32x125x80xi32, #tpu.memory_space<hbm>> -> memref<1x125x80xi32, #tpu.memory_space<hbm>>
      %dma_wait3A_97 = tpu.memref_squeeze %dma_wait3A_96 : memref<1x125x80xi32, #tpu.memory_space<hbm>> -> memref<125x80xi32, #tpu.memory_space<hbm>>
      %dma_wait3A_98 = arith.constant 0 : i32
      %dma_wait3A_99 = arith.constant 0 : i32
      %dma_wait3A_100 = tpu.memref_slice %arg4[%add3A, %dma_wait3A_98, %dma_wait3A_99] : memref<32x125x80xi32, #tpu.memory_space<hbm>> -> memref<1x125x80xi32, #tpu.memory_space<hbm>>
      %dma_wait3A_101 = tpu.memref_squeeze %dma_wait3A_100 : memref<1x125x80xi32, #tpu.memory_space<hbm>> -> memref<125x80xi32, #tpu.memory_space<hbm>>
      tpu.wait_dma2 semaphore(%run_scoped3A : memref<!tpu.dma_semaphore, #tpu.memory_space<semaphore_mem>>) src(%dma_wait3A_101 : memref<125x80xi32, #tpu.memory_space<hbm>>) dst(%arg8 : memref<125x80xi32, #tpu.memory_space<vmem>>)
      tpu.yield
    }) : () -> ()
    %barrier3A = arith.constant 0 : index
    tpu.barrier barrier_id(%barrier3A)
    %dma_start3A = arith.constant 0 : i32
    %dma_start3A_3 = arith.constant 0 : i32
    %dma_start3A_4 = arith.constant 0 : i32
    %dma_start3A_5 = arith.constant 0 : i32
    %dma_start3A_6 = arith.constant 0 : i32
    %dma_start3A_7 = tpu.memref_slice %arg9[%dma_start3A_3, %dma_start3A_5, %dma_start3A_6] : memref<5x80x32xf32, #tpu.memory_space<vmem>> -> memref<1x80x32xf32, #tpu.memory_space<vmem>>
    %dma_start3A_8 = tpu.memref_squeeze %dma_start3A_7 : memref<1x80x32xf32, #tpu.memory_space<vmem>> -> memref<80x32xf32, #tpu.memory_space<vmem>>
    %dma_start3A_9 = arith.constant 0 : i32
    %dma_start3A_10 = tpu.memref_slice %arg7[%dma_start3A, %dma_start3A_9] : memref<125x80xi32, #tpu.memory_space<vmem>> -> memref<1x80xi32, #tpu.memory_space<vmem>>
    %dma_start3A_11 = tpu.memref_squeeze %dma_start3A_10 : memref<1x80xi32, #tpu.memory_space<vmem>> -> memref<80xi32, #tpu.memory_space<vmem>>
    %dma_start3A_12 = arith.constant 0 : i32
    %dma_start3A_13 = arith.constant 0 : i32
    %dma_start3A_14 = tpu.memref_slice %arg2[%dma_start3A_12, %dma_start3A_13] : memref<10112x32xf32, #tpu.memory_space<hbm>> -> memref<10112x32xf32, #tpu.memory_space<hbm>>
    %dma_start3A_15 = tpu.memref_slice %arg11[%dma_start3A_4] : memref<5x!tpu.dma_semaphore, #tpu.memory_space<semaphore_mem>> -> memref<1x!tpu.dma_semaphore, #tpu.memory_space<semaphore_mem>>
    %dma_start3A_16 = tpu.memref_squeeze %dma_start3A_15 : memref<1x!tpu.dma_semaphore, #tpu.memory_space<semaphore_mem>> -> memref<!tpu.dma_semaphore, #tpu.memory_space<semaphore_mem>>
    tpu.enqueue_indirect_dma source(%dma_start3A_14 : memref<10112x32xf32, #tpu.memory_space<hbm>>) target(%dma_start3A_8 : memref<80x32xf32, #tpu.memory_space<vmem>>) offsets(%dma_start3A_11 : memref<80xi32, #tpu.memory_space<vmem>>) semaphore(%dma_start3A_16 : memref<!tpu.dma_semaphore, #tpu.memory_space<semaphore_mem>>)
    %dma_start3A_17 = arith.constant 1 : i32
    %dma_start3A_18 = arith.constant 1 : i32
    %dma_start3A_19 = arith.constant 1 : i32
    %dma_start3A_20 = arith.constant 0 : i32
    %dma_start3A_21 = arith.constant 0 : i32
    %dma_start3A_22 = tpu.memref_slice %arg9[%dma_start3A_18, %dma_start3A_20, %dma_start3A_21] : memref<5x80x32xf32, #tpu.memory_space<vmem>> -> memref<1x80x32xf32, #tpu.memory_space<vmem>>
    %dma_start3A_23 = tpu.memref_squeeze %dma_start3A_22 : memref<1x80x32xf32, #tpu.memory_space<vmem>> -> memref<80x32xf32, #tpu.memory_space<vmem>>
    %dma_start3A_24 = arith.constant 0 : i32
    %dma_start3A_25 = tpu.memref_slice %arg7[%dma_start3A_17, %dma_start3A_24] : memref<125x80xi32, #tpu.memory_space<vmem>> -> memref<1x80xi32, #tpu.memory_space<vmem>>
    %dma_start3A_26 = tpu.memref_squeeze %dma_start3A_25 : memref<1x80xi32, #tpu.memory_space<vmem>> -> memref<80xi32, #tpu.memory_space<vmem>>
    %dma_start3A_27 = arith.constant 0 : i32
    %dma_start3A_28 = arith.constant 0 : i32
    %dma_start3A_29 = tpu.memref_slice %arg2[%dma_start3A_27, %dma_start3A_28] : memref<10112x32xf32, #tpu.memory_space<hbm>> -> memref<10112x32xf32, #tpu.memory_space<hbm>>
    %dma_start3A_30 = tpu.memref_slice %arg11[%dma_start3A_19] : memref<5x!tpu.dma_semaphore, #tpu.memory_space<semaphore_mem>> -> memref<1x!tpu.dma_semaphore, #tpu.memory_space<semaphore_mem>>
    %dma_start3A_31 = tpu.memref_squeeze %dma_start3A_30 : memref<1x!tpu.dma_semaphore, #tpu.memory_space<semaphore_mem>> -> memref<!tpu.dma_semaphore, #tpu.memory_space<semaphore_mem>>
    tpu.enqueue_indirect_dma source(%dma_start3A_29 : memref<10112x32xf32, #tpu.memory_space<hbm>>) target(%dma_start3A_23 : memref<80x32xf32, #tpu.memory_space<vmem>>) offsets(%dma_start3A_26 : memref<80xi32, #tpu.memory_space<vmem>>) semaphore(%dma_start3A_31 : memref<!tpu.dma_semaphore, #tpu.memory_space<semaphore_mem>>)
    %dma_start3A_32 = arith.constant 2 : i32
    %dma_start3A_33 = arith.constant 2 : i32
    %dma_start3A_34 = arith.constant 2 : i32
    %dma_start3A_35 = arith.constant 0 : i32
    %dma_start3A_36 = arith.constant 0 : i32
    %dma_start3A_37 = tpu.memref_slice %arg9[%dma_start3A_33, %dma_start3A_35, %dma_start3A_36] : memref<5x80x32xf32, #tpu.memory_space<vmem>> -> memref<1x80x32xf32, #tpu.memory_space<vmem>>
    %dma_start3A_38 = tpu.memref_squeeze %dma_start3A_37 : memref<1x80x32xf32, #tpu.memory_space<vmem>> -> memref<80x32xf32, #tpu.memory_space<vmem>>
    %dma_start3A_39 = arith.constant 0 : i32
    %dma_start3A_40 = tpu.memref_slice %arg7[%dma_start3A_32, %dma_start3A_39] : memref<125x80xi32, #tpu.memory_space<vmem>> -> memref<1x80xi32, #tpu.memory_space<vmem>>
    %dma_start3A_41 = tpu.memref_squeeze %dma_start3A_40 : memref<1x80xi32, #tpu.memory_space<vmem>> -> memref<80xi32, #tpu.memory_space<vmem>>
    %dma_start3A_42 = arith.constant 0 : i32
    %dma_start3A_43 = arith.constant 0 : i32
    %dma_start3A_44 = tpu.memref_slice %arg2[%dma_start3A_42, %dma_start3A_43] : memref<10112x32xf32, #tpu.memory_space<hbm>> -> memref<10112x32xf32, #tpu.memory_space<hbm>>
    %dma_start3A_45 = tpu.memref_slice %arg11[%dma_start3A_34] : memref<5x!tpu.dma_semaphore, #tpu.memory_space<semaphore_mem>> -> memref<1x!tpu.dma_semaphore, #tpu.memory_space<semaphore_mem>>
    %dma_start3A_46 = tpu.memref_squeeze %dma_start3A_45 : memref<1x!tpu.dma_semaphore, #tpu.memory_space<semaphore_mem>> -> memref<!tpu.dma_semaphore, #tpu.memory_space<semaphore_mem>>
    tpu.enqueue_indirect_dma source(%dma_start3A_44 : memref<10112x32xf32, #tpu.memory_space<hbm>>) target(%dma_start3A_38 : memref<80x32xf32, #tpu.memory_space<vmem>>) offsets(%dma_start3A_41 : memref<80xi32, #tpu.memory_space<vmem>>) semaphore(%dma_start3A_46 : memref<!tpu.dma_semaphore, #tpu.memory_space<semaphore_mem>>)
    %dma_start3A_47 = arith.constant 3 : i32
    %dma_start3A_48 = arith.constant 3 : i32
    %dma_start3A_49 = arith.constant 3 : i32
    %dma_start3A_50 = arith.constant 0 : i32
    %dma_start3A_51 = arith.constant 0 : i32
    %dma_start3A_52 = tpu.memref_slice %arg9[%dma_start3A_48, %dma_start3A_50, %dma_start3A_51] : memref<5x80x32xf32, #tpu.memory_space<vmem>> -> memref<1x80x32xf32, #tpu.memory_space<vmem>>
    %dma_start3A_53 = tpu.memref_squeeze %dma_start3A_52 : memref<1x80x32xf32, #tpu.memory_space<vmem>> -> memref<80x32xf32, #tpu.memory_space<vmem>>
    %dma_start3A_54 = arith.constant 0 : i32
    %dma_start3A_55 = tpu.memref_slice %arg7[%dma_start3A_47, %dma_start3A_54] : memref<125x80xi32, #tpu.memory_space<vmem>> -> memref<1x80xi32, #tpu.memory_space<vmem>>
    %dma_start3A_56 = tpu.memref_squeeze %dma_start3A_55 : memref<1x80xi32, #tpu.memory_space<vmem>> -> memref<80xi32, #tpu.memory_space<vmem>>
    %dma_start3A_57 = arith.constant 0 : i32
    %dma_start3A_58 = arith.constant 0 : i32
    %dma_start3A_59 = tpu.memref_slice %arg2[%dma_start3A_57, %dma_start3A_58] : memref<10112x32xf32, #tpu.memory_space<hbm>> -> memref<10112x32xf32, #tpu.memory_space<hbm>>
    %dma_start3A_60 = tpu.memref_slice %arg11[%dma_start3A_49] : memref<5x!tpu.dma_semaphore, #tpu.memory_space<semaphore_mem>> -> memref<1x!tpu.dma_semaphore, #tpu.memory_space<semaphore_mem>>
    %dma_start3A_61 = tpu.memref_squeeze %dma_start3A_60 : memref<1x!tpu.dma_semaphore, #tpu.memory_space<semaphore_mem>> -> memref<!tpu.dma_semaphore, #tpu.memory_space<semaphore_mem>>
    tpu.enqueue_indirect_dma source(%dma_start3A_59 : memref<10112x32xf32, #tpu.memory_space<hbm>>) target(%dma_start3A_53 : memref<80x32xf32, #tpu.memory_space<vmem>>) offsets(%dma_start3A_56 : memref<80xi32, #tpu.memory_space<vmem>>) semaphore(%dma_start3A_61 : memref<!tpu.dma_semaphore, #tpu.memory_space<semaphore_mem>>)
    %dma_start3A_62 = arith.constant 4 : i32
    %dma_start3A_63 = arith.constant 4 : i32
    %dma_start3A_64 = arith.constant 4 : i32
    %dma_start3A_65 = arith.constant 0 : i32
    %dma_start3A_66 = arith.constant 0 : i32
    %dma_start3A_67 = tpu.memref_slice %arg9[%dma_start3A_63, %dma_start3A_65, %dma_start3A_66] : memref<5x80x32xf32, #tpu.memory_space<vmem>> -> memref<1x80x32xf32, #tpu.memory_space<vmem>>
    %dma_start3A_68 = tpu.memref_squeeze %dma_start3A_67 : memref<1x80x32xf32, #tpu.memory_space<vmem>> -> memref<80x32xf32, #tpu.memory_space<vmem>>
    %dma_start3A_69 = arith.constant 0 : i32
    %dma_start3A_70 = tpu.memref_slice %arg7[%dma_start3A_62, %dma_start3A_69] : memref<125x80xi32, #tpu.memory_space<vmem>> -> memref<1x80xi32, #tpu.memory_space<vmem>>
    %dma_start3A_71 = tpu.memref_squeeze %dma_start3A_70 : memref<1x80xi32, #tpu.memory_space<vmem>> -> memref<80xi32, #tpu.memory_space<vmem>>
    %dma_start3A_72 = arith.constant 0 : i32
    %dma_start3A_73 = arith.constant 0 : i32
    %dma_start3A_74 = tpu.memref_slice %arg2[%dma_start3A_72, %dma_start3A_73] : memref<10112x32xf32, #tpu.memory_space<hbm>> -> memref<10112x32xf32, #tpu.memory_space<hbm>>
    %dma_start3A_75 = tpu.memref_slice %arg11[%dma_start3A_64] : memref<5x!tpu.dma_semaphore, #tpu.memory_space<semaphore_mem>> -> memref<1x!tpu.dma_semaphore, #tpu.memory_space<semaphore_mem>>
    %dma_start3A_76 = tpu.memref_squeeze %dma_start3A_75 : memref<1x!tpu.dma_semaphore, #tpu.memory_space<semaphore_mem>> -> memref<!tpu.dma_semaphore, #tpu.memory_space<semaphore_mem>>
    tpu.enqueue_indirect_dma source(%dma_start3A_74 : memref<10112x32xf32, #tpu.memory_space<hbm>>) target(%dma_start3A_68 : memref<80x32xf32, #tpu.memory_space<vmem>>) offsets(%dma_start3A_71 : memref<80xi32, #tpu.memory_space<vmem>>) semaphore(%dma_start3A_76 : memref<!tpu.dma_semaphore, #tpu.memory_space<semaphore_mem>>)
    %scan3A = arith.constant 0 : i32
    %scan3A_77 = arith.constant 0 : i32
    %scan3A_78 = arith.constant 25 : i32
    %scan3A_79 = arith.addi %scan3A_77, %scan3A_78 : i32
    %scan3A_80 = arith.constant 1 : i32
    scf.for %scan3A_87 = %scan3A_77 to %scan3A_79 step %scan3A_80  : i32 {
      %mul3A_88 = arith.constant 5 : i32
      %mul3A_89 = arith.muli %scan3A_87, %mul3A_88 : i32
      %add3A_90 = arith.constant 0 : i32
      %add3A_91 = arith.addi %mul3A_89, %add3A_90 : i32
      %dma_wait3A = arith.constant 0 : i32
      %dma_wait3A_92 = arith.constant 0 : i32
      %dma_wait3A_93 = arith.constant 0 : i32
      %dma_wait3A_94 = arith.constant 0 : i32
      %dma_wait3A_95 = tpu.memref_slice %arg9[%dma_wait3A, %dma_wait3A_93, %dma_wait3A_94] : memref<5x80x32xf32, #tpu.memory_space<vmem>> -> memref<1x80x32xf32, #tpu.memory_space<vmem>>
      %dma_wait3A_96 = tpu.memref_squeeze %dma_wait3A_95 : memref<1x80x32xf32, #tpu.memory_space<vmem>> -> memref<80x32xf32, #tpu.memory_space<vmem>>
      %dma_wait3A_97 = arith.constant 0 : i32
      %dma_wait3A_98 = tpu.memref_slice %arg7[%add3A_91, %dma_wait3A_97] : memref<125x80xi32, #tpu.memory_space<vmem>> -> memref<1x80xi32, #tpu.memory_space<vmem>>
      %dma_wait3A_99 = tpu.memref_squeeze %dma_wait3A_98 : memref<1x80xi32, #tpu.memory_space<vmem>> -> memref<80xi32, #tpu.memory_space<vmem>>
      %dma_wait3A_100 = arith.constant 0 : i32
      %dma_wait3A_101 = arith.constant 0 : i32
      %dma_wait3A_102 = tpu.memref_slice %arg2[%dma_wait3A_100, %dma_wait3A_101] : memref<10112x32xf32, #tpu.memory_space<hbm>> -> memref<10112x32xf32, #tpu.memory_space<hbm>>
      %dma_wait3A_103 = tpu.memref_slice %arg11[%dma_wait3A_92] : memref<5x!tpu.dma_semaphore, #tpu.memory_space<semaphore_mem>> -> memref<1x!tpu.dma_semaphore, #tpu.memory_space<semaphore_mem>>
      %dma_wait3A_104 = tpu.memref_squeeze %dma_wait3A_103 : memref<1x!tpu.dma_semaphore, #tpu.memory_space<semaphore_mem>> -> memref<!tpu.dma_semaphore, #tpu.memory_space<semaphore_mem>>
      tpu.wait_indirect_dma semaphore(%dma_wait3A_104 : memref<!tpu.dma_semaphore, #tpu.memory_space<semaphore_mem>>) src(%dma_wait3A_102 : memref<10112x32xf32, #tpu.memory_space<hbm>>) dst(%dma_wait3A_96 : memref<80x32xf32, #tpu.memory_space<vmem>>)
      %dma_start3A_105 = arith.constant 0 : i32
      %dma_start3A_106 = arith.constant 0 : i32
      %dma_start3A_107 = arith.constant 0 : i32
      %dma_start3A_108 = arith.constant 0 : i32
      %dma_start3A_109 = tpu.memref_slice %arg9[%dma_start3A_105, %dma_start3A_107, %dma_start3A_108] : memref<5x80x32xf32, #tpu.memory_space<vmem>> -> memref<1x80x32xf32, #tpu.memory_space<vmem>>
      %dma_start3A_110 = tpu.memref_squeeze %dma_start3A_109 : memref<1x80x32xf32, #tpu.memory_space<vmem>> -> memref<80x32xf32, #tpu.memory_space<vmem>>
      %dma_start3A_111 = arith.constant 0 : i32
      %dma_start3A_112 = tpu.memref_slice %arg8[%add3A_91, %dma_start3A_111] : memref<125x80xi32, #tpu.memory_space<vmem>> -> memref<1x80xi32, #tpu.memory_space<vmem>>
      %dma_start3A_113 = tpu.memref_squeeze %dma_start3A_112 : memref<1x80xi32, #tpu.memory_space<vmem>> -> memref<80xi32, #tpu.memory_space<vmem>>
      %dma_start3A_114 = arith.constant 0 : i32
      %dma_start3A_115 = arith.constant 0 : i32
      %dma_start3A_116 = tpu.memref_slice %arg10[%dma_start3A_114, %dma_start3A_115] : memref<10112x32xf32, #tpu.memory_space<vmem_shared>> -> memref<10112x32xf32, #tpu.memory_space<vmem_shared>>
      %dma_start3A_117 = tpu.memref_slice %arg12[%dma_start3A_106] : memref<5x!tpu.dma_semaphore, #tpu.memory_space<semaphore_mem>> -> memref<1x!tpu.dma_semaphore, #tpu.memory_space<semaphore_mem>>
      %dma_start3A_118 = tpu.memref_squeeze %dma_start3A_117 : memref<1x!tpu.dma_semaphore, #tpu.memory_space<semaphore_mem>> -> memref<!tpu.dma_semaphore, #tpu.memory_space<semaphore_mem>>
      tpu.enqueue_indirect_dma source(%dma_start3A_110 : memref<80x32xf32, #tpu.memory_space<vmem>>) target(%dma_start3A_116 : memref<10112x32xf32, #tpu.memory_space<vmem_shared>>) offsets(%dma_start3A_113 : memref<80xi32, #tpu.memory_space<vmem>>) semaphore(%dma_start3A_118 : memref<!tpu.dma_semaphore, #tpu.memory_space<semaphore_mem>>) {add = true}
      %add3A_119 = arith.constant 1 : i32
      %add3A_120 = arith.addi %mul3A_89, %add3A_119 : i32
      %dma_wait3A_121 = arith.constant 1 : i32
      %dma_wait3A_122 = arith.constant 1 : i32
      %dma_wait3A_123 = arith.constant 0 : i32
      %dma_wait3A_124 = arith.constant 0 : i32
      %dma_wait3A_125 = tpu.memref_slice %arg9[%dma_wait3A_121, %dma_wait3A_123, %dma_wait3A_124] : memref<5x80x32xf32, #tpu.memory_space<vmem>> -> memref<1x80x32xf32, #tpu.memory_space<vmem>>
      %dma_wait3A_126 = tpu.memref_squeeze %dma_wait3A_125 : memref<1x80x32xf32, #tpu.memory_space<vmem>> -> memref<80x32xf32, #tpu.memory_space<vmem>>
      %dma_wait3A_127 = arith.constant 0 : i32
      %dma_wait3A_128 = tpu.memref_slice %arg7[%add3A_120, %dma_wait3A_127] : memref<125x80xi32, #tpu.memory_space<vmem>> -> memref<1x80xi32, #tpu.memory_space<vmem>>
      %dma_wait3A_129 = tpu.memref_squeeze %dma_wait3A_128 : memref<1x80xi32, #tpu.memory_space<vmem>> -> memref<80xi32, #tpu.memory_space<vmem>>
      %dma_wait3A_130 = arith.constant 0 : i32
      %dma_wait3A_131 = arith.constant 0 : i32
      %dma_wait3A_132 = tpu.memref_slice %arg2[%dma_wait3A_130, %dma_wait3A_131] : memref<10112x32xf32, #tpu.memory_space<hbm>> -> memref<10112x32xf32, #tpu.memory_space<hbm>>
      %dma_wait3A_133 = tpu.memref_slice %arg11[%dma_wait3A_122] : memref<5x!tpu.dma_semaphore, #tpu.memory_space<semaphore_mem>> -> memref<1x!tpu.dma_semaphore, #tpu.memory_space<semaphore_mem>>
      %dma_wait3A_134 = tpu.memref_squeeze %dma_wait3A_133 : memref<1x!tpu.dma_semaphore, #tpu.memory_space<semaphore_mem>> -> memref<!tpu.dma_semaphore, #tpu.memory_space<semaphore_mem>>
      tpu.wait_indirect_dma semaphore(%dma_wait3A_134 : memref<!tpu.dma_semaphore, #tpu.memory_space<semaphore_mem>>) src(%dma_wait3A_132 : memref<10112x32xf32, #tpu.memory_space<hbm>>) dst(%dma_wait3A_126 : memref<80x32xf32, #tpu.memory_space<vmem>>)
      %dma_start3A_135 = arith.constant 1 : i32
      %dma_start3A_136 = arith.constant 1 : i32
      %dma_start3A_137 = arith.constant 0 : i32
      %dma_start3A_138 = arith.constant 0 : i32
      %dma_start3A_139 = tpu.memref_slice %arg9[%dma_start3A_135, %dma_start3A_137, %dma_start3A_138] : memref<5x80x32xf32, #tpu.memory_space<vmem>> -> memref<1x80x32xf32, #tpu.memory_space<vmem>>
      %dma_start3A_140 = tpu.memref_squeeze %dma_start3A_139 : memref<1x80x32xf32, #tpu.memory_space<vmem>> -> memref<80x32xf32, #tpu.memory_space<vmem>>
      %dma_start3A_141 = arith.constant 0 : i32
      %dma_start3A_142 = tpu.memref_slice %arg8[%add3A_120, %dma_start3A_141] : memref<125x80xi32, #tpu.memory_space<vmem>> -> memref<1x80xi32, #tpu.memory_space<vmem>>
      %dma_start3A_143 = tpu.memref_squeeze %dma_start3A_142 : memref<1x80xi32, #tpu.memory_space<vmem>> -> memref<80xi32, #tpu.memory_space<vmem>>
      %dma_start3A_144 = arith.constant 0 : i32
      %dma_start3A_145 = arith.constant 0 : i32
      %dma_start3A_146 = tpu.memref_slice %arg10[%dma_start3A_144, %dma_start3A_145] : memref<10112x32xf32, #tpu.memory_space<vmem_shared>> -> memref<10112x32xf32, #tpu.memory_space<vmem_shared>>
      %dma_start3A_147 = tpu.memref_slice %arg12[%dma_start3A_136] : memref<5x!tpu.dma_semaphore, #tpu.memory_space<semaphore_mem>> -> memref<1x!tpu.dma_semaphore, #tpu.memory_space<semaphore_mem>>
      %dma_start3A_148 = tpu.memref_squeeze %dma_start3A_147 : memref<1x!tpu.dma_semaphore, #tpu.memory_space<semaphore_mem>> -> memref<!tpu.dma_semaphore, #tpu.memory_space<semaphore_mem>>
      tpu.enqueue_indirect_dma source(%dma_start3A_140 : memref<80x32xf32, #tpu.memory_space<vmem>>) target(%dma_start3A_146 : memref<10112x32xf32, #tpu.memory_space<vmem_shared>>) offsets(%dma_start3A_143 : memref<80xi32, #tpu.memory_space<vmem>>) semaphore(%dma_start3A_148 : memref<!tpu.dma_semaphore, #tpu.memory_space<semaphore_mem>>) {add = true}
      %add3A_149 = arith.constant 2 : i32
      %add3A_150 = arith.addi %mul3A_89, %add3A_149 : i32
      %dma_wait3A_151 = arith.constant 2 : i32
      %dma_wait3A_152 = arith.constant 2 : i32
      %dma_wait3A_153 = arith.constant 0 : i32
      %dma_wait3A_154 = arith.constant 0 : i32
      %dma_wait3A_155 = tpu.memref_slice %arg9[%dma_wait3A_151, %dma_wait3A_153, %dma_wait3A_154] : memref<5x80x32xf32, #tpu.memory_space<vmem>> -> memref<1x80x32xf32, #tpu.memory_space<vmem>>
      %dma_wait3A_156 = tpu.memref_squeeze %dma_wait3A_155 : memref<1x80x32xf32, #tpu.memory_space<vmem>> -> memref<80x32xf32, #tpu.memory_space<vmem>>
      %dma_wait3A_157 = arith.constant 0 : i32
      %dma_wait3A_158 = tpu.memref_slice %arg7[%add3A_150, %dma_wait3A_157] : memref<125x80xi32, #tpu.memory_space<vmem>> -> memref<1x80xi32, #tpu.memory_space<vmem>>
      %dma_wait3A_159 = tpu.memref_squeeze %dma_wait3A_158 : memref<1x80xi32, #tpu.memory_space<vmem>> -> memref<80xi32, #tpu.memory_space<vmem>>
      %dma_wait3A_160 = arith.constant 0 : i32
      %dma_wait3A_161 = arith.constant 0 : i32
      %dma_wait3A_162 = tpu.memref_slice %arg2[%dma_wait3A_160, %dma_wait3A_161] : memref<10112x32xf32, #tpu.memory_space<hbm>> -> memref<10112x32xf32, #tpu.memory_space<hbm>>
      %dma_wait3A_163 = tpu.memref_slice %arg11[%dma_wait3A_152] : memref<5x!tpu.dma_semaphore, #tpu.memory_space<semaphore_mem>> -> memref<1x!tpu.dma_semaphore, #tpu.memory_space<semaphore_mem>>
      %dma_wait3A_164 = tpu.memref_squeeze %dma_wait3A_163 : memref<1x!tpu.dma_semaphore, #tpu.memory_space<semaphore_mem>> -> memref<!tpu.dma_semaphore, #tpu.memory_space<semaphore_mem>>
      tpu.wait_indirect_dma semaphore(%dma_wait3A_164 : memref<!tpu.dma_semaphore, #tpu.memory_space<semaphore_mem>>) src(%dma_wait3A_162 : memref<10112x32xf32, #tpu.memory_space<hbm>>) dst(%dma_wait3A_156 : memref<80x32xf32, #tpu.memory_space<vmem>>)
      %dma_start3A_165 = arith.constant 2 : i32
      %dma_start3A_166 = arith.constant 2 : i32
      %dma_start3A_167 = arith.constant 0 : i32
      %dma_start3A_168 = arith.constant 0 : i32
      %dma_start3A_169 = tpu.memref_slice %arg9[%dma_start3A_165, %dma_start3A_167, %dma_start3A_168] : memref<5x80x32xf32, #tpu.memory_space<vmem>> -> memref<1x80x32xf32, #tpu.memory_space<vmem>>
      %dma_start3A_170 = tpu.memref_squeeze %dma_start3A_169 : memref<1x80x32xf32, #tpu.memory_space<vmem>> -> memref<80x32xf32, #tpu.memory_space<vmem>>
      %dma_start3A_171 = arith.constant 0 : i32
      %dma_start3A_172 = tpu.memref_slice %arg8[%add3A_150, %dma_start3A_171] : memref<125x80xi32, #tpu.memory_space<vmem>> -> memref<1x80xi32, #tpu.memory_space<vmem>>
      %dma_start3A_173 = tpu.memref_squeeze %dma_start3A_172 : memref<1x80xi32, #tpu.memory_space<vmem>> -> memref<80xi32, #tpu.memory_space<vmem>>
      %dma_start3A_174 = arith.constant 0 : i32
      %dma_start3A_175 = arith.constant 0 : i32
      %dma_start3A_176 = tpu.memref_slice %arg10[%dma_start3A_174, %dma_start3A_175] : memref<10112x32xf32, #tpu.memory_space<vmem_shared>> -> memref<10112x32xf32, #tpu.memory_space<vmem_shared>>
      %dma_start3A_177 = tpu.memref_slice %arg12[%dma_start3A_166] : memref<5x!tpu.dma_semaphore, #tpu.memory_space<semaphore_mem>> -> memref<1x!tpu.dma_semaphore, #tpu.memory_space<semaphore_mem>>
      %dma_start3A_178 = tpu.memref_squeeze %dma_start3A_177 : memref<1x!tpu.dma_semaphore, #tpu.memory_space<semaphore_mem>> -> memref<!tpu.dma_semaphore, #tpu.memory_space<semaphore_mem>>
      tpu.enqueue_indirect_dma source(%dma_start3A_170 : memref<80x32xf32, #tpu.memory_space<vmem>>) target(%dma_start3A_176 : memref<10112x32xf32, #tpu.memory_space<vmem_shared>>) offsets(%dma_start3A_173 : memref<80xi32, #tpu.memory_space<vmem>>) semaphore(%dma_start3A_178 : memref<!tpu.dma_semaphore, #tpu.memory_space<semaphore_mem>>) {add = true}
      %add3A_179 = arith.constant 3 : i32
      %add3A_180 = arith.addi %mul3A_89, %add3A_179 : i32
      %dma_wait3A_181 = arith.constant 3 : i32
      %dma_wait3A_182 = arith.constant 3 : i32
      %dma_wait3A_183 = arith.constant 0 : i32
      %dma_wait3A_184 = arith.constant 0 : i32
      %dma_wait3A_185 = tpu.memref_slice %arg9[%dma_wait3A_181, %dma_wait3A_183, %dma_wait3A_184] : memref<5x80x32xf32, #tpu.memory_space<vmem>> -> memref<1x80x32xf32, #tpu.memory_space<vmem>>
      %dma_wait3A_186 = tpu.memref_squeeze %dma_wait3A_185 : memref<1x80x32xf32, #tpu.memory_space<vmem>> -> memref<80x32xf32, #tpu.memory_space<vmem>>
      %dma_wait3A_187 = arith.constant 0 : i32
      %dma_wait3A_188 = tpu.memref_slice %arg7[%add3A_180, %dma_wait3A_187] : memref<125x80xi32, #tpu.memory_space<vmem>> -> memref<1x80xi32, #tpu.memory_space<vmem>>
      %dma_wait3A_189 = tpu.memref_squeeze %dma_wait3A_188 : memref<1x80xi32, #tpu.memory_space<vmem>> -> memref<80xi32, #tpu.memory_space<vmem>>
      %dma_wait3A_190 = arith.constant 0 : i32
      %dma_wait3A_191 = arith.constant 0 : i32
      %dma_wait3A_192 = tpu.memref_slice %arg2[%dma_wait3A_190, %dma_wait3A_191] : memref<10112x32xf32, #tpu.memory_space<hbm>> -> memref<10112x32xf32, #tpu.memory_space<hbm>>
      %dma_wait3A_193 = tpu.memref_slice %arg11[%dma_wait3A_182] : memref<5x!tpu.dma_semaphore, #tpu.memory_space<semaphore_mem>> -> memref<1x!tpu.dma_semaphore, #tpu.memory_space<semaphore_mem>>
      %dma_wait3A_194 = tpu.memref_squeeze %dma_wait3A_193 : memref<1x!tpu.dma_semaphore, #tpu.memory_space<semaphore_mem>> -> memref<!tpu.dma_semaphore, #tpu.memory_space<semaphore_mem>>
      tpu.wait_indirect_dma semaphore(%dma_wait3A_194 : memref<!tpu.dma_semaphore, #tpu.memory_space<semaphore_mem>>) src(%dma_wait3A_192 : memref<10112x32xf32, #tpu.memory_space<hbm>>) dst(%dma_wait3A_186 : memref<80x32xf32, #tpu.memory_space<vmem>>)
      %dma_start3A_195 = arith.constant 3 : i32
      %dma_start3A_196 = arith.constant 3 : i32
      %dma_start3A_197 = arith.constant 0 : i32
      %dma_start3A_198 = arith.constant 0 : i32
      %dma_start3A_199 = tpu.memref_slice %arg9[%dma_start3A_195, %dma_start3A_197, %dma_start3A_198] : memref<5x80x32xf32, #tpu.memory_space<vmem>> -> memref<1x80x32xf32, #tpu.memory_space<vmem>>
      %dma_start3A_200 = tpu.memref_squeeze %dma_start3A_199 : memref<1x80x32xf32, #tpu.memory_space<vmem>> -> memref<80x32xf32, #tpu.memory_space<vmem>>
      %dma_start3A_201 = arith.constant 0 : i32
      %dma_start3A_202 = tpu.memref_slice %arg8[%add3A_180, %dma_start3A_201] : memref<125x80xi32, #tpu.memory_space<vmem>> -> memref<1x80xi32, #tpu.memory_space<vmem>>
      %dma_start3A_203 = tpu.memref_squeeze %dma_start3A_202 : memref<1x80xi32, #tpu.memory_space<vmem>> -> memref<80xi32, #tpu.memory_space<vmem>>
      %dma_start3A_204 = arith.constant 0 : i32
      %dma_start3A_205 = arith.constant 0 : i32
      %dma_start3A_206 = tpu.memref_slice %arg10[%dma_start3A_204, %dma_start3A_205] : memref<10112x32xf32, #tpu.memory_space<vmem_shared>> -> memref<10112x32xf32, #tpu.memory_space<vmem_shared>>
      %dma_start3A_207 = tpu.memref_slice %arg12[%dma_start3A_196] : memref<5x!tpu.dma_semaphore, #tpu.memory_space<semaphore_mem>> -> memref<1x!tpu.dma_semaphore, #tpu.memory_space<semaphore_mem>>
      %dma_start3A_208 = tpu.memref_squeeze %dma_start3A_207 : memref<1x!tpu.dma_semaphore, #tpu.memory_space<semaphore_mem>> -> memref<!tpu.dma_semaphore, #tpu.memory_space<semaphore_mem>>
      tpu.enqueue_indirect_dma source(%dma_start3A_200 : memref<80x32xf32, #tpu.memory_space<vmem>>) target(%dma_start3A_206 : memref<10112x32xf32, #tpu.memory_space<vmem_shared>>) offsets(%dma_start3A_203 : memref<80xi32, #tpu.memory_space<vmem>>) semaphore(%dma_start3A_208 : memref<!tpu.dma_semaphore, #tpu.memory_space<semaphore_mem>>) {add = true}
      %add3A_209 = arith.constant 4 : i32
      %add3A_210 = arith.addi %mul3A_89, %add3A_209 : i32
      %dma_wait3A_211 = arith.constant 4 : i32
      %dma_wait3A_212 = arith.constant 4 : i32
      %dma_wait3A_213 = arith.constant 0 : i32
      %dma_wait3A_214 = arith.constant 0 : i32
      %dma_wait3A_215 = tpu.memref_slice %arg9[%dma_wait3A_211, %dma_wait3A_213, %dma_wait3A_214] : memref<5x80x32xf32, #tpu.memory_space<vmem>> -> memref<1x80x32xf32, #tpu.memory_space<vmem>>
      %dma_wait3A_216 = tpu.memref_squeeze %dma_wait3A_215 : memref<1x80x32xf32, #tpu.memory_space<vmem>> -> memref<80x32xf32, #tpu.memory_space<vmem>>
      %dma_wait3A_217 = arith.constant 0 : i32
      %dma_wait3A_218 = tpu.memref_slice %arg7[%add3A_210, %dma_wait3A_217] : memref<125x80xi32, #tpu.memory_space<vmem>> -> memref<1x80xi32, #tpu.memory_space<vmem>>
      %dma_wait3A_219 = tpu.memref_squeeze %dma_wait3A_218 : memref<1x80xi32, #tpu.memory_space<vmem>> -> memref<80xi32, #tpu.memory_space<vmem>>
      %dma_wait3A_220 = arith.constant 0 : i32
      %dma_wait3A_221 = arith.constant 0 : i32
      %dma_wait3A_222 = tpu.memref_slice %arg2[%dma_wait3A_220, %dma_wait3A_221] : memref<10112x32xf32, #tpu.memory_space<hbm>> -> memref<10112x32xf32, #tpu.memory_space<hbm>>
      %dma_wait3A_223 = tpu.memref_slice %arg11[%dma_wait3A_212] : memref<5x!tpu.dma_semaphore, #tpu.memory_space<semaphore_mem>> -> memref<1x!tpu.dma_semaphore, #tpu.memory_space<semaphore_mem>>
      %dma_wait3A_224 = tpu.memref_squeeze %dma_wait3A_223 : memref<1x!tpu.dma_semaphore, #tpu.memory_space<semaphore_mem>> -> memref<!tpu.dma_semaphore, #tpu.memory_space<semaphore_mem>>
      tpu.wait_indirect_dma semaphore(%dma_wait3A_224 : memref<!tpu.dma_semaphore, #tpu.memory_space<semaphore_mem>>) src(%dma_wait3A_222 : memref<10112x32xf32, #tpu.memory_space<hbm>>) dst(%dma_wait3A_216 : memref<80x32xf32, #tpu.memory_space<vmem>>)
      %dma_start3A_225 = arith.constant 4 : i32
      %dma_start3A_226 = arith.constant 4 : i32
      %dma_start3A_227 = arith.constant 0 : i32
      %dma_start3A_228 = arith.constant 0 : i32
      %dma_start3A_229 = tpu.memref_slice %arg9[%dma_start3A_225, %dma_start3A_227, %dma_start3A_228] : memref<5x80x32xf32, #tpu.memory_space<vmem>> -> memref<1x80x32xf32, #tpu.memory_space<vmem>>
      %dma_start3A_230 = tpu.memref_squeeze %dma_start3A_229 : memref<1x80x32xf32, #tpu.memory_space<vmem>> -> memref<80x32xf32, #tpu.memory_space<vmem>>
      %dma_start3A_231 = arith.constant 0 : i32
      %dma_start3A_232 = tpu.memref_slice %arg8[%add3A_210, %dma_start3A_231] : memref<125x80xi32, #tpu.memory_space<vmem>> -> memref<1x80xi32, #tpu.memory_space<vmem>>
      %dma_start3A_233 = tpu.memref_squeeze %dma_start3A_232 : memref<1x80xi32, #tpu.memory_space<vmem>> -> memref<80xi32, #tpu.memory_space<vmem>>
      %dma_start3A_234 = arith.constant 0 : i32
      %dma_start3A_235 = arith.constant 0 : i32
      %dma_start3A_236 = tpu.memref_slice %arg10[%dma_start3A_234, %dma_start3A_235] : memref<10112x32xf32, #tpu.memory_space<vmem_shared>> -> memref<10112x32xf32, #tpu.memory_space<vmem_shared>>
      %dma_start3A_237 = tpu.memref_slice %arg12[%dma_start3A_226] : memref<5x!tpu.dma_semaphore, #tpu.memory_space<semaphore_mem>> -> memref<1x!tpu.dma_semaphore, #tpu.memory_space<semaphore_mem>>
      %dma_start3A_238 = tpu.memref_squeeze %dma_start3A_237 : memref<1x!tpu.dma_semaphore, #tpu.memory_space<semaphore_mem>> -> memref<!tpu.dma_semaphore, #tpu.memory_space<semaphore_mem>>
      tpu.enqueue_indirect_dma source(%dma_start3A_230 : memref<80x32xf32, #tpu.memory_space<vmem>>) target(%dma_start3A_236 : memref<10112x32xf32, #tpu.memory_space<vmem_shared>>) offsets(%dma_start3A_233 : memref<80xi32, #tpu.memory_space<vmem>>) semaphore(%dma_start3A_238 : memref<!tpu.dma_semaphore, #tpu.memory_space<semaphore_mem>>) {add = true}
      %add3A_239 = arith.constant 0 : i32
      %add3A_240 = arith.addi %mul3A_89, %add3A_239 : i32
      %dma_wait3A_241 = arith.constant 0 : i32
      %dma_wait3A_242 = arith.constant 0 : i32
      %dma_wait3A_243 = arith.constant 0 : i32
      %dma_wait3A_244 = arith.constant 0 : i32
      %dma_wait3A_245 = tpu.memref_slice %arg9[%dma_wait3A_241, %dma_wait3A_243, %dma_wait3A_244] : memref<5x80x32xf32, #tpu.memory_space<vmem>> -> memref<1x80x32xf32, #tpu.memory_space<vmem>>
      %dma_wait3A_246 = tpu.memref_squeeze %dma_wait3A_245 : memref<1x80x32xf32, #tpu.memory_space<vmem>> -> memref<80x32xf32, #tpu.memory_space<vmem>>
      %dma_wait3A_247 = arith.constant 0 : i32
      %dma_wait3A_248 = tpu.memref_slice %arg8[%add3A_240, %dma_wait3A_247] : memref<125x80xi32, #tpu.memory_space<vmem>> -> memref<1x80xi32, #tpu.memory_space<vmem>>
      %dma_wait3A_249 = tpu.memref_squeeze %dma_wait3A_248 : memref<1x80xi32, #tpu.memory_space<vmem>> -> memref<80xi32, #tpu.memory_space<vmem>>
      %dma_wait3A_250 = arith.constant 0 : i32
      %dma_wait3A_251 = arith.constant 0 : i32
      %dma_wait3A_252 = tpu.memref_slice %arg10[%dma_wait3A_250, %dma_wait3A_251] : memref<10112x32xf32, #tpu.memory_space<vmem_shared>> -> memref<10112x32xf32, #tpu.memory_space<vmem_shared>>
      %dma_wait3A_253 = tpu.memref_slice %arg12[%dma_wait3A_242] : memref<5x!tpu.dma_semaphore, #tpu.memory_space<semaphore_mem>> -> memref<1x!tpu.dma_semaphore, #tpu.memory_space<semaphore_mem>>
      %dma_wait3A_254 = tpu.memref_squeeze %dma_wait3A_253 : memref<1x!tpu.dma_semaphore, #tpu.memory_space<semaphore_mem>> -> memref<!tpu.dma_semaphore, #tpu.memory_space<semaphore_mem>>
      tpu.wait_indirect_dma semaphore(%dma_wait3A_254 : memref<!tpu.dma_semaphore, #tpu.memory_space<semaphore_mem>>) src(%dma_wait3A_246 : memref<80x32xf32, #tpu.memory_space<vmem>>) dst(%dma_wait3A_252 : memref<10112x32xf32, #tpu.memory_space<vmem_shared>>)
      %lt3A = arith.constant 24 : i32
      %lt3A_255 = arith.cmpi slt, %scan3A_87, %lt3A : i32
      %convert_element_type3A = arith.extui %lt3A_255 : i1 to i32
      %cond3A = arith.constant 0 : i32
      %cond3A_256 = arith.cmpi ne, %convert_element_type3A, %cond3A : i32
      scf.if %cond3A_256 {
        %add3A_341 = arith.constant 5 : i32
        %add3A_342 = arith.addi %add3A_240, %add3A_341 : i32
        %dma_start3A_343 = arith.constant 0 : i32
        %dma_start3A_344 = arith.constant 0 : i32
        %dma_start3A_345 = arith.constant 0 : i32
        %dma_start3A_346 = arith.constant 0 : i32
        %dma_start3A_347 = tpu.memref_slice %arg9[%dma_start3A_343, %dma_start3A_345, %dma_start3A_346] : memref<5x80x32xf32, #tpu.memory_space<vmem>> -> memref<1x80x32xf32, #tpu.memory_space<vmem>>
        %dma_start3A_348 = tpu.memref_squeeze %dma_start3A_347 : memref<1x80x32xf32, #tpu.memory_space<vmem>> -> memref<80x32xf32, #tpu.memory_space<vmem>>
        %dma_start3A_349 = arith.constant 0 : i32
        %dma_start3A_350 = tpu.memref_slice %arg7[%add3A_342, %dma_start3A_349] : memref<125x80xi32, #tpu.memory_space<vmem>> -> memref<1x80xi32, #tpu.memory_space<vmem>>
        %dma_start3A_351 = tpu.memref_squeeze %dma_start3A_350 : memref<1x80xi32, #tpu.memory_space<vmem>> -> memref<80xi32, #tpu.memory_space<vmem>>
        %dma_start3A_352 = arith.constant 0 : i32
        %dma_start3A_353 = arith.constant 0 : i32
        %dma_start3A_354 = tpu.memref_slice %arg2[%dma_start3A_352, %dma_start3A_353] : memref<10112x32xf32, #tpu.memory_space<hbm>> -> memref<10112x32xf32, #tpu.memory_space<hbm>>
        %dma_start3A_355 = tpu.memref_slice %arg11[%dma_start3A_344] : memref<5x!tpu.dma_semaphore, #tpu.memory_space<semaphore_mem>> -> memref<1x!tpu.dma_semaphore, #tpu.memory_space<semaphore_mem>>
        %dma_start3A_356 = tpu.memref_squeeze %dma_start3A_355 : memref<1x!tpu.dma_semaphore, #tpu.memory_space<semaphore_mem>> -> memref<!tpu.dma_semaphore, #tpu.memory_space<semaphore_mem>>
        tpu.enqueue_indirect_dma source(%dma_start3A_354 : memref<10112x32xf32, #tpu.memory_space<hbm>>) target(%dma_start3A_348 : memref<80x32xf32, #tpu.memory_space<vmem>>) offsets(%dma_start3A_351 : memref<80xi32, #tpu.memory_space<vmem>>) semaphore(%dma_start3A_356 : memref<!tpu.dma_semaphore, #tpu.memory_space<semaphore_mem>>)
      } else {
      }
      %add3A_257 = arith.constant 1 : i32
      %add3A_258 = arith.addi %mul3A_89, %add3A_257 : i32
      %dma_wait3A_259 = arith.constant 1 : i32
      %dma_wait3A_260 = arith.constant 1 : i32
      %dma_wait3A_261 = arith.constant 0 : i32
      %dma_wait3A_262 = arith.constant 0 : i32
      %dma_wait3A_263 = tpu.memref_slice %arg9[%dma_wait3A_259, %dma_wait3A_261, %dma_wait3A_262] : memref<5x80x32xf32, #tpu.memory_space<vmem>> -> memref<1x80x32xf32, #tpu.memory_space<vmem>>
      %dma_wait3A_264 = tpu.memref_squeeze %dma_wait3A_263 : memref<1x80x32xf32, #tpu.memory_space<vmem>> -> memref<80x32xf32, #tpu.memory_space<vmem>>
      %dma_wait3A_265 = arith.constant 0 : i32
      %dma_wait3A_266 = tpu.memref_slice %arg8[%add3A_258, %dma_wait3A_265] : memref<125x80xi32, #tpu.memory_space<vmem>> -> memref<1x80xi32, #tpu.memory_space<vmem>>
      %dma_wait3A_267 = tpu.memref_squeeze %dma_wait3A_266 : memref<1x80xi32, #tpu.memory_space<vmem>> -> memref<80xi32, #tpu.memory_space<vmem>>
      %dma_wait3A_268 = arith.constant 0 : i32
      %dma_wait3A_269 = arith.constant 0 : i32
      %dma_wait3A_270 = tpu.memref_slice %arg10[%dma_wait3A_268, %dma_wait3A_269] : memref<10112x32xf32, #tpu.memory_space<vmem_shared>> -> memref<10112x32xf32, #tpu.memory_space<vmem_shared>>
      %dma_wait3A_271 = tpu.memref_slice %arg12[%dma_wait3A_260] : memref<5x!tpu.dma_semaphore, #tpu.memory_space<semaphore_mem>> -> memref<1x!tpu.dma_semaphore, #tpu.memory_space<semaphore_mem>>
      %dma_wait3A_272 = tpu.memref_squeeze %dma_wait3A_271 : memref<1x!tpu.dma_semaphore, #tpu.memory_space<semaphore_mem>> -> memref<!tpu.dma_semaphore, #tpu.memory_space<semaphore_mem>>
      tpu.wait_indirect_dma semaphore(%dma_wait3A_272 : memref<!tpu.dma_semaphore, #tpu.memory_space<semaphore_mem>>) src(%dma_wait3A_264 : memref<80x32xf32, #tpu.memory_space<vmem>>) dst(%dma_wait3A_270 : memref<10112x32xf32, #tpu.memory_space<vmem_shared>>)
      %lt3A_273 = arith.constant 24 : i32
      %lt3A_274 = arith.cmpi slt, %scan3A_87, %lt3A_273 : i32
      %convert_element_type3A_275 = arith.extui %lt3A_274 : i1 to i32
      %cond3A_276 = arith.constant 0 : i32
      %cond3A_277 = arith.cmpi ne, %convert_element_type3A_275, %cond3A_276 : i32
      scf.if %cond3A_277 {
        %add3A_341 = arith.constant 5 : i32
        %add3A_342 = arith.addi %add3A_258, %add3A_341 : i32
        %dma_start3A_343 = arith.constant 1 : i32
        %dma_start3A_344 = arith.constant 1 : i32
        %dma_start3A_345 = arith.constant 0 : i32
        %dma_start3A_346 = arith.constant 0 : i32
        %dma_start3A_347 = tpu.memref_slice %arg9[%dma_start3A_343, %dma_start3A_345, %dma_start3A_346] : memref<5x80x32xf32, #tpu.memory_space<vmem>> -> memref<1x80x32xf32, #tpu.memory_space<vmem>>
        %dma_start3A_348 = tpu.memref_squeeze %dma_start3A_347 : memref<1x80x32xf32, #tpu.memory_space<vmem>> -> memref<80x32xf32, #tpu.memory_space<vmem>>
        %dma_start3A_349 = arith.constant 0 : i32
        %dma_start3A_350 = tpu.memref_slice %arg7[%add3A_342, %dma_start3A_349] : memref<125x80xi32, #tpu.memory_space<vmem>> -> memref<1x80xi32, #tpu.memory_space<vmem>>
        %dma_start3A_351 = tpu.memref_squeeze %dma_start3A_350 : memref<1x80xi32, #tpu.memory_space<vmem>> -> memref<80xi32, #tpu.memory_space<vmem>>
        %dma_start3A_352 = arith.constant 0 : i32
        %dma_start3A_353 = arith.constant 0 : i32
        %dma_start3A_354 = tpu.memref_slice %arg2[%dma_start3A_352, %dma_start3A_353] : memref<10112x32xf32, #tpu.memory_space<hbm>> -> memref<10112x32xf32, #tpu.memory_space<hbm>>
        %dma_start3A_355 = tpu.memref_slice %arg11[%dma_start3A_344] : memref<5x!tpu.dma_semaphore, #tpu.memory_space<semaphore_mem>> -> memref<1x!tpu.dma_semaphore, #tpu.memory_space<semaphore_mem>>
        %dma_start3A_356 = tpu.memref_squeeze %dma_start3A_355 : memref<1x!tpu.dma_semaphore, #tpu.memory_space<semaphore_mem>> -> memref<!tpu.dma_semaphore, #tpu.memory_space<semaphore_mem>>
        tpu.enqueue_indirect_dma source(%dma_start3A_354 : memref<10112x32xf32, #tpu.memory_space<hbm>>) target(%dma_start3A_348 : memref<80x32xf32, #tpu.memory_space<vmem>>) offsets(%dma_start3A_351 : memref<80xi32, #tpu.memory_space<vmem>>) semaphore(%dma_start3A_356 : memref<!tpu.dma_semaphore, #tpu.memory_space<semaphore_mem>>)
      } else {
      }
      %add3A_278 = arith.constant 2 : i32
      %add3A_279 = arith.addi %mul3A_89, %add3A_278 : i32
      %dma_wait3A_280 = arith.constant 2 : i32
      %dma_wait3A_281 = arith.constant 2 : i32
      %dma_wait3A_282 = arith.constant 0 : i32
      %dma_wait3A_283 = arith.constant 0 : i32
      %dma_wait3A_284 = tpu.memref_slice %arg9[%dma_wait3A_280, %dma_wait3A_282, %dma_wait3A_283] : memref<5x80x32xf32, #tpu.memory_space<vmem>> -> memref<1x80x32xf32, #tpu.memory_space<vmem>>
      %dma_wait3A_285 = tpu.memref_squeeze %dma_wait3A_284 : memref<1x80x32xf32, #tpu.memory_space<vmem>> -> memref<80x32xf32, #tpu.memory_space<vmem>>
      %dma_wait3A_286 = arith.constant 0 : i32
      %dma_wait3A_287 = tpu.memref_slice %arg8[%add3A_279, %dma_wait3A_286] : memref<125x80xi32, #tpu.memory_space<vmem>> -> memref<1x80xi32, #tpu.memory_space<vmem>>
      %dma_wait3A_288 = tpu.memref_squeeze %dma_wait3A_287 : memref<1x80xi32, #tpu.memory_space<vmem>> -> memref<80xi32, #tpu.memory_space<vmem>>
      %dma_wait3A_289 = arith.constant 0 : i32
      %dma_wait3A_290 = arith.constant 0 : i32
      %dma_wait3A_291 = tpu.memref_slice %arg10[%dma_wait3A_289, %dma_wait3A_290] : memref<10112x32xf32, #tpu.memory_space<vmem_shared>> -> memref<10112x32xf32, #tpu.memory_space<vmem_shared>>
      %dma_wait3A_292 = tpu.memref_slice %arg12[%dma_wait3A_281] : memref<5x!tpu.dma_semaphore, #tpu.memory_space<semaphore_mem>> -> memref<1x!tpu.dma_semaphore, #tpu.memory_space<semaphore_mem>>
      %dma_wait3A_293 = tpu.memref_squeeze %dma_wait3A_292 : memref<1x!tpu.dma_semaphore, #tpu.memory_space<semaphore_mem>> -> memref<!tpu.dma_semaphore, #tpu.memory_space<semaphore_mem>>
      tpu.wait_indirect_dma semaphore(%dma_wait3A_293 : memref<!tpu.dma_semaphore, #tpu.memory_space<semaphore_mem>>) src(%dma_wait3A_285 : memref<80x32xf32, #tpu.memory_space<vmem>>) dst(%dma_wait3A_291 : memref<10112x32xf32, #tpu.memory_space<vmem_shared>>)
      %lt3A_294 = arith.constant 24 : i32
      %lt3A_295 = arith.cmpi slt, %scan3A_87, %lt3A_294 : i32
      %convert_element_type3A_296 = arith.extui %lt3A_295 : i1 to i32
      %cond3A_297 = arith.constant 0 : i32
      %cond3A_298 = arith.cmpi ne, %convert_element_type3A_296, %cond3A_297 : i32
      scf.if %cond3A_298 {
        %add3A_341 = arith.constant 5 : i32
        %add3A_342 = arith.addi %add3A_279, %add3A_341 : i32
        %dma_start3A_343 = arith.constant 2 : i32
        %dma_start3A_344 = arith.constant 2 : i32
        %dma_start3A_345 = arith.constant 0 : i32
        %dma_start3A_346 = arith.constant 0 : i32
        %dma_start3A_347 = tpu.memref_slice %arg9[%dma_start3A_343, %dma_start3A_345, %dma_start3A_346] : memref<5x80x32xf32, #tpu.memory_space<vmem>> -> memref<1x80x32xf32, #tpu.memory_space<vmem>>
        %dma_start3A_348 = tpu.memref_squeeze %dma_start3A_347 : memref<1x80x32xf32, #tpu.memory_space<vmem>> -> memref<80x32xf32, #tpu.memory_space<vmem>>
        %dma_start3A_349 = arith.constant 0 : i32
        %dma_start3A_350 = tpu.memref_slice %arg7[%add3A_342, %dma_start3A_349] : memref<125x80xi32, #tpu.memory_space<vmem>> -> memref<1x80xi32, #tpu.memory_space<vmem>>
        %dma_start3A_351 = tpu.memref_squeeze %dma_start3A_350 : memref<1x80xi32, #tpu.memory_space<vmem>> -> memref<80xi32, #tpu.memory_space<vmem>>
        %dma_start3A_352 = arith.constant 0 : i32
        %dma_start3A_353 = arith.constant 0 : i32
        %dma_start3A_354 = tpu.memref_slice %arg2[%dma_start3A_352, %dma_start3A_353] : memref<10112x32xf32, #tpu.memory_space<hbm>> -> memref<10112x32xf32, #tpu.memory_space<hbm>>
        %dma_start3A_355 = tpu.memref_slice %arg11[%dma_start3A_344] : memref<5x!tpu.dma_semaphore, #tpu.memory_space<semaphore_mem>> -> memref<1x!tpu.dma_semaphore, #tpu.memory_space<semaphore_mem>>
        %dma_start3A_356 = tpu.memref_squeeze %dma_start3A_355 : memref<1x!tpu.dma_semaphore, #tpu.memory_space<semaphore_mem>> -> memref<!tpu.dma_semaphore, #tpu.memory_space<semaphore_mem>>
        tpu.enqueue_indirect_dma source(%dma_start3A_354 : memref<10112x32xf32, #tpu.memory_space<hbm>>) target(%dma_start3A_348 : memref<80x32xf32, #tpu.memory_space<vmem>>) offsets(%dma_start3A_351 : memref<80xi32, #tpu.memory_space<vmem>>) semaphore(%dma_start3A_356 : memref<!tpu.dma_semaphore, #tpu.memory_space<semaphore_mem>>)
      } else {
      }
      %add3A_299 = arith.constant 3 : i32
      %add3A_300 = arith.addi %mul3A_89, %add3A_299 : i32
      %dma_wait3A_301 = arith.constant 3 : i32
      %dma_wait3A_302 = arith.constant 3 : i32
      %dma_wait3A_303 = arith.constant 0 : i32
      %dma_wait3A_304 = arith.constant 0 : i32
      %dma_wait3A_305 = tpu.memref_slice %arg9[%dma_wait3A_301, %dma_wait3A_303, %dma_wait3A_304] : memref<5x80x32xf32, #tpu.memory_space<vmem>> -> memref<1x80x32xf32, #tpu.memory_space<vmem>>
      %dma_wait3A_306 = tpu.memref_squeeze %dma_wait3A_305 : memref<1x80x32xf32, #tpu.memory_space<vmem>> -> memref<80x32xf32, #tpu.memory_space<vmem>>
      %dma_wait3A_307 = arith.constant 0 : i32
      %dma_wait3A_308 = tpu.memref_slice %arg8[%add3A_300, %dma_wait3A_307] : memref<125x80xi32, #tpu.memory_space<vmem>> -> memref<1x80xi32, #tpu.memory_space<vmem>>
      %dma_wait3A_309 = tpu.memref_squeeze %dma_wait3A_308 : memref<1x80xi32, #tpu.memory_space<vmem>> -> memref<80xi32, #tpu.memory_space<vmem>>
      %dma_wait3A_310 = arith.constant 0 : i32
      %dma_wait3A_311 = arith.constant 0 : i32
      %dma_wait3A_312 = tpu.memref_slice %arg10[%dma_wait3A_310, %dma_wait3A_311] : memref<10112x32xf32, #tpu.memory_space<vmem_shared>> -> memref<10112x32xf32, #tpu.memory_space<vmem_shared>>
      %dma_wait3A_313 = tpu.memref_slice %arg12[%dma_wait3A_302] : memref<5x!tpu.dma_semaphore, #tpu.memory_space<semaphore_mem>> -> memref<1x!tpu.dma_semaphore, #tpu.memory_space<semaphore_mem>>
      %dma_wait3A_314 = tpu.memref_squeeze %dma_wait3A_313 : memref<1x!tpu.dma_semaphore, #tpu.memory_space<semaphore_mem>> -> memref<!tpu.dma_semaphore, #tpu.memory_space<semaphore_mem>>
      tpu.wait_indirect_dma semaphore(%dma_wait3A_314 : memref<!tpu.dma_semaphore, #tpu.memory_space<semaphore_mem>>) src(%dma_wait3A_306 : memref<80x32xf32, #tpu.memory_space<vmem>>) dst(%dma_wait3A_312 : memref<10112x32xf32, #tpu.memory_space<vmem_shared>>)
      %lt3A_315 = arith.constant 24 : i32
      %lt3A_316 = arith.cmpi slt, %scan3A_87, %lt3A_315 : i32
      %convert_element_type3A_317 = arith.extui %lt3A_316 : i1 to i32
      %cond3A_318 = arith.constant 0 : i32
      %cond3A_319 = arith.cmpi ne, %convert_element_type3A_317, %cond3A_318 : i32
      scf.if %cond3A_319 {
        %add3A_341 = arith.constant 5 : i32
        %add3A_342 = arith.addi %add3A_300, %add3A_341 : i32
        %dma_start3A_343 = arith.constant 3 : i32
        %dma_start3A_344 = arith.constant 3 : i32
        %dma_start3A_345 = arith.constant 0 : i32
        %dma_start3A_346 = arith.constant 0 : i32
        %dma_start3A_347 = tpu.memref_slice %arg9[%dma_start3A_343, %dma_start3A_345, %dma_start3A_346] : memref<5x80x32xf32, #tpu.memory_space<vmem>> -> memref<1x80x32xf32, #tpu.memory_space<vmem>>
        %dma_start3A_348 = tpu.memref_squeeze %dma_start3A_347 : memref<1x80x32xf32, #tpu.memory_space<vmem>> -> memref<80x32xf32, #tpu.memory_space<vmem>>
        %dma_start3A_349 = arith.constant 0 : i32
        %dma_start3A_350 = tpu.memref_slice %arg7[%add3A_342, %dma_start3A_349] : memref<125x80xi32, #tpu.memory_space<vmem>> -> memref<1x80xi32, #tpu.memory_space<vmem>>
        %dma_start3A_351 = tpu.memref_squeeze %dma_start3A_350 : memref<1x80xi32, #tpu.memory_space<vmem>> -> memref<80xi32, #tpu.memory_space<vmem>>
        %dma_start3A_352 = arith.constant 0 : i32
        %dma_start3A_353 = arith.constant 0 : i32
        %dma_start3A_354 = tpu.memref_slice %arg2[%dma_start3A_352, %dma_start3A_353] : memref<10112x32xf32, #tpu.memory_space<hbm>> -> memref<10112x32xf32, #tpu.memory_space<hbm>>
        %dma_start3A_355 = tpu.memref_slice %arg11[%dma_start3A_344] : memref<5x!tpu.dma_semaphore, #tpu.memory_space<semaphore_mem>> -> memref<1x!tpu.dma_semaphore, #tpu.memory_space<semaphore_mem>>
        %dma_start3A_356 = tpu.memref_squeeze %dma_start3A_355 : memref<1x!tpu.dma_semaphore, #tpu.memory_space<semaphore_mem>> -> memref<!tpu.dma_semaphore, #tpu.memory_space<semaphore_mem>>
        tpu.enqueue_indirect_dma source(%dma_start3A_354 : memref<10112x32xf32, #tpu.memory_space<hbm>>) target(%dma_start3A_348 : memref<80x32xf32, #tpu.memory_space<vmem>>) offsets(%dma_start3A_351 : memref<80xi32, #tpu.memory_space<vmem>>) semaphore(%dma_start3A_356 : memref<!tpu.dma_semaphore, #tpu.memory_space<semaphore_mem>>)
      } else {
      }
      %add3A_320 = arith.constant 4 : i32
      %add3A_321 = arith.addi %mul3A_89, %add3A_320 : i32
      %dma_wait3A_322 = arith.constant 4 : i32
      %dma_wait3A_323 = arith.constant 4 : i32
      %dma_wait3A_324 = arith.constant 0 : i32
      %dma_wait3A_325 = arith.constant 0 : i32
      %dma_wait3A_326 = tpu.memref_slice %arg9[%dma_wait3A_322, %dma_wait3A_324, %dma_wait3A_325] : memref<5x80x32xf32, #tpu.memory_space<vmem>> -> memref<1x80x32xf32, #tpu.memory_space<vmem>>
      %dma_wait3A_327 = tpu.memref_squeeze %dma_wait3A_326 : memref<1x80x32xf32, #tpu.memory_space<vmem>> -> memref<80x32xf32, #tpu.memory_space<vmem>>
      %dma_wait3A_328 = arith.constant 0 : i32
      %dma_wait3A_329 = tpu.memref_slice %arg8[%add3A_321, %dma_wait3A_328] : memref<125x80xi32, #tpu.memory_space<vmem>> -> memref<1x80xi32, #tpu.memory_space<vmem>>
      %dma_wait3A_330 = tpu.memref_squeeze %dma_wait3A_329 : memref<1x80xi32, #tpu.memory_space<vmem>> -> memref<80xi32, #tpu.memory_space<vmem>>
      %dma_wait3A_331 = arith.constant 0 : i32
      %dma_wait3A_332 = arith.constant 0 : i32
      %dma_wait3A_333 = tpu.memref_slice %arg10[%dma_wait3A_331, %dma_wait3A_332] : memref<10112x32xf32, #tpu.memory_space<vmem_shared>> -> memref<10112x32xf32, #tpu.memory_space<vmem_shared>>
      %dma_wait3A_334 = tpu.memref_slice %arg12[%dma_wait3A_323] : memref<5x!tpu.dma_semaphore, #tpu.memory_space<semaphore_mem>> -> memref<1x!tpu.dma_semaphore, #tpu.memory_space<semaphore_mem>>
      %dma_wait3A_335 = tpu.memref_squeeze %dma_wait3A_334 : memref<1x!tpu.dma_semaphore, #tpu.memory_space<semaphore_mem>> -> memref<!tpu.dma_semaphore, #tpu.memory_space<semaphore_mem>>
      tpu.wait_indirect_dma semaphore(%dma_wait3A_335 : memref<!tpu.dma_semaphore, #tpu.memory_space<semaphore_mem>>) src(%dma_wait3A_327 : memref<80x32xf32, #tpu.memory_space<vmem>>) dst(%dma_wait3A_333 : memref<10112x32xf32, #tpu.memory_space<vmem_shared>>)
      %lt3A_336 = arith.constant 24 : i32
      %lt3A_337 = arith.cmpi slt, %scan3A_87, %lt3A_336 : i32
      %convert_element_type3A_338 = arith.extui %lt3A_337 : i1 to i32
      %cond3A_339 = arith.constant 0 : i32
      %cond3A_340 = arith.cmpi ne, %convert_element_type3A_338, %cond3A_339 : i32
      scf.if %cond3A_340 {
        %add3A_341 = arith.constant 5 : i32
        %add3A_342 = arith.addi %add3A_321, %add3A_341 : i32
        %dma_start3A_343 = arith.constant 4 : i32
        %dma_start3A_344 = arith.constant 4 : i32
        %dma_start3A_345 = arith.constant 0 : i32
        %dma_start3A_346 = arith.constant 0 : i32
        %dma_start3A_347 = tpu.memref_slice %arg9[%dma_start3A_343, %dma_start3A_345, %dma_start3A_346] : memref<5x80x32xf32, #tpu.memory_space<vmem>> -> memref<1x80x32xf32, #tpu.memory_space<vmem>>
        %dma_start3A_348 = tpu.memref_squeeze %dma_start3A_347 : memref<1x80x32xf32, #tpu.memory_space<vmem>> -> memref<80x32xf32, #tpu.memory_space<vmem>>
        %dma_start3A_349 = arith.constant 0 : i32
        %dma_start3A_350 = tpu.memref_slice %arg7[%add3A_342, %dma_start3A_349] : memref<125x80xi32, #tpu.memory_space<vmem>> -> memref<1x80xi32, #tpu.memory_space<vmem>>
        %dma_start3A_351 = tpu.memref_squeeze %dma_start3A_350 : memref<1x80xi32, #tpu.memory_space<vmem>> -> memref<80xi32, #tpu.memory_space<vmem>>
        %dma_start3A_352 = arith.constant 0 : i32
        %dma_start3A_353 = arith.constant 0 : i32
        %dma_start3A_354 = tpu.memref_slice %arg2[%dma_start3A_352, %dma_start3A_353] : memref<10112x32xf32, #tpu.memory_space<hbm>> -> memref<10112x32xf32, #tpu.memory_space<hbm>>
        %dma_start3A_355 = tpu.memref_slice %arg11[%dma_start3A_344] : memref<5x!tpu.dma_semaphore, #tpu.memory_space<semaphore_mem>> -> memref<1x!tpu.dma_semaphore, #tpu.memory_space<semaphore_mem>>
        %dma_start3A_356 = tpu.memref_squeeze %dma_start3A_355 : memref<1x!tpu.dma_semaphore, #tpu.memory_space<semaphore_mem>> -> memref<!tpu.dma_semaphore, #tpu.memory_space<semaphore_mem>>
        tpu.enqueue_indirect_dma source(%dma_start3A_354 : memref<10112x32xf32, #tpu.memory_space<hbm>>) target(%dma_start3A_348 : memref<80x32xf32, #tpu.memory_space<vmem>>) offsets(%dma_start3A_351 : memref<80xi32, #tpu.memory_space<vmem>>) semaphore(%dma_start3A_356 : memref<!tpu.dma_semaphore, #tpu.memory_space<semaphore_mem>>)
      } else {
      }
    }
    %scan3A_81 = arith.constant 25 : i32
    %barrier3A_82 = arith.constant 0 : index
    tpu.barrier barrier_id(%barrier3A_82)
    %mul3A_83 = arith.constant 632 : i32
    %mul3A_84 = arith.muli %arg1, %mul3A_83 : i32
    %mul3A_85 = arith.constant 632 : i32
    %mul3A_86 = arith.muli %arg1, %mul3A_85 : i32
    "tpu.region"() ({
      %run_scoped3A = tpu.sem_alloc : memref<!tpu.dma_semaphore, #tpu.memory_space<semaphore_mem>>
      %dma_start3A_87 = arith.constant 0 : i32
      %dma_start3A_88 = tpu.memref_slice %arg6[%arg0, %mul3A_86, %dma_start3A_87] : memref<2x10112x32xf32, #tpu.memory_space<hbm>> -> memref<1x632x32xf32, #tpu.memory_space<hbm>>
      %dma_start3A_89 = tpu.memref_squeeze %dma_start3A_88 : memref<1x632x32xf32, #tpu.memory_space<hbm>> -> memref<632x32xf32, #tpu.memory_space<hbm>>
      %dma_start3A_90 = arith.constant 0 : i32
      %dma_start3A_91 = tpu.memref_slice %arg10[%mul3A_84, %dma_start3A_90] : memref<10112x32xf32, #tpu.memory_space<vmem_shared>> -> memref<632x32xf32, #tpu.memory_space<vmem_shared>>
      tpu.enqueue_dma source(%dma_start3A_91 : memref<632x32xf32, #tpu.memory_space<vmem_shared>>) target(%dma_start3A_89 : memref<632x32xf32, #tpu.memory_space<hbm>>) target_semaphore(%run_scoped3A : memref<!tpu.dma_semaphore, #tpu.memory_space<semaphore_mem>>)
      %dma_wait3A = arith.constant 0 : i32
      %dma_wait3A_92 = tpu.memref_slice %arg6[%arg0, %mul3A_86, %dma_wait3A] : memref<2x10112x32xf32, #tpu.memory_space<hbm>> -> memref<1x632x32xf32, #tpu.memory_space<hbm>>
      %dma_wait3A_93 = tpu.memref_squeeze %dma_wait3A_92 : memref<1x632x32xf32, #tpu.memory_space<hbm>> -> memref<632x32xf32, #tpu.memory_space<hbm>>
      %dma_wait3A_94 = arith.constant 0 : i32
      %dma_wait3A_95 = tpu.memref_slice %arg10[%mul3A_84, %dma_wait3A_94] : memref<10112x32xf32, #tpu.memory_space<vmem_shared>> -> memref<632x32xf32, #tpu.memory_space<vmem_shared>>
      tpu.wait_dma2 semaphore(%run_scoped3A : memref<!tpu.dma_semaphore, #tpu.memory_space<semaphore_mem>>) src(%dma_wait3A_95 : memref<632x32xf32, #tpu.memory_space<vmem_shared>>) dst(%dma_wait3A_93 : memref<632x32xf32, #tpu.memory_space<hbm>>)
      tpu.yield
    }) : () -> ()
    return
  }
}

module attributes {stable_mosaic.version = 14 : i64} {
  func.func @body(%arg0: i32, %arg1: memref<2x1264x128xf32, #tpu.memory_space<vmem>>, %arg2: memref<2x1264x16xf32, #tpu.memory_space<vmem>>, %arg3: memref<128x64xf32, #tpu.memory_space<vmem>>, %arg4: memref<1x64xf32, #tpu.memory_space<vmem>>, %arg5: memref<64x32xf32, #tpu.memory_space<vmem>>, %arg6: memref<1264x32xf32, #tpu.memory_space<vmem>>, %arg7: memref<1264x1xf32, #tpu.memory_space<vmem>>) attributes {dimension_semantics = [#tpu.dimension_semantics<arbitrary>], iteration_bounds = array<i64: 8>, scalar_prefetch = 0 : i64, scratch_operands = 0 : i64, tpu.core_type = #tpu.core_type<tc>, window_params = [{transform_indices = @transform_0, window_bounds = array<i64: 2, 1264, 128>}, {transform_indices = @transform_1, window_bounds = array<i64: 2, 1264, 16>}, {pipeline_mode = #tpu.pipeline_mode<synchronous>, transform_indices = @transform_2, window_bounds = array<i64: 128, 64>}, {pipeline_mode = #tpu.pipeline_mode<synchronous>, transform_indices = @transform_3, window_bounds = array<i64: 1, 64>}, {pipeline_mode = #tpu.pipeline_mode<synchronous>, transform_indices = @transform_4, window_bounds = array<i64: 64, 32>}, {transform_indices = @transform_5, window_bounds = array<i64: 1264, 32>}, {transform_indices = @transform_6, window_bounds = array<i64: 1264, 1>}]} {
    %get3A = arith.constant 0 : index
    %get3A_0 = arith.constant 0 : index
    %get3A_1 = arith.constant 0 : index
    %get3A_2 = vector.load %arg1[%get3A, %get3A_0, %get3A_1] : memref<2x1264x128xf32, #tpu.memory_space<vmem>>, vector<1x1264x128xf32>
    %get3A_3 = vector.shape_cast %get3A_2 : vector<1x1264x128xf32> to vector<1264x128xf32>
    %get3A_4 = arith.constant 1 : index
    %get3A_5 = arith.constant 0 : index
    %get3A_6 = arith.constant 0 : index
    %get3A_7 = vector.load %arg1[%get3A_4, %get3A_5, %get3A_6] : memref<2x1264x128xf32, #tpu.memory_space<vmem>>, vector<1x1264x128xf32>
    %get3A_8 = vector.shape_cast %get3A_7 : vector<1x1264x128xf32> to vector<1264x128xf32>
    %add3A = arith.addf %get3A_3, %get3A_8 : vector<1264x128xf32>
    %get3A_9 = arith.constant 0 : index
    %get3A_10 = arith.constant 0 : index
    %get3A_11 = arith.constant 0 : index
    %get3A_12 = vector.load %arg2[%get3A_9, %get3A_10, %get3A_11] : memref<2x1264x16xf32, #tpu.memory_space<vmem>>, vector<1x1264x1xf32>
    %get3A_13 = vector.shape_cast %get3A_12 : vector<1x1264x1xf32> to vector<1264x1xf32>
    %get3A_14 = arith.constant 1 : index
    %get3A_15 = arith.constant 0 : index
    %get3A_16 = arith.constant 0 : index
    %get3A_17 = vector.load %arg2[%get3A_14, %get3A_15, %get3A_16] : memref<2x1264x16xf32, #tpu.memory_space<vmem>>, vector<1x1264x1xf32>
    %get3A_18 = vector.shape_cast %get3A_17 : vector<1x1264x1xf32> to vector<1264x1xf32>
    %add3A_19 = arith.addf %get3A_13, %get3A_18 : vector<1264x1xf32>
    %max3A = arith.constant 1.000000e+00 : f32
    %max3A_20 = vector.broadcast %max3A : f32 to vector<1264x1xf32>
    %max3A_21 = arith.maximumf %add3A_19, %max3A_20 : vector<1264x1xf32>
    %div3A = arith.constant 1.000000e+00 : f32
    %div3A_22 = vector.broadcast %div3A : f32 to vector<1264x1xf32>
    %div3A_23 = arith.divf %div3A_22, %max3A_21 : vector<1264x1xf32>
    %mul3A = vector.broadcast %div3A_23 : vector<1264x1xf32> to vector<1264x128xf32>
    %mul3A_24 = arith.mulf %add3A, %mul3A : vector<1264x128xf32>
    %get3A_25 = arith.constant 0 : index
    %get3A_26 = arith.constant 0 : index
    %get3A_27 = vector.load %arg3[%get3A_25, %get3A_26] : memref<128x64xf32, #tpu.memory_space<vmem>>, vector<128x64xf32>
    %dot_general3A = arith.constant dense<0.000000e+00> : vector<1264x64xf32>
    %dot_general3A_28 = tpu.matmul %mul3A_24, %get3A_27, %dot_general3A {dimension_numbers = #tpu.dot_dimension_numbers<[1], [0], [0], [1], [0, 0, 1, 1], [], []>, transpose_lhs_hint = false} : vector<1264x128xf32>, vector<128x64xf32>, vector<1264x64xf32> -> vector<1264x64xf32>
    %get3A_29 = arith.constant 0 : index
    %get3A_30 = arith.constant 0 : index
    %get3A_31 = vector.load %arg4[%get3A_29, %get3A_30] : memref<1x64xf32, #tpu.memory_space<vmem>>, vector<1x64xf32>
    %add3A_32 = vector.broadcast %get3A_31 : vector<1x64xf32> to vector<1264x64xf32>
    %add3A_33 = arith.addf %dot_general3A_28, %add3A_32 : vector<1264x64xf32>
    %max3A_34 = arith.constant 0.000000e+00 : f32
    %max3A_35 = vector.broadcast %max3A_34 : f32 to vector<1264x64xf32>
    %max3A_36 = arith.maximumf %add3A_33, %max3A_35 : vector<1264x64xf32>
    %get3A_37 = arith.constant 0 : index
    %get3A_38 = arith.constant 0 : index
    %get3A_39 = vector.load %arg5[%get3A_37, %get3A_38] : memref<64x32xf32, #tpu.memory_space<vmem>>, vector<64x32xf32>
    %dot_general3A_40 = arith.constant dense<0.000000e+00> : vector<1264x32xf32>
    %dot_general3A_41 = tpu.matmul %max3A_36, %get3A_39, %dot_general3A_40 {dimension_numbers = #tpu.dot_dimension_numbers<[1], [0], [0], [1], [0, 0, 1, 1], [], []>, transpose_lhs_hint = false} : vector<1264x64xf32>, vector<64x32xf32>, vector<1264x32xf32> -> vector<1264x32xf32>
    %swap3A = arith.constant 0 : index
    %swap3A_42 = arith.constant 0 : index
    %swap3A_43 = vector.load %arg6[%swap3A, %swap3A_42] : memref<1264x32xf32, #tpu.memory_space<vmem>>, vector<1264x32xf32>
    tpu.vector_store %arg6[%swap3A, %swap3A_42], %dot_general3A_41 {strides = array<i32>} : memref<1264x32xf32, #tpu.memory_space<vmem>>, vector<1264x32xf32>,
    %swap3A_44 = arith.constant 0 : index
    %swap3A_45 = arith.constant 0 : index
    %swap3A_46 = vector.load %arg7[%swap3A_44, %swap3A_45] : memref<1264x1xf32, #tpu.memory_space<vmem>>, vector<1264x1xf32>
    tpu.vector_store %arg7[%swap3A_44, %swap3A_45], %div3A_23 {strides = array<i32>} : memref<1264x1xf32, #tpu.memory_space<vmem>>, vector<1264x1xf32>,
    return
  }
  func.func @transform_0(%arg0: i32) -> (i32, i32, i32) {
    %c0_i32 = arith.constant 0 : i32
    %c0_i32_0 = arith.constant 0 : i32
    %c0_i32_1 = arith.constant 0 : i32
    return %c0_i32, %arg0, %c0_i32_0 : i32, i32, i32
  }
  func.func @transform_1(%arg0: i32) -> (i32, i32, i32) {
    %c0_i32 = arith.constant 0 : i32
    %c0_i32_0 = arith.constant 0 : i32
    %c0_i32_1 = arith.constant 0 : i32
    return %c0_i32, %arg0, %c0_i32_0 : i32, i32, i32
  }
  func.func @transform_2(%arg0: i32) -> (i32, i32) {
    %c0_i32 = arith.constant 0 : i32
    %c0_i32_0 = arith.constant 0 : i32
    %c0_i32_1 = arith.constant 0 : i32
    return %c0_i32, %c0_i32_0 : i32, i32
  }
  func.func @transform_3(%arg0: i32) -> (i32, i32) {
    %c0_i32 = arith.constant 0 : i32
    %c0_i32_0 = arith.constant 0 : i32
    %c0_i32_1 = arith.constant 0 : i32
    return %c0_i32, %c0_i32_0 : i32, i32
  }
  func.func @transform_4(%arg0: i32) -> (i32, i32) {
    %c0_i32 = arith.constant 0 : i32
    %c0_i32_0 = arith.constant 0 : i32
    %c0_i32_1 = arith.constant 0 : i32
    return %c0_i32, %c0_i32_0 : i32, i32
  }
  func.func @transform_5(%arg0: i32) -> (i32, i32) {
    %c0_i32 = arith.constant 0 : i32
    %c0_i32_0 = arith.constant 0 : i32
    return %arg0, %c0_i32 : i32, i32
  }
  func.func @transform_6(%arg0: i32) -> (i32, i32) {
    %c0_i32 = arith.constant 0 : i32
    %c0_i32_0 = arith.constant 0 : i32
    return %arg0, %c0_i32 : i32, i32
  }
}

module attributes {stable_mosaic.version = 14 : i64} {
  func.func @body(%arg0: i32, %arg1: memref<2x1264x32xf32, #tpu.memory_space<vmem>>, %arg2: memref<1264x1xf32, #tpu.memory_space<vmem>>, %arg3: memref<1x32xf32, #tpu.memory_space<vmem>>, %arg4: memref<32x16xf32, #tpu.memory_space<vmem>>, %arg5: memref<1264x16xf32, #tpu.memory_space<vmem>>) attributes {dimension_semantics = [#tpu.dimension_semantics<arbitrary>], iteration_bounds = array<i64: 8>, scalar_prefetch = 0 : i64, scratch_operands = 0 : i64, tpu.core_type = #tpu.core_type<tc>, window_params = [{transform_indices = @transform_0, window_bounds = array<i64: 2, 1264, 32>}, {transform_indices = @transform_1, window_bounds = array<i64: 1264, 1>}, {pipeline_mode = #tpu.pipeline_mode<synchronous>, transform_indices = @transform_2, window_bounds = array<i64: 1, 32>}, {pipeline_mode = #tpu.pipeline_mode<synchronous>, transform_indices = @transform_3, window_bounds = array<i64: 32, 16>}, {transform_indices = @transform_4, window_bounds = array<i64: 1264, 16>}]} {
    %get3A = arith.constant 0 : index
    %get3A_0 = arith.constant 0 : index
    %get3A_1 = arith.constant 0 : index
    %get3A_2 = vector.load %arg1[%get3A, %get3A_0, %get3A_1] : memref<2x1264x32xf32, #tpu.memory_space<vmem>>, vector<1x1264x32xf32>
    %get3A_3 = vector.shape_cast %get3A_2 : vector<1x1264x32xf32> to vector<1264x32xf32>
    %get3A_4 = arith.constant 1 : index
    %get3A_5 = arith.constant 0 : index
    %get3A_6 = arith.constant 0 : index
    %get3A_7 = vector.load %arg1[%get3A_4, %get3A_5, %get3A_6] : memref<2x1264x32xf32, #tpu.memory_space<vmem>>, vector<1x1264x32xf32>
    %get3A_8 = vector.shape_cast %get3A_7 : vector<1x1264x32xf32> to vector<1264x32xf32>
    %add3A = arith.addf %get3A_3, %get3A_8 : vector<1264x32xf32>
    %get3A_9 = arith.constant 0 : index
    %get3A_10 = arith.constant 0 : index
    %get3A_11 = vector.load %arg2[%get3A_9, %get3A_10] : memref<1264x1xf32, #tpu.memory_space<vmem>>, vector<1264x1xf32>
    %mul3A = vector.broadcast %get3A_11 : vector<1264x1xf32> to vector<1264x32xf32>
    %mul3A_12 = arith.mulf %add3A, %mul3A : vector<1264x32xf32>
    %get3A_13 = arith.constant 0 : index
    %get3A_14 = arith.constant 0 : index
    %get3A_15 = vector.load %arg3[%get3A_13, %get3A_14] : memref<1x32xf32, #tpu.memory_space<vmem>>, vector<1x32xf32>
    %add3A_16 = vector.broadcast %get3A_15 : vector<1x32xf32> to vector<1264x32xf32>
    %add3A_17 = arith.addf %mul3A_12, %add3A_16 : vector<1264x32xf32>
    %max3A = arith.constant 0.000000e+00 : f32
    %max3A_18 = vector.broadcast %max3A : f32 to vector<1264x32xf32>
    %max3A_19 = arith.maximumf %add3A_17, %max3A_18 : vector<1264x32xf32>
    %get3A_20 = arith.constant 0 : index
    %get3A_21 = arith.constant 0 : index
    %get3A_22 = vector.load %arg4[%get3A_20, %get3A_21] : memref<32x16xf32, #tpu.memory_space<vmem>>, vector<32x16xf32>
    %dot_general3A = arith.constant dense<0.000000e+00> : vector<1264x16xf32>
    %dot_general3A_23 = tpu.matmul %max3A_19, %get3A_22, %dot_general3A {dimension_numbers = #tpu.dot_dimension_numbers<[1], [0], [0], [1], [0, 0, 1, 1], [], []>, transpose_lhs_hint = false} : vector<1264x32xf32>, vector<32x16xf32>, vector<1264x16xf32> -> vector<1264x16xf32>
    %swap3A = arith.constant 0 : index
    %swap3A_24 = arith.constant 0 : index
    %swap3A_25 = vector.load %arg5[%swap3A, %swap3A_24] : memref<1264x16xf32, #tpu.memory_space<vmem>>, vector<1264x16xf32>
    tpu.vector_store %arg5[%swap3A, %swap3A_24], %dot_general3A_23 {strides = array<i32>} : memref<1264x16xf32, #tpu.memory_space<vmem>>, vector<1264x16xf32>,
    return
  }
  func.func @transform_0(%arg0: i32) -> (i32, i32, i32) {
    %c0_i32 = arith.constant 0 : i32
    %c0_i32_0 = arith.constant 0 : i32
    %c0_i32_1 = arith.constant 0 : i32
    return %c0_i32, %arg0, %c0_i32_0 : i32, i32, i32
  }
  func.func @transform_1(%arg0: i32) -> (i32, i32) {
    %c0_i32 = arith.constant 0 : i32
    %c0_i32_0 = arith.constant 0 : i32
    return %arg0, %c0_i32 : i32, i32
  }
  func.func @transform_2(%arg0: i32) -> (i32, i32) {
    %c0_i32 = arith.constant 0 : i32
    %c0_i32_0 = arith.constant 0 : i32
    %c0_i32_1 = arith.constant 0 : i32
    return %c0_i32, %c0_i32_0 : i32, i32
  }
  func.func @transform_3(%arg0: i32) -> (i32, i32) {
    %c0_i32 = arith.constant 0 : i32
    %c0_i32_0 = arith.constant 0 : i32
    %c0_i32_1 = arith.constant 0 : i32
    return %c0_i32, %c0_i32_0 : i32, i32
  }
  func.func @transform_4(%arg0: i32) -> (i32, i32) {
    %c0_i32 = arith.constant 0 : i32
    %c0_i32_0 = arith.constant 0 : i32
    return %arg0, %c0_i32 : i32, i32
  }
}

module attributes {stable_mosaic.version = 14 : i64} {
  func.func @body(%arg0: memref<2x10112x16xf32, #tpu.memory_space<vmem>>, %arg1: memref<10112x1xf32, #tpu.memory_space<vmem>>, %arg2: memref<1x16xf32, #tpu.memory_space<vmem>>, %arg3: memref<16x8xf32, #tpu.memory_space<vmem>>, %arg4: memref<1x8xf32, #tpu.memory_space<vmem>>, %arg5: memref<8x1xf32, #tpu.memory_space<vmem>>, %arg6: memref<1x1xf32, #tpu.memory_space<vmem>>, %arg7: memref<10000x16xf32, #tpu.memory_space<vmem>>, %arg8: memref<1x1xf32, #tpu.memory_space<vmem>>) attributes {dimension_semantics = [], scalar_prefetch = 0 : i64, scratch_operands = 0 : i64, tpu.core_type = #tpu.core_type<tc>} {
    %get3A = arith.constant 0 : index
    %get3A_0 = arith.constant 0 : index
    %get3A_1 = arith.constant 0 : index
    %get3A_2 = vector.load %arg0[%get3A, %get3A_0, %get3A_1] : memref<2x10112x16xf32, #tpu.memory_space<vmem>>, vector<1x10000x16xf32>
    %get3A_3 = vector.shape_cast %get3A_2 : vector<1x10000x16xf32> to vector<10000x16xf32>
    %get3A_4 = arith.constant 1 : index
    %get3A_5 = arith.constant 0 : index
    %get3A_6 = arith.constant 0 : index
    %get3A_7 = vector.load %arg0[%get3A_4, %get3A_5, %get3A_6] : memref<2x10112x16xf32, #tpu.memory_space<vmem>>, vector<1x10000x16xf32>
    %get3A_8 = vector.shape_cast %get3A_7 : vector<1x10000x16xf32> to vector<10000x16xf32>
    %add3A = arith.addf %get3A_3, %get3A_8 : vector<10000x16xf32>
    %get3A_9 = arith.constant 0 : index
    %get3A_10 = arith.constant 0 : index
    %get3A_11 = vector.load %arg1[%get3A_9, %get3A_10] : memref<10112x1xf32, #tpu.memory_space<vmem>>, vector<10000x1xf32>
    %mul3A = vector.broadcast %get3A_11 : vector<10000x1xf32> to vector<10000x16xf32>
    %mul3A_12 = arith.mulf %add3A, %mul3A : vector<10000x16xf32>
    %get3A_13 = arith.constant 0 : index
    %get3A_14 = arith.constant 0 : index
    %get3A_15 = vector.load %arg2[%get3A_13, %get3A_14] : memref<1x16xf32, #tpu.memory_space<vmem>>, vector<1x16xf32>
    %add3A_16 = vector.broadcast %get3A_15 : vector<1x16xf32> to vector<10000x16xf32>
    %add3A_17 = arith.addf %mul3A_12, %add3A_16 : vector<10000x16xf32>
    %max3A = arith.constant 0.000000e+00 : f32
    %max3A_18 = vector.broadcast %max3A : f32 to vector<10000x16xf32>
    %max3A_19 = arith.maximumf %add3A_17, %max3A_18 : vector<10000x16xf32>
    %swap3A = arith.constant 0 : index
    %swap3A_20 = arith.constant 0 : index
    %swap3A_21 = vector.load %arg7[%swap3A, %swap3A_20] : memref<10000x16xf32, #tpu.memory_space<vmem>>, vector<10000x16xf32>
    tpu.vector_store %arg7[%swap3A, %swap3A_20], %max3A_19 {strides = array<i32>} : memref<10000x16xf32, #tpu.memory_space<vmem>>, vector<10000x16xf32>,
    %reduce_sum3A = arith.constant dense<0.000000e+00> : vector<16xf32>
    %reduce_sum3A_22 = vector.multi_reduction <add>, %max3A_19, %reduce_sum3A [0] : vector<10000x16xf32> to vector<16xf32>
    %broadcast_in_dim3A = vector.shape_cast %reduce_sum3A_22 : vector<16xf32> to vector<1x16xf32>
    %div3A = arith.constant 1.000000e+04 : f32
    %div3A_23 = vector.broadcast %div3A : f32 to vector<1x16xf32>
    %div3A_24 = arith.divf %broadcast_in_dim3A, %div3A_23 : vector<1x16xf32>
    %get3A_25 = arith.constant 0 : index
    %get3A_26 = arith.constant 0 : index
    %get3A_27 = vector.load %arg3[%get3A_25, %get3A_26] : memref<16x8xf32, #tpu.memory_space<vmem>>, vector<16x8xf32>
    %dot_general3A = arith.constant dense<0.000000e+00> : vector<1x8xf32>
    %dot_general3A_28 = tpu.matmul %div3A_24, %get3A_27, %dot_general3A {dimension_numbers = #tpu.dot_dimension_numbers<[1], [0], [0], [1], [0, 0, 1, 1], [], []>, transpose_lhs_hint = false} : vector<1x16xf32>, vector<16x8xf32>, vector<1x8xf32> -> vector<1x8xf32>
    %get3A_29 = arith.constant 0 : index
    %get3A_30 = arith.constant 0 : index
    %get3A_31 = vector.load %arg4[%get3A_29, %get3A_30] : memref<1x8xf32, #tpu.memory_space<vmem>>, vector<1x8xf32>
    %add3A_32 = arith.addf %dot_general3A_28, %get3A_31 : vector<1x8xf32>
    %max3A_33 = arith.constant 0.000000e+00 : f32
    %max3A_34 = vector.broadcast %max3A_33 : f32 to vector<1x8xf32>
    %max3A_35 = arith.maximumf %add3A_32, %max3A_34 : vector<1x8xf32>
    %get3A_36 = arith.constant 0 : index
    %get3A_37 = arith.constant 0 : index
    %get3A_38 = vector.load %arg5[%get3A_36, %get3A_37] : memref<8x1xf32, #tpu.memory_space<vmem>>, vector<8x1xf32>
    %dot_general3A_39 = arith.constant dense<0.000000e+00> : vector<1x1xf32>
    %dot_general3A_40 = tpu.matmul %max3A_35, %get3A_38, %dot_general3A_39 {dimension_numbers = #tpu.dot_dimension_numbers<[1], [0], [0], [1], [0, 0, 1, 1], [], []>, transpose_lhs_hint = false} : vector<1x8xf32>, vector<8x1xf32>, vector<1x1xf32> -> vector<1x1xf32>
    %get3A_41 = arith.constant 0 : index
    %get3A_42 = arith.constant 0 : index
    %get3A_43 = vector.load %arg6[%get3A_41, %get3A_42] : memref<1x1xf32, #tpu.memory_space<vmem>>, vector<1x1xf32>
    %add3A_44 = arith.addf %dot_general3A_40, %get3A_43 : vector<1x1xf32>
    %neg3A = arith.constant 0.000000e+00 : f32
    %neg3A_45 = vector.broadcast %neg3A : f32 to vector<1x1xf32>
    %neg3A_46 = arith.subf %neg3A_45, %add3A_44 : vector<1x1xf32>
    %exp3A = math.exp %neg3A_46 : vector<1x1xf32>
    %add3A_47 = arith.constant 1.000000e+00 : f32
    %add3A_48 = vector.broadcast %add3A_47 : f32 to vector<1x1xf32>
    %add3A_49 = arith.addf %add3A_48, %exp3A : vector<1x1xf32>
    %div3A_50 = arith.constant 1.000000e+00 : f32
    %div3A_51 = vector.broadcast %div3A_50 : f32 to vector<1x1xf32>
    %div3A_52 = arith.divf %div3A_51, %add3A_49 : vector<1x1xf32>
    %swap3A_53 = arith.constant 0 : index
    %swap3A_54 = arith.constant 0 : index
    %swap3A_55 = vector.load %arg8[%swap3A_53, %swap3A_54] : memref<1x1xf32, #tpu.memory_space<vmem>>, vector<1x1xf32>
    tpu.vector_store %arg8[%swap3A_53, %swap3A_54], %div3A_52 {strides = array<i32>} : memref<1x1xf32, #tpu.memory_space<vmem>>, vector<1x1xf32>,
    return
  }
}

module attributes {stable_mosaic.version = 14 : i64} {
  func.func @body(%arg0: i32, %arg1: memref<2x1264x16xf32, #tpu.memory_space<vmem>>, %arg2: memref<1264x1xf32, #tpu.memory_space<vmem>>, %arg3: memref<16x2xf32, #tpu.memory_space<vmem>>, %arg4: memref<1x2xf32, #tpu.memory_space<vmem>>, %arg5: memref<1264x2xf32, #tpu.memory_space<vmem>>) attributes {dimension_semantics = [#tpu.dimension_semantics<arbitrary>], iteration_bounds = array<i64: 8>, scalar_prefetch = 0 : i64, scratch_operands = 0 : i64, tpu.core_type = #tpu.core_type<tc>, window_params = [{transform_indices = @transform_0, window_bounds = array<i64: 2, 1264, 16>}, {transform_indices = @transform_1, window_bounds = array<i64: 1264, 1>}, {pipeline_mode = #tpu.pipeline_mode<synchronous>, transform_indices = @transform_2, window_bounds = array<i64: 16, 2>}, {pipeline_mode = #tpu.pipeline_mode<synchronous>, transform_indices = @transform_3, window_bounds = array<i64: 1, 2>}, {transform_indices = @transform_4, window_bounds = array<i64: 1264, 2>}]} {
    %get3A = arith.constant 0 : index
    %get3A_0 = arith.constant 0 : index
    %get3A_1 = arith.constant 0 : index
    %get3A_2 = vector.load %arg1[%get3A, %get3A_0, %get3A_1] : memref<2x1264x16xf32, #tpu.memory_space<vmem>>, vector<1x1264x16xf32>
    %get3A_3 = vector.shape_cast %get3A_2 : vector<1x1264x16xf32> to vector<1264x16xf32>
    %get3A_4 = arith.constant 1 : index
    %get3A_5 = arith.constant 0 : index
    %get3A_6 = arith.constant 0 : index
    %get3A_7 = vector.load %arg1[%get3A_4, %get3A_5, %get3A_6] : memref<2x1264x16xf32, #tpu.memory_space<vmem>>, vector<1x1264x16xf32>
    %get3A_8 = vector.shape_cast %get3A_7 : vector<1x1264x16xf32> to vector<1264x16xf32>
    %add3A = arith.addf %get3A_3, %get3A_8 : vector<1264x16xf32>
    %get3A_9 = arith.constant 0 : index
    %get3A_10 = arith.constant 0 : index
    %get3A_11 = vector.load %arg2[%get3A_9, %get3A_10] : memref<1264x1xf32, #tpu.memory_space<vmem>>, vector<1264x1xf32>
    %mul3A = vector.broadcast %get3A_11 : vector<1264x1xf32> to vector<1264x16xf32>
    %mul3A_12 = arith.mulf %add3A, %mul3A : vector<1264x16xf32>
    %get3A_13 = arith.constant 0 : index
    %get3A_14 = arith.constant 0 : index
    %get3A_15 = vector.load %arg3[%get3A_13, %get3A_14] : memref<16x2xf32, #tpu.memory_space<vmem>>, vector<16x2xf32>
    %dot_general3A = arith.constant dense<0.000000e+00> : vector<1264x2xf32>
    %dot_general3A_16 = tpu.matmul %mul3A_12, %get3A_15, %dot_general3A {dimension_numbers = #tpu.dot_dimension_numbers<[1], [0], [0], [1], [0, 0, 1, 1], [], []>, transpose_lhs_hint = false} : vector<1264x16xf32>, vector<16x2xf32>, vector<1264x2xf32> -> vector<1264x2xf32>
    %get3A_17 = arith.constant 0 : index
    %get3A_18 = arith.constant 0 : index
    %get3A_19 = vector.load %arg4[%get3A_17, %get3A_18] : memref<1x2xf32, #tpu.memory_space<vmem>>, vector<1x2xf32>
    %add3A_20 = vector.broadcast %get3A_19 : vector<1x2xf32> to vector<1264x2xf32>
    %add3A_21 = arith.addf %dot_general3A_16, %add3A_20 : vector<1264x2xf32>
    %swap3A = arith.constant 0 : index
    %swap3A_22 = arith.constant 0 : index
    %swap3A_23 = vector.load %arg5[%swap3A, %swap3A_22] : memref<1264x2xf32, #tpu.memory_space<vmem>>, vector<1264x2xf32>
    tpu.vector_store %arg5[%swap3A, %swap3A_22], %add3A_21 {strides = array<i32>} : memref<1264x2xf32, #tpu.memory_space<vmem>>, vector<1264x2xf32>,
    return
  }
  func.func @transform_0(%arg0: i32) -> (i32, i32, i32) {
    %c0_i32 = arith.constant 0 : i32
    %c0_i32_0 = arith.constant 0 : i32
    %c0_i32_1 = arith.constant 0 : i32
    return %c0_i32, %arg0, %c0_i32_0 : i32, i32, i32
  }
  func.func @transform_1(%arg0: i32) -> (i32, i32) {
    %c0_i32 = arith.constant 0 : i32
    %c0_i32_0 = arith.constant 0 : i32
    return %arg0, %c0_i32 : i32, i32
  }
  func.func @transform_2(%arg0: i32) -> (i32, i32) {
    %c0_i32 = arith.constant 0 : i32
    %c0_i32_0 = arith.constant 0 : i32
    %c0_i32_1 = arith.constant 0 : i32
    return %c0_i32, %c0_i32_0 : i32, i32
  }
  func.func @transform_3(%arg0: i32) -> (i32, i32) {
    %c0_i32 = arith.constant 0 : i32
    %c0_i32_0 = arith.constant 0 : i32
    %c0_i32_1 = arith.constant 0 : i32
    return %c0_i32, %c0_i32_0 : i32, i32
  }
  func.func @transform_4(%arg0: i32) -> (i32, i32) {
    %c0_i32 = arith.constant 0 : i32
    %c0_i32_0 = arith.constant 0 : i32
    return %arg0, %c0_i32 : i32, i32
  }
}

</mosaic_0001>

<sc_bundles>
// kernel: kernel.10.cloned.1.call-start
scs
__scs_entry_jumppad:
0x0: {  	(pc) =	sbr.rel $0x88, $3  }
0x1: {  	(tag) =	ssettag $0x0;
	lr =	simm.s32 $0x1  }
0x2: {  	[smem:$0x3F93] =	sst lr;
	_ =	strace $0xD0000000  }
0x3: {  	_ = 	snop  }
0x4: {  	_ = 	snop  }
0x5: {  	_ = 	snop  }
0x6: {  	_ = 	snop  }
0x7: {  	_ = 	snop  }
__scs_overlays_trampoline_lowered:
0x8: {  	[smem:$0x3FA2] =	sst s0  }
0x9: {  	[smem:$0x3FA3] =	sst s1  }
0xa: {  	[smem:$0x3FA4] =	sst s2  }
0xb: {  	[smem:$0x3FA5] =	sst s3  }
0xc: {  	[smem:$0x3FA6] =	sst s4  }
0xd: {  	[smem:$0x3FA7] =	sst s5  }
0xe: {  	[smem:$0x3FA8] =	sst s6  }
0xf: {  	[smem:$0x3FA9] =	sst s7  }
0x10: {  	[smem:$0x3FAA] =	sst s8  }
0x11: {  	[smem:$0x3FAB] =	sst s9;
	s0 =	simm.s32 @!p0 $0x0  }
0x12: {  	s1 =	sld [smem:$0x3F91];
	s0 =	simm.s32 @p0 $0x1  }
0x13: {  	[smem:$0x3FAC] =	sst s0;
	s0 =	simm.s32 @!p1 $0x0  }
0x14: {  	s2 =	sld [smem:$0x3F90];
	s0 =	simm.s32 @p1 $0x1  }
0x15: {  	[smem:$0x3FAD] =	sst s0;
	s0 =	simm.s32 @!p2 $0x0  }
0x16: {  	s3 =	sld [smem:$0x3FDB];
	s0 =	simm.s32 @p2 $0x1  }
0x17: {  	s4 =	simm.s32 $0x1BF5;
	[smem:$0x3FAF] =	sst s0  }
0x18: {  	s0 =	sld [smem:$0x3F92];
	_ =	swait.ge [sflag:s4], $0x0  }
0x19: {  	s7 =	sld [smem:$0x3F93]  }
0x1a: {  	s8 =	sadd.s32 $0xFFFFE003, lr  }
0x1b: {  	s9 =	sadd.s32 $0xFFFFFEF7, lr;
	s5 =	simm.s32 $0xFFFFFFFF;
	p2 =	slt.u32 s8, $0xFFFFF086  }
0x1c: {  	p1 =	slt.u32 s9, $0xF7A;
	s5 =	simm.s32 @!p2 $0x0  }
0x1d: {  	s5 =	simm.s32 @p1 $0x1;
	p0 =	seq.s32 s7, s2  }
0x1e: {  	s7 =	smul.u32 @!p0 $0xF7A, s2;
	p2 =	seq.s32 @!p0 s5, $0x0  }
0x1f: {  	s9 =	smul.u32 $0xF7A, s1;
	s8 =	simm.s32 @!p0 $0x1BF5;
	p2 =	por !p2, p0  }
0x20: {  	[sflag:s8] =	ssyncset.s32 @!p0 $0xFFFFF086;
	s6 =	sadd.s32 @!p0 s3, s7;
	s7 =	simm.s32 @!p0 $0x108  }
0x21: {  	s3 =	sadd.s32 s3, s9;
	s6 =	sadd.s32 @!p0 $0x88, s6;
	s7 =	simm.s32 @p2 $0x1082  }
0x22: {  	[simem:s7], [sflag:s8] =	dma.local @!p0 [hbm:s6], $0xF7A  }
0x23: {  	s9 =	sor.u32 $0xD0000000, s2;
	s6 =	simm.s32 $0x108;
	_ =	swait.ge @!p0 [sflag:s8], $0x0  }
0x24: {  	s3 =	sadd.s32 $0x88, s3;
	s6 =	simm.s32 @!p1 $0x1082;
	[sflag:s4] =	ssyncset.s32 $0xFFFFF086  }
0x25: {  	[simem:s6], [sflag:s4] =	dma.local [hbm:s3], $0xF7A  }
0x26: {  	[smem:$0x3F93] =	sst s1;
	(tag) =	ssettag s2;
	_ =	strace s9  }
0x27: {  	s1 =	sld [smem:$0x3FA3]  }
0x28: {  	s2 =	sld [smem:$0x3FA4]  }
0x29: {  	s4 =	sld [smem:$0x3FA6]  }
0x2a: {  	p0 =	seq.s32 s5, $0x0;
	s5 =	sld [smem:$0x3FA7]  }
0x2b: {  	s6 =	sld [smem:$0x3FA8]  }
0x2c: {  	s7 =	sld [smem:$0x3FA9]  }
0x2d: {  	s3 =	simm.s32 $0x108;
	s8 =	sld [smem:$0x3FAA]  }
0x2e: {  	s3 =	simm.s32 @!p0 $0x1082;
	s9 =	sld [smem:$0x3FAB]  }
0x2f: {  	lr =	sadd.s32 s0, s3;
	s0 =	sld [smem:$0x3FA2]  }
0x30: {  	s3 =	sld [smem:$0x3FA5]  }
0x31: {  	[smem:$0x3FAE] =	sst s10  }
0x32: {  	s10 =	sld [smem:$0x3FAC];
	_ =	sdelay $0x3  }
0x33: {  	p0 =	seq.s32 s10, $0x1;
	s10 =	sld [smem:$0x3FAE];
	_ =	sdelay $0x3  }
0x34: {  	[smem:$0x3FAE] =	sst s10  }
0x35: {  	s10 =	sld [smem:$0x3FAD];
	_ =	sdelay $0x3  }
0x36: {  	p1 =	seq.s32 s10, $0x1;
	s10 =	sld [smem:$0x3FAE];
	_ =	sdelay $0x3  }
0x37: {  	[smem:$0x3FAE] =	sst s10  }
0x38: {  	s10 =	sld [smem:$0x3FAF]  }
0x39: {  	_ = 	snop;
	(pc) =	sbr.ind lr, $3  }
0x3a: {  	_ = 	snop  }
0x3b: {  	_ = 	snop  }
0x3c: {  	p2 =	seq.s32 s10, $0x1;
	s10 =	sld [smem:$0x3FAE]  }
0x3d: {  	_ =	shalt  }
0x3e: {  	_ =	shalt  }
0x3f: {  	_ =	shalt  }
0x40: {  	_ =	shalt  }
0x41: {  	_ =	shalt  }
0x42: {  	_ =	shalt  }
0x43: {  	_ =	shalt  }
0x44: {  	_ =	shalt  }
0x45: {  	_ =	shalt  }
0x46: {  	_ =	shalt  }
0x47: {  	_ =	shalt  }
0x48: {  	_ =	shalt  }
0x49: {  	_ =	shalt  }
0x4a: {  	_ =	shalt  }
0x4b: {  	_ =	shalt  }
0x4c: {  	_ =	shalt  }
0x4d: {  	_ =	shalt  }
0x4e: {  	_ =	shalt  }
0x4f: {  	_ =	shalt  }
0x50: {  	_ =	shalt  }
0x51: {  	_ =	shalt  }
0x52: {  	_ =	shalt  }
0x53: {  	_ =	shalt  }
0x54: {  	_ =	shalt  }
0x55: {  	_ =	shalt  }
0x56: {  	_ =	shalt  }
0x57: {  	_ =	shalt  }
0x58: {  	_ =	shalt  }
0x59: {  	_ =	shalt  }
0x5a: {  	_ =	shalt  }
0x5b: {  	_ =	shalt  }
0x5c: {  	_ =	shalt  }
0x5d: {  	_ =	shalt  }
0x5e: {  	_ =	shalt  }
0x5f: {  	_ =	shalt  }
0x60: {  	_ =	shalt  }
0x61: {  	_ =	shalt  }
0x62: {  	_ =	shalt  }
0x63: {  	_ =	shalt  }
0x64: {  	_ =	shalt  }
0x65: {  	_ =	shalt  }
0x66: {  	_ =	shalt  }
0x67: {  	_ =	shalt  }
0x68: {  	_ =	shalt  }
0x69: {  	_ =	shalt  }
0x6a: {  	_ =	shalt  }
0x6b: {  	_ =	shalt  }
0x6c: {  	_ =	shalt  }
0x6d: {  	_ =	shalt  }
0x6e: {  	_ =	shalt  }
0x6f: {  	_ =	shalt  }
0x70: {  	_ =	shalt  }
0x71: {  	_ =	shalt  }
0x72: {  	_ =	shalt  }
0x73: {  	_ =	shalt  }
0x74: {  	_ =	shalt  }
0x75: {  	_ =	shalt  }
0x76: {  	_ =	shalt  }
0x77: {  	_ =	shalt  }
0x78: {  	_ =	shalt  }
0x79: {  	_ =	shalt  }
0x7a: {  	_ =	shalt  }
0x7b: {  	_ =	shalt  }
0x7c: {  	_ =	shalt  }
0x7d: {  	_ =	shalt  }
0x7e: {  	_ =	shalt  }
0x7f: {  	_ =	shalt  }
0x80: {  	_ =	shalt  }
0x81: {  	_ =	shalt  }
0x82: {  	_ =	shalt  }
0x83: {  	_ =	shalt  }
0x84: {  	_ =	shalt  }
0x85: {  	_ =	shalt  }
0x86: {  	_ =	shalt  }
0x87: {  	_ =	shalt  }
.Lfunc_end0:
.L_simem_size_0:
called_computation_lowered:
.L_overlay_start_0:
0x88: {  	s2 =	sld [smem:$0x3FD9]  }
0x89: {  	s3 =	sld [smem:$0x3FFE];
	_ =	sdelay $0x1  }
0x8a: {  	s1 =	srdreg.scid  }
0x8b: {  	s0 =	sand.u32 $0x1, s1  }
0x8c: {  	s14 =	sshll.u32 s0, $0xA;
	s2 =	sadd.s32 s3, s2  }
0x8d: {  	s2 =	sadd.s32 s2, s14  }
0x8e: {  	[smem:$0x3FBA] =	sst s2  }
0x8f: {  	_ = 	snop  }
0x90: {  	s2 =	sld [smem:$0x3FD0];
	_ =	sdelay $0x2  }
0x91: {  	s4 =	simm.s32 $0xA;
	s5 =	simm.s32 $0x10;
	s15 =	sld [smem:$0x3FC9]  }
0x92: {  	[smem:s5], [sflag:s4] =	dma.local [hbm:s2], $0x1  }
0x93: {  	_ =	swait.eq [sflag:s4], $0x1  }
0x94: {  	[sflag:s4] =	ssyncset.done $0x0  }
0x95: {  	[sflag:s4] =	ssyncadd.s32 $0xFFFFFFFF  }
0x96: {  	s16 =	sld [smem:$0x11];
	(tm) =	ssettm $0x1  }
0x97: {  	s17 =	sld [smem:$0x3FFB];
	_ =	sdelay $0x3  }
0x98: {  	_ =	strace s17  }
0x99: {  	s4 =	sld [smem:$0x3FFC];
	_ =	sdelay $0x3  }
0x9a: {  	_ =	strace s4  }
0x9b: {  	s4 =	sld [smem:$0x3FFD];
	_ =	sdelay $0x3  }
0x9c: {  	_ =	strace s4  }
0x9d: {  	_ =	strace $0x8FFFFFFF  }
0x9e: {  	s18 =	sld [smem:$0x3FDB];
	_ =	sdelay $0x1  }
0x9f: {  	s19 =	simm.s32 $_scs_section_size  }
0xa0: {  	s6 =	simm.s32 $_size__tile_overlayer_lowered;
	s7 =	simm.s32 $_tile_overlayer_lowered  }
0xa1: {  	s22 =	simm.s32 $0x1BFF;
	s21 =	sshll.u32 s7, $0x1;
	s4 =	sadd.s32 s19, s18  }
0xa2: {  	s8 =	simm.s32 $0x0;
	s20 =	sshll.u32 s6, $0x1;
	s6 =	sadd.s32 s21, s4  }
0xa3: {  	[timem:s8], [sflag:s22] =	dma.local [hbm:s6], s20  }
0xa4: {  	_ =	swait.ge [sflag:s22], s20  }
0xa5: {  	s5 =	ssub.s32 $0x0, s20;
	[sflag:s22] =	ssyncset.done $0x0  }
0xa6: {  	[sflag:s22] =	ssyncadd.s32 s5;
	_ =	sdelay $0x1  }
0xa7: {  	s23 =	simm.s32 $0x1B8B  }
0xa8: {  	_ =	swait.ge [sflag:s23], $0x1  }
0xa9: {  	[sflag:s23] =	ssyncset.done $0x0  }
0xaa: {  	s25 =	simm.s32 $0x1B8E;
	s24 =	sld [smem:$0x3FFE];
	[sflag:s23] =	ssyncadd.s32 $0xFFFFFFFF  }
0xab: {  	s26 =	simm.s32 $execute0_lowered;
	[smem:$0x3FD2] =	sst s25  }
0xac: {  	s6 =	sshll.u32 s26, $0x1;
	_ =	strace $0x80000046;
	[dreg:$0x1] =	wrdreg $0xFFFFFFFF  }
0xad: {  	s28 =	simm.s32 $_size_execute0_lowered;
	s4 =	sadd.s32 s4, s6;
	[dreg:$0x0] =	wrdreg $0x0  }
0xae: {  	s6 =	sshll.u32 s28, $0x1;
	[dreg:$0x2] =	wrdreg s4  }
0xaf: {  	[dreg:$0x3] =	wrdreg s6  }
0xb0: {  	[dreg:$0x4] =	wrdreg $0xC0  }
0xb1: {  	_ =	task [dreg:s8], $0x5FFFF  }
0xb2: {  	[dreg:$0x1] =	wrdreg $0xFFFFFFFF  }
0xb3: {  	[dreg:$0x0] =	wrdreg $0x60  }
0xb4: {  	[dreg:$0x2] =	wrdreg s15  }
0xb5: {  	[dreg:$0x3] =	wrdreg s24  }
0xb6: {  	[dreg:$0x4] =	wrdreg s16  }
0xb7: {  	[dreg:$0x5] =	wrdreg $0x8D900  }
0xb8: {  	[dreg:$0x6] =	wrdreg $0x1C9900  }
0xb9: {  	[dreg:$0x7] =	wrdreg $0x9  }
0xba: {  	_ =	task.clear_ibuf [dreg:s8], $0x8FFFF;
	_ =	strace $0x90000046  }
0xbb: {  	s29 =	simm.s32 $0x9;
	_ =	strace $0x80000048  }
0xbc: {  	_ =	swait.ge [sflag:s29], $0x1  }
0xbd: {  	[sflag:s29] =	ssyncadd.s32 $0xFFFFFFFF  }
0xbe: {  	_ =	strace $0x90000048  }
0xbf: {  	_ =	sfence  }
0xc0: {  	s30 =	sld [smem:$0x0];
	_ =	sdelay $0x2  }
0xc1: {  	s31 =	sshll.u32 s1, $0xD;
	s1 =	sshrl.u32 s1, $0x2  }
0xc2: {  	s3 =	sand.u32 $0x4000, s31;
	s1 =	sadd.s32 s1, s30  }
0xc3: {  	s0 =	sor.u32 s3, s0;
	s1 =	sshll.u32 s1, $0x11  }
0xc4: {  	s0 =	sor.u32 s1, s0  }
0xc5: {  	s0 =	sadd.s32 $0x8F2B, s0  }
0xc6: {  	[sflag:s0] =	ssyncadd.remote.s32 $0x1  }
0xc7: {  	_ =	sfence.sel $0xFFFF  }
0xc8: {  	[dreg:$0x0] =	wrdreg $0xFFFFFFFF;
	(pc) =	sbr.abs _section_cstart, $3  }
0xc9: {  	[dreg:$0x1] =	wrdreg $0xFFFFFFFF  }
0xca: {  	_ =	task.clear_ibuf [dreg:s8], $0x2FFFF;
	_ =	strace $0x9FFFFFFF  }
0xcb: {  	(tm) =	ssettm $0x7FFFFFFF  }
tec
execute0_lowered:
.L_overlay_start_1:
0x0: {  	(tag) =	ssettag $0x1  }
0x1: {  	s0 =	rddreg [dreg:$0x0]  }
0x2: {  	s1 =	srdreg.scid;
	s2 =	rddreg [dreg:$0x1]  }
0x3: {  	s15 =	stileid.u32;
	s3 =	rddreg [dreg:$0x3]  }
0x4: {  	s5 =	simm.s32 $0x0;
	s28 =	simm.s32 $0x2710;
	s8 =	smul.u32 $0x13C00, s15  }
0x5: {  	s29 =	simm.s32 $0x3B10;
	s30 =	simm.s32 $0x4F10;
	s10 =	smul.u32 $0x2780, s15  }
0x6: {  	s31 =	simm.s32 $0x6310;
	s1 =	sand.u32 $0x1, s1;
	s19 =	smul.u32 $0x2710, s15  }
0x7: {  	[smem:$0x7FF] =	sst s5;
	s12 =	sadd.s32 $0x16400, s2;
	s9 =	smul.u32 $0x13C000, s1  }
0x8: {  	s25 =	sadd.s32 $0x18C00, s2;
	s18 =	sshll.u32 s15, $0x6;
	s11 =	smul.u32 $0x27800, s1  }
0x9: {  	s4 =	sshll.u32 s1, $0x4;
	s26 =	ssub.s32 $0x2, s1;
	s1 =	smul.u32 $0x27100, s1  }
0xa: {  	s17 =	sor.u32 $0x1C10, s18;
	s6 =	sor.u32 s15, s4;
	s4 =	rddreg [dreg:$0x4]  }
0xb: {  	s18 =	simm.s32 $0x10;
	_ =	strace $0x80000047;
	[dreg:$0x6] =	wrdreg s12  }
0xc: {  	[dreg:$0x7] =	wrdreg s25;
	s13 =	sshrl.u32 s26, $0x1;
	s12 =	simm.s32 $0xB  }
0xd: {  	s15 =	simm.s32 $0xA;
	[dreg:$0x9] =	wrdreg s17;
	s7 =	smul.u32 $0x2710, s6  }
0xe: {  	s9 =	sadd.s32 s8, s9;
	s11 =	sadd.s32 s10, s11;
	s14 =	smul.u32 $0x27100, s6  }
0xf: {  	s16 =	ssub.s32 s26, s13;
	s6 =	smul.u32 $0x138800, s6;
	s8 =	sadd.s32 s8, s3  }
0x10: {  	s10 =	sadd.s32 s10, s4;
	s1 =	sadd.s32 s19, s1;
	s13 =	simm.s32 $0x8  }
0x11: {  	s19 =	simm.s32 $0x0;
	s9 =	sshrl.u32 s9, $0x3;
	[dreg:$0x8] =	wrdreg s8  }
0x12: {  	s11 =	sshrl.u32 s11, $0x3;
	[dreg:$0xa] =	wrdreg s10;
	s1 =	sshll.u32 s1, $0x4  }
0x13: {  	s26 =	smax.u32 s16, $0x1;
	s8 =	simm.s32 $0x4;
	s10 =	simm.s32 $0x5  }
0x14: {  	s16 =	simm.s32 $0xF;
	s7 =	sshrl.u32 s7, $0x3;
	s9 =	sadd.s32 s9, s2  }
0x15: {  	s6 =	sshrl.u32 s6, $0x3;
	s20 =	sadd.s32 s0, s14;
	[dreg:$0x13] =	wrdreg s26  }
0x16: {  	s26 =	simm.s32 $0x8B10;
	s14 =	simm.s32 $0xD;
	s7 =	sadd.s32 s7, s2  }
0x17: {  	s2 =	sadd.s32 s11, s2;
	[dreg:$0xc] =	wrdreg s20;
	s24 =	sadd.s32 $0x22C00, s9  }
0x18: {  	s6 =	sadd.s32 s0, s6;
	s7 =	sadd.s32 $0xC600, s7;
	[dreg:$0x11] =	wrdreg s24  }
0x19: {  	s0 =	sadd.s32 s0, s1;
	s21 =	sadd.s32 $0x280, s6;
	[dreg:$0xb] =	wrdreg s7  }
0x1a: {  	s1 =	simm.s32 $0x28;
	s22 =	sadd.s32 $0x500, s6;
	[dreg:$0xd] =	wrdreg s21  }
0x1b: {  	s11 =	simm.s32 $0x6;
	s23 =	sadd.s32 $0x780, s6;
	[dreg:$0xe] =	wrdreg s22  }
.Ltmp0:
0x1c: {  	s6 =	sadd.s32 $0xA00, s6;
	[dreg:$0xf] =	wrdreg s23;
	(pc) =	sbr.rel .LBB2_1-.Ltmp0, $4  }
0x1d: {  	s25 =	sadd.s32 $0x18E00, s2;
	s20 =	sadd.s32 $0x1680, s0;
	[dreg:$0x10] =	wrdreg s6  }
0x1e: {  	s24 =	sadd.s32 $0xC80, s0;
	s2 =	simm.s32 $0x7710;
	[dreg:$0x12] =	wrdreg s25  }
0x1f: {  	s21 =	sadd.s32 $0x1400, s0;
	s22 =	sadd.s32 $0x1180, s0;
	s23 =	sadd.s32 $0xF00, s0  }
0x20: {  	s0 =	simm.s32 $0x1;
	s6 =	simm.s32 $0x2;
	s7 =	simm.s32 $0x3  }
.LBB2_4:
0x21: {  	[bflag:$0x0] =	sbarrier.arrive $0xFFFF  }
0x22: {  	s17 =	rddreg [dreg:$0x9]  }
0x23: {  	s9 =	rddreg [dreg:$0x11]  }
0x24: {  	s18 =	rddreg [dreg:$0x15]  }
0x25: {  	[hbm:s9], [sflag:s17] =	dma.local [spmem:s18], $0x2780  }
0x26: {  	s18 =	simm.s32 $0x10  }
0x27: {  	_ =	swait.ge [sflag:s18], $0x2780  }
0x28: {  	[sflag:s18] =	ssyncset.done $0x0;
	s25 =	rddreg [dreg:$0x12]  }
0x29: {  	s19 =	rddreg [dreg:$0x16];
	[sflag:s18] =	ssyncadd.s32 $0xFFFFD880  }
0x2a: {  	[hbm:s25], [sflag:s17] =	dma.local [spmem:s19], $0x4F0  }
0x2b: {  	_ =	swait.ge [sflag:s18], $0x4F0  }
0x2c: {  	s9 =	rddreg [dreg:$0x14]  }
0x2d: {  	s25 =	rddreg [dreg:$0x13];
	s19 =	sadd.s32 $0x1, s9  }
0x2e: {  	p0 =	sne.s32 s19, s25  }
.Ltmp1:
0x2f: {  	_ = 	snop;
	(pc) =	sbr.rel @!p0 .LBB2_5-.Ltmp1, $3  }
0x30: {  	_ =	sdelay $0x1  }
0x31: {  	[sflag:s18] =	ssyncset.done $0x0  }
0x32: {  	[sflag:s18] =	ssyncadd.s32 $0xFFFFFB10  }
.LBB2_1:
0x33: {  	[dreg:$0x14] =	wrdreg s19  }
0x34: {  	s9 =	rddreg [dreg:$0x8]  }
0x35: {  	s25 =	rddreg [dreg:$0x6];
	s9 =	sshrl.u32 s9, $0x3  }
0x36: {  	[dreg:$0x15] =	wrdreg s9  }
0x37: {  	[spmem:s9], [sflag:s17] =	dma.local [hbm:s25], $0x2780  }
0x38: {  	_ =	swait.ge [sflag:s18], $0x2780  }
0x39: {  	[sflag:s18] =	ssyncset.done $0x0  }
0x3a: {  	s25 =	rddreg [dreg:$0xa];
	[sflag:s18] =	ssyncadd.s32 $0xFFFFD880  }
0x3b: {  	s9 =	sshrl.u32 s25, $0x3;
	s25 =	rddreg [dreg:$0x2]  }
0x3c: {  	[dreg:$0x16] =	wrdreg s9  }
0x3d: {  	[spmem:s9], [sflag:s17] =	dma.local [hbm:s25], $0x4F0  }
0x3e: {  	_ =	swait.ge [sflag:s18], $0x4F0  }
0x3f: {  	[sflag:s18] =	ssyncset.done $0x0  }
0x40: {  	s17 =	rddreg [dreg:$0x7];
	[sflag:s18] =	ssyncadd.s32 $0xFFFFFB10  }
0x41: {  	[tilespmem:s26], [sflag:$0x10] =	stream.linear.gather [hbm4b:s17+s5], $0x280, $0x38;
	[tilespmem:$0x1F110] =	vst v63  }
0x42: {  	_ =	swait.ge [sflag:s18], $0x280  }
0x43: {  	[sflag:s18] =	ssyncset.done $0x0  }
0x44: {  	s19 =	rddreg [dreg:$0xb];
	[sflag:s18] =	ssyncadd.s32 $0xFFFFFD80  }
0x45: {  	[tilespmem:s5], [sflag:$0x10] =	stream.linear.gather [hbm4b:s19+s5], $0x2710, $0x38;
	[tilespmem:$0x1F110] =	vst v63  }
0x46: {  	_ =	swait.ge [sflag:s18], $0x2710  }
0x47: {  	[sflag:s18] =	ssyncset.done $0x0  }
0x48: {  	[sflag:s18] =	ssyncadd.s32 $0xFFFFD8F0  }
0x49: {  	[bflag:$0x0] =	sbarrier.arrive $0xFFFF  }
0x4a: {  	s25 =	rddreg [dreg:$0xc]  }
0x4b: {  	[tilespmem:s28], [sflag:$0x1] =	stream.linear.gather [hbm4b:s25+s5], $0x1400, $0x38;
	[tilespmem:$0x1F110] =	vst v63  }
0x4c: {  	s17 =	rddreg [dreg:$0xd]  }
0x4d: {  	[tilespmem:s29], [sflag:$0x2] =	stream.linear.gather [hbm4b:s17+s5], $0x1400, $0x38;
	[tilespmem:$0x1F110] =	vst v63  }
0x4e: {  	s18 =	rddreg [dreg:$0xe]  }
0x4f: {  	[tilespmem:s30], [sflag:$0x3] =	stream.linear.gather [hbm4b:s18+s5], $0x1400, $0x38;
	[tilespmem:$0x1F110] =	vst v63  }
0x50: {  	s19 =	rddreg [dreg:$0xf]  }
0x51: {  	[tilespmem:s31], [sflag:$0x4] =	stream.linear.gather [hbm4b:s19+s5], $0x1400, $0x38;
	[tilespmem:$0x1F110] =	vst v63  }
0x52: {  	s9 =	simm.s32 $0xA0;
	s25 =	rddreg [dreg:$0x10];
	s18 =	simm.s32 $0x0  }
0x53: {  	[tilespmem:s2], [sflag:$0x5] =	stream.linear.gather [hbm4b:s25+s5], $0x1400, $0x38;
	[tilespmem:$0x1F110] =	vst v63  }
.LBB2_2:
0x54: {  	_ =	swait.ge [sflag:s0], $0x1400  }
0x55: {  	[sflag:s0] =	ssyncset.done $0x0  }
0x56: {  	s19 =	sadd.s32 $0xFFFFFF60, s9;
	[sflag:s0] =	ssyncadd.s32 $0xFFFFEC00  }
0x57: {  	[spmem:s3] =	stream.indirect.scatter.add.f32 [tilespmem:s28], [sflag:$0x6], $0x80, s19, s1, $0xb8;
	[tilespmem:$0x1F110] =	vst v63  }
0x58: {  	_ = 	snop  }
0x59: {  	[spmem:s4] =	stream.indirect.scatter.add.f32 [tilespmem:s26], [sflag:$0xB], $0x10, s19, s1, $0xb8;
	[tilespmem:$0x1F110] =	vst v63  }
0x5a: {  	_ =	swait.ge [sflag:s6], $0x1400  }
0x5b: {  	[sflag:s6] =	ssyncset.done $0x0  }
0x5c: {  	s25 =	sadd.s32 $0xFFFFFF88, s9;
	[sflag:s6] =	ssyncadd.s32 $0xFFFFEC00  }
0x5d: {  	[spmem:s3] =	stream.indirect.scatter.add.f32 [tilespmem:s29], [sflag:$0x7], $0x80, s25, s1, $0xb8;
	[tilespmem:$0x1F110] =	vst v63  }
0x5e: {  	_ = 	snop  }
0x5f: {  	[spmem:s4] =	stream.indirect.scatter.add.f32 [tilespmem:s26], [sflag:$0xC], $0x10, s25, s1, $0xb8;
	[tilespmem:$0x1F110] =	vst v63  }
0x60: {  	_ =	swait.ge [sflag:s7], $0x1400  }
0x61: {  	[sflag:s7] =	ssyncset.done $0x0  }
0x62: {  	s17 =	sadd.s32 $0xFFFFFFB0, s9;
	[sflag:s7] =	ssyncadd.s32 $0xFFFFEC00  }
0x63: {  	[spmem:s3] =	stream.indirect.scatter.add.f32 [tilespmem:s30], [sflag:$0x8], $0x80, s17, s1, $0xb8;
	[tilespmem:$0x1F110] =	vst v63  }
0x64: {  	_ = 	snop  }
0x65: {  	[spmem:s4] =	stream.indirect.scatter.add.f32 [tilespmem:s26], [sflag:$0xD], $0x10, s17, s1, $0xb8;
	[tilespmem:$0x1F110] =	vst v63  }
0x66: {  	_ =	swait.ge [sflag:s8], $0x1400  }
0x67: {  	[sflag:s8] =	ssyncset.done $0x0  }
0x68: {  	s25 =	sadd.s32 $0xFFFFFFD8, s9;
	[sflag:s8] =	ssyncadd.s32 $0xFFFFEC00  }
0x69: {  	[spmem:s3] =	stream.indirect.scatter.add.f32 [tilespmem:s31], [sflag:$0x9], $0x80, s25, s1, $0xb8;
	[tilespmem:$0x1F110] =	vst v63  }
0x6a: {  	_ = 	snop  }
0x6b: {  	[spmem:s4] =	stream.indirect.scatter.add.f32 [tilespmem:s26], [sflag:$0xE], $0x10, s25, s1, $0xb8;
	[tilespmem:$0x1F110] =	vst v63  }
0x6c: {  	_ =	swait.ge [sflag:s10], $0x1400  }
0x6d: {  	[sflag:s10] =	ssyncset.done $0x0  }
0x6e: {  	[sflag:s10] =	ssyncadd.s32 $0xFFFFEC00  }
0x6f: {  	[spmem:s3] =	stream.indirect.scatter.add.f32 [tilespmem:s2], [sflag:$0xA], $0x80, s9, s1, $0xb8;
	[tilespmem:$0x1F110] =	vst v63  }
0x70: {  	_ = 	snop  }
0x71: {  	[spmem:s4] =	stream.indirect.scatter.add.f32 [tilespmem:s26], [sflag:$0xF], $0x10, s9, s1, $0xb8;
	[tilespmem:$0x1F110] =	vst v63  }
0x72: {  	_ =	swait.ge [sflag:s11], $0x1400  }
0x73: {  	[sflag:s11] =	ssyncset.done $0x0  }
0x74: {  	[sflag:s11] =	ssyncadd.s32 $0xFFFFEC00  }
0x75: {  	_ =	swait.ge [sflag:s12], $0x280  }
0x76: {  	p0 =	seq.s32 s18, $0x26480;
	[sflag:s12] =	ssyncset.done $0x0  }
0x77: {  	s19 =	simm.s32 @p0 $0x7;
	[sflag:s12] =	ssyncadd.s32 $0xFFFFFD80  }
0x78: {  	_ =	swait.ge @p0 [sflag:s19], $0x1400  }
0x79: {  	[sflag:s19] =	ssyncset.done @p0 $0x0  }
0x7a: {  	[sflag:s19] =	ssyncadd.s32 @p0 $0xFFFFEC00;
	s19 =	simm.s32 @p0 $0xC  }
0x7b: {  	_ =	swait.ge @p0 [sflag:s19], $0x280  }
0x7c: {  	s17 =	simm.s32 @!p0 $0x0;
	[sflag:s19] =	ssyncset.done @p0 $0x0  }
0x7d: {  	s25 =	simm.s32 @!p0 $0x2710;
	[sflag:s19] =	ssyncadd.s32 @p0 $0xFFFFFD80;
	s19 =	sadd.s32 @!p0 s18, s24  }
0x7e: {  	[tilespmem:s25], [sflag:$0x1] =	stream.linear.gather @!p0 [hbm4b:s19+s17], $0x1400, $0x38;
	[tilespmem:$0x1F110] =	vst v63  }
0x7f: {  	s19 =	simm.s32 @!p0 $0x7  }
0x80: {  	_ =	swait.ge @!p0 [sflag:s19], $0x1400  }
0x81: {  	[sflag:s19] =	ssyncset.done @!p0 $0x0  }
0x82: {  	[sflag:s19] =	ssyncadd.s32 @!p0 $0xFFFFEC00;
	s19 =	simm.s32 @!p0 $0xC  }
0x83: {  	_ =	swait.ge @!p0 [sflag:s19], $0x280  }
0x84: {  	[sflag:s19] =	ssyncset.done @!p0 $0x0  }
0x85: {  	s25 =	simm.s32 @!p0 $0x3B10;
	[sflag:s19] =	ssyncadd.s32 @!p0 $0xFFFFFD80;
	s19 =	sadd.s32 @!p0 s18, s23  }
0x86: {  	[tilespmem:s25], [sflag:$0x2] =	stream.linear.gather @!p0 [hbm4b:s19+s17], $0x1400, $0x38;
	[tilespmem:$0x1F110] =	vst v63  }
0x87: {  	_ =	swait.ge [sflag:s13], $0x1400  }
0x88: {  	[sflag:s13] =	ssyncset.done $0x0  }
0x89: {  	[sflag:s13] =	ssyncadd.s32 $0xFFFFEC00  }
0x8a: {  	_ =	swait.ge [sflag:s14], $0x280  }
0x8b: {  	[sflag:s14] =	ssyncset.done $0x0  }
0x8c: {  	s19 =	simm.s32 @p0 $0x9;
	[sflag:s14] =	ssyncadd.s32 $0xFFFFFD80  }
0x8d: {  	_ =	swait.ge @p0 [sflag:s19], $0x1400  }
0x8e: {  	[sflag:s19] =	ssyncset.done @p0 $0x0  }
0x8f: {  	[sflag:s19] =	ssyncadd.s32 @p0 $0xFFFFEC00;
	s19 =	simm.s32 @p0 $0xE  }
0x90: {  	_ =	swait.ge @p0 [sflag:s19], $0x280  }
0x91: {  	[sflag:s19] =	ssyncset.done @p0 $0x0  }
0x92: {  	s25 =	simm.s32 @!p0 $0x4F10;
	[sflag:s19] =	ssyncadd.s32 @p0 $0xFFFFFD80;
	s19 =	sadd.s32 @!p0 s18, s22  }
0x93: {  	[tilespmem:s25], [sflag:$0x3] =	stream.linear.gather @!p0 [hbm4b:s19+s17], $0x1400, $0x38;
	[tilespmem:$0x1F110] =	vst v63  }
0x94: {  	s19 =	simm.s32 @!p0 $0x9  }
0x95: {  	_ =	swait.ge @!p0 [sflag:s19], $0x1400  }
0x96: {  	[sflag:s19] =	ssyncset.done @!p0 $0x0  }
0x97: {  	[sflag:s19] =	ssyncadd.s32 @!p0 $0xFFFFEC00;
	s19 =	simm.s32 @!p0 $0xE  }
0x98: {  	_ =	swait.ge @!p0 [sflag:s19], $0x280  }
0x99: {  	[sflag:s19] =	ssyncset.done @!p0 $0x0  }
0x9a: {  	s25 =	simm.s32 @!p0 $0x6310;
	[sflag:s19] =	ssyncadd.s32 @!p0 $0xFFFFFD80;
	s19 =	sadd.s32 @!p0 s18, s21  }
0x9b: {  	[tilespmem:s25], [sflag:$0x4] =	stream.linear.gather @!p0 [hbm4b:s19+s17], $0x1400, $0x38;
	[tilespmem:$0x1F110] =	vst v63  }
0x9c: {  	_ =	swait.ge [sflag:s15], $0x1400  }
.Ltmp2:
0x9d: {  	[sflag:s15] =	ssyncset.done $0x0;
	(pc) =	sbr.rel @p0 .LBB2_4-.Ltmp2, $4  }
0x9e: {  	[sflag:s15] =	ssyncadd.s32 $0xFFFFEC00  }
0x9f: {  	_ =	swait.ge [sflag:s16], $0x280  }
0xa0: {  	[sflag:s16] =	ssyncset.done $0x0  }
0xa1: {  	[sflag:s16] =	ssyncadd.s32 $0xFFFFFD80  }
.Ltmp3:
0xa2: {  	(pc) =	sbr.rel .LBB2_2-.Ltmp3, $3  }
0xa3: {  	_ =	sdelay $0x1  }
0xa4: {  	s17 =	sadd.s32 s18, s20;
	s18 =	sadd.s32 $0xC80, s18;
	s9 =	sadd.s32 $0xC8, s9  }
0xa5: {  	[tilespmem:s2], [sflag:$0x5] =	stream.linear.gather [hbm4b:s17+s5], $0x1400, $0x38;
	[tilespmem:$0x1F110] =	vst v63  }
.LBB2_5:
0xa6: {  	_ =	sfence.sel $0x180000  }
0xa7: {  	[bflag:$0x0] =	sbarrier.arrive $0xFFFF  }
0xa8: {  	_ =	strace $0x90000047  }
0xa9: {  	s0 =	stileid.u32;
	[bflag:$0x2] =	sbarrier.arrive $0xFFFF  }
0xaa: {  	p0 =	sne.s32 s0, $0x0;
	s0 =	rddreg [dreg:$0x5]  }
0xab: {  	s0 =	sadd.s32 @!p0 $0x100000, s0  }
0xac: {  	[sflag:s0] =	ssyncadd.tile.s32 @!p0 $0x1;
	_ =	shalt  }
.Lfunc_end2:
_tile_overlayer_lowered:
.L_overlay_start_2:
0xad: {  	(tag) =	ssettag $0x2  }
0xae: {  	s0 =	rddreg [dreg:$0x0];
	s2 =	stileid.u32  }
0xaf: {  	s1 =	rddreg [dreg:$0x1];
	p0 =	sne.s32 s2, $0x0  }
0xb0: {  	s3 =	rddreg [dreg:$0x2];
	[bflag:$0x3] =	sbarrier.arrive $0xFFFF;
	s2 =	simm.s32 @!p0 $0x1C10  }
0xb1: {  	[timem:s3], [sflag:s2] =	dma.local @!p0 [hbm:s0], s1  }
0xb2: {  	s0 =	simm.s32 @!p0 $0x10  }
0xb3: {  	_ =	swait.ge @!p0 [sflag:s0], s1  }
0xb4: {  	s1 =	ssub.s32 @!p0 $0x0, s1;
	[sflag:s0] =	ssyncset.done @!p0 $0x0  }
0xb5: {  	[sflag:s0] =	ssyncadd.s32 @!p0 s1  }
0xb6: {  	[bflag:$0x3] =	sbarrier.arrive $0xFFFF  }
0xb7: {  	_ =	shalt  }

// kernel: kernel.13.cloned.1.call-start
scs
__scs_entry_jumppad:
0x0: {  	(pc) =	sbr.rel $0x88, $3  }
0x1: {  	(tag) =	ssettag $0x0;
	lr =	simm.s32 $0x1  }
0x2: {  	[smem:$0x3F93] =	sst lr;
	_ =	strace $0xD0000000  }
0x3: {  	_ = 	snop  }
0x4: {  	_ = 	snop  }
0x5: {  	_ = 	snop  }
0x6: {  	_ = 	snop  }
0x7: {  	_ = 	snop  }
__scs_overlays_trampoline_lowered:
0x8: {  	[smem:$0x3FA2] =	sst s0  }
0x9: {  	[smem:$0x3FA3] =	sst s1  }
0xa: {  	[smem:$0x3FA4] =	sst s2  }
0xb: {  	[smem:$0x3FA5] =	sst s3  }
0xc: {  	[smem:$0x3FA6] =	sst s4  }
0xd: {  	[smem:$0x3FA7] =	sst s5  }
0xe: {  	[smem:$0x3FA8] =	sst s6  }
0xf: {  	[smem:$0x3FA9] =	sst s7  }
0x10: {  	[smem:$0x3FAA] =	sst s8  }
0x11: {  	[smem:$0x3FAB] =	sst s9;
	s0 =	simm.s32 @!p0 $0x0  }
0x12: {  	s1 =	sld [smem:$0x3F91];
	s0 =	simm.s32 @p0 $0x1  }
0x13: {  	[smem:$0x3FAC] =	sst s0;
	s0 =	simm.s32 @!p1 $0x0  }
0x14: {  	s2 =	sld [smem:$0x3F90];
	s0 =	simm.s32 @p1 $0x1  }
0x15: {  	[smem:$0x3FAD] =	sst s0;
	s0 =	simm.s32 @!p2 $0x0  }
0x16: {  	s3 =	sld [smem:$0x3FDB];
	s0 =	simm.s32 @p2 $0x1  }
0x17: {  	s4 =	simm.s32 $0x1BF5;
	[smem:$0x3FAF] =	sst s0  }
0x18: {  	s0 =	sld [smem:$0x3F92];
	_ =	swait.ge [sflag:s4], $0x0  }
0x19: {  	s7 =	sld [smem:$0x3F93]  }
0x1a: {  	s8 =	sadd.s32 $0xFFFFE003, lr  }
0x1b: {  	s9 =	sadd.s32 $0xFFFFFEF7, lr;
	s5 =	simm.s32 $0xFFFFFFFF;
	p2 =	slt.u32 s8, $0xFFFFF086  }
0x1c: {  	p1 =	slt.u32 s9, $0xF7A;
	s5 =	simm.s32 @!p2 $0x0  }
0x1d: {  	s5 =	simm.s32 @p1 $0x1;
	p0 =	seq.s32 s7, s2  }
0x1e: {  	s7 =	smul.u32 @!p0 $0xF7A, s2;
	p2 =	seq.s32 @!p0 s5, $0x0  }
0x1f: {  	s9 =	smul.u32 $0xF7A, s1;
	s8 =	simm.s32 @!p0 $0x1BF5;
	p2 =	por !p2, p0  }
0x20: {  	[sflag:s8] =	ssyncset.s32 @!p0 $0xFFFFF086;
	s6 =	sadd.s32 @!p0 s3, s7;
	s7 =	simm.s32 @!p0 $0x108  }
0x21: {  	s3 =	sadd.s32 s3, s9;
	s6 =	sadd.s32 @!p0 $0x88, s6;
	s7 =	simm.s32 @p2 $0x1082  }
0x22: {  	[simem:s7], [sflag:s8] =	dma.local @!p0 [hbm:s6], $0xF7A  }
0x23: {  	s9 =	sor.u32 $0xD0000000, s2;
	s6 =	simm.s32 $0x108;
	_ =	swait.ge @!p0 [sflag:s8], $0x0  }
0x24: {  	s3 =	sadd.s32 $0x88, s3;
	s6 =	simm.s32 @!p1 $0x1082;
	[sflag:s4] =	ssyncset.s32 $0xFFFFF086  }
0x25: {  	[simem:s6], [sflag:s4] =	dma.local [hbm:s3], $0xF7A  }
0x26: {  	[smem:$0x3F93] =	sst s1;
	(tag) =	ssettag s2;
	_ =	strace s9  }
0x27: {  	s1 =	sld [smem:$0x3FA3]  }
0x28: {  	s2 =	sld [smem:$0x3FA4]  }
0x29: {  	s4 =	sld [smem:$0x3FA6]  }
0x2a: {  	p0 =	seq.s32 s5, $0x0;
	s5 =	sld [smem:$0x3FA7]  }
0x2b: {  	s6 =	sld [smem:$0x3FA8]  }
0x2c: {  	s7 =	sld [smem:$0x3FA9]  }
0x2d: {  	s3 =	simm.s32 $0x108;
	s8 =	sld [smem:$0x3FAA]  }
0x2e: {  	s3 =	simm.s32 @!p0 $0x1082;
	s9 =	sld [smem:$0x3FAB]  }
0x2f: {  	lr =	sadd.s32 s0, s3;
	s0 =	sld [smem:$0x3FA2]  }
0x30: {  	s3 =	sld [smem:$0x3FA5]  }
0x31: {  	[smem:$0x3FAE] =	sst s10  }
0x32: {  	s10 =	sld [smem:$0x3FAC];
	_ =	sdelay $0x3  }
0x33: {  	p0 =	seq.s32 s10, $0x1;
	s10 =	sld [smem:$0x3FAE];
	_ =	sdelay $0x3  }
0x34: {  	[smem:$0x3FAE] =	sst s10  }
0x35: {  	s10 =	sld [smem:$0x3FAD];
	_ =	sdelay $0x3  }
0x36: {  	p1 =	seq.s32 s10, $0x1;
	s10 =	sld [smem:$0x3FAE];
	_ =	sdelay $0x3  }
0x37: {  	[smem:$0x3FAE] =	sst s10  }
0x38: {  	s10 =	sld [smem:$0x3FAF]  }
0x39: {  	_ = 	snop;
	(pc) =	sbr.ind lr, $3  }
0x3a: {  	_ = 	snop  }
0x3b: {  	_ = 	snop  }
0x3c: {  	p2 =	seq.s32 s10, $0x1;
	s10 =	sld [smem:$0x3FAE]  }
0x3d: {  	_ =	shalt  }
0x3e: {  	_ =	shalt  }
0x3f: {  	_ =	shalt  }
0x40: {  	_ =	shalt  }
0x41: {  	_ =	shalt  }
0x42: {  	_ =	shalt  }
0x43: {  	_ =	shalt  }
0x44: {  	_ =	shalt  }
0x45: {  	_ =	shalt  }
0x46: {  	_ =	shalt  }
0x47: {  	_ =	shalt  }
0x48: {  	_ =	shalt  }
0x49: {  	_ =	shalt  }
0x4a: {  	_ =	shalt  }
0x4b: {  	_ =	shalt  }
0x4c: {  	_ =	shalt  }
0x4d: {  	_ =	shalt  }
0x4e: {  	_ =	shalt  }
0x4f: {  	_ =	shalt  }
0x50: {  	_ =	shalt  }
0x51: {  	_ =	shalt  }
0x52: {  	_ =	shalt  }
0x53: {  	_ =	shalt  }
0x54: {  	_ =	shalt  }
0x55: {  	_ =	shalt  }
0x56: {  	_ =	shalt  }
0x57: {  	_ =	shalt  }
0x58: {  	_ =	shalt  }
0x59: {  	_ =	shalt  }
0x5a: {  	_ =	shalt  }
0x5b: {  	_ =	shalt  }
0x5c: {  	_ =	shalt  }
0x5d: {  	_ =	shalt  }
0x5e: {  	_ =	shalt  }
0x5f: {  	_ =	shalt  }
0x60: {  	_ =	shalt  }
0x61: {  	_ =	shalt  }
0x62: {  	_ =	shalt  }
0x63: {  	_ =	shalt  }
0x64: {  	_ =	shalt  }
0x65: {  	_ =	shalt  }
0x66: {  	_ =	shalt  }
0x67: {  	_ =	shalt  }
0x68: {  	_ =	shalt  }
0x69: {  	_ =	shalt  }
0x6a: {  	_ =	shalt  }
0x6b: {  	_ =	shalt  }
0x6c: {  	_ =	shalt  }
0x6d: {  	_ =	shalt  }
0x6e: {  	_ =	shalt  }
0x6f: {  	_ =	shalt  }
0x70: {  	_ =	shalt  }
0x71: {  	_ =	shalt  }
0x72: {  	_ =	shalt  }
0x73: {  	_ =	shalt  }
0x74: {  	_ =	shalt  }
0x75: {  	_ =	shalt  }
0x76: {  	_ =	shalt  }
0x77: {  	_ =	shalt  }
0x78: {  	_ =	shalt  }
0x79: {  	_ =	shalt  }
0x7a: {  	_ =	shalt  }
0x7b: {  	_ =	shalt  }
0x7c: {  	_ =	shalt  }
0x7d: {  	_ =	shalt  }
0x7e: {  	_ =	shalt  }
0x7f: {  	_ =	shalt  }
0x80: {  	_ =	shalt  }
0x81: {  	_ =	shalt  }
0x82: {  	_ =	shalt  }
0x83: {  	_ =	shalt  }
0x84: {  	_ =	shalt  }
0x85: {  	_ =	shalt  }
0x86: {  	_ =	shalt  }
0x87: {  	_ =	shalt  }
.Lfunc_end0:
.L_simem_size_0:
called_computation.1_lowered:
.L_overlay_start_0:
0x88: {  	s2 =	sld [smem:$0x3FD9]  }
0x89: {  	s3 =	sld [smem:$0x3FFE];
	_ =	sdelay $0x1  }
0x8a: {  	s1 =	srdreg.scid  }
0x8b: {  	s0 =	sand.u32 $0x1, s1  }
0x8c: {  	s16 =	sshll.u32 s0, $0xA;
	s2 =	sadd.s32 s3, s2  }
0x8d: {  	s2 =	sadd.s32 s2, s16  }
0x8e: {  	[smem:$0x3FBA] =	sst s2  }
0x8f: {  	_ = 	snop  }
0x90: {  	(tm) =	ssettm $0x1  }
0x91: {  	s17 =	sld [smem:$0x3FFB];
	_ =	sdelay $0x3  }
0x92: {  	_ =	strace s17  }
0x93: {  	s2 =	sld [smem:$0x3FFC];
	_ =	sdelay $0x3  }
0x94: {  	_ =	strace s2  }
0x95: {  	s2 =	sld [smem:$0x3FFD];
	_ =	sdelay $0x3  }
0x96: {  	_ =	strace s2  }
0x97: {  	_ =	strace $0x8FFFFFFF  }
0x98: {  	s18 =	sld [smem:$0x3FDB];
	_ =	sdelay $0x1  }
0x99: {  	s19 =	simm.s32 $_scs_section_size  }
0x9a: {  	s4 =	simm.s32 $_size__tile_overlayer_lowered;
	s5 =	simm.s32 $_tile_overlayer_lowered  }
0x9b: {  	s22 =	simm.s32 $0x1BFF;
	s21 =	sshll.u32 s5, $0x1;
	s2 =	sadd.s32 s19, s18  }
0x9c: {  	s6 =	simm.s32 $0x0;
	s20 =	sshll.u32 s4, $0x1;
	s4 =	sadd.s32 s21, s2  }
0x9d: {  	[timem:s6], [sflag:s22] =	dma.local [hbm:s4], s20  }
0x9e: {  	_ =	swait.ge [sflag:s22], s20  }
0x9f: {  	s3 =	ssub.s32 $0x0, s20;
	[sflag:s22] =	ssyncset.done $0x0  }
0xa0: {  	[sflag:s22] =	ssyncadd.s32 s3;
	_ =	sdelay $0x1  }
0xa1: {  	s23 =	simm.s32 $0x1B8B  }
0xa2: {  	_ =	swait.ge [sflag:s23], $0x1  }
0xa3: {  	[sflag:s23] =	ssyncset.done $0x0  }
0xa4: {  	s25 =	simm.s32 $0x1B8E;
	s24 =	sld [smem:$0x3FFE];
	[sflag:s23] =	ssyncadd.s32 $0xFFFFFFFF  }
0xa5: {  	s26 =	simm.s32 $execute0_lowered;
	[smem:$0x3FD2] =	sst s25  }
0xa6: {  	s4 =	sshll.u32 s26, $0x1;
	_ =	strace $0x80000049;
	[dreg:$0x1] =	wrdreg $0xFFFFFFFF  }
0xa7: {  	s28 =	simm.s32 $_size_execute0_lowered;
	s2 =	sadd.s32 s2, s4;
	[dreg:$0x0] =	wrdreg $0x0  }
0xa8: {  	s4 =	sshll.u32 s28, $0x1;
	[dreg:$0x2] =	wrdreg s2  }
0xa9: {  	[dreg:$0x3] =	wrdreg s4  }
0xaa: {  	[dreg:$0x4] =	wrdreg $0xC0  }
0xab: {  	_ =	task [dreg:s6], $0x5FFFF  }
0xac: {  	[dreg:$0x1] =	wrdreg $0xFFFFFFFF  }
0xad: {  	[dreg:$0x0] =	wrdreg $0x60  }
0xae: {  	[dreg:$0x2] =	wrdreg s24  }
0xaf: {  	[dreg:$0x3] =	wrdreg $0x80200  }
0xb0: {  	[dreg:$0x4] =	wrdreg $0x9  }
0xb1: {  	_ =	task.clear_ibuf [dreg:s6], $0x5FFFF;
	_ =	strace $0x90000049  }
0xb2: {  	s29 =	simm.s32 $0x9;
	_ =	strace $0x8000004B  }
0xb3: {  	_ =	swait.ge [sflag:s29], $0x1  }
0xb4: {  	[sflag:s29] =	ssyncadd.s32 $0xFFFFFFFF  }
0xb5: {  	_ =	strace $0x9000004B  }
0xb6: {  	_ =	sfence  }
0xb7: {  	s30 =	sld [smem:$0x0];
	_ =	sdelay $0x2  }
0xb8: {  	s31 =	sshll.u32 s1, $0xD;
	s1 =	sshrl.u32 s1, $0x2  }
0xb9: {  	s3 =	sand.u32 $0x4000, s31;
	s1 =	sadd.s32 s1, s30  }
0xba: {  	s0 =	sor.u32 s3, s0;
	s1 =	sshll.u32 s1, $0x11  }
0xbb: {  	s0 =	sor.u32 s1, s0  }
0xbc: {  	s0 =	sadd.s32 $0x8F2B, s0  }
0xbd: {  	[sflag:s0] =	ssyncadd.remote.s32 $0x1  }
0xbe: {  	_ =	sfence.sel $0xFFFF  }
0xbf: {  	[dreg:$0x0] =	wrdreg $0xFFFFFFFF;
	(pc) =	sbr.abs _section_cstart, $3  }
0xc0: {  	[dreg:$0x1] =	wrdreg $0xFFFFFFFF  }
0xc1: {  	_ =	task.clear_ibuf [dreg:s6], $0x2FFFF;
	_ =	strace $0x9FFFFFFF  }
0xc2: {  	(tm) =	ssettm $0x7FFFFFFF  }
0xc3: {  	_ =	shalt  }
tec
execute0_lowered:
.L_overlay_start_1:
0x0: {  	(tag) =	ssettag $0x1  }
0x1: {  	s0 =	rddreg [dreg:$0x0]  }
0x2: {  	s1 =	srdreg.scid;
	s2 =	rddreg [dreg:$0x1]  }
0x3: {  	s9 =	stileid.u32;
	s3 =	simm.s32 $0x0;
	s12 =	simm.s32 $0xB  }
0x4: {  	s14 =	simm.s32 $0x50;
	s15 =	simm.s32 $0x4E20;
	s16 =	simm.s32 $0x5820  }
0x5: {  	s18 =	simm.s32 $0x6220;
	s20 =	simm.s32 $0x6C20;
	s22 =	simm.s32 $0x7620  }
0x6: {  	s23 =	simm.s32 $0x1;
	s28 =	simm.s32 $0x5;
	s29 =	simm.s32 $0x6  }
0x7: {  	s30 =	simm.s32 $0x7;
	s31 =	simm.s32 $0x8;
	s17 =	simm.s32 $0x0  }
0x8: {  	s1 =	sand.u32 $0x1, s1;
	s6 =	smul.u32 $0x4F00, s9;
	[smem:$0x7FF] =	sst s3  }
0x9: {  	s26 =	sshll.u32 s9, $0x6;
	s4 =	sshll.u32 s1, $0x4;
	s5 =	smul.u32 $0x4F000, s1  }
0xa: {  	_ =	strace $0x8000004A;
	s1 =	ssub.s32 $0x2, s1;
	s4 =	sor.u32 s9, s4  }
0xb: {  	s25 =	sshrl.u32 s1, $0x1;
	s11 =	sadd.s32 s6, s2;
	s7 =	smul.u32 $0x4E2, s4  }
0xc: {  	s4 =	sadd.s32 $0x16400, s0;
	s5 =	sadd.s32 s6, s5;
	s1 =	ssub.s32 s1, s25  }
0xd: {  	s6 =	sor.u32 $0x1C0B, s26;
	s11 =	sshrl.u32 s11, $0x3;
	s25 =	simm.s32 $0x3  }
0xe: {  	s26 =	simm.s32 $0x4;
	s24 =	sshrl.u32 s5, $0x3;
	s5 =	sadd.s32 $0x20200, s0  }
0xf: {  	s10 =	smax.u32 s1, $0x1;
	s1 =	simm.s32 $0xA;
	s8 =	sadd.s32 s7, s0  }
0x10: {  	s0 =	sadd.s32 s24, s0;
	s24 =	simm.s32 $0x2;
	s7 =	sadd.s32 $0x2800, s8  }
0x11: {  	s8 =	sadd.s32 $0xC600, s8;
	s9 =	sadd.s32 $0x20C00, s0;
	s0 =	simm.s32 $0x9  }
.LBB2_1:
0x12: {  	[spmem:s11], [sflag:s6] =	dma.local [hbm:s5], $0x9E0  }
0x13: {  	_ =	swait.ge [sflag:s12], $0x9E0  }
0x14: {  	[sflag:s12] =	ssyncset.done $0x0  }
0x15: {  	[sflag:s12] =	ssyncadd.s32 $0xFFFFF620  }
0x16: {  	[tilespmem:s3], [sflag:$0xB] =	stream.linear.gather [hbm4b:s7+s3], $0x2710, $0x38;
	[tilespmem:$0xCF20] =	vst v63  }
0x17: {  	_ =	swait.ge [sflag:s12], $0x2710  }
0x18: {  	[sflag:s12] =	ssyncset.done $0x0  }
0x19: {  	s13 =	simm.s32 $0x2710;
	[sflag:s12] =	ssyncadd.s32 $0xFFFFD8F0  }
0x1a: {  	[tilespmem:s13], [sflag:$0xB] =	stream.linear.gather [hbm4b:s8+s3], $0x2710, $0x38;
	[tilespmem:$0xCF20] =	vst v63  }
0x1b: {  	_ =	swait.ge [sflag:s12], $0x2710  }
0x1c: {  	[sflag:s12] =	ssyncset.done $0x0  }
0x1d: {  	[sflag:s12] =	ssyncadd.s32 $0xFFFFD8F0  }
0x1e: {  	[bflag:$0x0] =	sbarrier.arrive $0xFFFF  }
0x1f: {  	[tilespmem:s15], [sflag:$0x1] =	stream.indirect.gather [hbm4b:s4+s14], $0x20, s3, s14, $0xb8;
	[tilespmem:$0xCF20] =	vst v63  }
0x20: {  	_ = 	snop  }
0x21: {  	[tilespmem:s16], [sflag:$0x2] =	stream.indirect.gather [hbm4b:s4+s14], $0x20, s14, s14, $0xb8;
	[tilespmem:$0xCF20] =	vst v63  }
0x22: {  	s21 =	simm.s32 $0xA0  }
0x23: {  	[tilespmem:s18], [sflag:$0x3] =	stream.indirect.gather [hbm4b:s4+s14], $0x20, s21, s14, $0xb8;
	[tilespmem:$0xCF20] =	vst v63  }
0x24: {  	s19 =	simm.s32 $0xF0  }
0x25: {  	[tilespmem:s20], [sflag:$0x4] =	stream.indirect.gather [hbm4b:s4+s14], $0x20, s19, s14, $0xb8;
	[tilespmem:$0xCF20] =	vst v63  }
0x26: {  	s21 =	simm.s32 $0x140  }
0x27: {  	[tilespmem:s22], [sflag:$0x5] =	stream.indirect.gather [hbm4b:s4+s14], $0x20, s21, s14, $0xb8;
	[tilespmem:$0xCF20] =	vst v63  }
0x28: {  	_ =	swait.ge [sflag:s23], $0xA00  }
0x29: {  	[sflag:s23] =	ssyncset.done $0x0  }
0x2a: {  	s19 =	simm.s32 $0x2710;
	[sflag:s23] =	ssyncadd.s32 $0xFFFFF600  }
0x2b: {  	[spmem:s2] =	stream.indirect.scatter.add.f32 [tilespmem:s15], [sflag:$0x6], $0x20, s19, s14, $0xb8;
	[tilespmem:$0xCF20] =	vst v63  }
0x2c: {  	_ =	swait.ge [sflag:s24], $0xA00  }
0x2d: {  	[sflag:s24] =	ssyncset.done $0x0  }
0x2e: {  	s13 =	simm.s32 $0x2760;
	[sflag:s24] =	ssyncadd.s32 $0xFFFFF600  }
0x2f: {  	[spmem:s2] =	stream.indirect.scatter.add.f32 [tilespmem:s16], [sflag:$0x7], $0x20, s13, s14, $0xb8;
	[tilespmem:$0xCF20] =	vst v63  }
0x30: {  	_ =	swait.ge [sflag:s25], $0xA00  }
0x31: {  	[sflag:s25] =	ssyncset.done $0x0  }
0x32: {  	s21 =	simm.s32 $0x27B0;
	[sflag:s25] =	ssyncadd.s32 $0xFFFFF600  }
0x33: {  	[spmem:s2] =	stream.indirect.scatter.add.f32 [tilespmem:s18], [sflag:$0x8], $0x20, s21, s14, $0xb8;
	[tilespmem:$0xCF20] =	vst v63  }
0x34: {  	_ =	swait.ge [sflag:s26], $0xA00  }
0x35: {  	[sflag:s26] =	ssyncset.done $0x0  }
0x36: {  	s13 =	simm.s32 $0x2800;
	[sflag:s26] =	ssyncadd.s32 $0xFFFFF600  }
0x37: {  	[spmem:s2] =	stream.indirect.scatter.add.f32 [tilespmem:s20], [sflag:$0x9], $0x20, s13, s14, $0xb8;
	[tilespmem:$0xCF20] =	vst v63  }
0x38: {  	_ =	swait.ge [sflag:s28], $0xA00  }
0x39: {  	[sflag:s28] =	ssyncset.done $0x0  }
0x3a: {  	s21 =	simm.s32 $0x2850;
	[sflag:s28] =	ssyncadd.s32 $0xFFFFF600  }
0x3b: {  	[spmem:s2] =	stream.indirect.scatter.add.f32 [tilespmem:s22], [sflag:$0xA], $0x20, s21, s14, $0xb8;
	[tilespmem:$0xCF20] =	vst v63  }
0x3c: {  	_ =	swait.ge [sflag:s29], $0xA00  }
0x3d: {  	[sflag:s29] =	ssyncset.done $0x0  }
0x3e: {  	s13 =	simm.s32 $0x190;
	[sflag:s29] =	ssyncadd.s32 $0xFFFFF600  }
0x3f: {  	[tilespmem:s15], [sflag:$0x1] =	stream.indirect.gather [hbm4b:s4+s14], $0x20, s13, s14, $0xb8;
	[tilespmem:$0xCF20] =	vst v63  }
0x40: {  	_ =	swait.ge [sflag:s30], $0xA00  }
0x41: {  	[sflag:s30] =	ssyncset.done $0x0  }
0x42: {  	s21 =	simm.s32 $0x1E0;
	[sflag:s30] =	ssyncadd.s32 $0xFFFFF600  }
0x43: {  	[tilespmem:s16], [sflag:$0x2] =	stream.indirect.gather [hbm4b:s4+s14], $0x20, s21, s14, $0xb8;
	[tilespmem:$0xCF20] =	vst v63  }
0x44: {  	_ =	swait.ge [sflag:s31], $0xA00  }
0x45: {  	[sflag:s31] =	ssyncset.done $0x0  }
0x46: {  	s13 =	simm.s32 $0x230;
	[sflag:s31] =	ssyncadd.s32 $0xFFFFF600  }
0x47: {  	[tilespmem:s18], [sflag:$0x3] =	stream.indirect.gather [hbm4b:s4+s14], $0x20, s13, s14, $0xb8;
	[tilespmem:$0xCF20] =	vst v63  }
0x48: {  	_ =	swait.ge [sflag:s0], $0xA00  }
0x49: {  	[sflag:s0] =	ssyncset.done $0x0  }
0x4a: {  	s21 =	simm.s32 $0x280;
	[sflag:s0] =	ssyncadd.s32 $0xFFFFF600  }
0x4b: {  	[tilespmem:s20], [sflag:$0x4] =	stream.indirect.gather [hbm4b:s4+s14], $0x20, s21, s14, $0xb8;
	[tilespmem:$0xCF20] =	vst v63  }
0x4c: {  	_ =	swait.ge [sflag:s1], $0xA00  }
0x4d: {  	[sflag:s1] =	ssyncset.done $0x0  }
0x4e: {  	s19 =	simm.s32 $0x640;
	s21 =	simm.s32 $0x2D0;
	[sflag:s1] =	ssyncadd.s32 $0xFFFFF600  }
.LBB2_2:
0x4f: {  	[tilespmem:s22], [sflag:$0x5] =	stream.indirect.gather [hbm4b:s4+s14], $0x20, s21, s14, $0xb8;
	[tilespmem:$0xCF20] =	vst v63  }
0x50: {  	s21 =	smov.u32 s19  }
0x51: {  	p0 =	sne.s32 s19, $0x8FC0;
	s19 =	sadd.s32 $0x640, s19;
	_ =	swait.ge [sflag:s23], $0xA00  }
0x52: {  	s21 =	sshra.s32 s21, $0x2;
	[sflag:s23] =	ssyncset.done $0x0  }
0x53: {  	s13 =	sadd.s32 $0x2710, s21;
	[sflag:s23] =	ssyncadd.s32 $0xFFFFF600  }
0x54: {  	[spmem:s2] =	stream.indirect.scatter.add.f32 [tilespmem:s15], [sflag:$0x6], $0x20, s13, s14, $0xb8;
	[tilespmem:$0xCF20] =	vst v63  }
0x55: {  	_ =	swait.ge [sflag:s24], $0xA00  }
0x56: {  	[sflag:s24] =	ssyncset.done $0x0  }
0x57: {  	s13 =	sadd.s32 $0x2760, s21;
	[sflag:s24] =	ssyncadd.s32 $0xFFFFF600  }
0x58: {  	[spmem:s2] =	stream.indirect.scatter.add.f32 [tilespmem:s16], [sflag:$0x7], $0x20, s13, s14, $0xb8;
	[tilespmem:$0xCF20] =	vst v63  }
0x59: {  	_ =	swait.ge [sflag:s25], $0xA00  }
0x5a: {  	[sflag:s25] =	ssyncset.done $0x0  }
0x5b: {  	s13 =	sadd.s32 $0x27B0, s21;
	[sflag:s25] =	ssyncadd.s32 $0xFFFFF600  }
0x5c: {  	[spmem:s2] =	stream.indirect.scatter.add.f32 [tilespmem:s18], [sflag:$0x8], $0x20, s13, s14, $0xb8;
	[tilespmem:$0xCF20] =	vst v63  }
0x5d: {  	_ =	swait.ge [sflag:s26], $0xA00  }
0x5e: {  	[sflag:s26] =	ssyncset.done $0x0  }
0x5f: {  	s13 =	sadd.s32 $0x2800, s21;
	[sflag:s26] =	ssyncadd.s32 $0xFFFFF600  }
0x60: {  	[spmem:s2] =	stream.indirect.scatter.add.f32 [tilespmem:s20], [sflag:$0x9], $0x20, s13, s14, $0xb8;
	[tilespmem:$0xCF20] =	vst v63  }
0x61: {  	_ =	swait.ge [sflag:s28], $0xA00  }
0x62: {  	[sflag:s28] =	ssyncset.done $0x0  }
0x63: {  	s13 =	sadd.s32 $0x2850, s21;
	[sflag:s28] =	ssyncadd.s32 $0xFFFFF600  }
0x64: {  	[spmem:s2] =	stream.indirect.scatter.add.f32 [tilespmem:s22], [sflag:$0xA], $0x20, s13, s14, $0xb8;
	[tilespmem:$0xCF20] =	vst v63  }
0x65: {  	_ =	swait.ge [sflag:s29], $0xA00  }
0x66: {  	[sflag:s29] =	ssyncset.done $0x0  }
0x67: {  	s13 =	sadd.s32 $0x190, s21;
	[sflag:s29] =	ssyncadd.s32 $0xFFFFF600  }
0x68: {  	[tilespmem:s15], [sflag:$0x1] =	stream.indirect.gather [hbm4b:s4+s14], $0x20, s13, s14, $0xb8;
	[tilespmem:$0xCF20] =	vst v63  }
0x69: {  	_ =	swait.ge [sflag:s30], $0xA00  }
0x6a: {  	[sflag:s30] =	ssyncset.done $0x0  }
0x6b: {  	s13 =	sadd.s32 $0x1E0, s21;
	[sflag:s30] =	ssyncadd.s32 $0xFFFFF600  }
0x6c: {  	[tilespmem:s16], [sflag:$0x2] =	stream.indirect.gather [hbm4b:s4+s14], $0x20, s13, s14, $0xb8;
	[tilespmem:$0xCF20] =	vst v63  }
0x6d: {  	_ =	swait.ge [sflag:s31], $0xA00  }
0x6e: {  	[sflag:s31] =	ssyncset.done $0x0  }
0x6f: {  	s13 =	sadd.s32 $0x230, s21;
	[sflag:s31] =	ssyncadd.s32 $0xFFFFF600  }
0x70: {  	[tilespmem:s18], [sflag:$0x3] =	stream.indirect.gather [hbm4b:s4+s14], $0x20, s13, s14, $0xb8;
	[tilespmem:$0xCF20] =	vst v63  }
0x71: {  	_ =	swait.ge [sflag:s0], $0xA00  }
0x72: {  	[sflag:s0] =	ssyncset.done $0x0  }
.Ltmp0:
0x73: {  	s13 =	sadd.s32 $0x280, s21;
	[sflag:s0] =	ssyncadd.s32 $0xFFFFF600;
	(pc) =	sbr.rel @p0 .LBB2_2-.Ltmp0, $4  }
0x74: {  	[tilespmem:s20], [sflag:$0x4] =	stream.indirect.gather [hbm4b:s4+s14], $0x20, s13, s14, $0xb8;
	[tilespmem:$0xCF20] =	vst v63  }
0x75: {  	_ =	swait.ge [sflag:s1], $0xA00  }
0x76: {  	[sflag:s1] =	ssyncset.done $0x0  }
0x77: {  	s21 =	sadd.s32 $0x2D0, s21;
	[sflag:s1] =	ssyncadd.s32 $0xFFFFF600  }
0x78: {  	[tilespmem:s22], [sflag:$0x5] =	stream.indirect.gather [hbm4b:s4+s14], $0x20, s21, s14, $0xb8;
	[tilespmem:$0xCF20] =	vst v63  }
0x79: {  	_ =	swait.ge [sflag:s23], $0xA00  }
0x7a: {  	[sflag:s23] =	ssyncset.done $0x0  }
0x7b: {  	s13 =	simm.s32 $0x4C90;
	[sflag:s23] =	ssyncadd.s32 $0xFFFFF600  }
0x7c: {  	[spmem:s2] =	stream.indirect.scatter.add.f32 [tilespmem:s15], [sflag:$0x6], $0x20, s13, s14, $0xb8;
	[tilespmem:$0xCF20] =	vst v63  }
0x7d: {  	_ =	swait.ge [sflag:s24], $0xA00  }
0x7e: {  	[sflag:s24] =	ssyncset.done $0x0  }
0x7f: {  	s19 =	simm.s32 $0x4CE0;
	[sflag:s24] =	ssyncadd.s32 $0xFFFFF600  }
0x80: {  	[spmem:s2] =	stream.indirect.scatter.add.f32 [tilespmem:s16], [sflag:$0x7], $0x20, s19, s14, $0xb8;
	[tilespmem:$0xCF20] =	vst v63  }
0x81: {  	_ =	swait.ge [sflag:s25], $0xA00  }
0x82: {  	[sflag:s25] =	ssyncset.done $0x0  }
0x83: {  	s21 =	simm.s32 $0x4D30;
	[sflag:s25] =	ssyncadd.s32 $0xFFFFF600  }
0x84: {  	[spmem:s2] =	stream.indirect.scatter.add.f32 [tilespmem:s18], [sflag:$0x8], $0x20, s21, s14, $0xb8;
	[tilespmem:$0xCF20] =	vst v63  }
0x85: {  	_ =	swait.ge [sflag:s26], $0xA00  }
0x86: {  	[sflag:s26] =	ssyncset.done $0x0  }
0x87: {  	s19 =	simm.s32 $0x4D80;
	[sflag:s26] =	ssyncadd.s32 $0xFFFFF600  }
0x88: {  	[spmem:s2] =	stream.indirect.scatter.add.f32 [tilespmem:s20], [sflag:$0x9], $0x20, s19, s14, $0xb8;
	[tilespmem:$0xCF20] =	vst v63  }
0x89: {  	_ =	swait.ge [sflag:s28], $0xA00  }
0x8a: {  	[sflag:s28] =	ssyncset.done $0x0  }
0x8b: {  	s21 =	simm.s32 $0x4DD0;
	[sflag:s28] =	ssyncadd.s32 $0xFFFFF600  }
0x8c: {  	[spmem:s2] =	stream.indirect.scatter.add.f32 [tilespmem:s22], [sflag:$0xA], $0x20, s21, s14, $0xb8;
	[tilespmem:$0xCF20] =	vst v63  }
0x8d: {  	_ =	swait.ge [sflag:s29], $0xA00  }
0x8e: {  	[sflag:s29] =	ssyncset.done $0x0  }
0x8f: {  	[sflag:s29] =	ssyncadd.s32 $0xFFFFF600  }
0x90: {  	_ =	swait.ge [sflag:s30], $0xA00  }
0x91: {  	[sflag:s30] =	ssyncset.done $0x0  }
0x92: {  	[sflag:s30] =	ssyncadd.s32 $0xFFFFF600  }
0x93: {  	_ =	swait.ge [sflag:s31], $0xA00  }
0x94: {  	[sflag:s31] =	ssyncset.done $0x0  }
0x95: {  	[sflag:s31] =	ssyncadd.s32 $0xFFFFF600  }
0x96: {  	_ =	swait.ge [sflag:s0], $0xA00  }
0x97: {  	[sflag:s0] =	ssyncset.done $0x0  }
0x98: {  	[sflag:s0] =	ssyncadd.s32 $0xFFFFF600  }
0x99: {  	_ =	swait.ge [sflag:s1], $0xA00  }
0x9a: {  	s17 =	sadd.s32 $0x1, s17;
	[sflag:s1] =	ssyncset.done $0x0  }
0x9b: {  	p0 =	sne.s32 s17, s10;
	[sflag:s1] =	ssyncadd.s32 $0xFFFFF600  }
.Ltmp1:
0x9c: {  	[bflag:$0x0] =	sbarrier.arrive $0xFFFF;
	(pc) =	sbr.rel @p0 .LBB2_1-.Ltmp1, $4  }
0x9d: {  	[hbm:s9], [sflag:s6] =	dma.local [spmem:s11], $0x9E0  }
0x9e: {  	_ =	swait.ge [sflag:s12], $0x9E0  }
0x9f: {  	[sflag:s12] =	ssyncset.done $0x0  }
0xa0: {  	[sflag:s12] =	ssyncadd.s32 $0xFFFFF620  }
0xa1: {  	_ =	sfence.sel $0x180000  }
0xa2: {  	[bflag:$0x0] =	sbarrier.arrive $0xFFFF  }
0xa3: {  	_ =	strace $0x9000004A  }
0xa4: {  	s0 =	stileid.u32;
	[bflag:$0x2] =	sbarrier.arrive $0xFFFF  }
0xa5: {  	p0 =	sne.s32 s0, $0x0;
	s0 =	rddreg [dreg:$0x2]  }
0xa6: {  	s0 =	sadd.s32 @!p0 $0x100000, s0  }
0xa7: {  	[sflag:s0] =	ssyncadd.tile.s32 @!p0 $0x1;
	_ =	shalt  }
.Lfunc_end2:
_tile_overlayer_lowered:
.L_overlay_start_2:
0xa8: {  	(tag) =	ssettag $0x2  }
0xa9: {  	s0 =	rddreg [dreg:$0x0];
	s2 =	stileid.u32  }
0xaa: {  	s1 =	rddreg [dreg:$0x1];
	p0 =	sne.s32 s2, $0x0  }
0xab: {  	s3 =	rddreg [dreg:$0x2];
	[bflag:$0x3] =	sbarrier.arrive $0xFFFF;
	s2 =	simm.s32 @!p0 $0x1C0B  }
0xac: {  	[timem:s3], [sflag:s2] =	dma.local @!p0 [hbm:s0], s1  }
0xad: {  	s0 =	simm.s32 @!p0 $0xB  }
0xae: {  	_ =	swait.ge @!p0 [sflag:s0], s1  }
0xaf: {  	s1 =	ssub.s32 @!p0 $0x0, s1;
	[sflag:s0] =	ssyncset.done @!p0 $0x0  }
0xb0: {  	[sflag:s0] =	ssyncadd.s32 @!p0 s1  }
0xb1: {  	[bflag:$0x3] =	sbarrier.arrive $0xFFFF  }
0xb2: {  	_ =	shalt  }

// kernel: kernel.16.cloned.1.call-start
scs
__scs_entry_jumppad:
0x0: {  	(pc) =	sbr.rel $0x88, $3  }
0x1: {  	(tag) =	ssettag $0x0;
	lr =	simm.s32 $0x1  }
0x2: {  	[smem:$0x3F93] =	sst lr;
	_ =	strace $0xD0000000  }
0x3: {  	_ = 	snop  }
0x4: {  	_ = 	snop  }
0x5: {  	_ = 	snop  }
0x6: {  	_ = 	snop  }
0x7: {  	_ = 	snop  }
__scs_overlays_trampoline_lowered:
0x8: {  	[smem:$0x3FA2] =	sst s0  }
0x9: {  	[smem:$0x3FA3] =	sst s1  }
0xa: {  	[smem:$0x3FA4] =	sst s2  }
0xb: {  	[smem:$0x3FA5] =	sst s3  }
0xc: {  	[smem:$0x3FA6] =	sst s4  }
0xd: {  	[smem:$0x3FA7] =	sst s5  }
0xe: {  	[smem:$0x3FA8] =	sst s6  }
0xf: {  	[smem:$0x3FA9] =	sst s7  }
0x10: {  	[smem:$0x3FAA] =	sst s8  }
0x11: {  	[smem:$0x3FAB] =	sst s9;
	s0 =	simm.s32 @!p0 $0x0  }
0x12: {  	s1 =	sld [smem:$0x3F91];
	s0 =	simm.s32 @p0 $0x1  }
0x13: {  	[smem:$0x3FAC] =	sst s0;
	s0 =	simm.s32 @!p1 $0x0  }
0x14: {  	s2 =	sld [smem:$0x3F90];
	s0 =	simm.s32 @p1 $0x1  }
0x15: {  	[smem:$0x3FAD] =	sst s0;
	s0 =	simm.s32 @!p2 $0x0  }
0x16: {  	s3 =	sld [smem:$0x3FDB];
	s0 =	simm.s32 @p2 $0x1  }
0x17: {  	s4 =	simm.s32 $0x1BF5;
	[smem:$0x3FAF] =	sst s0  }
0x18: {  	s0 =	sld [smem:$0x3F92];
	_ =	swait.ge [sflag:s4], $0x0  }
0x19: {  	s7 =	sld [smem:$0x3F93]  }
0x1a: {  	s8 =	sadd.s32 $0xFFFFE003, lr  }
0x1b: {  	s9 =	sadd.s32 $0xFFFFFEF7, lr;
	s5 =	simm.s32 $0xFFFFFFFF;
	p2 =	slt.u32 s8, $0xFFFFF086  }
0x1c: {  	p1 =	slt.u32 s9, $0xF7A;
	s5 =	simm.s32 @!p2 $0x0  }
0x1d: {  	s5 =	simm.s32 @p1 $0x1;
	p0 =	seq.s32 s7, s2  }
0x1e: {  	s7 =	smul.u32 @!p0 $0xF7A, s2;
	p2 =	seq.s32 @!p0 s5, $0x0  }
0x1f: {  	s9 =	smul.u32 $0xF7A, s1;
	s8 =	simm.s32 @!p0 $0x1BF5;
	p2 =	por !p2, p0  }
0x20: {  	[sflag:s8] =	ssyncset.s32 @!p0 $0xFFFFF086;
	s6 =	sadd.s32 @!p0 s3, s7;
	s7 =	simm.s32 @!p0 $0x108  }
0x21: {  	s3 =	sadd.s32 s3, s9;
	s6 =	sadd.s32 @!p0 $0x88, s6;
	s7 =	simm.s32 @p2 $0x1082  }
0x22: {  	[simem:s7], [sflag:s8] =	dma.local @!p0 [hbm:s6], $0xF7A  }
0x23: {  	s9 =	sor.u32 $0xD0000000, s2;
	s6 =	simm.s32 $0x108;
	_ =	swait.ge @!p0 [sflag:s8], $0x0  }
0x24: {  	s3 =	sadd.s32 $0x88, s3;
	s6 =	simm.s32 @!p1 $0x1082;
	[sflag:s4] =	ssyncset.s32 $0xFFFFF086  }
0x25: {  	[simem:s6], [sflag:s4] =	dma.local [hbm:s3], $0xF7A  }
0x26: {  	[smem:$0x3F93] =	sst s1;
	(tag) =	ssettag s2;
	_ =	strace s9  }
0x27: {  	s1 =	sld [smem:$0x3FA3]  }
0x28: {  	s2 =	sld [smem:$0x3FA4]  }
0x29: {  	s4 =	sld [smem:$0x3FA6]  }
0x2a: {  	p0 =	seq.s32 s5, $0x0;
	s5 =	sld [smem:$0x3FA7]  }
0x2b: {  	s6 =	sld [smem:$0x3FA8]  }
0x2c: {  	s7 =	sld [smem:$0x3FA9]  }
0x2d: {  	s3 =	simm.s32 $0x108;
	s8 =	sld [smem:$0x3FAA]  }
0x2e: {  	s3 =	simm.s32 @!p0 $0x1082;
	s9 =	sld [smem:$0x3FAB]  }
0x2f: {  	lr =	sadd.s32 s0, s3;
	s0 =	sld [smem:$0x3FA2]  }
0x30: {  	s3 =	sld [smem:$0x3FA5]  }
0x31: {  	[smem:$0x3FAE] =	sst s10  }
0x32: {  	s10 =	sld [smem:$0x3FAC];
	_ =	sdelay $0x3  }
0x33: {  	p0 =	seq.s32 s10, $0x1;
	s10 =	sld [smem:$0x3FAE];
	_ =	sdelay $0x3  }
0x34: {  	[smem:$0x3FAE] =	sst s10  }
0x35: {  	s10 =	sld [smem:$0x3FAD];
	_ =	sdelay $0x3  }
0x36: {  	p1 =	seq.s32 s10, $0x1;
	s10 =	sld [smem:$0x3FAE];
	_ =	sdelay $0x3  }
0x37: {  	[smem:$0x3FAE] =	sst s10  }
0x38: {  	s10 =	sld [smem:$0x3FAF]  }
0x39: {  	_ = 	snop;
	(pc) =	sbr.ind lr, $3  }
0x3a: {  	_ = 	snop  }
0x3b: {  	_ = 	snop  }
0x3c: {  	p2 =	seq.s32 s10, $0x1;
	s10 =	sld [smem:$0x3FAE]  }
0x3d: {  	_ =	shalt  }
0x3e: {  	_ =	shalt  }
0x3f: {  	_ =	shalt  }
0x40: {  	_ =	shalt  }
0x41: {  	_ =	shalt  }
0x42: {  	_ =	shalt  }
0x43: {  	_ =	shalt  }
0x44: {  	_ =	shalt  }
0x45: {  	_ =	shalt  }
0x46: {  	_ =	shalt  }
0x47: {  	_ =	shalt  }
0x48: {  	_ =	shalt  }
0x49: {  	_ =	shalt  }
0x4a: {  	_ =	shalt  }
0x4b: {  	_ =	shalt  }
0x4c: {  	_ =	shalt  }
0x4d: {  	_ =	shalt  }
0x4e: {  	_ =	shalt  }
0x4f: {  	_ =	shalt  }
0x50: {  	_ =	shalt  }
0x51: {  	_ =	shalt  }
0x52: {  	_ =	shalt  }
0x53: {  	_ =	shalt  }
0x54: {  	_ =	shalt  }
0x55: {  	_ =	shalt  }
0x56: {  	_ =	shalt  }
0x57: {  	_ =	shalt  }
0x58: {  	_ =	shalt  }
0x59: {  	_ =	shalt  }
0x5a: {  	_ =	shalt  }
0x5b: {  	_ =	shalt  }
0x5c: {  	_ =	shalt  }
0x5d: {  	_ =	shalt  }
0x5e: {  	_ =	shalt  }
0x5f: {  	_ =	shalt  }
0x60: {  	_ =	shalt  }
0x61: {  	_ =	shalt  }
0x62: {  	_ =	shalt  }
0x63: {  	_ =	shalt  }
0x64: {  	_ =	shalt  }
0x65: {  	_ =	shalt  }
0x66: {  	_ =	shalt  }
0x67: {  	_ =	shalt  }
0x68: {  	_ =	shalt  }
0x69: {  	_ =	shalt  }
0x6a: {  	_ =	shalt  }
0x6b: {  	_ =	shalt  }
0x6c: {  	_ =	shalt  }
0x6d: {  	_ =	shalt  }
0x6e: {  	_ =	shalt  }
0x6f: {  	_ =	shalt  }
0x70: {  	_ =	shalt  }
0x71: {  	_ =	shalt  }
0x72: {  	_ =	shalt  }
0x73: {  	_ =	shalt  }
0x74: {  	_ =	shalt  }
0x75: {  	_ =	shalt  }
0x76: {  	_ =	shalt  }
0x77: {  	_ =	shalt  }
0x78: {  	_ =	shalt  }
0x79: {  	_ =	shalt  }
0x7a: {  	_ =	shalt  }
0x7b: {  	_ =	shalt  }
0x7c: {  	_ =	shalt  }
0x7d: {  	_ =	shalt  }
0x7e: {  	_ =	shalt  }
0x7f: {  	_ =	shalt  }
0x80: {  	_ =	shalt  }
0x81: {  	_ =	shalt  }
0x82: {  	_ =	shalt  }
0x83: {  	_ =	shalt  }
0x84: {  	_ =	shalt  }
0x85: {  	_ =	shalt  }
0x86: {  	_ =	shalt  }
0x87: {  	_ =	shalt  }
.Lfunc_end0:
.L_simem_size_0:
called_computation.2_lowered:
.L_overlay_start_0:
0x88: {  	s2 =	sld [smem:$0x3FD9]  }
0x89: {  	s3 =	sld [smem:$0x3FFE];
	_ =	sdelay $0x1  }
0x8a: {  	s1 =	srdreg.scid  }
0x8b: {  	s0 =	sand.u32 $0x1, s1  }
0x8c: {  	s14 =	sshll.u32 s0, $0xA;
	s2 =	sadd.s32 s3, s2  }
0x8d: {  	s2 =	sadd.s32 s2, s14  }
0x8e: {  	[smem:$0x3FBA] =	sst s2  }
0x8f: {  	_ = 	snop  }
0x90: {  	s2 =	sld [smem:$0x3FD0];
	_ =	sdelay $0x2  }
0x91: {  	s15 =	simm.s32 $0xA;
	s4 =	simm.s32 $0x10  }
0x92: {  	[smem:s4], [sflag:s15] =	dma.local [hbm:s2], $0x1  }
0x93: {  	_ =	swait.eq [sflag:s15], $0x1  }
0x94: {  	[sflag:s15] =	ssyncset.done $0x0  }
0x95: {  	[sflag:s15] =	ssyncadd.s32 $0xFFFFFFFF  }
0x96: {  	s16 =	sld [smem:$0x11];
	(tm) =	ssettm $0x1  }
0x97: {  	s17 =	sld [smem:$0x3FFB];
	_ =	sdelay $0x3  }
0x98: {  	_ =	strace s17  }
0x99: {  	s3 =	sld [smem:$0x3FFC];
	_ =	sdelay $0x3  }
0x9a: {  	_ =	strace s3  }
0x9b: {  	s3 =	sld [smem:$0x3FFD];
	_ =	sdelay $0x3  }
0x9c: {  	_ =	strace s3  }
0x9d: {  	_ =	strace $0x8FFFFFFF  }
0x9e: {  	s18 =	sld [smem:$0x3FDB];
	_ =	sdelay $0x1  }
0x9f: {  	s19 =	simm.s32 $_scs_section_size  }
0xa0: {  	s5 =	simm.s32 $_size__tile_overlayer_lowered;
	s6 =	simm.s32 $_tile_overlayer_lowered  }
0xa1: {  	s22 =	simm.s32 $0x1BFF;
	s21 =	sshll.u32 s6, $0x1;
	s3 =	sadd.s32 s19, s18  }
0xa2: {  	s7 =	simm.s32 $0x0;
	s20 =	sshll.u32 s5, $0x1;
	s5 =	sadd.s32 s21, s3  }
0xa3: {  	[timem:s7], [sflag:s22] =	dma.local [hbm:s5], s20  }
0xa4: {  	_ =	swait.ge [sflag:s22], s20  }
0xa5: {  	s4 =	ssub.s32 $0x0, s20;
	[sflag:s22] =	ssyncset.done $0x0  }
0xa6: {  	[sflag:s22] =	ssyncadd.s32 s4;
	_ =	sdelay $0x1  }
0xa7: {  	s23 =	simm.s32 $0x1B8B  }
0xa8: {  	_ =	swait.ge [sflag:s23], $0x1  }
0xa9: {  	[sflag:s23] =	ssyncset.done $0x0  }
0xaa: {  	s25 =	simm.s32 $0x1B8E;
	s24 =	sld [smem:$0x3FFE];
	[sflag:s23] =	ssyncadd.s32 $0xFFFFFFFF  }
0xab: {  	s26 =	simm.s32 $execute0_lowered;
	[smem:$0x3FD2] =	sst s25  }
0xac: {  	s5 =	sshll.u32 s26, $0x1;
	_ =	strace $0x8000004C;
	[dreg:$0x1] =	wrdreg $0xFFFFFFFF  }
0xad: {  	s28 =	simm.s32 $_size_execute0_lowered;
	s3 =	sadd.s32 s3, s5;
	[dreg:$0x0] =	wrdreg $0x0  }
0xae: {  	s5 =	sshll.u32 s28, $0x1;
	[dreg:$0x2] =	wrdreg s3  }
0xaf: {  	[dreg:$0x3] =	wrdreg s5  }
0xb0: {  	[dreg:$0x4] =	wrdreg $0xC0  }
0xb1: {  	_ =	task [dreg:s7], $0x5FFFF  }
0xb2: {  	[dreg:$0x1] =	wrdreg $0xFFFFFFFF  }
0xb3: {  	[dreg:$0x0] =	wrdreg $0x60  }
0xb4: {  	[dreg:$0x2] =	wrdreg s24  }
0xb5: {  	[dreg:$0x3] =	wrdreg s16  }
0xb6: {  	[dreg:$0x4] =	wrdreg $0x67200  }
0xb7: {  	[dreg:$0x5] =	wrdreg $0x9  }
0xb8: {  	_ =	task.clear_ibuf [dreg:s7], $0x6FFFF;
	_ =	strace $0x9000004C  }
0xb9: {  	s29 =	simm.s32 $0x9;
	_ =	strace $0x8000004E  }
0xba: {  	_ =	swait.ge [sflag:s29], $0x1  }
0xbb: {  	[sflag:s29] =	ssyncadd.s32 $0xFFFFFFFF  }
0xbc: {  	_ =	strace $0x9000004E  }
0xbd: {  	_ =	sfence  }
0xbe: {  	s30 =	sld [smem:$0x0];
	_ =	sdelay $0x2  }
0xbf: {  	s31 =	sshll.u32 s1, $0xD;
	s1 =	sshrl.u32 s1, $0x2  }
0xc0: {  	s3 =	sand.u32 $0x4000, s31;
	s1 =	sadd.s32 s1, s30  }
0xc1: {  	s0 =	sor.u32 s3, s0;
	s1 =	sshll.u32 s1, $0x11  }
0xc2: {  	s0 =	sor.u32 s1, s0  }
0xc3: {  	s0 =	sadd.s32 $0x8F2B, s0  }
0xc4: {  	[sflag:s0] =	ssyncadd.remote.s32 $0x1  }
0xc5: {  	_ =	sfence.sel $0xFFFF  }
0xc6: {  	[dreg:$0x0] =	wrdreg $0xFFFFFFFF;
	(pc) =	sbr.abs _section_cstart, $3  }
0xc7: {  	[dreg:$0x1] =	wrdreg $0xFFFFFFFF  }
0xc8: {  	_ =	task.clear_ibuf [dreg:s7], $0x2FFFF;
	_ =	strace $0x9FFFFFFF  }
0xc9: {  	(tm) =	ssettm $0x7FFFFFFF  }
tec
execute0_lowered:
.L_overlay_start_1:
0x0: {  	(tag) =	ssettag $0x1  }
0x1: {  	s0 =	rddreg [dreg:$0x0]  }
0x2: {  	s3 =	rddreg [dreg:$0x2];
	s1 =	srdreg.scid  }
0x3: {  	s9 =	stileid.u32;
	s4 =	simm.s32 $0x0;
	s12 =	simm.s32 $0xB  }
0x4: {  	s14 =	simm.s32 $0x50;
	s15 =	simm.s32 $0x4E20;
	s16 =	simm.s32 $0x5320  }
0x5: {  	s18 =	simm.s32 $0x5820;
	s20 =	simm.s32 $0x5D20;
	s22 =	simm.s32 $0x6220  }
0x6: {  	s23 =	simm.s32 $0x1;
	s24 =	simm.s32 $0x2;
	s28 =	simm.s32 $0x5  }
0x7: {  	s29 =	simm.s32 $0x6;
	s30 =	simm.s32 $0x7;
	s31 =	simm.s32 $0x8  }
0x8: {  	s21 =	simm.s32 $0x4DD0;
	s1 =	sand.u32 $0x1, s1;
	s2 =	smul.u32 $0x2780, s9  }
0x9: {  	[smem:$0x7FF] =	sst s4;
	s26 =	sshll.u32 s9, $0x6;
	s5 =	sshll.u32 s1, $0x4  }
0xa: {  	s6 =	smul.u32 $0x27800, s1;
	s1 =	ssub.s32 $0x2, s1;
	s5 =	sor.u32 s9, s5  }
0xb: {  	_ =	strace $0x8000004D;
	s25 =	sshrl.u32 s1, $0x1;
	s7 =	smul.u32 $0x4E2, s5  }
0xc: {  	s6 =	sadd.s32 s2, s6;
	s5 =	sadd.s32 $0x16400, s0;
	s1 =	ssub.s32 s1, s25  }
0xd: {  	s2 =	sadd.s32 s2, s3;
	s25 =	simm.s32 $0x3;
	s6 =	sshrl.u32 s6, $0x3  }
0xe: {  	s10 =	smax.u32 s1, $0x1;
	s11 =	sshrl.u32 s2, $0x3;
	s1 =	simm.s32 $0xA  }
0xf: {  	s2 =	simm.s32 $0x0;
	s8 =	sadd.s32 s7, s0;
	s0 =	sadd.s32 s6, s0  }
0x10: {  	s6 =	sor.u32 $0x1C0B, s26;
	s26 =	simm.s32 $0x4;
	s7 =	sadd.s32 $0x2800, s8  }
0x11: {  	s8 =	sadd.s32 $0xC600, s8;
	s9 =	sadd.s32 $0x1B400, s0;
	s0 =	simm.s32 $0x9  }
.LBB2_1:
0x12: {  	s13 =	rddreg [dreg:$0x1]  }
0x13: {  	[spmem:s11], [sflag:s6] =	dma.local [hbm:s13], $0x4F0  }
0x14: {  	_ =	swait.ge [sflag:s12], $0x4F0  }
0x15: {  	[sflag:s12] =	ssyncset.done $0x0  }
0x16: {  	[sflag:s12] =	ssyncadd.s32 $0xFFFFFB10  }
0x17: {  	[tilespmem:s4], [sflag:$0xB] =	stream.linear.gather [hbm4b:s7+s4], $0x2710, $0x38;
	[tilespmem:$0x8EA0] =	vst v63  }
0x18: {  	_ =	swait.ge [sflag:s12], $0x2710  }
0x19: {  	[sflag:s12] =	ssyncset.done $0x0  }
0x1a: {  	s19 =	simm.s32 $0x2710;
	[sflag:s12] =	ssyncadd.s32 $0xFFFFD8F0  }
0x1b: {  	[tilespmem:s19], [sflag:$0xB] =	stream.linear.gather [hbm4b:s8+s4], $0x2710, $0x38;
	[tilespmem:$0x8EA0] =	vst v63  }
0x1c: {  	_ =	swait.ge [sflag:s12], $0x2710  }
0x1d: {  	[sflag:s12] =	ssyncset.done $0x0  }
0x1e: {  	[sflag:s12] =	ssyncadd.s32 $0xFFFFD8F0  }
0x1f: {  	[bflag:$0x0] =	sbarrier.arrive $0xFFFF  }
0x20: {  	[tilespmem:s15], [sflag:$0x1] =	stream.indirect.gather [hbm4b:s5+s14], $0x10, s4, s14, $0xb8;
	[tilespmem:$0x8EA0] =	vst v63  }
0x21: {  	_ = 	snop  }
0x22: {  	[tilespmem:s16], [sflag:$0x2] =	stream.indirect.gather [hbm4b:s5+s14], $0x10, s14, s14, $0xb8;
	[tilespmem:$0x8EA0] =	vst v63  }
0x23: {  	s17 =	simm.s32 $0xA0  }
0x24: {  	[tilespmem:s18], [sflag:$0x3] =	stream.indirect.gather [hbm4b:s5+s14], $0x10, s17, s14, $0xb8;
	[tilespmem:$0x8EA0] =	vst v63  }
0x25: {  	s19 =	simm.s32 $0xF0  }
0x26: {  	[tilespmem:s20], [sflag:$0x4] =	stream.indirect.gather [hbm4b:s5+s14], $0x10, s19, s14, $0xb8;
	[tilespmem:$0x8EA0] =	vst v63  }
0x27: {  	s17 =	simm.s32 $0x140  }
0x28: {  	[tilespmem:s22], [sflag:$0x5] =	stream.indirect.gather [hbm4b:s5+s14], $0x10, s17, s14, $0xb8;
	[tilespmem:$0x8EA0] =	vst v63  }
0x29: {  	_ =	swait.ge [sflag:s23], $0x500  }
0x2a: {  	[sflag:s23] =	ssyncset.done $0x0  }
0x2b: {  	s19 =	simm.s32 $0x2710;
	[sflag:s23] =	ssyncadd.s32 $0xFFFFFB00  }
0x2c: {  	[spmem:s3] =	stream.indirect.scatter.add.f32 [tilespmem:s15], [sflag:$0x6], $0x10, s19, s14, $0xb8;
	[tilespmem:$0x8EA0] =	vst v63  }
0x2d: {  	_ =	swait.ge [sflag:s24], $0x500  }
0x2e: {  	[sflag:s24] =	ssyncset.done $0x0  }
0x2f: {  	s17 =	simm.s32 $0x2760;
	[sflag:s24] =	ssyncadd.s32 $0xFFFFFB00  }
0x30: {  	[spmem:s3] =	stream.indirect.scatter.add.f32 [tilespmem:s16], [sflag:$0x7], $0x10, s17, s14, $0xb8;
	[tilespmem:$0x8EA0] =	vst v63  }
0x31: {  	_ =	swait.ge [sflag:s25], $0x500  }
0x32: {  	[sflag:s25] =	ssyncset.done $0x0  }
0x33: {  	s19 =	simm.s32 $0x27B0;
	[sflag:s25] =	ssyncadd.s32 $0xFFFFFB00  }
0x34: {  	[spmem:s3] =	stream.indirect.scatter.add.f32 [tilespmem:s18], [sflag:$0x8], $0x10, s19, s14, $0xb8;
	[tilespmem:$0x8EA0] =	vst v63  }
0x35: {  	_ =	swait.ge [sflag:s26], $0x500  }
0x36: {  	[sflag:s26] =	ssyncset.done $0x0  }
0x37: {  	s17 =	simm.s32 $0x2800;
	[sflag:s26] =	ssyncadd.s32 $0xFFFFFB00  }
0x38: {  	[spmem:s3] =	stream.indirect.scatter.add.f32 [tilespmem:s20], [sflag:$0x9], $0x10, s17, s14, $0xb8;
	[tilespmem:$0x8EA0] =	vst v63  }
0x39: {  	_ =	swait.ge [sflag:s28], $0x500  }
0x3a: {  	[sflag:s28] =	ssyncset.done $0x0  }
0x3b: {  	s19 =	simm.s32 $0x2850;
	[sflag:s28] =	ssyncadd.s32 $0xFFFFFB00  }
0x3c: {  	[spmem:s3] =	stream.indirect.scatter.add.f32 [tilespmem:s22], [sflag:$0xA], $0x10, s19, s14, $0xb8;
	[tilespmem:$0x8EA0] =	vst v63  }
0x3d: {  	_ =	swait.ge [sflag:s29], $0x500  }
0x3e: {  	[sflag:s29] =	ssyncset.done $0x0  }
0x3f: {  	s17 =	simm.s32 $0x190;
	[sflag:s29] =	ssyncadd.s32 $0xFFFFFB00  }
0x40: {  	[tilespmem:s15], [sflag:$0x1] =	stream.indirect.gather [hbm4b:s5+s14], $0x10, s17, s14, $0xb8;
	[tilespmem:$0x8EA0] =	vst v63  }
0x41: {  	_ =	swait.ge [sflag:s30], $0x500  }
0x42: {  	[sflag:s30] =	ssyncset.done $0x0  }
0x43: {  	s19 =	simm.s32 $0x1E0;
	[sflag:s30] =	ssyncadd.s32 $0xFFFFFB00  }
0x44: {  	[tilespmem:s16], [sflag:$0x2] =	stream.indirect.gather [hbm4b:s5+s14], $0x10, s19, s14, $0xb8;
	[tilespmem:$0x8EA0] =	vst v63  }
0x45: {  	_ =	swait.ge [sflag:s31], $0x500  }
0x46: {  	[sflag:s31] =	ssyncset.done $0x0  }
0x47: {  	s17 =	simm.s32 $0x230;
	[sflag:s31] =	ssyncadd.s32 $0xFFFFFB00  }
0x48: {  	[tilespmem:s18], [sflag:$0x3] =	stream.indirect.gather [hbm4b:s5+s14], $0x10, s17, s14, $0xb8;
	[tilespmem:$0x8EA0] =	vst v63  }
0x49: {  	_ =	swait.ge [sflag:s0], $0x500  }
0x4a: {  	[sflag:s0] =	ssyncset.done $0x0  }
0x4b: {  	s19 =	simm.s32 $0x280;
	[sflag:s0] =	ssyncadd.s32 $0xFFFFFB00  }
0x4c: {  	[tilespmem:s20], [sflag:$0x4] =	stream.indirect.gather [hbm4b:s5+s14], $0x10, s19, s14, $0xb8;
	[tilespmem:$0x8EA0] =	vst v63  }
0x4d: {  	_ =	swait.ge [sflag:s1], $0x500  }
0x4e: {  	[sflag:s1] =	ssyncset.done $0x0  }
0x4f: {  	s13 =	simm.s32 $0x640;
	s17 =	simm.s32 $0x2D0;
	[sflag:s1] =	ssyncadd.s32 $0xFFFFFB00  }
.LBB2_2:
0x50: {  	[tilespmem:s22], [sflag:$0x5] =	stream.indirect.gather [hbm4b:s5+s14], $0x10, s17, s14, $0xb8;
	[tilespmem:$0x8EA0] =	vst v63  }
0x51: {  	s17 =	smov.u32 s13  }
0x52: {  	p0 =	sne.s32 s13, $0x8FC0;
	s13 =	sadd.s32 $0x640, s13;
	_ =	swait.ge [sflag:s23], $0x500  }
0x53: {  	s17 =	sshra.s32 s17, $0x2;
	[sflag:s23] =	ssyncset.done $0x0  }
0x54: {  	s19 =	sadd.s32 $0x2710, s17;
	[sflag:s23] =	ssyncadd.s32 $0xFFFFFB00  }
0x55: {  	[spmem:s3] =	stream.indirect.scatter.add.f32 [tilespmem:s15], [sflag:$0x6], $0x10, s19, s14, $0xb8;
	[tilespmem:$0x8EA0] =	vst v63  }
0x56: {  	_ =	swait.ge [sflag:s24], $0x500  }
0x57: {  	[sflag:s24] =	ssyncset.done $0x0  }
0x58: {  	s19 =	sadd.s32 $0x2760, s17;
	[sflag:s24] =	ssyncadd.s32 $0xFFFFFB00  }
0x59: {  	[spmem:s3] =	stream.indirect.scatter.add.f32 [tilespmem:s16], [sflag:$0x7], $0x10, s19, s14, $0xb8;
	[tilespmem:$0x8EA0] =	vst v63  }
0x5a: {  	_ =	swait.ge [sflag:s25], $0x500  }
0x5b: {  	[sflag:s25] =	ssyncset.done $0x0  }
0x5c: {  	s19 =	sadd.s32 $0x27B0, s17;
	[sflag:s25] =	ssyncadd.s32 $0xFFFFFB00  }
0x5d: {  	[spmem:s3] =	stream.indirect.scatter.add.f32 [tilespmem:s18], [sflag:$0x8], $0x10, s19, s14, $0xb8;
	[tilespmem:$0x8EA0] =	vst v63  }
0x5e: {  	_ =	swait.ge [sflag:s26], $0x500  }
0x5f: {  	[sflag:s26] =	ssyncset.done $0x0  }
0x60: {  	s19 =	sadd.s32 $0x2800, s17;
	[sflag:s26] =	ssyncadd.s32 $0xFFFFFB00  }
0x61: {  	[spmem:s3] =	stream.indirect.scatter.add.f32 [tilespmem:s20], [sflag:$0x9], $0x10, s19, s14, $0xb8;
	[tilespmem:$0x8EA0] =	vst v63  }
0x62: {  	_ =	swait.ge [sflag:s28], $0x500  }
0x63: {  	[sflag:s28] =	ssyncset.done $0x0  }
0x64: {  	s19 =	sadd.s32 $0x2850, s17;
	[sflag:s28] =	ssyncadd.s32 $0xFFFFFB00  }
0x65: {  	[spmem:s3] =	stream.indirect.scatter.add.f32 [tilespmem:s22], [sflag:$0xA], $0x10, s19, s14, $0xb8;
	[tilespmem:$0x8EA0] =	vst v63  }
0x66: {  	_ =	swait.ge [sflag:s29], $0x500  }
0x67: {  	[sflag:s29] =	ssyncset.done $0x0  }
0x68: {  	s19 =	sadd.s32 $0x190, s17;
	[sflag:s29] =	ssyncadd.s32 $0xFFFFFB00  }
0x69: {  	[tilespmem:s15], [sflag:$0x1] =	stream.indirect.gather [hbm4b:s5+s14], $0x10, s19, s14, $0xb8;
	[tilespmem:$0x8EA0] =	vst v63  }
0x6a: {  	_ =	swait.ge [sflag:s30], $0x500  }
0x6b: {  	[sflag:s30] =	ssyncset.done $0x0  }
0x6c: {  	s19 =	sadd.s32 $0x1E0, s17;
	[sflag:s30] =	ssyncadd.s32 $0xFFFFFB00  }
0x6d: {  	[tilespmem:s16], [sflag:$0x2] =	stream.indirect.gather [hbm4b:s5+s14], $0x10, s19, s14, $0xb8;
	[tilespmem:$0x8EA0] =	vst v63  }
0x6e: {  	_ =	swait.ge [sflag:s31], $0x500  }
0x6f: {  	[sflag:s31] =	ssyncset.done $0x0  }
0x70: {  	s19 =	sadd.s32 $0x230, s17;
	[sflag:s31] =	ssyncadd.s32 $0xFFFFFB00  }
0x71: {  	[tilespmem:s18], [sflag:$0x3] =	stream.indirect.gather [hbm4b:s5+s14], $0x10, s19, s14, $0xb8;
	[tilespmem:$0x8EA0] =	vst v63  }
0x72: {  	_ =	swait.ge [sflag:s0], $0x500  }
0x73: {  	[sflag:s0] =	ssyncset.done $0x0  }
.Ltmp0:
0x74: {  	s19 =	sadd.s32 $0x280, s17;
	[sflag:s0] =	ssyncadd.s32 $0xFFFFFB00;
	(pc) =	sbr.rel @p0 .LBB2_2-.Ltmp0, $4  }
0x75: {  	[tilespmem:s20], [sflag:$0x4] =	stream.indirect.gather [hbm4b:s5+s14], $0x10, s19, s14, $0xb8;
	[tilespmem:$0x8EA0] =	vst v63  }
0x76: {  	_ =	swait.ge [sflag:s1], $0x500  }
0x77: {  	[sflag:s1] =	ssyncset.done $0x0  }
0x78: {  	s17 =	sadd.s32 $0x2D0, s17;
	[sflag:s1] =	ssyncadd.s32 $0xFFFFFB00  }
0x79: {  	[tilespmem:s22], [sflag:$0x5] =	stream.indirect.gather [hbm4b:s5+s14], $0x10, s17, s14, $0xb8;
	[tilespmem:$0x8EA0] =	vst v63  }
0x7a: {  	_ =	swait.ge [sflag:s23], $0x500  }
0x7b: {  	[sflag:s23] =	ssyncset.done $0x0  }
0x7c: {  	s13 =	simm.s32 $0x4C90;
	[sflag:s23] =	ssyncadd.s32 $0xFFFFFB00  }
0x7d: {  	[spmem:s3] =	stream.indirect.scatter.add.f32 [tilespmem:s15], [sflag:$0x6], $0x10, s13, s14, $0xb8;
	[tilespmem:$0x8EA0] =	vst v63  }
0x7e: {  	_ =	swait.ge [sflag:s24], $0x500  }
0x7f: {  	[sflag:s24] =	ssyncset.done $0x0  }
0x80: {  	s19 =	simm.s32 $0x4CE0;
	[sflag:s24] =	ssyncadd.s32 $0xFFFFFB00  }
0x81: {  	[spmem:s3] =	stream.indirect.scatter.add.f32 [tilespmem:s16], [sflag:$0x7], $0x10, s19, s14, $0xb8;
	[tilespmem:$0x8EA0] =	vst v63  }
0x82: {  	_ =	swait.ge [sflag:s25], $0x500  }
0x83: {  	[sflag:s25] =	ssyncset.done $0x0  }
0x84: {  	s17 =	simm.s32 $0x4D30;
	[sflag:s25] =	ssyncadd.s32 $0xFFFFFB00  }
0x85: {  	[spmem:s3] =	stream.indirect.scatter.add.f32 [tilespmem:s18], [sflag:$0x8], $0x10, s17, s14, $0xb8;
	[tilespmem:$0x8EA0] =	vst v63  }
0x86: {  	_ =	swait.ge [sflag:s26], $0x500  }
0x87: {  	[sflag:s26] =	ssyncset.done $0x0  }
0x88: {  	s19 =	simm.s32 $0x4D80;
	[sflag:s26] =	ssyncadd.s32 $0xFFFFFB00  }
0x89: {  	[spmem:s3] =	stream.indirect.scatter.add.f32 [tilespmem:s20], [sflag:$0x9], $0x10, s19, s14, $0xb8;
	[tilespmem:$0x8EA0] =	vst v63  }
0x8a: {  	_ =	swait.ge [sflag:s28], $0x500  }
0x8b: {  	[sflag:s28] =	ssyncset.done $0x0  }
0x8c: {  	[sflag:s28] =	ssyncadd.s32 $0xFFFFFB00  }
0x8d: {  	[spmem:s3] =	stream.indirect.scatter.add.f32 [tilespmem:s22], [sflag:$0xA], $0x10, s21, s14, $0xb8;
	[tilespmem:$0x8EA0] =	vst v63  }
0x8e: {  	_ =	swait.ge [sflag:s29], $0x500  }
0x8f: {  	[sflag:s29] =	ssyncset.done $0x0  }
0x90: {  	[sflag:s29] =	ssyncadd.s32 $0xFFFFFB00  }
0x91: {  	_ =	swait.ge [sflag:s30], $0x500  }
0x92: {  	[sflag:s30] =	ssyncset.done $0x0  }
0x93: {  	[sflag:s30] =	ssyncadd.s32 $0xFFFFFB00  }
0x94: {  	_ =	swait.ge [sflag:s31], $0x500  }
0x95: {  	[sflag:s31] =	ssyncset.done $0x0  }
0x96: {  	[sflag:s31] =	ssyncadd.s32 $0xFFFFFB00  }
0x97: {  	_ =	swait.ge [sflag:s0], $0x500  }
0x98: {  	[sflag:s0] =	ssyncset.done $0x0  }
0x99: {  	[sflag:s0] =	ssyncadd.s32 $0xFFFFFB00  }
0x9a: {  	_ =	swait.ge [sflag:s1], $0x500  }
0x9b: {  	s2 =	sadd.s32 $0x1, s2;
	[sflag:s1] =	ssyncset.done $0x0  }
0x9c: {  	p0 =	sne.s32 s2, s10;
	[sflag:s1] =	ssyncadd.s32 $0xFFFFFB00  }
.Ltmp1:
0x9d: {  	[bflag:$0x0] =	sbarrier.arrive $0xFFFF;
	(pc) =	sbr.rel @p0 .LBB2_1-.Ltmp1, $4  }
0x9e: {  	[hbm:s9], [sflag:s6] =	dma.local [spmem:s11], $0x4F0  }
0x9f: {  	_ =	swait.ge [sflag:s12], $0x4F0  }
0xa0: {  	[sflag:s12] =	ssyncset.done $0x0  }
0xa1: {  	[sflag:s12] =	ssyncadd.s32 $0xFFFFFB10  }
0xa2: {  	_ =	sfence.sel $0x180000  }
0xa3: {  	[bflag:$0x0] =	sbarrier.arrive $0xFFFF  }
0xa4: {  	_ =	strace $0x9000004D  }
0xa5: {  	s0 =	stileid.u32;
	[bflag:$0x2] =	sbarrier.arrive $0xFFFF  }
0xa6: {  	p0 =	sne.s32 s0, $0x0;
	s0 =	rddreg [dreg:$0x3]  }
0xa7: {  	s0 =	sadd.s32 @!p0 $0x100000, s0  }
0xa8: {  	[sflag:s0] =	ssyncadd.tile.s32 @!p0 $0x1;
	_ =	shalt  }
.Lfunc_end2:
_tile_overlayer_lowered:
.L_overlay_start_2:
0xa9: {  	(tag) =	ssettag $0x2  }
0xaa: {  	s0 =	rddreg [dreg:$0x0];
	s2 =	stileid.u32  }
0xab: {  	s1 =	rddreg [dreg:$0x1];
	p0 =	sne.s32 s2, $0x0  }
0xac: {  	s3 =	rddreg [dreg:$0x2];
	[bflag:$0x3] =	sbarrier.arrive $0xFFFF;
	s2 =	simm.s32 @!p0 $0x1C0B  }
0xad: {  	[timem:s3], [sflag:s2] =	dma.local @!p0 [hbm:s0], s1  }
0xae: {  	s0 =	simm.s32 @!p0 $0xB  }
0xaf: {  	_ =	swait.ge @!p0 [sflag:s0], s1  }
0xb0: {  	s1 =	ssub.s32 @!p0 $0x0, s1;
	[sflag:s0] =	ssyncset.done @!p0 $0x0  }
0xb1: {  	[sflag:s0] =	ssyncadd.s32 @!p0 s1  }
0xb2: {  	[bflag:$0x3] =	sbarrier.arrive $0xFFFF  }
0xb3: {  	_ =	shalt  }

// kernel: kernel.19.cloned.1.call-start
scs
__scs_entry_jumppad:
0x0: {  	(pc) =	sbr.rel $0x88, $3  }
0x1: {  	(tag) =	ssettag $0x0;
	lr =	simm.s32 $0x1  }
0x2: {  	[smem:$0x3F93] =	sst lr;
	_ =	strace $0xD0000000  }
0x3: {  	_ = 	snop  }
0x4: {  	_ = 	snop  }
0x5: {  	_ = 	snop  }
0x6: {  	_ = 	snop  }
0x7: {  	_ = 	snop  }
__scs_overlays_trampoline_lowered:
0x8: {  	[smem:$0x3FA2] =	sst s0  }
0x9: {  	[smem:$0x3FA3] =	sst s1  }
0xa: {  	[smem:$0x3FA4] =	sst s2  }
0xb: {  	[smem:$0x3FA5] =	sst s3  }
0xc: {  	[smem:$0x3FA6] =	sst s4  }
0xd: {  	[smem:$0x3FA7] =	sst s5  }
0xe: {  	[smem:$0x3FA8] =	sst s6  }
0xf: {  	[smem:$0x3FA9] =	sst s7  }
0x10: {  	[smem:$0x3FAA] =	sst s8  }
0x11: {  	[smem:$0x3FAB] =	sst s9;
	s0 =	simm.s32 @!p0 $0x0  }
0x12: {  	s1 =	sld [smem:$0x3F91];
	s0 =	simm.s32 @p0 $0x1  }
0x13: {  	[smem:$0x3FAC] =	sst s0;
	s0 =	simm.s32 @!p1 $0x0  }
0x14: {  	s2 =	sld [smem:$0x3F90];
	s0 =	simm.s32 @p1 $0x1  }
0x15: {  	[smem:$0x3FAD] =	sst s0;
	s0 =	simm.s32 @!p2 $0x0  }
0x16: {  	s3 =	sld [smem:$0x3FDB];
	s0 =	simm.s32 @p2 $0x1  }
0x17: {  	s4 =	simm.s32 $0x1BF5;
	[smem:$0x3FAF] =	sst s0  }
0x18: {  	s0 =	sld [smem:$0x3F92];
	_ =	swait.ge [sflag:s4], $0x0  }
0x19: {  	s7 =	sld [smem:$0x3F93]  }
0x1a: {  	s8 =	sadd.s32 $0xFFFFE003, lr  }
0x1b: {  	s9 =	sadd.s32 $0xFFFFFEF7, lr;
	s5 =	simm.s32 $0xFFFFFFFF;
	p2 =	slt.u32 s8, $0xFFFFF086  }
0x1c: {  	p1 =	slt.u32 s9, $0xF7A;
	s5 =	simm.s32 @!p2 $0x0  }
0x1d: {  	s5 =	simm.s32 @p1 $0x1;
	p0 =	seq.s32 s7, s2  }
0x1e: {  	s7 =	smul.u32 @!p0 $0xF7A, s2;
	p2 =	seq.s32 @!p0 s5, $0x0  }
0x1f: {  	s9 =	smul.u32 $0xF7A, s1;
	s8 =	simm.s32 @!p0 $0x1BF5;
	p2 =	por !p2, p0  }
0x20: {  	[sflag:s8] =	ssyncset.s32 @!p0 $0xFFFFF086;
	s6 =	sadd.s32 @!p0 s3, s7;
	s7 =	simm.s32 @!p0 $0x108  }
0x21: {  	s3 =	sadd.s32 s3, s9;
	s6 =	sadd.s32 @!p0 $0x88, s6;
	s7 =	simm.s32 @p2 $0x1082  }
0x22: {  	[simem:s7], [sflag:s8] =	dma.local @!p0 [hbm:s6], $0xF7A  }
0x23: {  	s9 =	sor.u32 $0xD0000000, s2;
	s6 =	simm.s32 $0x108;
	_ =	swait.ge @!p0 [sflag:s8], $0x0  }
0x24: {  	s3 =	sadd.s32 $0x88, s3;
	s6 =	simm.s32 @!p1 $0x1082;
	[sflag:s4] =	ssyncset.s32 $0xFFFFF086  }
0x25: {  	[simem:s6], [sflag:s4] =	dma.local [hbm:s3], $0xF7A  }
0x26: {  	[smem:$0x3F93] =	sst s1;
	(tag) =	ssettag s2;
	_ =	strace s9  }
0x27: {  	s1 =	sld [smem:$0x3FA3]  }
0x28: {  	s2 =	sld [smem:$0x3FA4]  }
0x29: {  	s4 =	sld [smem:$0x3FA6]  }
0x2a: {  	p0 =	seq.s32 s5, $0x0;
	s5 =	sld [smem:$0x3FA7]  }
0x2b: {  	s6 =	sld [smem:$0x3FA8]  }
0x2c: {  	s7 =	sld [smem:$0x3FA9]  }
0x2d: {  	s3 =	simm.s32 $0x108;
	s8 =	sld [smem:$0x3FAA]  }
0x2e: {  	s3 =	simm.s32 @!p0 $0x1082;
	s9 =	sld [smem:$0x3FAB]  }
0x2f: {  	lr =	sadd.s32 s0, s3;
	s0 =	sld [smem:$0x3FA2]  }
0x30: {  	s3 =	sld [smem:$0x3FA5]  }
0x31: {  	[smem:$0x3FAE] =	sst s10  }
0x32: {  	s10 =	sld [smem:$0x3FAC];
	_ =	sdelay $0x3  }
0x33: {  	p0 =	seq.s32 s10, $0x1;
	s10 =	sld [smem:$0x3FAE];
	_ =	sdelay $0x3  }
0x34: {  	[smem:$0x3FAE] =	sst s10  }
0x35: {  	s10 =	sld [smem:$0x3FAD];
	_ =	sdelay $0x3  }
0x36: {  	p1 =	seq.s32 s10, $0x1;
	s10 =	sld [smem:$0x3FAE];
	_ =	sdelay $0x3  }
0x37: {  	[smem:$0x3FAE] =	sst s10  }
0x38: {  	s10 =	sld [smem:$0x3FAF]  }
0x39: {  	_ = 	snop;
	(pc) =	sbr.ind lr, $3  }
0x3a: {  	_ = 	snop  }
0x3b: {  	_ = 	snop  }
0x3c: {  	p2 =	seq.s32 s10, $0x1;
	s10 =	sld [smem:$0x3FAE]  }
0x3d: {  	_ =	shalt  }
0x3e: {  	_ =	shalt  }
0x3f: {  	_ =	shalt  }
0x40: {  	_ =	shalt  }
0x41: {  	_ =	shalt  }
0x42: {  	_ =	shalt  }
0x43: {  	_ =	shalt  }
0x44: {  	_ =	shalt  }
0x45: {  	_ =	shalt  }
0x46: {  	_ =	shalt  }
0x47: {  	_ =	shalt  }
0x48: {  	_ =	shalt  }
0x49: {  	_ =	shalt  }
0x4a: {  	_ =	shalt  }
0x4b: {  	_ =	shalt  }
0x4c: {  	_ =	shalt  }
0x4d: {  	_ =	shalt  }
0x4e: {  	_ =	shalt  }
0x4f: {  	_ =	shalt  }
0x50: {  	_ =	shalt  }
0x51: {  	_ =	shalt  }
0x52: {  	_ =	shalt  }
0x53: {  	_ =	shalt  }
0x54: {  	_ =	shalt  }
0x55: {  	_ =	shalt  }
0x56: {  	_ =	shalt  }
0x57: {  	_ =	shalt  }
0x58: {  	_ =	shalt  }
0x59: {  	_ =	shalt  }
0x5a: {  	_ =	shalt  }
0x5b: {  	_ =	shalt  }
0x5c: {  	_ =	shalt  }
0x5d: {  	_ =	shalt  }
0x5e: {  	_ =	shalt  }
0x5f: {  	_ =	shalt  }
0x60: {  	_ =	shalt  }
0x61: {  	_ =	shalt  }
0x62: {  	_ =	shalt  }
0x63: {  	_ =	shalt  }
0x64: {  	_ =	shalt  }
0x65: {  	_ =	shalt  }
0x66: {  	_ =	shalt  }
0x67: {  	_ =	shalt  }
0x68: {  	_ =	shalt  }
0x69: {  	_ =	shalt  }
0x6a: {  	_ =	shalt  }
0x6b: {  	_ =	shalt  }
0x6c: {  	_ =	shalt  }
0x6d: {  	_ =	shalt  }
0x6e: {  	_ =	shalt  }
0x6f: {  	_ =	shalt  }
0x70: {  	_ =	shalt  }
0x71: {  	_ =	shalt  }
0x72: {  	_ =	shalt  }
0x73: {  	_ =	shalt  }
0x74: {  	_ =	shalt  }
0x75: {  	_ =	shalt  }
0x76: {  	_ =	shalt  }
0x77: {  	_ =	shalt  }
0x78: {  	_ =	shalt  }
0x79: {  	_ =	shalt  }
0x7a: {  	_ =	shalt  }
0x7b: {  	_ =	shalt  }
0x7c: {  	_ =	shalt  }
0x7d: {  	_ =	shalt  }
0x7e: {  	_ =	shalt  }
0x7f: {  	_ =	shalt  }
0x80: {  	_ =	shalt  }
0x81: {  	_ =	shalt  }
0x82: {  	_ =	shalt  }
0x83: {  	_ =	shalt  }
0x84: {  	_ =	shalt  }
0x85: {  	_ =	shalt  }
0x86: {  	_ =	shalt  }
0x87: {  	_ =	shalt  }
.Lfunc_end0:
.L_simem_size_0:
called_computation.3_lowered:
.L_overlay_start_0:
0x88: {  	s2 =	sld [smem:$0x3FD9]  }
0x89: {  	s3 =	sld [smem:$0x3FFE];
	_ =	sdelay $0x1  }
0x8a: {  	s1 =	srdreg.scid  }
0x8b: {  	s0 =	sand.u32 $0x1, s1  }
0x8c: {  	s14 =	sshll.u32 s0, $0xA;
	s2 =	sadd.s32 s3, s2  }
0x8d: {  	s2 =	sadd.s32 s2, s14  }
0x8e: {  	[smem:$0x3FBA] =	sst s2  }
0x8f: {  	_ = 	snop  }
0x90: {  	s2 =	sld [smem:$0x3FD0];
	_ =	sdelay $0x2  }
0x91: {  	s15 =	simm.s32 $0xA;
	s4 =	simm.s32 $0x10  }
0x92: {  	[smem:s4], [sflag:s15] =	dma.local [hbm:s2], $0x1  }
0x93: {  	_ =	swait.eq [sflag:s15], $0x1  }
0x94: {  	[sflag:s15] =	ssyncset.done $0x0  }
0x95: {  	[sflag:s15] =	ssyncadd.s32 $0xFFFFFFFF  }
0x96: {  	s16 =	sld [smem:$0x11];
	(tm) =	ssettm $0x1  }
0x97: {  	s17 =	sld [smem:$0x3FFB];
	_ =	sdelay $0x3  }
0x98: {  	_ =	strace s17  }
0x99: {  	s3 =	sld [smem:$0x3FFC];
	_ =	sdelay $0x3  }
0x9a: {  	_ =	strace s3  }
0x9b: {  	s3 =	sld [smem:$0x3FFD];
	_ =	sdelay $0x3  }
0x9c: {  	_ =	strace s3  }
0x9d: {  	_ =	strace $0x8FFFFFFF  }
0x9e: {  	s18 =	sld [smem:$0x3FDB];
	_ =	sdelay $0x1  }
0x9f: {  	s19 =	simm.s32 $_scs_section_size  }
0xa0: {  	s5 =	simm.s32 $_size__tile_overlayer_lowered;
	s6 =	simm.s32 $_tile_overlayer_lowered  }
0xa1: {  	s22 =	simm.s32 $0x1BFF;
	s21 =	sshll.u32 s6, $0x1;
	s3 =	sadd.s32 s19, s18  }
0xa2: {  	s7 =	simm.s32 $0x0;
	s20 =	sshll.u32 s5, $0x1;
	s5 =	sadd.s32 s21, s3  }
0xa3: {  	[timem:s7], [sflag:s22] =	dma.local [hbm:s5], s20  }
0xa4: {  	_ =	swait.ge [sflag:s22], s20  }
0xa5: {  	s4 =	ssub.s32 $0x0, s20;
	[sflag:s22] =	ssyncset.done $0x0  }
0xa6: {  	[sflag:s22] =	ssyncadd.s32 s4;
	_ =	sdelay $0x1  }
0xa7: {  	s23 =	simm.s32 $0x1B8B  }
0xa8: {  	_ =	swait.ge [sflag:s23], $0x1  }
0xa9: {  	[sflag:s23] =	ssyncset.done $0x0  }
0xaa: {  	s25 =	simm.s32 $0x1B8E;
	s24 =	sld [smem:$0x3FFE];
	[sflag:s23] =	ssyncadd.s32 $0xFFFFFFFF  }
0xab: {  	s26 =	simm.s32 $execute0_lowered;
	[smem:$0x3FD2] =	sst s25  }
0xac: {  	s5 =	sshll.u32 s26, $0x1;
	_ =	strace $0x8000004F;
	[dreg:$0x1] =	wrdreg $0xFFFFFFFF  }
0xad: {  	s28 =	simm.s32 $_size_execute0_lowered;
	s3 =	sadd.s32 s3, s5;
	[dreg:$0x0] =	wrdreg $0x0  }
0xae: {  	s5 =	sshll.u32 s28, $0x1;
	[dreg:$0x2] =	wrdreg s3  }
0xaf: {  	[dreg:$0x3] =	wrdreg s5  }
0xb0: {  	[dreg:$0x4] =	wrdreg $0xC0  }
0xb1: {  	_ =	task [dreg:s7], $0x5FFFF  }
0xb2: {  	[dreg:$0x1] =	wrdreg $0xFFFFFFFF  }
0xb3: {  	[dreg:$0x0] =	wrdreg $0x60  }
0xb4: {  	[dreg:$0x2] =	wrdreg s24  }
0xb5: {  	[dreg:$0x3] =	wrdreg s16  }
0xb6: {  	[dreg:$0x4] =	wrdreg $0x67200  }
0xb7: {  	[dreg:$0x5] =	wrdreg $0x9  }
0xb8: {  	_ =	task.clear_ibuf [dreg:s7], $0x6FFFF;
	_ =	strace $0x9000004F  }
0xb9: {  	s29 =	simm.s32 $0x9;
	_ =	strace $0x80000051  }
0xba: {  	_ =	swait.ge [sflag:s29], $0x1  }
0xbb: {  	[sflag:s29] =	ssyncadd.s32 $0xFFFFFFFF  }
0xbc: {  	_ =	strace $0x90000051  }
0xbd: {  	_ =	sfence  }
0xbe: {  	s30 =	sld [smem:$0x0];
	_ =	sdelay $0x2  }
0xbf: {  	s31 =	sshll.u32 s1, $0xD;
	s1 =	sshrl.u32 s1, $0x2  }
0xc0: {  	s3 =	sand.u32 $0x4000, s31;
	s1 =	sadd.s32 s1, s30  }
0xc1: {  	s0 =	sor.u32 s3, s0;
	s1 =	sshll.u32 s1, $0x11  }
0xc2: {  	s0 =	sor.u32 s1, s0  }
0xc3: {  	s0 =	sadd.s32 $0x8F2B, s0  }
0xc4: {  	[sflag:s0] =	ssyncadd.remote.s32 $0x1  }
0xc5: {  	_ =	sfence.sel $0xFFFF  }
0xc6: {  	[dreg:$0x0] =	wrdreg $0xFFFFFFFF;
	(pc) =	sbr.abs _section_cstart, $3  }
0xc7: {  	[dreg:$0x1] =	wrdreg $0xFFFFFFFF  }
0xc8: {  	_ =	task.clear_ibuf [dreg:s7], $0x2FFFF;
	_ =	strace $0x9FFFFFFF  }
0xc9: {  	(tm) =	ssettm $0x7FFFFFFF  }
tec
execute0_lowered:
.L_overlay_start_1:
0x0: {  	(tag) =	ssettag $0x1  }
0x1: {  	s0 =	rddreg [dreg:$0x0]  }
0x2: {  	s3 =	rddreg [dreg:$0x2];
	s1 =	srdreg.scid  }
0x3: {  	s9 =	stileid.u32;
	s4 =	simm.s32 $0x0;
	s12 =	simm.s32 $0xB  }
0x4: {  	s14 =	simm.s32 $0x50;
	s15 =	simm.s32 $0x4E20;
	s16 =	simm.s32 $0x5320  }
0x5: {  	s18 =	simm.s32 $0x5820;
	s20 =	simm.s32 $0x5D20;
	s22 =	simm.s32 $0x6220  }
0x6: {  	s23 =	simm.s32 $0x1;
	s24 =	simm.s32 $0x2;
	s28 =	simm.s32 $0x5  }
0x7: {  	s29 =	simm.s32 $0x6;
	s30 =	simm.s32 $0x7;
	s31 =	simm.s32 $0x8  }
0x8: {  	s21 =	simm.s32 $0x4DD0;
	s1 =	sand.u32 $0x1, s1;
	s2 =	smul.u32 $0x2780, s9  }
0x9: {  	[smem:$0x7FF] =	sst s4;
	s26 =	sshll.u32 s9, $0x6;
	s5 =	sshll.u32 s1, $0x4  }
0xa: {  	s6 =	smul.u32 $0x27800, s1;
	s1 =	ssub.s32 $0x2, s1;
	s5 =	sor.u32 s9, s5  }
0xb: {  	_ =	strace $0x80000050;
	s25 =	sshrl.u32 s1, $0x1;
	s7 =	smul.u32 $0x4E2, s5  }
0xc: {  	s6 =	sadd.s32 s2, s6;
	s5 =	sadd.s32 $0x16400, s0;
	s1 =	ssub.s32 s1, s25  }
0xd: {  	s2 =	sadd.s32 s2, s3;
	s25 =	simm.s32 $0x3;
	s6 =	sshrl.u32 s6, $0x3  }
0xe: {  	s10 =	smax.u32 s1, $0x1;
	s11 =	sshrl.u32 s2, $0x3;
	s1 =	simm.s32 $0xA  }
0xf: {  	s2 =	simm.s32 $0x0;
	s8 =	sadd.s32 s7, s0;
	s0 =	sadd.s32 s6, s0  }
0x10: {  	s6 =	sor.u32 $0x1C0B, s26;
	s26 =	simm.s32 $0x4;
	s7 =	sadd.s32 $0x2800, s8  }
0x11: {  	s8 =	sadd.s32 $0xC600, s8;
	s9 =	sadd.s32 $0x1B400, s0;
	s0 =	simm.s32 $0x9  }
.LBB2_1:
0x12: {  	s13 =	rddreg [dreg:$0x1]  }
0x13: {  	[spmem:s11], [sflag:s6] =	dma.local [hbm:s13], $0x4F0  }
0x14: {  	_ =	swait.ge [sflag:s12], $0x4F0  }
0x15: {  	[sflag:s12] =	ssyncset.done $0x0  }
0x16: {  	[sflag:s12] =	ssyncadd.s32 $0xFFFFFB10  }
0x17: {  	[tilespmem:s4], [sflag:$0xB] =	stream.linear.gather [hbm4b:s7+s4], $0x2710, $0x38;
	[tilespmem:$0x8EA0] =	vst v63  }
0x18: {  	_ =	swait.ge [sflag:s12], $0x2710  }
0x19: {  	[sflag:s12] =	ssyncset.done $0x0  }
0x1a: {  	s19 =	simm.s32 $0x2710;
	[sflag:s12] =	ssyncadd.s32 $0xFFFFD8F0  }
0x1b: {  	[tilespmem:s19], [sflag:$0xB] =	stream.linear.gather [hbm4b:s8+s4], $0x2710, $0x38;
	[tilespmem:$0x8EA0] =	vst v63  }
0x1c: {  	_ =	swait.ge [sflag:s12], $0x2710  }
0x1d: {  	[sflag:s12] =	ssyncset.done $0x0  }
0x1e: {  	[sflag:s12] =	ssyncadd.s32 $0xFFFFD8F0  }
0x1f: {  	[bflag:$0x0] =	sbarrier.arrive $0xFFFF  }
0x20: {  	[tilespmem:s15], [sflag:$0x1] =	stream.indirect.gather [hbm4b:s5+s14], $0x10, s4, s14, $0xb8;
	[tilespmem:$0x8EA0] =	vst v63  }
0x21: {  	_ = 	snop  }
0x22: {  	[tilespmem:s16], [sflag:$0x2] =	stream.indirect.gather [hbm4b:s5+s14], $0x10, s14, s14, $0xb8;
	[tilespmem:$0x8EA0] =	vst v63  }
0x23: {  	s17 =	simm.s32 $0xA0  }
0x24: {  	[tilespmem:s18], [sflag:$0x3] =	stream.indirect.gather [hbm4b:s5+s14], $0x10, s17, s14, $0xb8;
	[tilespmem:$0x8EA0] =	vst v63  }
0x25: {  	s19 =	simm.s32 $0xF0  }
0x26: {  	[tilespmem:s20], [sflag:$0x4] =	stream.indirect.gather [hbm4b:s5+s14], $0x10, s19, s14, $0xb8;
	[tilespmem:$0x8EA0] =	vst v63  }
0x27: {  	s17 =	simm.s32 $0x140  }
0x28: {  	[tilespmem:s22], [sflag:$0x5] =	stream.indirect.gather [hbm4b:s5+s14], $0x10, s17, s14, $0xb8;
	[tilespmem:$0x8EA0] =	vst v63  }
0x29: {  	_ =	swait.ge [sflag:s23], $0x500  }
0x2a: {  	[sflag:s23] =	ssyncset.done $0x0  }
0x2b: {  	s19 =	simm.s32 $0x2710;
	[sflag:s23] =	ssyncadd.s32 $0xFFFFFB00  }
0x2c: {  	[spmem:s3] =	stream.indirect.scatter.add.f32 [tilespmem:s15], [sflag:$0x6], $0x10, s19, s14, $0xb8;
	[tilespmem:$0x8EA0] =	vst v63  }
0x2d: {  	_ =	swait.ge [sflag:s24], $0x500  }
0x2e: {  	[sflag:s24] =	ssyncset.done $0x0  }
0x2f: {  	s17 =	simm.s32 $0x2760;
	[sflag:s24] =	ssyncadd.s32 $0xFFFFFB00  }
0x30: {  	[spmem:s3] =	stream.indirect.scatter.add.f32 [tilespmem:s16], [sflag:$0x7], $0x10, s17, s14, $0xb8;
	[tilespmem:$0x8EA0] =	vst v63  }
0x31: {  	_ =	swait.ge [sflag:s25], $0x500  }
0x32: {  	[sflag:s25] =	ssyncset.done $0x0  }
0x33: {  	s19 =	simm.s32 $0x27B0;
	[sflag:s25] =	ssyncadd.s32 $0xFFFFFB00  }
0x34: {  	[spmem:s3] =	stream.indirect.scatter.add.f32 [tilespmem:s18], [sflag:$0x8], $0x10, s19, s14, $0xb8;
	[tilespmem:$0x8EA0] =	vst v63  }
0x35: {  	_ =	swait.ge [sflag:s26], $0x500  }
0x36: {  	[sflag:s26] =	ssyncset.done $0x0  }
0x37: {  	s17 =	simm.s32 $0x2800;
	[sflag:s26] =	ssyncadd.s32 $0xFFFFFB00  }
0x38: {  	[spmem:s3] =	stream.indirect.scatter.add.f32 [tilespmem:s20], [sflag:$0x9], $0x10, s17, s14, $0xb8;
	[tilespmem:$0x8EA0] =	vst v63  }
0x39: {  	_ =	swait.ge [sflag:s28], $0x500  }
0x3a: {  	[sflag:s28] =	ssyncset.done $0x0  }
0x3b: {  	s19 =	simm.s32 $0x2850;
	[sflag:s28] =	ssyncadd.s32 $0xFFFFFB00  }
0x3c: {  	[spmem:s3] =	stream.indirect.scatter.add.f32 [tilespmem:s22], [sflag:$0xA], $0x10, s19, s14, $0xb8;
	[tilespmem:$0x8EA0] =	vst v63  }
0x3d: {  	_ =	swait.ge [sflag:s29], $0x500  }
0x3e: {  	[sflag:s29] =	ssyncset.done $0x0  }
0x3f: {  	s17 =	simm.s32 $0x190;
	[sflag:s29] =	ssyncadd.s32 $0xFFFFFB00  }
0x40: {  	[tilespmem:s15], [sflag:$0x1] =	stream.indirect.gather [hbm4b:s5+s14], $0x10, s17, s14, $0xb8;
	[tilespmem:$0x8EA0] =	vst v63  }
0x41: {  	_ =	swait.ge [sflag:s30], $0x500  }
0x42: {  	[sflag:s30] =	ssyncset.done $0x0  }
0x43: {  	s19 =	simm.s32 $0x1E0;
	[sflag:s30] =	ssyncadd.s32 $0xFFFFFB00  }
0x44: {  	[tilespmem:s16], [sflag:$0x2] =	stream.indirect.gather [hbm4b:s5+s14], $0x10, s19, s14, $0xb8;
	[tilespmem:$0x8EA0] =	vst v63  }
0x45: {  	_ =	swait.ge [sflag:s31], $0x500  }
0x46: {  	[sflag:s31] =	ssyncset.done $0x0  }
0x47: {  	s17 =	simm.s32 $0x230;
	[sflag:s31] =	ssyncadd.s32 $0xFFFFFB00  }
0x48: {  	[tilespmem:s18], [sflag:$0x3] =	stream.indirect.gather [hbm4b:s5+s14], $0x10, s17, s14, $0xb8;
	[tilespmem:$0x8EA0] =	vst v63  }
0x49: {  	_ =	swait.ge [sflag:s0], $0x500  }
0x4a: {  	[sflag:s0] =	ssyncset.done $0x0  }
0x4b: {  	s19 =	simm.s32 $0x280;
	[sflag:s0] =	ssyncadd.s32 $0xFFFFFB00  }
0x4c: {  	[tilespmem:s20], [sflag:$0x4] =	stream.indirect.gather [hbm4b:s5+s14], $0x10, s19, s14, $0xb8;
	[tilespmem:$0x8EA0] =	vst v63  }
0x4d: {  	_ =	swait.ge [sflag:s1], $0x500  }
0x4e: {  	[sflag:s1] =	ssyncset.done $0x0  }
0x4f: {  	s13 =	simm.s32 $0x640;
	s17 =	simm.s32 $0x2D0;
	[sflag:s1] =	ssyncadd.s32 $0xFFFFFB00  }
.LBB2_2:
0x50: {  	[tilespmem:s22], [sflag:$0x5] =	stream.indirect.gather [hbm4b:s5+s14], $0x10, s17, s14, $0xb8;
	[tilespmem:$0x8EA0] =	vst v63  }
0x51: {  	s17 =	smov.u32 s13  }
0x52: {  	p0 =	sne.s32 s13, $0x8FC0;
	s13 =	sadd.s32 $0x640, s13;
	_ =	swait.ge [sflag:s23], $0x500  }
0x53: {  	s17 =	sshra.s32 s17, $0x2;
	[sflag:s23] =	ssyncset.done $0x0  }
0x54: {  	s19 =	sadd.s32 $0x2710, s17;
	[sflag:s23] =	ssyncadd.s32 $0xFFFFFB00  }
0x55: {  	[spmem:s3] =	stream.indirect.scatter.add.f32 [tilespmem:s15], [sflag:$0x6], $0x10, s19, s14, $0xb8;
	[tilespmem:$0x8EA0] =	vst v63  }
0x56: {  	_ =	swait.ge [sflag:s24], $0x500  }
0x57: {  	[sflag:s24] =	ssyncset.done $0x0  }
0x58: {  	s19 =	sadd.s32 $0x2760, s17;
	[sflag:s24] =	ssyncadd.s32 $0xFFFFFB00  }
0x59: {  	[spmem:s3] =	stream.indirect.scatter.add.f32 [tilespmem:s16], [sflag:$0x7], $0x10, s19, s14, $0xb8;
	[tilespmem:$0x8EA0] =	vst v63  }
0x5a: {  	_ =	swait.ge [sflag:s25], $0x500  }
0x5b: {  	[sflag:s25] =	ssyncset.done $0x0  }
0x5c: {  	s19 =	sadd.s32 $0x27B0, s17;
	[sflag:s25] =	ssyncadd.s32 $0xFFFFFB00  }
0x5d: {  	[spmem:s3] =	stream.indirect.scatter.add.f32 [tilespmem:s18], [sflag:$0x8], $0x10, s19, s14, $0xb8;
	[tilespmem:$0x8EA0] =	vst v63  }
0x5e: {  	_ =	swait.ge [sflag:s26], $0x500  }
0x5f: {  	[sflag:s26] =	ssyncset.done $0x0  }
0x60: {  	s19 =	sadd.s32 $0x2800, s17;
	[sflag:s26] =	ssyncadd.s32 $0xFFFFFB00  }
0x61: {  	[spmem:s3] =	stream.indirect.scatter.add.f32 [tilespmem:s20], [sflag:$0x9], $0x10, s19, s14, $0xb8;
	[tilespmem:$0x8EA0] =	vst v63  }
0x62: {  	_ =	swait.ge [sflag:s28], $0x500  }
0x63: {  	[sflag:s28] =	ssyncset.done $0x0  }
0x64: {  	s19 =	sadd.s32 $0x2850, s17;
	[sflag:s28] =	ssyncadd.s32 $0xFFFFFB00  }
0x65: {  	[spmem:s3] =	stream.indirect.scatter.add.f32 [tilespmem:s22], [sflag:$0xA], $0x10, s19, s14, $0xb8;
	[tilespmem:$0x8EA0] =	vst v63  }
0x66: {  	_ =	swait.ge [sflag:s29], $0x500  }
0x67: {  	[sflag:s29] =	ssyncset.done $0x0  }
0x68: {  	s19 =	sadd.s32 $0x190, s17;
	[sflag:s29] =	ssyncadd.s32 $0xFFFFFB00  }
0x69: {  	[tilespmem:s15], [sflag:$0x1] =	stream.indirect.gather [hbm4b:s5+s14], $0x10, s19, s14, $0xb8;
	[tilespmem:$0x8EA0] =	vst v63  }
0x6a: {  	_ =	swait.ge [sflag:s30], $0x500  }
0x6b: {  	[sflag:s30] =	ssyncset.done $0x0  }
0x6c: {  	s19 =	sadd.s32 $0x1E0, s17;
	[sflag:s30] =	ssyncadd.s32 $0xFFFFFB00  }
0x6d: {  	[tilespmem:s16], [sflag:$0x2] =	stream.indirect.gather [hbm4b:s5+s14], $0x10, s19, s14, $0xb8;
	[tilespmem:$0x8EA0] =	vst v63  }
0x6e: {  	_ =	swait.ge [sflag:s31], $0x500  }
0x6f: {  	[sflag:s31] =	ssyncset.done $0x0  }
0x70: {  	s19 =	sadd.s32 $0x230, s17;
	[sflag:s31] =	ssyncadd.s32 $0xFFFFFB00  }
0x71: {  	[tilespmem:s18], [sflag:$0x3] =	stream.indirect.gather [hbm4b:s5+s14], $0x10, s19, s14, $0xb8;
	[tilespmem:$0x8EA0] =	vst v63  }
0x72: {  	_ =	swait.ge [sflag:s0], $0x500  }
0x73: {  	[sflag:s0] =	ssyncset.done $0x0  }
.Ltmp0:
0x74: {  	s19 =	sadd.s32 $0x280, s17;
	[sflag:s0] =	ssyncadd.s32 $0xFFFFFB00;
	(pc) =	sbr.rel @p0 .LBB2_2-.Ltmp0, $4  }
0x75: {  	[tilespmem:s20], [sflag:$0x4] =	stream.indirect.gather [hbm4b:s5+s14], $0x10, s19, s14, $0xb8;
	[tilespmem:$0x8EA0] =	vst v63  }
0x76: {  	_ =	swait.ge [sflag:s1], $0x500  }
0x77: {  	[sflag:s1] =	ssyncset.done $0x0  }
0x78: {  	s17 =	sadd.s32 $0x2D0, s17;
	[sflag:s1] =	ssyncadd.s32 $0xFFFFFB00  }
0x79: {  	[tilespmem:s22], [sflag:$0x5] =	stream.indirect.gather [hbm4b:s5+s14], $0x10, s17, s14, $0xb8;
	[tilespmem:$0x8EA0] =	vst v63  }
0x7a: {  	_ =	swait.ge [sflag:s23], $0x500  }
0x7b: {  	[sflag:s23] =	ssyncset.done $0x0  }
0x7c: {  	s13 =	simm.s32 $0x4C90;
	[sflag:s23] =	ssyncadd.s32 $0xFFFFFB00  }
0x7d: {  	[spmem:s3] =	stream.indirect.scatter.add.f32 [tilespmem:s15], [sflag:$0x6], $0x10, s13, s14, $0xb8;
	[tilespmem:$0x8EA0] =	vst v63  }
0x7e: {  	_ =	swait.ge [sflag:s24], $0x500  }
0x7f: {  	[sflag:s24] =	ssyncset.done $0x0  }
0x80: {  	s19 =	simm.s32 $0x4CE0;
	[sflag:s24] =	ssyncadd.s32 $0xFFFFFB00  }
0x81: {  	[spmem:s3] =	stream.indirect.scatter.add.f32 [tilespmem:s16], [sflag:$0x7], $0x10, s19, s14, $0xb8;
	[tilespmem:$0x8EA0] =	vst v63  }
0x82: {  	_ =	swait.ge [sflag:s25], $0x500  }
0x83: {  	[sflag:s25] =	ssyncset.done $0x0  }
0x84: {  	s17 =	simm.s32 $0x4D30;
	[sflag:s25] =	ssyncadd.s32 $0xFFFFFB00  }
0x85: {  	[spmem:s3] =	stream.indirect.scatter.add.f32 [tilespmem:s18], [sflag:$0x8], $0x10, s17, s14, $0xb8;
	[tilespmem:$0x8EA0] =	vst v63  }
0x86: {  	_ =	swait.ge [sflag:s26], $0x500  }
0x87: {  	[sflag:s26] =	ssyncset.done $0x0  }
0x88: {  	s19 =	simm.s32 $0x4D80;
	[sflag:s26] =	ssyncadd.s32 $0xFFFFFB00  }
0x89: {  	[spmem:s3] =	stream.indirect.scatter.add.f32 [tilespmem:s20], [sflag:$0x9], $0x10, s19, s14, $0xb8;
	[tilespmem:$0x8EA0] =	vst v63  }
0x8a: {  	_ =	swait.ge [sflag:s28], $0x500  }
0x8b: {  	[sflag:s28] =	ssyncset.done $0x0  }
0x8c: {  	[sflag:s28] =	ssyncadd.s32 $0xFFFFFB00  }
0x8d: {  	[spmem:s3] =	stream.indirect.scatter.add.f32 [tilespmem:s22], [sflag:$0xA], $0x10, s21, s14, $0xb8;
	[tilespmem:$0x8EA0] =	vst v63  }
0x8e: {  	_ =	swait.ge [sflag:s29], $0x500  }
0x8f: {  	[sflag:s29] =	ssyncset.done $0x0  }
0x90: {  	[sflag:s29] =	ssyncadd.s32 $0xFFFFFB00  }
0x91: {  	_ =	swait.ge [sflag:s30], $0x500  }
0x92: {  	[sflag:s30] =	ssyncset.done $0x0  }
0x93: {  	[sflag:s30] =	ssyncadd.s32 $0xFFFFFB00  }
0x94: {  	_ =	swait.ge [sflag:s31], $0x500  }
0x95: {  	[sflag:s31] =	ssyncset.done $0x0  }
0x96: {  	[sflag:s31] =	ssyncadd.s32 $0xFFFFFB00  }
0x97: {  	_ =	swait.ge [sflag:s0], $0x500  }
0x98: {  	[sflag:s0] =	ssyncset.done $0x0  }
0x99: {  	[sflag:s0] =	ssyncadd.s32 $0xFFFFFB00  }
0x9a: {  	_ =	swait.ge [sflag:s1], $0x500  }
0x9b: {  	s2 =	sadd.s32 $0x1, s2;
	[sflag:s1] =	ssyncset.done $0x0  }
0x9c: {  	p0 =	sne.s32 s2, s10;
	[sflag:s1] =	ssyncadd.s32 $0xFFFFFB00  }
.Ltmp1:
0x9d: {  	[bflag:$0x0] =	sbarrier.arrive $0xFFFF;
	(pc) =	sbr.rel @p0 .LBB2_1-.Ltmp1, $4  }
0x9e: {  	[hbm:s9], [sflag:s6] =	dma.local [spmem:s11], $0x4F0  }
0x9f: {  	_ =	swait.ge [sflag:s12], $0x4F0  }
0xa0: {  	[sflag:s12] =	ssyncset.done $0x0  }
0xa1: {  	[sflag:s12] =	ssyncadd.s32 $0xFFFFFB10  }
0xa2: {  	_ =	sfence.sel $0x180000  }
0xa3: {  	[bflag:$0x0] =	sbarrier.arrive $0xFFFF  }
0xa4: {  	_ =	strace $0x90000050  }
0xa5: {  	s0 =	stileid.u32;
	[bflag:$0x2] =	sbarrier.arrive $0xFFFF  }
0xa6: {  	p0 =	sne.s32 s0, $0x0;
	s0 =	rddreg [dreg:$0x3]  }
0xa7: {  	s0 =	sadd.s32 @!p0 $0x100000, s0  }
0xa8: {  	[sflag:s0] =	ssyncadd.tile.s32 @!p0 $0x1;
	_ =	shalt  }
.Lfunc_end2:
_tile_overlayer_lowered:
.L_overlay_start_2:
0xa9: {  	(tag) =	ssettag $0x2  }
0xaa: {  	s0 =	rddreg [dreg:$0x0];
	s2 =	stileid.u32  }
0xab: {  	s1 =	rddreg [dreg:$0x1];
	p0 =	sne.s32 s2, $0x0  }
0xac: {  	s3 =	rddreg [dreg:$0x2];
	[bflag:$0x3] =	sbarrier.arrive $0xFFFF;
	s2 =	simm.s32 @!p0 $0x1C0B  }
0xad: {  	[timem:s3], [sflag:s2] =	dma.local @!p0 [hbm:s0], s1  }
0xae: {  	s0 =	simm.s32 @!p0 $0xB  }
0xaf: {  	_ =	swait.ge @!p0 [sflag:s0], s1  }
0xb0: {  	s1 =	ssub.s32 @!p0 $0x0, s1;
	[sflag:s0] =	ssyncset.done @!p0 $0x0  }
0xb1: {  	[sflag:s0] =	ssyncadd.s32 @!p0 s1  }
0xb2: {  	[bflag:$0x3] =	sbarrier.arrive $0xFFFF  }
0xb3: {  	_ =	shalt  }

</sc_bundles>
